<compile_context>
chip_gen: v7x
topology: tpu7x:2x2x1
jax: 0.10.2.dev20260603
libtpu: 0.0.44.dev20260713+nightly
codegen_flags: <defaults>
</compile_context>

<pallas_src>
import functools

import jax
import jax.numpy as jnp
import numpy as np
from jax import lax
from jax.experimental import pallas as pl
from jax.experimental.pallas import tpu as pltpu
from jax.experimental.pallas import tpu_sc as plsc

_SC_CORES = 2
_SC_SUBCORES = 16
_NW = _SC_CORES * _SC_SUBCORES

_CHUNK = 128
_HALF = 512


def _sc_gather_body(spw, cb_hbm, idx_hbm, out_hbm, idx_v, rows_v, gsem, osem):
    wid = lax.axis_index("s") * _SC_CORES + lax.axis_index("c")
    base0 = wid * spw
    pltpu.sync_copy(idx_hbm.at[pl.ds(base0, spw)], idx_v)

    def blk_body(blk2, carry):
        row0 = blk2 * (2 * _HALF)
        for t in range(2):
            @pl.when(blk2 >= 1)
            def _drain():
                pltpu.make_async_copy(
                    rows_v.at[t], out_hbm.at[pl.ds(base0, _HALF)],
                    osem).wait()
            base = row0 + t * _HALF
            waits = []
            for j in range(_HALF // _CHUNK):
                waits.append(pltpu.async_copy(
                    cb_hbm.at[idx_v.at[pl.ds(base + j * _CHUNK, _CHUNK)]],
                    rows_v.at[t].at[pl.ds(j * _CHUNK, _CHUNK)],
                    gsem))
            for w in waits:
                w.wait()
            pltpu.async_copy(rows_v.at[t],
                             out_hbm.at[pl.ds(base0 + base, _HALF)], osem)
        return carry

    lax.fori_loop(0, spw // (2 * _HALF), blk_body, 0)
    for t in range(2):
        pltpu.make_async_copy(rows_v.at[t],
                              out_hbm.at[pl.ds(base0, _HALF)], osem).wait()


def _sc_gather(cb, idx_flat):
    n = idx_flat.shape[0]
    d = cb.shape[1]
    spw = n // _NW
    mesh = plsc.VectorSubcoreMesh(core_axis_name="c", subcore_axis_name="s")
    k = pl.kernel(
        functools.partial(_sc_gather_body, spw),
        out_type=jax.ShapeDtypeStruct((n, d), jnp.float32),
        mesh=mesh,
        scratch_types=[
            pltpu.VMEM((spw,), jnp.int32),
            pltpu.VMEM((2, _HALF, d), jnp.float32),
            pltpu.SemaphoreType.DMA,
            pltpu.SemaphoreType.DMA,
        ],
        compiler_params=pltpu.CompilerParams(use_tc_tiling_on_sc=False),
    )
    return jnp.reshape(k(cb, idx_flat), (n // 2, 2 * d))


def _pool_matrix(w_in, w_out, stride):
    r = lax.broadcasted_iota(jnp.int32, (w_in, w_out), 0)
    c = lax.broadcasted_iota(jnp.int32, (w_in, w_out), 1)
    return jnp.where(r // stride == c, 1.0, 0.0).astype(jnp.float32)


def _pool_body(m_ref, mf_ref, mc_ref):
    m = m_ref[0, 0].reshape(64, 4, 1024)
    m1 = (m[:, 0] + m[:, 1]) + (m[:, 2] + m[:, 3])
    p4 = _pool_matrix(1024, 256, 4) * (1.0 / 16.0)
    mf = jnp.dot(m1, p4, preferred_element_type=jnp.float32)
    mf_ref[0, 0] = mf
    m2 = mf.reshape(32, 2, 256)
    m2 = m2[:, 0] + m2[:, 1]
    p2 = _pool_matrix(256, 128, 2) * 0.25
    mc_ref[0, 0] = jnp.dot(m2, p2, preferred_element_type=jnp.float32)


def _pool_call(m):
    b = m.shape[0]
    return pl.pallas_call(
        _pool_body,
        grid=(b,),
        in_specs=[pl.BlockSpec((1, 1, 256, 1024), lambda bi: (bi, 0, 0, 0))],
        out_specs=[
            pl.BlockSpec((1, 1, 64, 256), lambda bi: (bi, 0, 0, 0)),
            pl.BlockSpec((1, 1, 32, 128), lambda bi: (bi, 0, 0, 0)),
        ],
        out_shape=[
            jax.ShapeDtypeStruct((b, 1, 64, 256), jnp.float32),
            jax.ShapeDtypeStruct((b, 1, 32, 128), jnp.float32),
        ],
        compiler_params=pltpu.CompilerParams(
            dimension_semantics=("parallel",)),
    )(m)


def _blend_body(hb, w, q_ref, mk_ref, s_ref, out_ref):
    hw = w // 2
    for h in range(hb):
        at = s_ref[pl.ds(h * hw, hw), :].T
        st = jnp.concatenate([at[:64], at[64:]], axis=1)
        mrow = mk_ref[0, 0, h][None, :]
        q = q_ref[0, :, h, :]
        out_ref[0, :, h, :] = q + (st - q) * mrow


def _blend_call(q, mk, sampled, hb):
    b, c, hh, w = q.shape
    n = hh // hb
    rows = hb * w // 2
    return pl.pallas_call(
        functools.partial(_blend_body, hb, w),
        grid=(b, n),
        in_specs=[
            pl.BlockSpec((1, c, hb, w), lambda bi, i: (bi, 0, i, 0)),
            pl.BlockSpec((1, 1, hb, w), lambda bi, i: (bi, 0, i, 0)),
            pl.BlockSpec((rows, 128), lambda bi, i, n=n: (bi * n + i, 0)),
        ],
        out_specs=pl.BlockSpec((1, c, hb, w), lambda bi, i: (bi, 0, i, 0)),
        out_shape=jax.ShapeDtypeStruct((b, c, hh, w), jnp.float32),
        compiler_params=pltpu.CompilerParams(
            dimension_semantics=("parallel", "parallel")),
    )(q, mk, sampled)



_ROT_A = (13, 15, 26, 6)
_ROT_B = (17, 29, 16, 24)
_M32 = np.uint64(0xFFFFFFFF)


def _threefry2x32(ks0, ks1, x0, x1):
    ks = [np.uint64(ks0), np.uint64(ks1),
          np.uint64(ks0) ^ np.uint64(ks1) ^ np.uint64(0x1BD11BDA)]
    x0 = (x0.astype(np.uint64) + ks[0]) & _M32
    x1 = (x1.astype(np.uint64) + ks[1]) & _M32
    for i in range(5):
        for r in (_ROT_A if i % 2 == 0 else _ROT_B):
            x0 = (x0 + x1) & _M32
            x1 = ((x1 << np.uint64(r)) | (x1 >> np.uint64(32 - r))) & _M32
            x1 = x1 ^ x0
        x0 = (x0 + ks[(i + 1) % 3]) & _M32
        x1 = (x1 + ks[(i + 2) % 3] + np.uint64(i + 1)) & _M32
    return x0.astype(np.uint32), x1.astype(np.uint32)


def _np_split2(k):
    o0, o1 = _threefry2x32(k[0], k[1], np.zeros(2, np.uint32),
                           np.arange(2, dtype=np.uint32))
    return (o0[0], o1[0]), (o0[1], o1[1])


def _np_randint(k, shape, span):
    _, k2 = _np_split2(k)
    n = int(np.prod(shape))
    o0, o1 = _threefry2x32(k2[0], k2[1], np.zeros(n, np.uint32),
                           np.arange(n, dtype=np.uint32))
    return ((o0 ^ o1) % np.uint32(span)).astype(np.int32).reshape(shape)


def _make_idx():
    kf, kc = _np_split2((np.uint32(0), np.uint32(42)))
    idx_c = _np_randint(kc, (16, 32, 128), 1024)
    idx_f = _np_randint(kf, (16, 64, 256), 1024)
    return idx_f, idx_c


def _pair_permute_np(idx):
    b, h, w = idx.shape
    return np.ascontiguousarray(
        idx.reshape(b, h, 2, w // 2).transpose(0, 1, 3, 2)).reshape(-1)


_IDX_F_RAW, _IDX_C_RAW = _make_idx()
_IDX_F = _pair_permute_np(_IDX_F_RAW).astype(np.int32)
_IDX_C = _pair_permute_np(_IDX_C_RAW).astype(np.int32)


def kernel(q_fine, q_coarse, M, cb_fine, cb_coarse):
    idx_f_flat = jnp.asarray(_IDX_F)
    idx_c_flat = jnp.asarray(_IDX_C)

    sampled_c = _sc_gather(cb_coarse, idx_c_flat)
    sampled_f = _sc_gather(cb_fine, idx_f_flat)
    m_fine, m_coarse = _pool_call(M.astype(jnp.float32))

    out_c = _blend_call(q_coarse, m_coarse, sampled_c, hb=32)
    out_f = _blend_call(q_fine, m_fine, sampled_f, hb=32)
    return (out_f, out_c)

# --- scband reference (transcript-rebuilt; emitter-appended) ---
"""Pipeline reference for scband-anomaly-generation-62096637165973 (READ-ONLY COPY).

The authoritative reference and input builder live on the scoring server;
editing this copy changes nothing except your own understanding.
"""

import jax, jax.numpy as jnp
import numpy as np


def _avg_pool(m, sh, sw):
    # F.avg_pool2d with kernel_size == stride and exact division
    B, C, H, W = m.shape
    return m.reshape(B, C, H // sh, sh, W // sw, sw).mean(axis=(3, 5))


def _match_mask_size(mask, target):
    H, W = target
    h, w = mask.shape[2], mask.shape[3]
    pad_h = max(0, H - h)
    pad_w = max(0, W - w)
    if pad_h > 0 or pad_w > 0:
        mask = jnp.pad(mask, ((0, 0), (0, 0), (0, pad_h), (0, pad_w)), constant_values=0.0)
    return mask[:, :, :H, :W]


def _generate_fake_anomalies_uniform(q, cb, mask, key):
    # Replace latent vectors in masked regions with codebook entries drawn
    # uniformly from the full codebook, blended by the (soft) mask.
    B, C, H, W = q.shape
    idx = jax.random.randint(key, (B, H, W), 0, cb.shape[0])
    sampled = jnp.transpose(cb[idx], (0, 3, 1, 2))  # (B, C, H, W) via gather
    return q * (1.0 - mask) + sampled * mask


def setup_inputs(seed: int = 0) -> dict:
    key = jax.random.key(seed)
    k1, k2, k3, k4, k5 = jax.random.split(key, 5)
    q_fine = jax.random.normal(k1, (16, 64, 64, 256), dtype=jnp.float32)
    q_coarse = jax.random.normal(k2, (16, 64, 32, 128), dtype=jnp.float32)
    M = jax.random.uniform(k3, (16, 1, 256, 1024), dtype=jnp.float32)
    cb_fine = jax.random.normal(k4, (1024, 64), dtype=jnp.float32)
    cb_coarse = jax.random.normal(k5, (1024, 64), dtype=jnp.float32)
    return {"q_fine": q_fine, "q_coarse": q_coarse, "M": M, "cb_fine": cb_fine, "cb_coarse": cb_coarse}


def reference(q_fine, q_coarse, M, cb_fine, cb_coarse):
    M_float = M.astype(jnp.float32)
    H_spec, W_spec = M_float.shape[2], M_float.shape[3]
    H_fine, W_fine = q_fine.shape[2], q_fine.shape[3]
    H_coarse, W_coarse = q_coarse.shape[2], q_coarse.shape[3]
    stride_fine = (max(1, H_spec // H_fine), max(1, W_spec // W_fine))
    stride_coarse = (max(1, H_spec // H_coarse), max(1, W_spec // W_coarse))
    M_fine = _avg_pool(M_float, stride_fine[0], stride_fine[1])
    M_coarse = _avg_pool(M_float, stride_coarse[0], stride_coarse[1])
    if M_fine.shape[2] != H_fine or M_fine.shape[3] != W_fine:
        M_fine = _match_mask_size(M_fine, (H_fine, W_fine))
    if M_coarse.shape[2] != H_coarse or M_coarse.shape[3] != W_coarse:
        M_coarse = _match_mask_size(M_coarse, (H_coarse, W_coarse))
    key = jax.random.key(42)
    kf, kc = jax.random.split(key)
    q_coarse_a = _generate_fake_anomalies_uniform(q_coarse, cb_coarse, M_coarse, kc)
    q_fine_a = _generate_fake_anomalies_uniform(q_fine, cb_fine, M_fine, kf)
    return (q_fine_a, q_coarse_a)

if __name__ == "__main__":
    import jax
    _d = setup_inputs()
    print(jax.jit(kernel)(*tuple(_d.values())))

</pallas_src>

<mosaic_0001>
#map = affine_map<(d0, d1) -> (0, 0)>
#map1 = affine_map<(d0, d1) -> (0)>
module attributes {stable_mosaic.version = 14 : i64} {
  func.func @_sc_gather_body(%arg0: i32, %arg1: i32, %arg2: memref<1024x64xf32, #tpu.memory_space<hbm>>, %arg3: memref<65536xi32, #tpu.memory_space<hbm>>, %arg4: memref<65536x64xf32, #tpu.memory_space<hbm>>, %arg5: memref<2048xi32, #tpu.memory_space<vmem>>, %arg6: memref<2x512x64xf32, #tpu.memory_space<vmem>>, %arg7: memref<!tpu.dma_semaphore, #tpu.memory_space<semaphore_mem>>, %arg8: memref<!tpu.dma_semaphore, #tpu.memory_space<semaphore_mem>>) attributes {dimension_semantics = [#tpu.dimension_semantics<core_parallel>, #tpu.dimension_semantics<subcore_parallel>], iteration_bounds = array<i64: 2, 16>, scalar_prefetch = 0 : i64, scratch_operands = 4 : i64, tpu.core_type = #tpu.core_type<sc_vector_subcore>, window_params = [{transform_indices = #map}, {transform_indices = #map1}, {transform_indices = #map}]} {
    %mul3A = arith.constant 2 : i32
    %mul3A_0 = arith.muli %arg1, %mul3A : i32
    %add3A = arith.addi %mul3A_0, %arg0 : i32
    %mul3A_1 = arith.constant 2048 : i32
    %mul3A_2 = arith.muli %add3A, %mul3A_1 : i32
    "tpu.region"() ({
      %run_scoped3A = tpu.sem_alloc : memref<!tpu.dma_semaphore, #tpu.memory_space<semaphore_mem>>
      %dma_start3A = tpu.memref_slice %arg3[%mul3A_2] : memref<65536xi32, #tpu.memory_space<hbm>> -> memref<2048xi32, #tpu.memory_space<hbm>>
      %dma_start3A_33 = tpu.memref_slice %arg3[%mul3A_2] : memref<65536xi32, #tpu.memory_space<hbm>> -> memref<2048xi32, #tpu.memory_space<hbm>>
      tpu.enqueue_dma source(%dma_start3A_33 : memref<2048xi32, #tpu.memory_space<hbm>>) target(%arg5 : memref<2048xi32, #tpu.memory_space<vmem>>) target_semaphore(%run_scoped3A : memref<!tpu.dma_semaphore, #tpu.memory_space<semaphore_mem>>)
      %dma_wait3A_34 = tpu.memref_slice %arg3[%mul3A_2] : memref<65536xi32, #tpu.memory_space<hbm>> -> memref<2048xi32, #tpu.memory_space<hbm>>
      %dma_wait3A_35 = tpu.memref_slice %arg3[%mul3A_2] : memref<65536xi32, #tpu.memory_space<hbm>> -> memref<2048xi32, #tpu.memory_space<hbm>>
      tpu.wait_dma2 semaphore(%run_scoped3A : memref<!tpu.dma_semaphore, #tpu.memory_space<semaphore_mem>>) src(%dma_wait3A_35 : memref<2048xi32, #tpu.memory_space<hbm>>) dst(%arg5 : memref<2048xi32, #tpu.memory_space<vmem>>)
      tpu.yield
    }) : () -> ()
    %scan3A = arith.constant 0 : i32
    %scan3A_3 = arith.constant 0 : i32
    %scan3A_4 = arith.constant 2 : i32
    %scan3A_5 = arith.addi %scan3A_3, %scan3A_4 : i32
    %scan3A_6 = arith.constant 1 : i32
    scf.for %scan3A_33 = %scan3A_3 to %scan3A_5 step %scan3A_6  : i32 {
      %mul3A_34 = arith.constant 1024 : i32
      %mul3A_35 = arith.muli %scan3A_33, %mul3A_34 : i32
      %ge3A = arith.constant 1 : i32
      %ge3A_36 = arith.cmpi sge, %scan3A_33, %ge3A : i32
      %convert_element_type3A = arith.extui %ge3A_36 : i1 to i32
      %cond3A = arith.constant 0 : i32
      %cond3A_37 = arith.cmpi ne, %convert_element_type3A, %cond3A : i32
      scf.if %cond3A_37 {
        %dma_wait3A_282 = arith.constant 0 : i32
        %dma_wait3A_283 = arith.constant 0 : i32
        %dma_wait3A_284 = arith.constant 0 : i32
        %dma_wait3A_285 = tpu.memref_slice %arg6[%dma_wait3A_282, %dma_wait3A_283, %dma_wait3A_284] : memref<2x512x64xf32, #tpu.memory_space<vmem>> -> memref<1x512x64xf32, #tpu.memory_space<vmem>>
        %dma_wait3A_286 = tpu.memref_squeeze %dma_wait3A_285 : memref<1x512x64xf32, #tpu.memory_space<vmem>> -> memref<512x64xf32, #tpu.memory_space<vmem>>
        %dma_wait3A_287 = arith.constant 0 : i32
        %dma_wait3A_288 = tpu.memref_slice %arg4[%mul3A_2, %dma_wait3A_287] : memref<65536x64xf32, #tpu.memory_space<hbm>> -> memref<512x64xf32, #tpu.memory_space<hbm>>
        %dma_wait3A_289 = arith.constant 0 : i32
        %dma_wait3A_290 = tpu.memref_slice %arg4[%mul3A_2, %dma_wait3A_289] : memref<65536x64xf32, #tpu.memory_space<hbm>> -> memref<512x64xf32, #tpu.memory_space<hbm>>
        %dma_wait3A_291 = arith.constant 0 : i32
        %dma_wait3A_292 = arith.constant 0 : i32
        %dma_wait3A_293 = tpu.memref_slice %arg6[%dma_wait3A_282, %dma_wait3A_291, %dma_wait3A_292] : memref<2x512x64xf32, #tpu.memory_space<vmem>> -> memref<1x512x64xf32, #tpu.memory_space<vmem>>
        %dma_wait3A_294 = tpu.memref_squeeze %dma_wait3A_293 : memref<1x512x64xf32, #tpu.memory_space<vmem>> -> memref<512x64xf32, #tpu.memory_space<vmem>>
        tpu.wait_dma2 semaphore(%arg8 : memref<!tpu.dma_semaphore, #tpu.memory_space<semaphore_mem>>) src(%dma_wait3A_294 : memref<512x64xf32, #tpu.memory_space<vmem>>) dst(%dma_wait3A_290 : memref<512x64xf32, #tpu.memory_space<hbm>>)
      } else {
      }
      %add3A_38 = arith.constant 0 : i32
      %add3A_39 = arith.addi %mul3A_35, %add3A_38 : i32
      %add3A_40 = arith.constant 0 : i32
      %add3A_41 = arith.addi %add3A_39, %add3A_40 : i32
      %dma_start3A = arith.constant 0 : i32
      %dma_start3A_42 = arith.constant 0 : i32
      %dma_start3A_43 = arith.constant 0 : i32
      %dma_start3A_44 = tpu.memref_slice %arg6[%dma_start3A, %dma_start3A_42, %dma_start3A_43] : memref<2x512x64xf32, #tpu.memory_space<vmem>> -> memref<1x512x64xf32, #tpu.memory_space<vmem>>
      %dma_start3A_45 = tpu.memref_squeeze %dma_start3A_44 : memref<1x512x64xf32, #tpu.memory_space<vmem>> -> memref<512x64xf32, #tpu.memory_space<vmem>>
      %dma_start3A_46 = arith.constant 0 : i32
      %dma_start3A_47 = arith.constant 0 : i32
      %dma_start3A_48 = tpu.memref_slice %dma_start3A_45[%dma_start3A_46, %dma_start3A_47] : memref<512x64xf32, #tpu.memory_space<vmem>> -> memref<128x64xf32, #tpu.memory_space<vmem>>
      %dma_start3A_49 = tpu.memref_slice %arg5[%add3A_41] : memref<2048xi32, #tpu.memory_space<vmem>> -> memref<128xi32, #tpu.memory_space<vmem>>
      %dma_start3A_50 = arith.constant 0 : i32
      %dma_start3A_51 = arith.constant 0 : i32
      %dma_start3A_52 = tpu.memref_slice %arg2[%dma_start3A_50, %dma_start3A_51] : memref<1024x64xf32, #tpu.memory_space<hbm>> -> memref<1024x64xf32, #tpu.memory_space<hbm>>
      tpu.enqueue_indirect_dma source(%dma_start3A_52 : memref<1024x64xf32, #tpu.memory_space<hbm>>) target(%dma_start3A_48 : memref<128x64xf32, #tpu.memory_space<vmem>>) offsets(%dma_start3A_49 : memref<128xi32, #tpu.memory_space<vmem>>) semaphore(%arg7 : memref<!tpu.dma_semaphore, #tpu.memory_space<semaphore_mem>>)
      %add3A_53 = arith.constant 128 : i32
      %add3A_54 = arith.addi %add3A_39, %add3A_53 : i32
      %dma_start3A_55 = arith.constant 0 : i32
      %dma_start3A_56 = arith.constant 0 : i32
      %dma_start3A_57 = arith.constant 0 : i32
      %dma_start3A_58 = tpu.memref_slice %arg6[%dma_start3A_55, %dma_start3A_56, %dma_start3A_57] : memref<2x512x64xf32, #tpu.memory_space<vmem>> -> memref<1x512x64xf32, #tpu.memory_space<vmem>>
      %dma_start3A_59 = tpu.memref_squeeze %dma_start3A_58 : memref<1x512x64xf32, #tpu.memory_space<vmem>> -> memref<512x64xf32, #tpu.memory_space<vmem>>
      %dma_start3A_60 = arith.constant 128 : i32
      %dma_start3A_61 = arith.constant 0 : i32
      %dma_start3A_62 = tpu.memref_slice %dma_start3A_59[%dma_start3A_60, %dma_start3A_61] : memref<512x64xf32, #tpu.memory_space<vmem>> -> memref<128x64xf32, #tpu.memory_space<vmem>>
      %dma_start3A_63 = tpu.memref_slice %arg5[%add3A_54] : memref<2048xi32, #tpu.memory_space<vmem>> -> memref<128xi32, #tpu.memory_space<vmem>>
      %dma_start3A_64 = arith.constant 0 : i32
      %dma_start3A_65 = arith.constant 0 : i32
      %dma_start3A_66 = tpu.memref_slice %arg2[%dma_start3A_64, %dma_start3A_65] : memref<1024x64xf32, #tpu.memory_space<hbm>> -> memref<1024x64xf32, #tpu.memory_space<hbm>>
      tpu.enqueue_indirect_dma source(%dma_start3A_66 : memref<1024x64xf32, #tpu.memory_space<hbm>>) target(%dma_start3A_62 : memref<128x64xf32, #tpu.memory_space<vmem>>) offsets(%dma_start3A_63 : memref<128xi32, #tpu.memory_space<vmem>>) semaphore(%arg7 : memref<!tpu.dma_semaphore, #tpu.memory_space<semaphore_mem>>)
      %add3A_67 = arith.constant 256 : i32
      %add3A_68 = arith.addi %add3A_39, %add3A_67 : i32
      %dma_start3A_69 = arith.constant 0 : i32
      %dma_start3A_70 = arith.constant 0 : i32
      %dma_start3A_71 = arith.constant 0 : i32
      %dma_start3A_72 = tpu.memref_slice %arg6[%dma_start3A_69, %dma_start3A_70, %dma_start3A_71] : memref<2x512x64xf32, #tpu.memory_space<vmem>> -> memref<1x512x64xf32, #tpu.memory_space<vmem>>
      %dma_start3A_73 = tpu.memref_squeeze %dma_start3A_72 : memref<1x512x64xf32, #tpu.memory_space<vmem>> -> memref<512x64xf32, #tpu.memory_space<vmem>>
      %dma_start3A_74 = arith.constant 256 : i32
      %dma_start3A_75 = arith.constant 0 : i32
      %dma_start3A_76 = tpu.memref_slice %dma_start3A_73[%dma_start3A_74, %dma_start3A_75] : memref<512x64xf32, #tpu.memory_space<vmem>> -> memref<128x64xf32, #tpu.memory_space<vmem>>
      %dma_start3A_77 = tpu.memref_slice %arg5[%add3A_68] : memref<2048xi32, #tpu.memory_space<vmem>> -> memref<128xi32, #tpu.memory_space<vmem>>
      %dma_start3A_78 = arith.constant 0 : i32
      %dma_start3A_79 = arith.constant 0 : i32
      %dma_start3A_80 = tpu.memref_slice %arg2[%dma_start3A_78, %dma_start3A_79] : memref<1024x64xf32, #tpu.memory_space<hbm>> -> memref<1024x64xf32, #tpu.memory_space<hbm>>
      tpu.enqueue_indirect_dma source(%dma_start3A_80 : memref<1024x64xf32, #tpu.memory_space<hbm>>) target(%dma_start3A_76 : memref<128x64xf32, #tpu.memory_space<vmem>>) offsets(%dma_start3A_77 : memref<128xi32, #tpu.memory_space<vmem>>) semaphore(%arg7 : memref<!tpu.dma_semaphore, #tpu.memory_space<semaphore_mem>>)
      %add3A_81 = arith.constant 384 : i32
      %add3A_82 = arith.addi %add3A_39, %add3A_81 : i32
      %dma_start3A_83 = arith.constant 0 : i32
      %dma_start3A_84 = arith.constant 0 : i32
      %dma_start3A_85 = arith.constant 0 : i32
      %dma_start3A_86 = tpu.memref_slice %arg6[%dma_start3A_83, %dma_start3A_84, %dma_start3A_85] : memref<2x512x64xf32, #tpu.memory_space<vmem>> -> memref<1x512x64xf32, #tpu.memory_space<vmem>>
      %dma_start3A_87 = tpu.memref_squeeze %dma_start3A_86 : memref<1x512x64xf32, #tpu.memory_space<vmem>> -> memref<512x64xf32, #tpu.memory_space<vmem>>
      %dma_start3A_88 = arith.constant 384 : i32
      %dma_start3A_89 = arith.constant 0 : i32
      %dma_start3A_90 = tpu.memref_slice %dma_start3A_87[%dma_start3A_88, %dma_start3A_89] : memref<512x64xf32, #tpu.memory_space<vmem>> -> memref<128x64xf32, #tpu.memory_space<vmem>>
      %dma_start3A_91 = tpu.memref_slice %arg5[%add3A_82] : memref<2048xi32, #tpu.memory_space<vmem>> -> memref<128xi32, #tpu.memory_space<vmem>>
      %dma_start3A_92 = arith.constant 0 : i32
      %dma_start3A_93 = arith.constant 0 : i32
      %dma_start3A_94 = tpu.memref_slice %arg2[%dma_start3A_92, %dma_start3A_93] : memref<1024x64xf32, #tpu.memory_space<hbm>> -> memref<1024x64xf32, #tpu.memory_space<hbm>>
      tpu.enqueue_indirect_dma source(%dma_start3A_94 : memref<1024x64xf32, #tpu.memory_space<hbm>>) target(%dma_start3A_90 : memref<128x64xf32, #tpu.memory_space<vmem>>) offsets(%dma_start3A_91 : memref<128xi32, #tpu.memory_space<vmem>>) semaphore(%arg7 : memref<!tpu.dma_semaphore, #tpu.memory_space<semaphore_mem>>)
      %dma_wait3A_95 = arith.constant 0 : i32
      %dma_wait3A_96 = arith.constant 0 : i32
      %dma_wait3A_97 = arith.constant 0 : i32
      %dma_wait3A_98 = tpu.memref_slice %arg6[%dma_wait3A_95, %dma_wait3A_96, %dma_wait3A_97] : memref<2x512x64xf32, #tpu.memory_space<vmem>> -> memref<1x512x64xf32, #tpu.memory_space<vmem>>
      %dma_wait3A_99 = tpu.memref_squeeze %dma_wait3A_98 : memref<1x512x64xf32, #tpu.memory_space<vmem>> -> memref<512x64xf32, #tpu.memory_space<vmem>>
      %dma_wait3A_100 = arith.constant 0 : i32
      %dma_wait3A_101 = arith.constant 0 : i32
      %dma_wait3A_102 = tpu.memref_slice %dma_wait3A_99[%dma_wait3A_100, %dma_wait3A_101] : memref<512x64xf32, #tpu.memory_space<vmem>> -> memref<128x64xf32, #tpu.memory_space<vmem>>
      %dma_wait3A_103 = tpu.memref_slice %arg5[%add3A_41] : memref<2048xi32, #tpu.memory_space<vmem>> -> memref<128xi32, #tpu.memory_space<vmem>>
      %dma_wait3A_104 = arith.constant 0 : i32
      %dma_wait3A_105 = arith.constant 0 : i32
      %dma_wait3A_106 = tpu.memref_slice %arg2[%dma_wait3A_104, %dma_wait3A_105] : memref<1024x64xf32, #tpu.memory_space<hbm>> -> memref<1024x64xf32, #tpu.memory_space<hbm>>
      tpu.wait_indirect_dma semaphore(%arg7 : memref<!tpu.dma_semaphore, #tpu.memory_space<semaphore_mem>>) src(%dma_wait3A_106 : memref<1024x64xf32, #tpu.memory_space<hbm>>) dst(%dma_wait3A_102 : memref<128x64xf32, #tpu.memory_space<vmem>>)
      %dma_wait3A_107 = arith.constant 0 : i32
      %dma_wait3A_108 = arith.constant 0 : i32
      %dma_wait3A_109 = arith.constant 0 : i32
      %dma_wait3A_110 = tpu.memref_slice %arg6[%dma_wait3A_107, %dma_wait3A_108, %dma_wait3A_109] : memref<2x512x64xf32, #tpu.memory_space<vmem>> -> memref<1x512x64xf32, #tpu.memory_space<vmem>>
      %dma_wait3A_111 = tpu.memref_squeeze %dma_wait3A_110 : memref<1x512x64xf32, #tpu.memory_space<vmem>> -> memref<512x64xf32, #tpu.memory_space<vmem>>
      %dma_wait3A_112 = arith.constant 128 : i32
      %dma_wait3A_113 = arith.constant 0 : i32
      %dma_wait3A_114 = tpu.memref_slice %dma_wait3A_111[%dma_wait3A_112, %dma_wait3A_113] : memref<512x64xf32, #tpu.memory_space<vmem>> -> memref<128x64xf32, #tpu.memory_space<vmem>>
      %dma_wait3A_115 = tpu.memref_slice %arg5[%add3A_54] : memref<2048xi32, #tpu.memory_space<vmem>> -> memref<128xi32, #tpu.memory_space<vmem>>
      %dma_wait3A_116 = arith.constant 0 : i32
      %dma_wait3A_117 = arith.constant 0 : i32
      %dma_wait3A_118 = tpu.memref_slice %arg2[%dma_wait3A_116, %dma_wait3A_117] : memref<1024x64xf32, #tpu.memory_space<hbm>> -> memref<1024x64xf32, #tpu.memory_space<hbm>>
      tpu.wait_indirect_dma semaphore(%arg7 : memref<!tpu.dma_semaphore, #tpu.memory_space<semaphore_mem>>) src(%dma_wait3A_118 : memref<1024x64xf32, #tpu.memory_space<hbm>>) dst(%dma_wait3A_114 : memref<128x64xf32, #tpu.memory_space<vmem>>)
      %dma_wait3A_119 = arith.constant 0 : i32
      %dma_wait3A_120 = arith.constant 0 : i32
      %dma_wait3A_121 = arith.constant 0 : i32
      %dma_wait3A_122 = tpu.memref_slice %arg6[%dma_wait3A_119, %dma_wait3A_120, %dma_wait3A_121] : memref<2x512x64xf32, #tpu.memory_space<vmem>> -> memref<1x512x64xf32, #tpu.memory_space<vmem>>
      %dma_wait3A_123 = tpu.memref_squeeze %dma_wait3A_122 : memref<1x512x64xf32, #tpu.memory_space<vmem>> -> memref<512x64xf32, #tpu.memory_space<vmem>>
      %dma_wait3A_124 = arith.constant 256 : i32
      %dma_wait3A_125 = arith.constant 0 : i32
      %dma_wait3A_126 = tpu.memref_slice %dma_wait3A_123[%dma_wait3A_124, %dma_wait3A_125] : memref<512x64xf32, #tpu.memory_space<vmem>> -> memref<128x64xf32, #tpu.memory_space<vmem>>
      %dma_wait3A_127 = tpu.memref_slice %arg5[%add3A_68] : memref<2048xi32, #tpu.memory_space<vmem>> -> memref<128xi32, #tpu.memory_space<vmem>>
      %dma_wait3A_128 = arith.constant 0 : i32
      %dma_wait3A_129 = arith.constant 0 : i32
      %dma_wait3A_130 = tpu.memref_slice %arg2[%dma_wait3A_128, %dma_wait3A_129] : memref<1024x64xf32, #tpu.memory_space<hbm>> -> memref<1024x64xf32, #tpu.memory_space<hbm>>
      tpu.wait_indirect_dma semaphore(%arg7 : memref<!tpu.dma_semaphore, #tpu.memory_space<semaphore_mem>>) src(%dma_wait3A_130 : memref<1024x64xf32, #tpu.memory_space<hbm>>) dst(%dma_wait3A_126 : memref<128x64xf32, #tpu.memory_space<vmem>>)
      %dma_wait3A_131 = arith.constant 0 : i32
      %dma_wait3A_132 = arith.constant 0 : i32
      %dma_wait3A_133 = arith.constant 0 : i32
      %dma_wait3A_134 = tpu.memref_slice %arg6[%dma_wait3A_131, %dma_wait3A_132, %dma_wait3A_133] : memref<2x512x64xf32, #tpu.memory_space<vmem>> -> memref<1x512x64xf32, #tpu.memory_space<vmem>>
      %dma_wait3A_135 = tpu.memref_squeeze %dma_wait3A_134 : memref<1x512x64xf32, #tpu.memory_space<vmem>> -> memref<512x64xf32, #tpu.memory_space<vmem>>
      %dma_wait3A_136 = arith.constant 384 : i32
      %dma_wait3A_137 = arith.constant 0 : i32
      %dma_wait3A_138 = tpu.memref_slice %dma_wait3A_135[%dma_wait3A_136, %dma_wait3A_137] : memref<512x64xf32, #tpu.memory_space<vmem>> -> memref<128x64xf32, #tpu.memory_space<vmem>>
      %dma_wait3A_139 = tpu.memref_slice %arg5[%add3A_82] : memref<2048xi32, #tpu.memory_space<vmem>> -> memref<128xi32, #tpu.memory_space<vmem>>
      %dma_wait3A_140 = arith.constant 0 : i32
      %dma_wait3A_141 = arith.constant 0 : i32
      %dma_wait3A_142 = tpu.memref_slice %arg2[%dma_wait3A_140, %dma_wait3A_141] : memref<1024x64xf32, #tpu.memory_space<hbm>> -> memref<1024x64xf32, #tpu.memory_space<hbm>>
      tpu.wait_indirect_dma semaphore(%arg7 : memref<!tpu.dma_semaphore, #tpu.memory_space<semaphore_mem>>) src(%dma_wait3A_142 : memref<1024x64xf32, #tpu.memory_space<hbm>>) dst(%dma_wait3A_138 : memref<128x64xf32, #tpu.memory_space<vmem>>)
      %add3A_143 = arith.addi %mul3A_2, %add3A_39 : i32
      %dma_start3A_144 = arith.constant 0 : i32
      %dma_start3A_145 = arith.constant 0 : i32
      %dma_start3A_146 = arith.constant 0 : i32
      %dma_start3A_147 = tpu.memref_slice %arg6[%dma_start3A_144, %dma_start3A_145, %dma_start3A_146] : memref<2x512x64xf32, #tpu.memory_space<vmem>> -> memref<1x512x64xf32, #tpu.memory_space<vmem>>
      %dma_start3A_148 = tpu.memref_squeeze %dma_start3A_147 : memref<1x512x64xf32, #tpu.memory_space<vmem>> -> memref<512x64xf32, #tpu.memory_space<vmem>>
      %dma_start3A_149 = arith.constant 0 : i32
      %dma_start3A_150 = tpu.memref_slice %arg4[%add3A_143, %dma_start3A_149] : memref<65536x64xf32, #tpu.memory_space<hbm>> -> memref<512x64xf32, #tpu.memory_space<hbm>>
      %dma_start3A_151 = arith.constant 0 : i32
      %dma_start3A_152 = tpu.memref_slice %arg4[%add3A_143, %dma_start3A_151] : memref<65536x64xf32, #tpu.memory_space<hbm>> -> memref<512x64xf32, #tpu.memory_space<hbm>>
      %dma_start3A_153 = arith.constant 0 : i32
      %dma_start3A_154 = arith.constant 0 : i32
      %dma_start3A_155 = tpu.memref_slice %arg6[%dma_start3A_144, %dma_start3A_153, %dma_start3A_154] : memref<2x512x64xf32, #tpu.memory_space<vmem>> -> memref<1x512x64xf32, #tpu.memory_space<vmem>>
      %dma_start3A_156 = tpu.memref_squeeze %dma_start3A_155 : memref<1x512x64xf32, #tpu.memory_space<vmem>> -> memref<512x64xf32, #tpu.memory_space<vmem>>
      tpu.enqueue_dma source(%dma_start3A_156 : memref<512x64xf32, #tpu.memory_space<vmem>>) target(%dma_start3A_152 : memref<512x64xf32, #tpu.memory_space<hbm>>) target_semaphore(%arg8 : memref<!tpu.dma_semaphore, #tpu.memory_space<semaphore_mem>>)
      %ge3A_157 = arith.constant 1 : i32
      %ge3A_158 = arith.cmpi sge, %scan3A_33, %ge3A_157 : i32
      %convert_element_type3A_159 = arith.extui %ge3A_158 : i1 to i32
      %cond3A_160 = arith.constant 0 : i32
      %cond3A_161 = arith.cmpi ne, %convert_element_type3A_159, %cond3A_160 : i32
      scf.if %cond3A_161 {
        %dma_wait3A_282 = arith.constant 1 : i32
        %dma_wait3A_283 = arith.constant 0 : i32
        %dma_wait3A_284 = arith.constant 0 : i32
        %dma_wait3A_285 = tpu.memref_slice %arg6[%dma_wait3A_282, %dma_wait3A_283, %dma_wait3A_284] : memref<2x512x64xf32, #tpu.memory_space<vmem>> -> memref<1x512x64xf32, #tpu.memory_space<vmem>>
        %dma_wait3A_286 = tpu.memref_squeeze %dma_wait3A_285 : memref<1x512x64xf32, #tpu.memory_space<vmem>> -> memref<512x64xf32, #tpu.memory_space<vmem>>
        %dma_wait3A_287 = arith.constant 0 : i32
        %dma_wait3A_288 = tpu.memref_slice %arg4[%mul3A_2, %dma_wait3A_287] : memref<65536x64xf32, #tpu.memory_space<hbm>> -> memref<512x64xf32, #tpu.memory_space<hbm>>
        %dma_wait3A_289 = arith.constant 0 : i32
        %dma_wait3A_290 = tpu.memref_slice %arg4[%mul3A_2, %dma_wait3A_289] : memref<65536x64xf32, #tpu.memory_space<hbm>> -> memref<512x64xf32, #tpu.memory_space<hbm>>
        %dma_wait3A_291 = arith.constant 0 : i32
        %dma_wait3A_292 = arith.constant 0 : i32
        %dma_wait3A_293 = tpu.memref_slice %arg6[%dma_wait3A_282, %dma_wait3A_291, %dma_wait3A_292] : memref<2x512x64xf32, #tpu.memory_space<vmem>> -> memref<1x512x64xf32, #tpu.memory_space<vmem>>
        %dma_wait3A_294 = tpu.memref_squeeze %dma_wait3A_293 : memref<1x512x64xf32, #tpu.memory_space<vmem>> -> memref<512x64xf32, #tpu.memory_space<vmem>>
        tpu.wait_dma2 semaphore(%arg8 : memref<!tpu.dma_semaphore, #tpu.memory_space<semaphore_mem>>) src(%dma_wait3A_294 : memref<512x64xf32, #tpu.memory_space<vmem>>) dst(%dma_wait3A_290 : memref<512x64xf32, #tpu.memory_space<hbm>>)
      } else {
      }
      %add3A_162 = arith.constant 512 : i32
      %add3A_163 = arith.addi %mul3A_35, %add3A_162 : i32
      %add3A_164 = arith.constant 0 : i32
      %add3A_165 = arith.addi %add3A_163, %add3A_164 : i32
      %dma_start3A_166 = arith.constant 1 : i32
      %dma_start3A_167 = arith.constant 0 : i32
      %dma_start3A_168 = arith.constant 0 : i32
      %dma_start3A_169 = tpu.memref_slice %arg6[%dma_start3A_166, %dma_start3A_167, %dma_start3A_168] : memref<2x512x64xf32, #tpu.memory_space<vmem>> -> memref<1x512x64xf32, #tpu.memory_space<vmem>>
      %dma_start3A_170 = tpu.memref_squeeze %dma_start3A_169 : memref<1x512x64xf32, #tpu.memory_space<vmem>> -> memref<512x64xf32, #tpu.memory_space<vmem>>
      %dma_start3A_171 = arith.constant 0 : i32
      %dma_start3A_172 = arith.constant 0 : i32
      %dma_start3A_173 = tpu.memref_slice %dma_start3A_170[%dma_start3A_171, %dma_start3A_172] : memref<512x64xf32, #tpu.memory_space<vmem>> -> memref<128x64xf32, #tpu.memory_space<vmem>>
      %dma_start3A_174 = tpu.memref_slice %arg5[%add3A_165] : memref<2048xi32, #tpu.memory_space<vmem>> -> memref<128xi32, #tpu.memory_space<vmem>>
      %dma_start3A_175 = arith.constant 0 : i32
      %dma_start3A_176 = arith.constant 0 : i32
      %dma_start3A_177 = tpu.memref_slice %arg2[%dma_start3A_175, %dma_start3A_176] : memref<1024x64xf32, #tpu.memory_space<hbm>> -> memref<1024x64xf32, #tpu.memory_space<hbm>>
      tpu.enqueue_indirect_dma source(%dma_start3A_177 : memref<1024x64xf32, #tpu.memory_space<hbm>>) target(%dma_start3A_173 : memref<128x64xf32, #tpu.memory_space<vmem>>) offsets(%dma_start3A_174 : memref<128xi32, #tpu.memory_space<vmem>>) semaphore(%arg7 : memref<!tpu.dma_semaphore, #tpu.memory_space<semaphore_mem>>)
      %add3A_178 = arith.constant 128 : i32
      %add3A_179 = arith.addi %add3A_163, %add3A_178 : i32
      %dma_start3A_180 = arith.constant 1 : i32
      %dma_start3A_181 = arith.constant 0 : i32
      %dma_start3A_182 = arith.constant 0 : i32
      %dma_start3A_183 = tpu.memref_slice %arg6[%dma_start3A_180, %dma_start3A_181, %dma_start3A_182] : memref<2x512x64xf32, #tpu.memory_space<vmem>> -> memref<1x512x64xf32, #tpu.memory_space<vmem>>
      %dma_start3A_184 = tpu.memref_squeeze %dma_start3A_183 : memref<1x512x64xf32, #tpu.memory_space<vmem>> -> memref<512x64xf32, #tpu.memory_space<vmem>>
      %dma_start3A_185 = arith.constant 128 : i32
      %dma_start3A_186 = arith.constant 0 : i32
      %dma_start3A_187 = tpu.memref_slice %dma_start3A_184[%dma_start3A_185, %dma_start3A_186] : memref<512x64xf32, #tpu.memory_space<vmem>> -> memref<128x64xf32, #tpu.memory_space<vmem>>
      %dma_start3A_188 = tpu.memref_slice %arg5[%add3A_179] : memref<2048xi32, #tpu.memory_space<vmem>> -> memref<128xi32, #tpu.memory_space<vmem>>
      %dma_start3A_189 = arith.constant 0 : i32
      %dma_start3A_190 = arith.constant 0 : i32
      %dma_start3A_191 = tpu.memref_slice %arg2[%dma_start3A_189, %dma_start3A_190] : memref<1024x64xf32, #tpu.memory_space<hbm>> -> memref<1024x64xf32, #tpu.memory_space<hbm>>
      tpu.enqueue_indirect_dma source(%dma_start3A_191 : memref<1024x64xf32, #tpu.memory_space<hbm>>) target(%dma_start3A_187 : memref<128x64xf32, #tpu.memory_space<vmem>>) offsets(%dma_start3A_188 : memref<128xi32, #tpu.memory_space<vmem>>) semaphore(%arg7 : memref<!tpu.dma_semaphore, #tpu.memory_space<semaphore_mem>>)
      %add3A_192 = arith.constant 256 : i32
      %add3A_193 = arith.addi %add3A_163, %add3A_192 : i32
      %dma_start3A_194 = arith.constant 1 : i32
      %dma_start3A_195 = arith.constant 0 : i32
      %dma_start3A_196 = arith.constant 0 : i32
      %dma_start3A_197 = tpu.memref_slice %arg6[%dma_start3A_194, %dma_start3A_195, %dma_start3A_196] : memref<2x512x64xf32, #tpu.memory_space<vmem>> -> memref<1x512x64xf32, #tpu.memory_space<vmem>>
      %dma_start3A_198 = tpu.memref_squeeze %dma_start3A_197 : memref<1x512x64xf32, #tpu.memory_space<vmem>> -> memref<512x64xf32, #tpu.memory_space<vmem>>
      %dma_start3A_199 = arith.constant 256 : i32
      %dma_start3A_200 = arith.constant 0 : i32
      %dma_start3A_201 = tpu.memref_slice %dma_start3A_198[%dma_start3A_199, %dma_start3A_200] : memref<512x64xf32, #tpu.memory_space<vmem>> -> memref<128x64xf32, #tpu.memory_space<vmem>>
      %dma_start3A_202 = tpu.memref_slice %arg5[%add3A_193] : memref<2048xi32, #tpu.memory_space<vmem>> -> memref<128xi32, #tpu.memory_space<vmem>>
      %dma_start3A_203 = arith.constant 0 : i32
      %dma_start3A_204 = arith.constant 0 : i32
      %dma_start3A_205 = tpu.memref_slice %arg2[%dma_start3A_203, %dma_start3A_204] : memref<1024x64xf32, #tpu.memory_space<hbm>> -> memref<1024x64xf32, #tpu.memory_space<hbm>>
      tpu.enqueue_indirect_dma source(%dma_start3A_205 : memref<1024x64xf32, #tpu.memory_space<hbm>>) target(%dma_start3A_201 : memref<128x64xf32, #tpu.memory_space<vmem>>) offsets(%dma_start3A_202 : memref<128xi32, #tpu.memory_space<vmem>>) semaphore(%arg7 : memref<!tpu.dma_semaphore, #tpu.memory_space<semaphore_mem>>)
      %add3A_206 = arith.constant 384 : i32
      %add3A_207 = arith.addi %add3A_163, %add3A_206 : i32
      %dma_start3A_208 = arith.constant 1 : i32
      %dma_start3A_209 = arith.constant 0 : i32
      %dma_start3A_210 = arith.constant 0 : i32
      %dma_start3A_211 = tpu.memref_slice %arg6[%dma_start3A_208, %dma_start3A_209, %dma_start3A_210] : memref<2x512x64xf32, #tpu.memory_space<vmem>> -> memref<1x512x64xf32, #tpu.memory_space<vmem>>
      %dma_start3A_212 = tpu.memref_squeeze %dma_start3A_211 : memref<1x512x64xf32, #tpu.memory_space<vmem>> -> memref<512x64xf32, #tpu.memory_space<vmem>>
      %dma_start3A_213 = arith.constant 384 : i32
      %dma_start3A_214 = arith.constant 0 : i32
      %dma_start3A_215 = tpu.memref_slice %dma_start3A_212[%dma_start3A_213, %dma_start3A_214] : memref<512x64xf32, #tpu.memory_space<vmem>> -> memref<128x64xf32, #tpu.memory_space<vmem>>
      %dma_start3A_216 = tpu.memref_slice %arg5[%add3A_207] : memref<2048xi32, #tpu.memory_space<vmem>> -> memref<128xi32, #tpu.memory_space<vmem>>
      %dma_start3A_217 = arith.constant 0 : i32
      %dma_start3A_218 = arith.constant 0 : i32
      %dma_start3A_219 = tpu.memref_slice %arg2[%dma_start3A_217, %dma_start3A_218] : memref<1024x64xf32, #tpu.memory_space<hbm>> -> memref<1024x64xf32, #tpu.memory_space<hbm>>
      tpu.enqueue_indirect_dma source(%dma_start3A_219 : memref<1024x64xf32, #tpu.memory_space<hbm>>) target(%dma_start3A_215 : memref<128x64xf32, #tpu.memory_space<vmem>>) offsets(%dma_start3A_216 : memref<128xi32, #tpu.memory_space<vmem>>) semaphore(%arg7 : memref<!tpu.dma_semaphore, #tpu.memory_space<semaphore_mem>>)
      %dma_wait3A_220 = arith.constant 1 : i32
      %dma_wait3A_221 = arith.constant 0 : i32
      %dma_wait3A_222 = arith.constant 0 : i32
      %dma_wait3A_223 = tpu.memref_slice %arg6[%dma_wait3A_220, %dma_wait3A_221, %dma_wait3A_222] : memref<2x512x64xf32, #tpu.memory_space<vmem>> -> memref<1x512x64xf32, #tpu.memory_space<vmem>>
      %dma_wait3A_224 = tpu.memref_squeeze %dma_wait3A_223 : memref<1x512x64xf32, #tpu.memory_space<vmem>> -> memref<512x64xf32, #tpu.memory_space<vmem>>
      %dma_wait3A_225 = arith.constant 0 : i32
      %dma_wait3A_226 = arith.constant 0 : i32
      %dma_wait3A_227 = tpu.memref_slice %dma_wait3A_224[%dma_wait3A_225, %dma_wait3A_226] : memref<512x64xf32, #tpu.memory_space<vmem>> -> memref<128x64xf32, #tpu.memory_space<vmem>>
      %dma_wait3A_228 = tpu.memref_slice %arg5[%add3A_165] : memref<2048xi32, #tpu.memory_space<vmem>> -> memref<128xi32, #tpu.memory_space<vmem>>
      %dma_wait3A_229 = arith.constant 0 : i32
      %dma_wait3A_230 = arith.constant 0 : i32
      %dma_wait3A_231 = tpu.memref_slice %arg2[%dma_wait3A_229, %dma_wait3A_230] : memref<1024x64xf32, #tpu.memory_space<hbm>> -> memref<1024x64xf32, #tpu.memory_space<hbm>>
      tpu.wait_indirect_dma semaphore(%arg7 : memref<!tpu.dma_semaphore, #tpu.memory_space<semaphore_mem>>) src(%dma_wait3A_231 : memref<1024x64xf32, #tpu.memory_space<hbm>>) dst(%dma_wait3A_227 : memref<128x64xf32, #tpu.memory_space<vmem>>)
      %dma_wait3A_232 = arith.constant 1 : i32
      %dma_wait3A_233 = arith.constant 0 : i32
      %dma_wait3A_234 = arith.constant 0 : i32
      %dma_wait3A_235 = tpu.memref_slice %arg6[%dma_wait3A_232, %dma_wait3A_233, %dma_wait3A_234] : memref<2x512x64xf32, #tpu.memory_space<vmem>> -> memref<1x512x64xf32, #tpu.memory_space<vmem>>
      %dma_wait3A_236 = tpu.memref_squeeze %dma_wait3A_235 : memref<1x512x64xf32, #tpu.memory_space<vmem>> -> memref<512x64xf32, #tpu.memory_space<vmem>>
      %dma_wait3A_237 = arith.constant 128 : i32
      %dma_wait3A_238 = arith.constant 0 : i32
      %dma_wait3A_239 = tpu.memref_slice %dma_wait3A_236[%dma_wait3A_237, %dma_wait3A_238] : memref<512x64xf32, #tpu.memory_space<vmem>> -> memref<128x64xf32, #tpu.memory_space<vmem>>
      %dma_wait3A_240 = tpu.memref_slice %arg5[%add3A_179] : memref<2048xi32, #tpu.memory_space<vmem>> -> memref<128xi32, #tpu.memory_space<vmem>>
      %dma_wait3A_241 = arith.constant 0 : i32
      %dma_wait3A_242 = arith.constant 0 : i32
      %dma_wait3A_243 = tpu.memref_slice %arg2[%dma_wait3A_241, %dma_wait3A_242] : memref<1024x64xf32, #tpu.memory_space<hbm>> -> memref<1024x64xf32, #tpu.memory_space<hbm>>
      tpu.wait_indirect_dma semaphore(%arg7 : memref<!tpu.dma_semaphore, #tpu.memory_space<semaphore_mem>>) src(%dma_wait3A_243 : memref<1024x64xf32, #tpu.memory_space<hbm>>) dst(%dma_wait3A_239 : memref<128x64xf32, #tpu.memory_space<vmem>>)
      %dma_wait3A_244 = arith.constant 1 : i32
      %dma_wait3A_245 = arith.constant 0 : i32
      %dma_wait3A_246 = arith.constant 0 : i32
      %dma_wait3A_247 = tpu.memref_slice %arg6[%dma_wait3A_244, %dma_wait3A_245, %dma_wait3A_246] : memref<2x512x64xf32, #tpu.memory_space<vmem>> -> memref<1x512x64xf32, #tpu.memory_space<vmem>>
      %dma_wait3A_248 = tpu.memref_squeeze %dma_wait3A_247 : memref<1x512x64xf32, #tpu.memory_space<vmem>> -> memref<512x64xf32, #tpu.memory_space<vmem>>
      %dma_wait3A_249 = arith.constant 256 : i32
      %dma_wait3A_250 = arith.constant 0 : i32
      %dma_wait3A_251 = tpu.memref_slice %dma_wait3A_248[%dma_wait3A_249, %dma_wait3A_250] : memref<512x64xf32, #tpu.memory_space<vmem>> -> memref<128x64xf32, #tpu.memory_space<vmem>>
      %dma_wait3A_252 = tpu.memref_slice %arg5[%add3A_193] : memref<2048xi32, #tpu.memory_space<vmem>> -> memref<128xi32, #tpu.memory_space<vmem>>
      %dma_wait3A_253 = arith.constant 0 : i32
      %dma_wait3A_254 = arith.constant 0 : i32
      %dma_wait3A_255 = tpu.memref_slice %arg2[%dma_wait3A_253, %dma_wait3A_254] : memref<1024x64xf32, #tpu.memory_space<hbm>> -> memref<1024x64xf32, #tpu.memory_space<hbm>>
      tpu.wait_indirect_dma semaphore(%arg7 : memref<!tpu.dma_semaphore, #tpu.memory_space<semaphore_mem>>) src(%dma_wait3A_255 : memref<1024x64xf32, #tpu.memory_space<hbm>>) dst(%dma_wait3A_251 : memref<128x64xf32, #tpu.memory_space<vmem>>)
      %dma_wait3A_256 = arith.constant 1 : i32
      %dma_wait3A_257 = arith.constant 0 : i32
      %dma_wait3A_258 = arith.constant 0 : i32
      %dma_wait3A_259 = tpu.memref_slice %arg6[%dma_wait3A_256, %dma_wait3A_257, %dma_wait3A_258] : memref<2x512x64xf32, #tpu.memory_space<vmem>> -> memref<1x512x64xf32, #tpu.memory_space<vmem>>
      %dma_wait3A_260 = tpu.memref_squeeze %dma_wait3A_259 : memref<1x512x64xf32, #tpu.memory_space<vmem>> -> memref<512x64xf32, #tpu.memory_space<vmem>>
      %dma_wait3A_261 = arith.constant 384 : i32
      %dma_wait3A_262 = arith.constant 0 : i32
      %dma_wait3A_263 = tpu.memref_slice %dma_wait3A_260[%dma_wait3A_261, %dma_wait3A_262] : memref<512x64xf32, #tpu.memory_space<vmem>> -> memref<128x64xf32, #tpu.memory_space<vmem>>
      %dma_wait3A_264 = tpu.memref_slice %arg5[%add3A_207] : memref<2048xi32, #tpu.memory_space<vmem>> -> memref<128xi32, #tpu.memory_space<vmem>>
      %dma_wait3A_265 = arith.constant 0 : i32
      %dma_wait3A_266 = arith.constant 0 : i32
      %dma_wait3A_267 = tpu.memref_slice %arg2[%dma_wait3A_265, %dma_wait3A_266] : memref<1024x64xf32, #tpu.memory_space<hbm>> -> memref<1024x64xf32, #tpu.memory_space<hbm>>
      tpu.wait_indirect_dma semaphore(%arg7 : memref<!tpu.dma_semaphore, #tpu.memory_space<semaphore_mem>>) src(%dma_wait3A_267 : memref<1024x64xf32, #tpu.memory_space<hbm>>) dst(%dma_wait3A_263 : memref<128x64xf32, #tpu.memory_space<vmem>>)
      %add3A_268 = arith.addi %mul3A_2, %add3A_163 : i32
      %dma_start3A_269 = arith.constant 1 : i32
      %dma_start3A_270 = arith.constant 0 : i32
      %dma_start3A_271 = arith.constant 0 : i32
      %dma_start3A_272 = tpu.memref_slice %arg6[%dma_start3A_269, %dma_start3A_270, %dma_start3A_271] : memref<2x512x64xf32, #tpu.memory_space<vmem>> -> memref<1x512x64xf32, #tpu.memory_space<vmem>>
      %dma_start3A_273 = tpu.memref_squeeze %dma_start3A_272 : memref<1x512x64xf32, #tpu.memory_space<vmem>> -> memref<512x64xf32, #tpu.memory_space<vmem>>
      %dma_start3A_274 = arith.constant 0 : i32
      %dma_start3A_275 = tpu.memref_slice %arg4[%add3A_268, %dma_start3A_274] : memref<65536x64xf32, #tpu.memory_space<hbm>> -> memref<512x64xf32, #tpu.memory_space<hbm>>
      %dma_start3A_276 = arith.constant 0 : i32
      %dma_start3A_277 = tpu.memref_slice %arg4[%add3A_268, %dma_start3A_276] : memref<65536x64xf32, #tpu.memory_space<hbm>> -> memref<512x64xf32, #tpu.memory_space<hbm>>
      %dma_start3A_278 = arith.constant 0 : i32
      %dma_start3A_279 = arith.constant 0 : i32
      %dma_start3A_280 = tpu.memref_slice %arg6[%dma_start3A_269, %dma_start3A_278, %dma_start3A_279] : memref<2x512x64xf32, #tpu.memory_space<vmem>> -> memref<1x512x64xf32, #tpu.memory_space<vmem>>
      %dma_start3A_281 = tpu.memref_squeeze %dma_start3A_280 : memref<1x512x64xf32, #tpu.memory_space<vmem>> -> memref<512x64xf32, #tpu.memory_space<vmem>>
      tpu.enqueue_dma source(%dma_start3A_281 : memref<512x64xf32, #tpu.memory_space<vmem>>) target(%dma_start3A_277 : memref<512x64xf32, #tpu.memory_space<hbm>>) target_semaphore(%arg8 : memref<!tpu.dma_semaphore, #tpu.memory_space<semaphore_mem>>)
    }
    %scan3A_7 = arith.constant 2 : i32
    %dma_wait3A = arith.constant 0 : i32
    %dma_wait3A_8 = arith.constant 0 : i32
    %dma_wait3A_9 = arith.constant 0 : i32
    %dma_wait3A_10 = tpu.memref_slice %arg6[%dma_wait3A, %dma_wait3A_8, %dma_wait3A_9] : memref<2x512x64xf32, #tpu.memory_space<vmem>> -> memref<1x512x64xf32, #tpu.memory_space<vmem>>
    %dma_wait3A_11 = tpu.memref_squeeze %dma_wait3A_10 : memref<1x512x64xf32, #tpu.memory_space<vmem>> -> memref<512x64xf32, #tpu.memory_space<vmem>>
    %dma_wait3A_12 = arith.constant 0 : i32
    %dma_wait3A_13 = tpu.memref_slice %arg4[%mul3A_2, %dma_wait3A_12] : memref<65536x64xf32, #tpu.memory_space<hbm>> -> memref<512x64xf32, #tpu.memory_space<hbm>>
    %dma_wait3A_14 = arith.constant 0 : i32
    %dma_wait3A_15 = tpu.memref_slice %arg4[%mul3A_2, %dma_wait3A_14] : memref<65536x64xf32, #tpu.memory_space<hbm>> -> memref<512x64xf32, #tpu.memory_space<hbm>>
    %dma_wait3A_16 = arith.constant 0 : i32
    %dma_wait3A_17 = arith.constant 0 : i32
    %dma_wait3A_18 = tpu.memref_slice %arg6[%dma_wait3A, %dma_wait3A_16, %dma_wait3A_17] : memref<2x512x64xf32, #tpu.memory_space<vmem>> -> memref<1x512x64xf32, #tpu.memory_space<vmem>>
    %dma_wait3A_19 = tpu.memref_squeeze %dma_wait3A_18 : memref<1x512x64xf32, #tpu.memory_space<vmem>> -> memref<512x64xf32, #tpu.memory_space<vmem>>
    tpu.wait_dma2 semaphore(%arg8 : memref<!tpu.dma_semaphore, #tpu.memory_space<semaphore_mem>>) src(%dma_wait3A_19 : memref<512x64xf32, #tpu.memory_space<vmem>>) dst(%dma_wait3A_15 : memref<512x64xf32, #tpu.memory_space<hbm>>)
    %dma_wait3A_20 = arith.constant 1 : i32
    %dma_wait3A_21 = arith.constant 0 : i32
    %dma_wait3A_22 = arith.constant 0 : i32
    %dma_wait3A_23 = tpu.memref_slice %arg6[%dma_wait3A_20, %dma_wait3A_21, %dma_wait3A_22] : memref<2x512x64xf32, #tpu.memory_space<vmem>> -> memref<1x512x64xf32, #tpu.memory_space<vmem>>
    %dma_wait3A_24 = tpu.memref_squeeze %dma_wait3A_23 : memref<1x512x64xf32, #tpu.memory_space<vmem>> -> memref<512x64xf32, #tpu.memory_space<vmem>>
    %dma_wait3A_25 = arith.constant 0 : i32
    %dma_wait3A_26 = tpu.memref_slice %arg4[%mul3A_2, %dma_wait3A_25] : memref<65536x64xf32, #tpu.memory_space<hbm>> -> memref<512x64xf32, #tpu.memory_space<hbm>>
    %dma_wait3A_27 = arith.constant 0 : i32
    %dma_wait3A_28 = tpu.memref_slice %arg4[%mul3A_2, %dma_wait3A_27] : memref<65536x64xf32, #tpu.memory_space<hbm>> -> memref<512x64xf32, #tpu.memory_space<hbm>>
    %dma_wait3A_29 = arith.constant 0 : i32
    %dma_wait3A_30 = arith.constant 0 : i32
    %dma_wait3A_31 = tpu.memref_slice %arg6[%dma_wait3A_20, %dma_wait3A_29, %dma_wait3A_30] : memref<2x512x64xf32, #tpu.memory_space<vmem>> -> memref<1x512x64xf32, #tpu.memory_space<vmem>>
    %dma_wait3A_32 = tpu.memref_squeeze %dma_wait3A_31 : memref<1x512x64xf32, #tpu.memory_space<vmem>> -> memref<512x64xf32, #tpu.memory_space<vmem>>
    tpu.wait_dma2 semaphore(%arg8 : memref<!tpu.dma_semaphore, #tpu.memory_space<semaphore_mem>>) src(%dma_wait3A_32 : memref<512x64xf32, #tpu.memory_space<vmem>>) dst(%dma_wait3A_28 : memref<512x64xf32, #tpu.memory_space<hbm>>)
    return
  }
}

#map = affine_map<(d0, d1) -> (0, 0)>
#map1 = affine_map<(d0, d1) -> (0)>
module attributes {stable_mosaic.version = 14 : i64} {
  func.func @_sc_gather_body(%arg0: i32, %arg1: i32, %arg2: memref<1024x64xf32, #tpu.memory_space<hbm>>, %arg3: memref<262144xi32, #tpu.memory_space<hbm>>, %arg4: memref<262144x64xf32, #tpu.memory_space<hbm>>, %arg5: memref<8192xi32, #tpu.memory_space<vmem>>, %arg6: memref<2x512x64xf32, #tpu.memory_space<vmem>>, %arg7: memref<!tpu.dma_semaphore, #tpu.memory_space<semaphore_mem>>, %arg8: memref<!tpu.dma_semaphore, #tpu.memory_space<semaphore_mem>>) attributes {dimension_semantics = [#tpu.dimension_semantics<core_parallel>, #tpu.dimension_semantics<subcore_parallel>], iteration_bounds = array<i64: 2, 16>, scalar_prefetch = 0 : i64, scratch_operands = 4 : i64, tpu.core_type = #tpu.core_type<sc_vector_subcore>, window_params = [{transform_indices = #map}, {transform_indices = #map1}, {transform_indices = #map}]} {
    %mul3A = arith.constant 2 : i32
    %mul3A_0 = arith.muli %arg1, %mul3A : i32
    %add3A = arith.addi %mul3A_0, %arg0 : i32
    %mul3A_1 = arith.constant 8192 : i32
    %mul3A_2 = arith.muli %add3A, %mul3A_1 : i32
    "tpu.region"() ({
      %run_scoped3A = tpu.sem_alloc : memref<!tpu.dma_semaphore, #tpu.memory_space<semaphore_mem>>
      %dma_start3A = tpu.memref_slice %arg3[%mul3A_2] : memref<262144xi32, #tpu.memory_space<hbm>> -> memref<8192xi32, #tpu.memory_space<hbm>>
      %dma_start3A_33 = tpu.memref_slice %arg3[%mul3A_2] : memref<262144xi32, #tpu.memory_space<hbm>> -> memref<8192xi32, #tpu.memory_space<hbm>>
      tpu.enqueue_dma source(%dma_start3A_33 : memref<8192xi32, #tpu.memory_space<hbm>>) target(%arg5 : memref<8192xi32, #tpu.memory_space<vmem>>) target_semaphore(%run_scoped3A : memref<!tpu.dma_semaphore, #tpu.memory_space<semaphore_mem>>)
      %dma_wait3A_34 = tpu.memref_slice %arg3[%mul3A_2] : memref<262144xi32, #tpu.memory_space<hbm>> -> memref<8192xi32, #tpu.memory_space<hbm>>
      %dma_wait3A_35 = tpu.memref_slice %arg3[%mul3A_2] : memref<262144xi32, #tpu.memory_space<hbm>> -> memref<8192xi32, #tpu.memory_space<hbm>>
      tpu.wait_dma2 semaphore(%run_scoped3A : memref<!tpu.dma_semaphore, #tpu.memory_space<semaphore_mem>>) src(%dma_wait3A_35 : memref<8192xi32, #tpu.memory_space<hbm>>) dst(%arg5 : memref<8192xi32, #tpu.memory_space<vmem>>)
      tpu.yield
    }) : () -> ()
    %scan3A = arith.constant 0 : i32
    %scan3A_3 = arith.constant 0 : i32
    %scan3A_4 = arith.constant 8 : i32
    %scan3A_5 = arith.addi %scan3A_3, %scan3A_4 : i32
    %scan3A_6 = arith.constant 1 : i32
    scf.for %scan3A_33 = %scan3A_3 to %scan3A_5 step %scan3A_6  : i32 {
      %mul3A_34 = arith.constant 1024 : i32
      %mul3A_35 = arith.muli %scan3A_33, %mul3A_34 : i32
      %ge3A = arith.constant 1 : i32
      %ge3A_36 = arith.cmpi sge, %scan3A_33, %ge3A : i32
      %convert_element_type3A = arith.extui %ge3A_36 : i1 to i32
      %cond3A = arith.constant 0 : i32
      %cond3A_37 = arith.cmpi ne, %convert_element_type3A, %cond3A : i32
      scf.if %cond3A_37 {
        %dma_wait3A_282 = arith.constant 0 : i32
        %dma_wait3A_283 = arith.constant 0 : i32
        %dma_wait3A_284 = arith.constant 0 : i32
        %dma_wait3A_285 = tpu.memref_slice %arg6[%dma_wait3A_282, %dma_wait3A_283, %dma_wait3A_284] : memref<2x512x64xf32, #tpu.memory_space<vmem>> -> memref<1x512x64xf32, #tpu.memory_space<vmem>>
        %dma_wait3A_286 = tpu.memref_squeeze %dma_wait3A_285 : memref<1x512x64xf32, #tpu.memory_space<vmem>> -> memref<512x64xf32, #tpu.memory_space<vmem>>
        %dma_wait3A_287 = arith.constant 0 : i32
        %dma_wait3A_288 = tpu.memref_slice %arg4[%mul3A_2, %dma_wait3A_287] : memref<262144x64xf32, #tpu.memory_space<hbm>> -> memref<512x64xf32, #tpu.memory_space<hbm>>
        %dma_wait3A_289 = arith.constant 0 : i32
        %dma_wait3A_290 = tpu.memref_slice %arg4[%mul3A_2, %dma_wait3A_289] : memref<262144x64xf32, #tpu.memory_space<hbm>> -> memref<512x64xf32, #tpu.memory_space<hbm>>
        %dma_wait3A_291 = arith.constant 0 : i32
        %dma_wait3A_292 = arith.constant 0 : i32
        %dma_wait3A_293 = tpu.memref_slice %arg6[%dma_wait3A_282, %dma_wait3A_291, %dma_wait3A_292] : memref<2x512x64xf32, #tpu.memory_space<vmem>> -> memref<1x512x64xf32, #tpu.memory_space<vmem>>
        %dma_wait3A_294 = tpu.memref_squeeze %dma_wait3A_293 : memref<1x512x64xf32, #tpu.memory_space<vmem>> -> memref<512x64xf32, #tpu.memory_space<vmem>>
        tpu.wait_dma2 semaphore(%arg8 : memref<!tpu.dma_semaphore, #tpu.memory_space<semaphore_mem>>) src(%dma_wait3A_294 : memref<512x64xf32, #tpu.memory_space<vmem>>) dst(%dma_wait3A_290 : memref<512x64xf32, #tpu.memory_space<hbm>>)
      } else {
      }
      %add3A_38 = arith.constant 0 : i32
      %add3A_39 = arith.addi %mul3A_35, %add3A_38 : i32
      %add3A_40 = arith.constant 0 : i32
      %add3A_41 = arith.addi %add3A_39, %add3A_40 : i32
      %dma_start3A = arith.constant 0 : i32
      %dma_start3A_42 = arith.constant 0 : i32
      %dma_start3A_43 = arith.constant 0 : i32
      %dma_start3A_44 = tpu.memref_slice %arg6[%dma_start3A, %dma_start3A_42, %dma_start3A_43] : memref<2x512x64xf32, #tpu.memory_space<vmem>> -> memref<1x512x64xf32, #tpu.memory_space<vmem>>
      %dma_start3A_45 = tpu.memref_squeeze %dma_start3A_44 : memref<1x512x64xf32, #tpu.memory_space<vmem>> -> memref<512x64xf32, #tpu.memory_space<vmem>>
      %dma_start3A_46 = arith.constant 0 : i32
      %dma_start3A_47 = arith.constant 0 : i32
      %dma_start3A_48 = tpu.memref_slice %dma_start3A_45[%dma_start3A_46, %dma_start3A_47] : memref<512x64xf32, #tpu.memory_space<vmem>> -> memref<128x64xf32, #tpu.memory_space<vmem>>
      %dma_start3A_49 = tpu.memref_slice %arg5[%add3A_41] : memref<8192xi32, #tpu.memory_space<vmem>> -> memref<128xi32, #tpu.memory_space<vmem>>
      %dma_start3A_50 = arith.constant 0 : i32
      %dma_start3A_51 = arith.constant 0 : i32
      %dma_start3A_52 = tpu.memref_slice %arg2[%dma_start3A_50, %dma_start3A_51] : memref<1024x64xf32, #tpu.memory_space<hbm>> -> memref<1024x64xf32, #tpu.memory_space<hbm>>
      tpu.enqueue_indirect_dma source(%dma_start3A_52 : memref<1024x64xf32, #tpu.memory_space<hbm>>) target(%dma_start3A_48 : memref<128x64xf32, #tpu.memory_space<vmem>>) offsets(%dma_start3A_49 : memref<128xi32, #tpu.memory_space<vmem>>) semaphore(%arg7 : memref<!tpu.dma_semaphore, #tpu.memory_space<semaphore_mem>>)
      %add3A_53 = arith.constant 128 : i32
      %add3A_54 = arith.addi %add3A_39, %add3A_53 : i32
      %dma_start3A_55 = arith.constant 0 : i32
      %dma_start3A_56 = arith.constant 0 : i32
      %dma_start3A_57 = arith.constant 0 : i32
      %dma_start3A_58 = tpu.memref_slice %arg6[%dma_start3A_55, %dma_start3A_56, %dma_start3A_57] : memref<2x512x64xf32, #tpu.memory_space<vmem>> -> memref<1x512x64xf32, #tpu.memory_space<vmem>>
      %dma_start3A_59 = tpu.memref_squeeze %dma_start3A_58 : memref<1x512x64xf32, #tpu.memory_space<vmem>> -> memref<512x64xf32, #tpu.memory_space<vmem>>
      %dma_start3A_60 = arith.constant 128 : i32
      %dma_start3A_61 = arith.constant 0 : i32
      %dma_start3A_62 = tpu.memref_slice %dma_start3A_59[%dma_start3A_60, %dma_start3A_61] : memref<512x64xf32, #tpu.memory_space<vmem>> -> memref<128x64xf32, #tpu.memory_space<vmem>>
      %dma_start3A_63 = tpu.memref_slice %arg5[%add3A_54] : memref<8192xi32, #tpu.memory_space<vmem>> -> memref<128xi32, #tpu.memory_space<vmem>>
      %dma_start3A_64 = arith.constant 0 : i32
      %dma_start3A_65 = arith.constant 0 : i32
      %dma_start3A_66 = tpu.memref_slice %arg2[%dma_start3A_64, %dma_start3A_65] : memref<1024x64xf32, #tpu.memory_space<hbm>> -> memref<1024x64xf32, #tpu.memory_space<hbm>>
      tpu.enqueue_indirect_dma source(%dma_start3A_66 : memref<1024x64xf32, #tpu.memory_space<hbm>>) target(%dma_start3A_62 : memref<128x64xf32, #tpu.memory_space<vmem>>) offsets(%dma_start3A_63 : memref<128xi32, #tpu.memory_space<vmem>>) semaphore(%arg7 : memref<!tpu.dma_semaphore, #tpu.memory_space<semaphore_mem>>)
      %add3A_67 = arith.constant 256 : i32
      %add3A_68 = arith.addi %add3A_39, %add3A_67 : i32
      %dma_start3A_69 = arith.constant 0 : i32
      %dma_start3A_70 = arith.constant 0 : i32
      %dma_start3A_71 = arith.constant 0 : i32
      %dma_start3A_72 = tpu.memref_slice %arg6[%dma_start3A_69, %dma_start3A_70, %dma_start3A_71] : memref<2x512x64xf32, #tpu.memory_space<vmem>> -> memref<1x512x64xf32, #tpu.memory_space<vmem>>
      %dma_start3A_73 = tpu.memref_squeeze %dma_start3A_72 : memref<1x512x64xf32, #tpu.memory_space<vmem>> -> memref<512x64xf32, #tpu.memory_space<vmem>>
      %dma_start3A_74 = arith.constant 256 : i32
      %dma_start3A_75 = arith.constant 0 : i32
      %dma_start3A_76 = tpu.memref_slice %dma_start3A_73[%dma_start3A_74, %dma_start3A_75] : memref<512x64xf32, #tpu.memory_space<vmem>> -> memref<128x64xf32, #tpu.memory_space<vmem>>
      %dma_start3A_77 = tpu.memref_slice %arg5[%add3A_68] : memref<8192xi32, #tpu.memory_space<vmem>> -> memref<128xi32, #tpu.memory_space<vmem>>
      %dma_start3A_78 = arith.constant 0 : i32
      %dma_start3A_79 = arith.constant 0 : i32
      %dma_start3A_80 = tpu.memref_slice %arg2[%dma_start3A_78, %dma_start3A_79] : memref<1024x64xf32, #tpu.memory_space<hbm>> -> memref<1024x64xf32, #tpu.memory_space<hbm>>
      tpu.enqueue_indirect_dma source(%dma_start3A_80 : memref<1024x64xf32, #tpu.memory_space<hbm>>) target(%dma_start3A_76 : memref<128x64xf32, #tpu.memory_space<vmem>>) offsets(%dma_start3A_77 : memref<128xi32, #tpu.memory_space<vmem>>) semaphore(%arg7 : memref<!tpu.dma_semaphore, #tpu.memory_space<semaphore_mem>>)
      %add3A_81 = arith.constant 384 : i32
      %add3A_82 = arith.addi %add3A_39, %add3A_81 : i32
      %dma_start3A_83 = arith.constant 0 : i32
      %dma_start3A_84 = arith.constant 0 : i32
      %dma_start3A_85 = arith.constant 0 : i32
      %dma_start3A_86 = tpu.memref_slice %arg6[%dma_start3A_83, %dma_start3A_84, %dma_start3A_85] : memref<2x512x64xf32, #tpu.memory_space<vmem>> -> memref<1x512x64xf32, #tpu.memory_space<vmem>>
      %dma_start3A_87 = tpu.memref_squeeze %dma_start3A_86 : memref<1x512x64xf32, #tpu.memory_space<vmem>> -> memref<512x64xf32, #tpu.memory_space<vmem>>
      %dma_start3A_88 = arith.constant 384 : i32
      %dma_start3A_89 = arith.constant 0 : i32
      %dma_start3A_90 = tpu.memref_slice %dma_start3A_87[%dma_start3A_88, %dma_start3A_89] : memref<512x64xf32, #tpu.memory_space<vmem>> -> memref<128x64xf32, #tpu.memory_space<vmem>>
      %dma_start3A_91 = tpu.memref_slice %arg5[%add3A_82] : memref<8192xi32, #tpu.memory_space<vmem>> -> memref<128xi32, #tpu.memory_space<vmem>>
      %dma_start3A_92 = arith.constant 0 : i32
      %dma_start3A_93 = arith.constant 0 : i32
      %dma_start3A_94 = tpu.memref_slice %arg2[%dma_start3A_92, %dma_start3A_93] : memref<1024x64xf32, #tpu.memory_space<hbm>> -> memref<1024x64xf32, #tpu.memory_space<hbm>>
      tpu.enqueue_indirect_dma source(%dma_start3A_94 : memref<1024x64xf32, #tpu.memory_space<hbm>>) target(%dma_start3A_90 : memref<128x64xf32, #tpu.memory_space<vmem>>) offsets(%dma_start3A_91 : memref<128xi32, #tpu.memory_space<vmem>>) semaphore(%arg7 : memref<!tpu.dma_semaphore, #tpu.memory_space<semaphore_mem>>)
      %dma_wait3A_95 = arith.constant 0 : i32
      %dma_wait3A_96 = arith.constant 0 : i32
      %dma_wait3A_97 = arith.constant 0 : i32
      %dma_wait3A_98 = tpu.memref_slice %arg6[%dma_wait3A_95, %dma_wait3A_96, %dma_wait3A_97] : memref<2x512x64xf32, #tpu.memory_space<vmem>> -> memref<1x512x64xf32, #tpu.memory_space<vmem>>
      %dma_wait3A_99 = tpu.memref_squeeze %dma_wait3A_98 : memref<1x512x64xf32, #tpu.memory_space<vmem>> -> memref<512x64xf32, #tpu.memory_space<vmem>>
      %dma_wait3A_100 = arith.constant 0 : i32
      %dma_wait3A_101 = arith.constant 0 : i32
      %dma_wait3A_102 = tpu.memref_slice %dma_wait3A_99[%dma_wait3A_100, %dma_wait3A_101] : memref<512x64xf32, #tpu.memory_space<vmem>> -> memref<128x64xf32, #tpu.memory_space<vmem>>
      %dma_wait3A_103 = tpu.memref_slice %arg5[%add3A_41] : memref<8192xi32, #tpu.memory_space<vmem>> -> memref<128xi32, #tpu.memory_space<vmem>>
      %dma_wait3A_104 = arith.constant 0 : i32
      %dma_wait3A_105 = arith.constant 0 : i32
      %dma_wait3A_106 = tpu.memref_slice %arg2[%dma_wait3A_104, %dma_wait3A_105] : memref<1024x64xf32, #tpu.memory_space<hbm>> -> memref<1024x64xf32, #tpu.memory_space<hbm>>
      tpu.wait_indirect_dma semaphore(%arg7 : memref<!tpu.dma_semaphore, #tpu.memory_space<semaphore_mem>>) src(%dma_wait3A_106 : memref<1024x64xf32, #tpu.memory_space<hbm>>) dst(%dma_wait3A_102 : memref<128x64xf32, #tpu.memory_space<vmem>>)
      %dma_wait3A_107 = arith.constant 0 : i32
      %dma_wait3A_108 = arith.constant 0 : i32
      %dma_wait3A_109 = arith.constant 0 : i32
      %dma_wait3A_110 = tpu.memref_slice %arg6[%dma_wait3A_107, %dma_wait3A_108, %dma_wait3A_109] : memref<2x512x64xf32, #tpu.memory_space<vmem>> -> memref<1x512x64xf32, #tpu.memory_space<vmem>>
      %dma_wait3A_111 = tpu.memref_squeeze %dma_wait3A_110 : memref<1x512x64xf32, #tpu.memory_space<vmem>> -> memref<512x64xf32, #tpu.memory_space<vmem>>
      %dma_wait3A_112 = arith.constant 128 : i32
      %dma_wait3A_113 = arith.constant 0 : i32
      %dma_wait3A_114 = tpu.memref_slice %dma_wait3A_111[%dma_wait3A_112, %dma_wait3A_113] : memref<512x64xf32, #tpu.memory_space<vmem>> -> memref<128x64xf32, #tpu.memory_space<vmem>>
      %dma_wait3A_115 = tpu.memref_slice %arg5[%add3A_54] : memref<8192xi32, #tpu.memory_space<vmem>> -> memref<128xi32, #tpu.memory_space<vmem>>
      %dma_wait3A_116 = arith.constant 0 : i32
      %dma_wait3A_117 = arith.constant 0 : i32
      %dma_wait3A_118 = tpu.memref_slice %arg2[%dma_wait3A_116, %dma_wait3A_117] : memref<1024x64xf32, #tpu.memory_space<hbm>> -> memref<1024x64xf32, #tpu.memory_space<hbm>>
      tpu.wait_indirect_dma semaphore(%arg7 : memref<!tpu.dma_semaphore, #tpu.memory_space<semaphore_mem>>) src(%dma_wait3A_118 : memref<1024x64xf32, #tpu.memory_space<hbm>>) dst(%dma_wait3A_114 : memref<128x64xf32, #tpu.memory_space<vmem>>)
      %dma_wait3A_119 = arith.constant 0 : i32
      %dma_wait3A_120 = arith.constant 0 : i32
      %dma_wait3A_121 = arith.constant 0 : i32
      %dma_wait3A_122 = tpu.memref_slice %arg6[%dma_wait3A_119, %dma_wait3A_120, %dma_wait3A_121] : memref<2x512x64xf32, #tpu.memory_space<vmem>> -> memref<1x512x64xf32, #tpu.memory_space<vmem>>
      %dma_wait3A_123 = tpu.memref_squeeze %dma_wait3A_122 : memref<1x512x64xf32, #tpu.memory_space<vmem>> -> memref<512x64xf32, #tpu.memory_space<vmem>>
      %dma_wait3A_124 = arith.constant 256 : i32
      %dma_wait3A_125 = arith.constant 0 : i32
      %dma_wait3A_126 = tpu.memref_slice %dma_wait3A_123[%dma_wait3A_124, %dma_wait3A_125] : memref<512x64xf32, #tpu.memory_space<vmem>> -> memref<128x64xf32, #tpu.memory_space<vmem>>
      %dma_wait3A_127 = tpu.memref_slice %arg5[%add3A_68] : memref<8192xi32, #tpu.memory_space<vmem>> -> memref<128xi32, #tpu.memory_space<vmem>>
      %dma_wait3A_128 = arith.constant 0 : i32
      %dma_wait3A_129 = arith.constant 0 : i32
      %dma_wait3A_130 = tpu.memref_slice %arg2[%dma_wait3A_128, %dma_wait3A_129] : memref<1024x64xf32, #tpu.memory_space<hbm>> -> memref<1024x64xf32, #tpu.memory_space<hbm>>
      tpu.wait_indirect_dma semaphore(%arg7 : memref<!tpu.dma_semaphore, #tpu.memory_space<semaphore_mem>>) src(%dma_wait3A_130 : memref<1024x64xf32, #tpu.memory_space<hbm>>) dst(%dma_wait3A_126 : memref<128x64xf32, #tpu.memory_space<vmem>>)
      %dma_wait3A_131 = arith.constant 0 : i32
      %dma_wait3A_132 = arith.constant 0 : i32
      %dma_wait3A_133 = arith.constant 0 : i32
      %dma_wait3A_134 = tpu.memref_slice %arg6[%dma_wait3A_131, %dma_wait3A_132, %dma_wait3A_133] : memref<2x512x64xf32, #tpu.memory_space<vmem>> -> memref<1x512x64xf32, #tpu.memory_space<vmem>>
      %dma_wait3A_135 = tpu.memref_squeeze %dma_wait3A_134 : memref<1x512x64xf32, #tpu.memory_space<vmem>> -> memref<512x64xf32, #tpu.memory_space<vmem>>
      %dma_wait3A_136 = arith.constant 384 : i32
      %dma_wait3A_137 = arith.constant 0 : i32
      %dma_wait3A_138 = tpu.memref_slice %dma_wait3A_135[%dma_wait3A_136, %dma_wait3A_137] : memref<512x64xf32, #tpu.memory_space<vmem>> -> memref<128x64xf32, #tpu.memory_space<vmem>>
      %dma_wait3A_139 = tpu.memref_slice %arg5[%add3A_82] : memref<8192xi32, #tpu.memory_space<vmem>> -> memref<128xi32, #tpu.memory_space<vmem>>
      %dma_wait3A_140 = arith.constant 0 : i32
      %dma_wait3A_141 = arith.constant 0 : i32
      %dma_wait3A_142 = tpu.memref_slice %arg2[%dma_wait3A_140, %dma_wait3A_141] : memref<1024x64xf32, #tpu.memory_space<hbm>> -> memref<1024x64xf32, #tpu.memory_space<hbm>>
      tpu.wait_indirect_dma semaphore(%arg7 : memref<!tpu.dma_semaphore, #tpu.memory_space<semaphore_mem>>) src(%dma_wait3A_142 : memref<1024x64xf32, #tpu.memory_space<hbm>>) dst(%dma_wait3A_138 : memref<128x64xf32, #tpu.memory_space<vmem>>)
      %add3A_143 = arith.addi %mul3A_2, %add3A_39 : i32
      %dma_start3A_144 = arith.constant 0 : i32
      %dma_start3A_145 = arith.constant 0 : i32
      %dma_start3A_146 = arith.constant 0 : i32
      %dma_start3A_147 = tpu.memref_slice %arg6[%dma_start3A_144, %dma_start3A_145, %dma_start3A_146] : memref<2x512x64xf32, #tpu.memory_space<vmem>> -> memref<1x512x64xf32, #tpu.memory_space<vmem>>
      %dma_start3A_148 = tpu.memref_squeeze %dma_start3A_147 : memref<1x512x64xf32, #tpu.memory_space<vmem>> -> memref<512x64xf32, #tpu.memory_space<vmem>>
      %dma_start3A_149 = arith.constant 0 : i32
      %dma_start3A_150 = tpu.memref_slice %arg4[%add3A_143, %dma_start3A_149] : memref<262144x64xf32, #tpu.memory_space<hbm>> -> memref<512x64xf32, #tpu.memory_space<hbm>>
      %dma_start3A_151 = arith.constant 0 : i32
      %dma_start3A_152 = tpu.memref_slice %arg4[%add3A_143, %dma_start3A_151] : memref<262144x64xf32, #tpu.memory_space<hbm>> -> memref<512x64xf32, #tpu.memory_space<hbm>>
      %dma_start3A_153 = arith.constant 0 : i32
      %dma_start3A_154 = arith.constant 0 : i32
      %dma_start3A_155 = tpu.memref_slice %arg6[%dma_start3A_144, %dma_start3A_153, %dma_start3A_154] : memref<2x512x64xf32, #tpu.memory_space<vmem>> -> memref<1x512x64xf32, #tpu.memory_space<vmem>>
      %dma_start3A_156 = tpu.memref_squeeze %dma_start3A_155 : memref<1x512x64xf32, #tpu.memory_space<vmem>> -> memref<512x64xf32, #tpu.memory_space<vmem>>
      tpu.enqueue_dma source(%dma_start3A_156 : memref<512x64xf32, #tpu.memory_space<vmem>>) target(%dma_start3A_152 : memref<512x64xf32, #tpu.memory_space<hbm>>) target_semaphore(%arg8 : memref<!tpu.dma_semaphore, #tpu.memory_space<semaphore_mem>>)
      %ge3A_157 = arith.constant 1 : i32
      %ge3A_158 = arith.cmpi sge, %scan3A_33, %ge3A_157 : i32
      %convert_element_type3A_159 = arith.extui %ge3A_158 : i1 to i32
      %cond3A_160 = arith.constant 0 : i32
      %cond3A_161 = arith.cmpi ne, %convert_element_type3A_159, %cond3A_160 : i32
      scf.if %cond3A_161 {
        %dma_wait3A_282 = arith.constant 1 : i32
        %dma_wait3A_283 = arith.constant 0 : i32
        %dma_wait3A_284 = arith.constant 0 : i32
        %dma_wait3A_285 = tpu.memref_slice %arg6[%dma_wait3A_282, %dma_wait3A_283, %dma_wait3A_284] : memref<2x512x64xf32, #tpu.memory_space<vmem>> -> memref<1x512x64xf32, #tpu.memory_space<vmem>>
        %dma_wait3A_286 = tpu.memref_squeeze %dma_wait3A_285 : memref<1x512x64xf32, #tpu.memory_space<vmem>> -> memref<512x64xf32, #tpu.memory_space<vmem>>
        %dma_wait3A_287 = arith.constant 0 : i32
        %dma_wait3A_288 = tpu.memref_slice %arg4[%mul3A_2, %dma_wait3A_287] : memref<262144x64xf32, #tpu.memory_space<hbm>> -> memref<512x64xf32, #tpu.memory_space<hbm>>
        %dma_wait3A_289 = arith.constant 0 : i32
        %dma_wait3A_290 = tpu.memref_slice %arg4[%mul3A_2, %dma_wait3A_289] : memref<262144x64xf32, #tpu.memory_space<hbm>> -> memref<512x64xf32, #tpu.memory_space<hbm>>
        %dma_wait3A_291 = arith.constant 0 : i32
        %dma_wait3A_292 = arith.constant 0 : i32
        %dma_wait3A_293 = tpu.memref_slice %arg6[%dma_wait3A_282, %dma_wait3A_291, %dma_wait3A_292] : memref<2x512x64xf32, #tpu.memory_space<vmem>> -> memref<1x512x64xf32, #tpu.memory_space<vmem>>
        %dma_wait3A_294 = tpu.memref_squeeze %dma_wait3A_293 : memref<1x512x64xf32, #tpu.memory_space<vmem>> -> memref<512x64xf32, #tpu.memory_space<vmem>>
        tpu.wait_dma2 semaphore(%arg8 : memref<!tpu.dma_semaphore, #tpu.memory_space<semaphore_mem>>) src(%dma_wait3A_294 : memref<512x64xf32, #tpu.memory_space<vmem>>) dst(%dma_wait3A_290 : memref<512x64xf32, #tpu.memory_space<hbm>>)
      } else {
      }
      %add3A_162 = arith.constant 512 : i32
      %add3A_163 = arith.addi %mul3A_35, %add3A_162 : i32
      %add3A_164 = arith.constant 0 : i32
      %add3A_165 = arith.addi %add3A_163, %add3A_164 : i32
      %dma_start3A_166 = arith.constant 1 : i32
      %dma_start3A_167 = arith.constant 0 : i32
      %dma_start3A_168 = arith.constant 0 : i32
      %dma_start3A_169 = tpu.memref_slice %arg6[%dma_start3A_166, %dma_start3A_167, %dma_start3A_168] : memref<2x512x64xf32, #tpu.memory_space<vmem>> -> memref<1x512x64xf32, #tpu.memory_space<vmem>>
      %dma_start3A_170 = tpu.memref_squeeze %dma_start3A_169 : memref<1x512x64xf32, #tpu.memory_space<vmem>> -> memref<512x64xf32, #tpu.memory_space<vmem>>
      %dma_start3A_171 = arith.constant 0 : i32
      %dma_start3A_172 = arith.constant 0 : i32
      %dma_start3A_173 = tpu.memref_slice %dma_start3A_170[%dma_start3A_171, %dma_start3A_172] : memref<512x64xf32, #tpu.memory_space<vmem>> -> memref<128x64xf32, #tpu.memory_space<vmem>>
      %dma_start3A_174 = tpu.memref_slice %arg5[%add3A_165] : memref<8192xi32, #tpu.memory_space<vmem>> -> memref<128xi32, #tpu.memory_space<vmem>>
      %dma_start3A_175 = arith.constant 0 : i32
      %dma_start3A_176 = arith.constant 0 : i32
      %dma_start3A_177 = tpu.memref_slice %arg2[%dma_start3A_175, %dma_start3A_176] : memref<1024x64xf32, #tpu.memory_space<hbm>> -> memref<1024x64xf32, #tpu.memory_space<hbm>>
      tpu.enqueue_indirect_dma source(%dma_start3A_177 : memref<1024x64xf32, #tpu.memory_space<hbm>>) target(%dma_start3A_173 : memref<128x64xf32, #tpu.memory_space<vmem>>) offsets(%dma_start3A_174 : memref<128xi32, #tpu.memory_space<vmem>>) semaphore(%arg7 : memref<!tpu.dma_semaphore, #tpu.memory_space<semaphore_mem>>)
      %add3A_178 = arith.constant 128 : i32
      %add3A_179 = arith.addi %add3A_163, %add3A_178 : i32
      %dma_start3A_180 = arith.constant 1 : i32
      %dma_start3A_181 = arith.constant 0 : i32
      %dma_start3A_182 = arith.constant 0 : i32
      %dma_start3A_183 = tpu.memref_slice %arg6[%dma_start3A_180, %dma_start3A_181, %dma_start3A_182] : memref<2x512x64xf32, #tpu.memory_space<vmem>> -> memref<1x512x64xf32, #tpu.memory_space<vmem>>
      %dma_start3A_184 = tpu.memref_squeeze %dma_start3A_183 : memref<1x512x64xf32, #tpu.memory_space<vmem>> -> memref<512x64xf32, #tpu.memory_space<vmem>>
      %dma_start3A_185 = arith.constant 128 : i32
      %dma_start3A_186 = arith.constant 0 : i32
      %dma_start3A_187 = tpu.memref_slice %dma_start3A_184[%dma_start3A_185, %dma_start3A_186] : memref<512x64xf32, #tpu.memory_space<vmem>> -> memref<128x64xf32, #tpu.memory_space<vmem>>
      %dma_start3A_188 = tpu.memref_slice %arg5[%add3A_179] : memref<8192xi32, #tpu.memory_space<vmem>> -> memref<128xi32, #tpu.memory_space<vmem>>
      %dma_start3A_189 = arith.constant 0 : i32
      %dma_start3A_190 = arith.constant 0 : i32
      %dma_start3A_191 = tpu.memref_slice %arg2[%dma_start3A_189, %dma_start3A_190] : memref<1024x64xf32, #tpu.memory_space<hbm>> -> memref<1024x64xf32, #tpu.memory_space<hbm>>
      tpu.enqueue_indirect_dma source(%dma_start3A_191 : memref<1024x64xf32, #tpu.memory_space<hbm>>) target(%dma_start3A_187 : memref<128x64xf32, #tpu.memory_space<vmem>>) offsets(%dma_start3A_188 : memref<128xi32, #tpu.memory_space<vmem>>) semaphore(%arg7 : memref<!tpu.dma_semaphore, #tpu.memory_space<semaphore_mem>>)
      %add3A_192 = arith.constant 256 : i32
      %add3A_193 = arith.addi %add3A_163, %add3A_192 : i32
      %dma_start3A_194 = arith.constant 1 : i32
      %dma_start3A_195 = arith.constant 0 : i32
      %dma_start3A_196 = arith.constant 0 : i32
      %dma_start3A_197 = tpu.memref_slice %arg6[%dma_start3A_194, %dma_start3A_195, %dma_start3A_196] : memref<2x512x64xf32, #tpu.memory_space<vmem>> -> memref<1x512x64xf32, #tpu.memory_space<vmem>>
      %dma_start3A_198 = tpu.memref_squeeze %dma_start3A_197 : memref<1x512x64xf32, #tpu.memory_space<vmem>> -> memref<512x64xf32, #tpu.memory_space<vmem>>
      %dma_start3A_199 = arith.constant 256 : i32
      %dma_start3A_200 = arith.constant 0 : i32
      %dma_start3A_201 = tpu.memref_slice %dma_start3A_198[%dma_start3A_199, %dma_start3A_200] : memref<512x64xf32, #tpu.memory_space<vmem>> -> memref<128x64xf32, #tpu.memory_space<vmem>>
      %dma_start3A_202 = tpu.memref_slice %arg5[%add3A_193] : memref<8192xi32, #tpu.memory_space<vmem>> -> memref<128xi32, #tpu.memory_space<vmem>>
      %dma_start3A_203 = arith.constant 0 : i32
      %dma_start3A_204 = arith.constant 0 : i32
      %dma_start3A_205 = tpu.memref_slice %arg2[%dma_start3A_203, %dma_start3A_204] : memref<1024x64xf32, #tpu.memory_space<hbm>> -> memref<1024x64xf32, #tpu.memory_space<hbm>>
      tpu.enqueue_indirect_dma source(%dma_start3A_205 : memref<1024x64xf32, #tpu.memory_space<hbm>>) target(%dma_start3A_201 : memref<128x64xf32, #tpu.memory_space<vmem>>) offsets(%dma_start3A_202 : memref<128xi32, #tpu.memory_space<vmem>>) semaphore(%arg7 : memref<!tpu.dma_semaphore, #tpu.memory_space<semaphore_mem>>)
      %add3A_206 = arith.constant 384 : i32
      %add3A_207 = arith.addi %add3A_163, %add3A_206 : i32
      %dma_start3A_208 = arith.constant 1 : i32
      %dma_start3A_209 = arith.constant 0 : i32
      %dma_start3A_210 = arith.constant 0 : i32
      %dma_start3A_211 = tpu.memref_slice %arg6[%dma_start3A_208, %dma_start3A_209, %dma_start3A_210] : memref<2x512x64xf32, #tpu.memory_space<vmem>> -> memref<1x512x64xf32, #tpu.memory_space<vmem>>
      %dma_start3A_212 = tpu.memref_squeeze %dma_start3A_211 : memref<1x512x64xf32, #tpu.memory_space<vmem>> -> memref<512x64xf32, #tpu.memory_space<vmem>>
      %dma_start3A_213 = arith.constant 384 : i32
      %dma_start3A_214 = arith.constant 0 : i32
      %dma_start3A_215 = tpu.memref_slice %dma_start3A_212[%dma_start3A_213, %dma_start3A_214] : memref<512x64xf32, #tpu.memory_space<vmem>> -> memref<128x64xf32, #tpu.memory_space<vmem>>
      %dma_start3A_216 = tpu.memref_slice %arg5[%add3A_207] : memref<8192xi32, #tpu.memory_space<vmem>> -> memref<128xi32, #tpu.memory_space<vmem>>
      %dma_start3A_217 = arith.constant 0 : i32
      %dma_start3A_218 = arith.constant 0 : i32
      %dma_start3A_219 = tpu.memref_slice %arg2[%dma_start3A_217, %dma_start3A_218] : memref<1024x64xf32, #tpu.memory_space<hbm>> -> memref<1024x64xf32, #tpu.memory_space<hbm>>
      tpu.enqueue_indirect_dma source(%dma_start3A_219 : memref<1024x64xf32, #tpu.memory_space<hbm>>) target(%dma_start3A_215 : memref<128x64xf32, #tpu.memory_space<vmem>>) offsets(%dma_start3A_216 : memref<128xi32, #tpu.memory_space<vmem>>) semaphore(%arg7 : memref<!tpu.dma_semaphore, #tpu.memory_space<semaphore_mem>>)
      %dma_wait3A_220 = arith.constant 1 : i32
      %dma_wait3A_221 = arith.constant 0 : i32
      %dma_wait3A_222 = arith.constant 0 : i32
      %dma_wait3A_223 = tpu.memref_slice %arg6[%dma_wait3A_220, %dma_wait3A_221, %dma_wait3A_222] : memref<2x512x64xf32, #tpu.memory_space<vmem>> -> memref<1x512x64xf32, #tpu.memory_space<vmem>>
      %dma_wait3A_224 = tpu.memref_squeeze %dma_wait3A_223 : memref<1x512x64xf32, #tpu.memory_space<vmem>> -> memref<512x64xf32, #tpu.memory_space<vmem>>
      %dma_wait3A_225 = arith.constant 0 : i32
      %dma_wait3A_226 = arith.constant 0 : i32
      %dma_wait3A_227 = tpu.memref_slice %dma_wait3A_224[%dma_wait3A_225, %dma_wait3A_226] : memref<512x64xf32, #tpu.memory_space<vmem>> -> memref<128x64xf32, #tpu.memory_space<vmem>>
      %dma_wait3A_228 = tpu.memref_slice %arg5[%add3A_165] : memref<8192xi32, #tpu.memory_space<vmem>> -> memref<128xi32, #tpu.memory_space<vmem>>
      %dma_wait3A_229 = arith.constant 0 : i32
      %dma_wait3A_230 = arith.constant 0 : i32
      %dma_wait3A_231 = tpu.memref_slice %arg2[%dma_wait3A_229, %dma_wait3A_230] : memref<1024x64xf32, #tpu.memory_space<hbm>> -> memref<1024x64xf32, #tpu.memory_space<hbm>>
      tpu.wait_indirect_dma semaphore(%arg7 : memref<!tpu.dma_semaphore, #tpu.memory_space<semaphore_mem>>) src(%dma_wait3A_231 : memref<1024x64xf32, #tpu.memory_space<hbm>>) dst(%dma_wait3A_227 : memref<128x64xf32, #tpu.memory_space<vmem>>)
      %dma_wait3A_232 = arith.constant 1 : i32
      %dma_wait3A_233 = arith.constant 0 : i32
      %dma_wait3A_234 = arith.constant 0 : i32
      %dma_wait3A_235 = tpu.memref_slice %arg6[%dma_wait3A_232, %dma_wait3A_233, %dma_wait3A_234] : memref<2x512x64xf32, #tpu.memory_space<vmem>> -> memref<1x512x64xf32, #tpu.memory_space<vmem>>
      %dma_wait3A_236 = tpu.memref_squeeze %dma_wait3A_235 : memref<1x512x64xf32, #tpu.memory_space<vmem>> -> memref<512x64xf32, #tpu.memory_space<vmem>>
      %dma_wait3A_237 = arith.constant 128 : i32
      %dma_wait3A_238 = arith.constant 0 : i32
      %dma_wait3A_239 = tpu.memref_slice %dma_wait3A_236[%dma_wait3A_237, %dma_wait3A_238] : memref<512x64xf32, #tpu.memory_space<vmem>> -> memref<128x64xf32, #tpu.memory_space<vmem>>
      %dma_wait3A_240 = tpu.memref_slice %arg5[%add3A_179] : memref<8192xi32, #tpu.memory_space<vmem>> -> memref<128xi32, #tpu.memory_space<vmem>>
      %dma_wait3A_241 = arith.constant 0 : i32
      %dma_wait3A_242 = arith.constant 0 : i32
      %dma_wait3A_243 = tpu.memref_slice %arg2[%dma_wait3A_241, %dma_wait3A_242] : memref<1024x64xf32, #tpu.memory_space<hbm>> -> memref<1024x64xf32, #tpu.memory_space<hbm>>
      tpu.wait_indirect_dma semaphore(%arg7 : memref<!tpu.dma_semaphore, #tpu.memory_space<semaphore_mem>>) src(%dma_wait3A_243 : memref<1024x64xf32, #tpu.memory_space<hbm>>) dst(%dma_wait3A_239 : memref<128x64xf32, #tpu.memory_space<vmem>>)
      %dma_wait3A_244 = arith.constant 1 : i32
      %dma_wait3A_245 = arith.constant 0 : i32
      %dma_wait3A_246 = arith.constant 0 : i32
      %dma_wait3A_247 = tpu.memref_slice %arg6[%dma_wait3A_244, %dma_wait3A_245, %dma_wait3A_246] : memref<2x512x64xf32, #tpu.memory_space<vmem>> -> memref<1x512x64xf32, #tpu.memory_space<vmem>>
      %dma_wait3A_248 = tpu.memref_squeeze %dma_wait3A_247 : memref<1x512x64xf32, #tpu.memory_space<vmem>> -> memref<512x64xf32, #tpu.memory_space<vmem>>
      %dma_wait3A_249 = arith.constant 256 : i32
      %dma_wait3A_250 = arith.constant 0 : i32
      %dma_wait3A_251 = tpu.memref_slice %dma_wait3A_248[%dma_wait3A_249, %dma_wait3A_250] : memref<512x64xf32, #tpu.memory_space<vmem>> -> memref<128x64xf32, #tpu.memory_space<vmem>>
      %dma_wait3A_252 = tpu.memref_slice %arg5[%add3A_193] : memref<8192xi32, #tpu.memory_space<vmem>> -> memref<128xi32, #tpu.memory_space<vmem>>
      %dma_wait3A_253 = arith.constant 0 : i32
      %dma_wait3A_254 = arith.constant 0 : i32
      %dma_wait3A_255 = tpu.memref_slice %arg2[%dma_wait3A_253, %dma_wait3A_254] : memref<1024x64xf32, #tpu.memory_space<hbm>> -> memref<1024x64xf32, #tpu.memory_space<hbm>>
      tpu.wait_indirect_dma semaphore(%arg7 : memref<!tpu.dma_semaphore, #tpu.memory_space<semaphore_mem>>) src(%dma_wait3A_255 : memref<1024x64xf32, #tpu.memory_space<hbm>>) dst(%dma_wait3A_251 : memref<128x64xf32, #tpu.memory_space<vmem>>)
      %dma_wait3A_256 = arith.constant 1 : i32
      %dma_wait3A_257 = arith.constant 0 : i32
      %dma_wait3A_258 = arith.constant 0 : i32
      %dma_wait3A_259 = tpu.memref_slice %arg6[%dma_wait3A_256, %dma_wait3A_257, %dma_wait3A_258] : memref<2x512x64xf32, #tpu.memory_space<vmem>> -> memref<1x512x64xf32, #tpu.memory_space<vmem>>
      %dma_wait3A_260 = tpu.memref_squeeze %dma_wait3A_259 : memref<1x512x64xf32, #tpu.memory_space<vmem>> -> memref<512x64xf32, #tpu.memory_space<vmem>>
      %dma_wait3A_261 = arith.constant 384 : i32
      %dma_wait3A_262 = arith.constant 0 : i32
      %dma_wait3A_263 = tpu.memref_slice %dma_wait3A_260[%dma_wait3A_261, %dma_wait3A_262] : memref<512x64xf32, #tpu.memory_space<vmem>> -> memref<128x64xf32, #tpu.memory_space<vmem>>
      %dma_wait3A_264 = tpu.memref_slice %arg5[%add3A_207] : memref<8192xi32, #tpu.memory_space<vmem>> -> memref<128xi32, #tpu.memory_space<vmem>>
      %dma_wait3A_265 = arith.constant 0 : i32
      %dma_wait3A_266 = arith.constant 0 : i32
      %dma_wait3A_267 = tpu.memref_slice %arg2[%dma_wait3A_265, %dma_wait3A_266] : memref<1024x64xf32, #tpu.memory_space<hbm>> -> memref<1024x64xf32, #tpu.memory_space<hbm>>
      tpu.wait_indirect_dma semaphore(%arg7 : memref<!tpu.dma_semaphore, #tpu.memory_space<semaphore_mem>>) src(%dma_wait3A_267 : memref<1024x64xf32, #tpu.memory_space<hbm>>) dst(%dma_wait3A_263 : memref<128x64xf32, #tpu.memory_space<vmem>>)
      %add3A_268 = arith.addi %mul3A_2, %add3A_163 : i32
      %dma_start3A_269 = arith.constant 1 : i32
      %dma_start3A_270 = arith.constant 0 : i32
      %dma_start3A_271 = arith.constant 0 : i32
      %dma_start3A_272 = tpu.memref_slice %arg6[%dma_start3A_269, %dma_start3A_270, %dma_start3A_271] : memref<2x512x64xf32, #tpu.memory_space<vmem>> -> memref<1x512x64xf32, #tpu.memory_space<vmem>>
      %dma_start3A_273 = tpu.memref_squeeze %dma_start3A_272 : memref<1x512x64xf32, #tpu.memory_space<vmem>> -> memref<512x64xf32, #tpu.memory_space<vmem>>
      %dma_start3A_274 = arith.constant 0 : i32
      %dma_start3A_275 = tpu.memref_slice %arg4[%add3A_268, %dma_start3A_274] : memref<262144x64xf32, #tpu.memory_space<hbm>> -> memref<512x64xf32, #tpu.memory_space<hbm>>
      %dma_start3A_276 = arith.constant 0 : i32
      %dma_start3A_277 = tpu.memref_slice %arg4[%add3A_268, %dma_start3A_276] : memref<262144x64xf32, #tpu.memory_space<hbm>> -> memref<512x64xf32, #tpu.memory_space<hbm>>
      %dma_start3A_278 = arith.constant 0 : i32
      %dma_start3A_279 = arith.constant 0 : i32
      %dma_start3A_280 = tpu.memref_slice %arg6[%dma_start3A_269, %dma_start3A_278, %dma_start3A_279] : memref<2x512x64xf32, #tpu.memory_space<vmem>> -> memref<1x512x64xf32, #tpu.memory_space<vmem>>
      %dma_start3A_281 = tpu.memref_squeeze %dma_start3A_280 : memref<1x512x64xf32, #tpu.memory_space<vmem>> -> memref<512x64xf32, #tpu.memory_space<vmem>>
      tpu.enqueue_dma source(%dma_start3A_281 : memref<512x64xf32, #tpu.memory_space<vmem>>) target(%dma_start3A_277 : memref<512x64xf32, #tpu.memory_space<hbm>>) target_semaphore(%arg8 : memref<!tpu.dma_semaphore, #tpu.memory_space<semaphore_mem>>)
    }
    %scan3A_7 = arith.constant 8 : i32
    %dma_wait3A = arith.constant 0 : i32
    %dma_wait3A_8 = arith.constant 0 : i32
    %dma_wait3A_9 = arith.constant 0 : i32
    %dma_wait3A_10 = tpu.memref_slice %arg6[%dma_wait3A, %dma_wait3A_8, %dma_wait3A_9] : memref<2x512x64xf32, #tpu.memory_space<vmem>> -> memref<1x512x64xf32, #tpu.memory_space<vmem>>
    %dma_wait3A_11 = tpu.memref_squeeze %dma_wait3A_10 : memref<1x512x64xf32, #tpu.memory_space<vmem>> -> memref<512x64xf32, #tpu.memory_space<vmem>>
    %dma_wait3A_12 = arith.constant 0 : i32
    %dma_wait3A_13 = tpu.memref_slice %arg4[%mul3A_2, %dma_wait3A_12] : memref<262144x64xf32, #tpu.memory_space<hbm>> -> memref<512x64xf32, #tpu.memory_space<hbm>>
    %dma_wait3A_14 = arith.constant 0 : i32
    %dma_wait3A_15 = tpu.memref_slice %arg4[%mul3A_2, %dma_wait3A_14] : memref<262144x64xf32, #tpu.memory_space<hbm>> -> memref<512x64xf32, #tpu.memory_space<hbm>>
    %dma_wait3A_16 = arith.constant 0 : i32
    %dma_wait3A_17 = arith.constant 0 : i32
    %dma_wait3A_18 = tpu.memref_slice %arg6[%dma_wait3A, %dma_wait3A_16, %dma_wait3A_17] : memref<2x512x64xf32, #tpu.memory_space<vmem>> -> memref<1x512x64xf32, #tpu.memory_space<vmem>>
    %dma_wait3A_19 = tpu.memref_squeeze %dma_wait3A_18 : memref<1x512x64xf32, #tpu.memory_space<vmem>> -> memref<512x64xf32, #tpu.memory_space<vmem>>
    tpu.wait_dma2 semaphore(%arg8 : memref<!tpu.dma_semaphore, #tpu.memory_space<semaphore_mem>>) src(%dma_wait3A_19 : memref<512x64xf32, #tpu.memory_space<vmem>>) dst(%dma_wait3A_15 : memref<512x64xf32, #tpu.memory_space<hbm>>)
    %dma_wait3A_20 = arith.constant 1 : i32
    %dma_wait3A_21 = arith.constant 0 : i32
    %dma_wait3A_22 = arith.constant 0 : i32
    %dma_wait3A_23 = tpu.memref_slice %arg6[%dma_wait3A_20, %dma_wait3A_21, %dma_wait3A_22] : memref<2x512x64xf32, #tpu.memory_space<vmem>> -> memref<1x512x64xf32, #tpu.memory_space<vmem>>
    %dma_wait3A_24 = tpu.memref_squeeze %dma_wait3A_23 : memref<1x512x64xf32, #tpu.memory_space<vmem>> -> memref<512x64xf32, #tpu.memory_space<vmem>>
    %dma_wait3A_25 = arith.constant 0 : i32
    %dma_wait3A_26 = tpu.memref_slice %arg4[%mul3A_2, %dma_wait3A_25] : memref<262144x64xf32, #tpu.memory_space<hbm>> -> memref<512x64xf32, #tpu.memory_space<hbm>>
    %dma_wait3A_27 = arith.constant 0 : i32
    %dma_wait3A_28 = tpu.memref_slice %arg4[%mul3A_2, %dma_wait3A_27] : memref<262144x64xf32, #tpu.memory_space<hbm>> -> memref<512x64xf32, #tpu.memory_space<hbm>>
    %dma_wait3A_29 = arith.constant 0 : i32
    %dma_wait3A_30 = arith.constant 0 : i32
    %dma_wait3A_31 = tpu.memref_slice %arg6[%dma_wait3A_20, %dma_wait3A_29, %dma_wait3A_30] : memref<2x512x64xf32, #tpu.memory_space<vmem>> -> memref<1x512x64xf32, #tpu.memory_space<vmem>>
    %dma_wait3A_32 = tpu.memref_squeeze %dma_wait3A_31 : memref<1x512x64xf32, #tpu.memory_space<vmem>> -> memref<512x64xf32, #tpu.memory_space<vmem>>
    tpu.wait_dma2 semaphore(%arg8 : memref<!tpu.dma_semaphore, #tpu.memory_space<semaphore_mem>>) src(%dma_wait3A_32 : memref<512x64xf32, #tpu.memory_space<vmem>>) dst(%dma_wait3A_28 : memref<512x64xf32, #tpu.memory_space<hbm>>)
    return
  }
}

module attributes {stable_mosaic.version = 14 : i64} {
  func.func @_pool_body(%arg0: i32, %arg1: memref<1x1x256x1024xf32, #tpu.memory_space<vmem>>, %arg2: memref<1x1x64x256xf32, #tpu.memory_space<vmem>>, %arg3: memref<1x1x32x128xf32, #tpu.memory_space<vmem>>) attributes {dimension_semantics = [#tpu.dimension_semantics<parallel>], iteration_bounds = array<i64: 16>, scalar_prefetch = 0 : i64, scratch_operands = 0 : i64, tpu.core_type = #tpu.core_type<tc>, window_params = [{transform_indices = @transform_0, window_bounds = array<i64: 1, 1, 256, 1024>}, {transform_indices = @transform_1, window_bounds = array<i64: 1, 1, 64, 256>}, {transform_indices = @transform_2, window_bounds = array<i64: 1, 1, 32, 128>}]} {
    %get3A = arith.constant 0 : index
    %get3A_0 = arith.constant 0 : index
    %get3A_1 = arith.constant 0 : index
    %get3A_2 = arith.constant 0 : index
    %get3A_3 = vector.load %arg1[%get3A, %get3A_0, %get3A_1, %get3A_2] : memref<1x1x256x1024xf32, #tpu.memory_space<vmem>>, vector<1x1x256x1024xf32>
    %get3A_4 = vector.shape_cast %get3A_3 : vector<1x1x256x1024xf32> to vector<256x1024xf32>
    %reshape3A = vector.shape_cast %get3A_4 : vector<256x1024xf32> to vector<64x4x1024xf32>
    %slice3A = vector.extract_strided_slice %reshape3A {offsets = [0, 0, 0], sizes = [64, 1, 1024], strides = [1, 1, 1]} : vector<64x4x1024xf32> to vector<64x1x1024xf32>
    %squeeze3A = vector.shape_cast %slice3A : vector<64x1x1024xf32> to vector<64x1024xf32>
    %slice3A_5 = vector.extract_strided_slice %reshape3A {offsets = [0, 1, 0], sizes = [64, 1, 1024], strides = [1, 1, 1]} : vector<64x4x1024xf32> to vector<64x1x1024xf32>
    %squeeze3A_6 = vector.shape_cast %slice3A_5 : vector<64x1x1024xf32> to vector<64x1024xf32>
    %add3A = arith.addf %squeeze3A, %squeeze3A_6 : vector<64x1024xf32>
    %slice3A_7 = vector.extract_strided_slice %reshape3A {offsets = [0, 2, 0], sizes = [64, 1, 1024], strides = [1, 1, 1]} : vector<64x4x1024xf32> to vector<64x1x1024xf32>
    %squeeze3A_8 = vector.shape_cast %slice3A_7 : vector<64x1x1024xf32> to vector<64x1024xf32>
    %slice3A_9 = vector.extract_strided_slice %reshape3A {offsets = [0, 3, 0], sizes = [64, 1, 1024], strides = [1, 1, 1]} : vector<64x4x1024xf32> to vector<64x1x1024xf32>
    %squeeze3A_10 = vector.shape_cast %slice3A_9 : vector<64x1x1024xf32> to vector<64x1024xf32>
    %add3A_11 = arith.addf %squeeze3A_8, %squeeze3A_10 : vector<64x1024xf32>
    %add3A_12 = arith.addf %add3A, %add3A_11 : vector<64x1024xf32>
    %iota3A = tpu.iota {dimensions = array<i32: 0>} : vector<1024x256xi32>
    %iota3A_13 = tpu.iota {dimensions = array<i32: 1>} : vector<1024x256xi32>
    %jit3A = arith.constant 4 : i32
    %div3A = vector.broadcast %jit3A : i32 to vector<1024x256xi32>
    %div3A_14 = arith.divsi %iota3A, %div3A : vector<1024x256xi32>
    %sign3A = arith.constant 0 : i32
    %sign3A_15 = vector.broadcast %sign3A : i32 to vector<1024x256xi32>
    %sign3A_16 = arith.cmpi sgt, %iota3A, %sign3A_15 : vector<1024x256xi32>
    %sign3A_17 = arith.extui %sign3A_16 : vector<1024x256xi1> to vector<1024x256xi32>
    %sign3A_18 = arith.constant 0 : i32
    %sign3A_19 = vector.broadcast %sign3A_18 : i32 to vector<1024x256xi32>
    %sign3A_20 = arith.cmpi slt, %iota3A, %sign3A_19 : vector<1024x256xi32>
    %sign3A_21 = arith.extui %sign3A_20 : vector<1024x256xi1> to vector<1024x256xi32>
    %sign3A_22 = arith.subi %sign3A_17, %sign3A_21 : vector<1024x256xi32>
    %sign3A_23 = arith.constant 0 : i32
    %sign3A_24 = arith.cmpi sgt, %jit3A, %sign3A_23 : i32
    %sign3A_25 = arith.extui %sign3A_24 : i1 to i32
    %sign3A_26 = arith.constant 0 : i32
    %sign3A_27 = arith.cmpi slt, %jit3A, %sign3A_26 : i32
    %sign3A_28 = arith.extui %sign3A_27 : i1 to i32
    %sign3A_29 = arith.subi %sign3A_25, %sign3A_28 : i32
    %ne3A = vector.broadcast %sign3A_29 : i32 to vector<1024x256xi32>
    %ne3A_30 = arith.cmpi ne, %sign3A_22, %ne3A : vector<1024x256xi32>
    %rem3A = vector.broadcast %jit3A : i32 to vector<1024x256xi32>
    %rem3A_31 = arith.remsi %iota3A, %rem3A : vector<1024x256xi32>
    %ne3A_32 = arith.constant 0 : i32
    %ne3A_33 = vector.broadcast %ne3A_32 : i32 to vector<1024x256xi32>
    %ne3A_34 = arith.cmpi ne, %rem3A_31, %ne3A_33 : vector<1024x256xi32>
    %and3A = arith.andi %ne3A_30, %ne3A_34 : vector<1024x256xi1>
    %sub3A = arith.constant 1 : i32
    %sub3A_35 = vector.broadcast %sub3A : i32 to vector<1024x256xi32>
    %sub3A_36 = arith.subi %div3A_14, %sub3A_35 : vector<1024x256xi32>
    %select_n3A = arith.select %and3A, %sub3A_36, %div3A_14 : vector<1024x256xi1>, vector<1024x256xi32>
    %eq3A = arith.cmpi eq, %select_n3A, %iota3A_13 : vector<1024x256xi32>
    %jit3A_37 = arith.constant 1.000000e+00 : f32
    %jit3A_38 = arith.constant 0.000000e+00 : f32
    %broadcast_in_dim3A = vector.broadcast %jit3A_37 : f32 to vector<1024x256xf32>
    %broadcast_in_dim3A_39 = vector.broadcast %jit3A_38 : f32 to vector<1024x256xf32>
    %select_n3A_40 = arith.select %eq3A, %broadcast_in_dim3A, %broadcast_in_dim3A_39 : vector<1024x256xi1>, vector<1024x256xf32>
    %mul3A = arith.constant 6.250000e-02 : f32
    %mul3A_41 = vector.broadcast %mul3A : f32 to vector<1024x256xf32>
    %mul3A_42 = arith.mulf %select_n3A_40, %mul3A_41 : vector<1024x256xf32>
    %dot_general3A = arith.constant dense<0.000000e+00> : vector<64x256xf32>
    %dot_general3A_43 = tpu.matmul %add3A_12, %mul3A_42, %dot_general3A {dimension_numbers = #tpu.dot_dimension_numbers<[1], [0], [0], [1], [0, 0, 1, 1], [], []>, transpose_lhs_hint = false} : vector<64x1024xf32>, vector<1024x256xf32>, vector<64x256xf32> -> vector<64x256xf32>
    %swap3A = arith.constant 0 : index
    %swap3A_44 = arith.constant 0 : index
    %swap3A_45 = arith.constant 0 : index
    %swap3A_46 = arith.constant 0 : index
    %swap3A_47 = vector.load %arg2[%swap3A, %swap3A_44, %swap3A_45, %swap3A_46] : memref<1x1x64x256xf32, #tpu.memory_space<vmem>>, vector<1x1x64x256xf32>
    %swap3A_48 = vector.shape_cast %swap3A_47 : vector<1x1x64x256xf32> to vector<64x256xf32>
    %swap3A_49 = vector.shape_cast %dot_general3A_43 : vector<64x256xf32> to vector<1x1x64x256xf32>
    tpu.vector_store %arg2[%swap3A, %swap3A_44, %swap3A_45, %swap3A_46], %swap3A_49 {strides = array<i32>} : memref<1x1x64x256xf32, #tpu.memory_space<vmem>>, vector<1x1x64x256xf32>,
    %reshape3A_50 = vector.shape_cast %dot_general3A_43 : vector<64x256xf32> to vector<32x2x256xf32>
    %slice3A_51 = vector.extract_strided_slice %reshape3A_50 {offsets = [0, 0, 0], sizes = [32, 1, 256], strides = [1, 1, 1]} : vector<32x2x256xf32> to vector<32x1x256xf32>
    %squeeze3A_52 = vector.shape_cast %slice3A_51 : vector<32x1x256xf32> to vector<32x256xf32>
    %slice3A_53 = vector.extract_strided_slice %reshape3A_50 {offsets = [0, 1, 0], sizes = [32, 1, 256], strides = [1, 1, 1]} : vector<32x2x256xf32> to vector<32x1x256xf32>
    %squeeze3A_54 = vector.shape_cast %slice3A_53 : vector<32x1x256xf32> to vector<32x256xf32>
    %add3A_55 = arith.addf %squeeze3A_52, %squeeze3A_54 : vector<32x256xf32>
    %iota3A_56 = tpu.iota {dimensions = array<i32: 0>} : vector<256x128xi32>
    %iota3A_57 = tpu.iota {dimensions = array<i32: 1>} : vector<256x128xi32>
    %jit3A_58 = arith.constant 2 : i32
    %div3A_59 = vector.broadcast %jit3A_58 : i32 to vector<256x128xi32>
    %div3A_60 = arith.divsi %iota3A_56, %div3A_59 : vector<256x128xi32>
    %sign3A_61 = arith.constant 0 : i32
    %sign3A_62 = vector.broadcast %sign3A_61 : i32 to vector<256x128xi32>
    %sign3A_63 = arith.cmpi sgt, %iota3A_56, %sign3A_62 : vector<256x128xi32>
    %sign3A_64 = arith.extui %sign3A_63 : vector<256x128xi1> to vector<256x128xi32>
    %sign3A_65 = arith.constant 0 : i32
    %sign3A_66 = vector.broadcast %sign3A_65 : i32 to vector<256x128xi32>
    %sign3A_67 = arith.cmpi slt, %iota3A_56, %sign3A_66 : vector<256x128xi32>
    %sign3A_68 = arith.extui %sign3A_67 : vector<256x128xi1> to vector<256x128xi32>
    %sign3A_69 = arith.subi %sign3A_64, %sign3A_68 : vector<256x128xi32>
    %sign3A_70 = arith.constant 0 : i32
    %sign3A_71 = arith.cmpi sgt, %jit3A_58, %sign3A_70 : i32
    %sign3A_72 = arith.extui %sign3A_71 : i1 to i32
    %sign3A_73 = arith.constant 0 : i32
    %sign3A_74 = arith.cmpi slt, %jit3A_58, %sign3A_73 : i32
    %sign3A_75 = arith.extui %sign3A_74 : i1 to i32
    %sign3A_76 = arith.subi %sign3A_72, %sign3A_75 : i32
    %ne3A_77 = vector.broadcast %sign3A_76 : i32 to vector<256x128xi32>
    %ne3A_78 = arith.cmpi ne, %sign3A_69, %ne3A_77 : vector<256x128xi32>
    %rem3A_79 = vector.broadcast %jit3A_58 : i32 to vector<256x128xi32>
    %rem3A_80 = arith.remsi %iota3A_56, %rem3A_79 : vector<256x128xi32>
    %ne3A_81 = arith.constant 0 : i32
    %ne3A_82 = vector.broadcast %ne3A_81 : i32 to vector<256x128xi32>
    %ne3A_83 = arith.cmpi ne, %rem3A_80, %ne3A_82 : vector<256x128xi32>
    %and3A_84 = arith.andi %ne3A_78, %ne3A_83 : vector<256x128xi1>
    %sub3A_85 = arith.constant 1 : i32
    %sub3A_86 = vector.broadcast %sub3A_85 : i32 to vector<256x128xi32>
    %sub3A_87 = arith.subi %div3A_60, %sub3A_86 : vector<256x128xi32>
    %select_n3A_88 = arith.select %and3A_84, %sub3A_87, %div3A_60 : vector<256x128xi1>, vector<256x128xi32>
    %eq3A_89 = arith.cmpi eq, %select_n3A_88, %iota3A_57 : vector<256x128xi32>
    %jit3A_90 = arith.constant 1.000000e+00 : f32
    %jit3A_91 = arith.constant 0.000000e+00 : f32
    %broadcast_in_dim3A_92 = vector.broadcast %jit3A_90 : f32 to vector<256x128xf32>
    %broadcast_in_dim3A_93 = vector.broadcast %jit3A_91 : f32 to vector<256x128xf32>
    %select_n3A_94 = arith.select %eq3A_89, %broadcast_in_dim3A_92, %broadcast_in_dim3A_93 : vector<256x128xi1>, vector<256x128xf32>
    %mul3A_95 = arith.constant 2.500000e-01 : f32
    %mul3A_96 = vector.broadcast %mul3A_95 : f32 to vector<256x128xf32>
    %mul3A_97 = arith.mulf %select_n3A_94, %mul3A_96 : vector<256x128xf32>
    %dot_general3A_98 = arith.constant dense<0.000000e+00> : vector<32x128xf32>
    %dot_general3A_99 = tpu.matmul %add3A_55, %mul3A_97, %dot_general3A_98 {dimension_numbers = #tpu.dot_dimension_numbers<[1], [0], [0], [1], [0, 0, 1, 1], [], []>, transpose_lhs_hint = false} : vector<32x256xf32>, vector<256x128xf32>, vector<32x128xf32> -> vector<32x128xf32>
    %swap3A_100 = arith.constant 0 : index
    %swap3A_101 = arith.constant 0 : index
    %swap3A_102 = arith.constant 0 : index
    %swap3A_103 = arith.constant 0 : index
    %swap3A_104 = vector.load %arg3[%swap3A_100, %swap3A_101, %swap3A_102, %swap3A_103] : memref<1x1x32x128xf32, #tpu.memory_space<vmem>>, vector<1x1x32x128xf32>
    %swap3A_105 = vector.shape_cast %swap3A_104 : vector<1x1x32x128xf32> to vector<32x128xf32>
    %swap3A_106 = vector.shape_cast %dot_general3A_99 : vector<32x128xf32> to vector<1x1x32x128xf32>
    tpu.vector_store %arg3[%swap3A_100, %swap3A_101, %swap3A_102, %swap3A_103], %swap3A_106 {strides = array<i32>} : memref<1x1x32x128xf32, #tpu.memory_space<vmem>>, vector<1x1x32x128xf32>,
    return
  }
  func.func @transform_0(%arg0: i32) -> (i32, i32, i32, i32) {
    %c0_i32 = arith.constant 0 : i32
    %c0_i32_0 = arith.constant 0 : i32
    %c0_i32_1 = arith.constant 0 : i32
    %c0_i32_2 = arith.constant 0 : i32
    return %arg0, %c0_i32, %c0_i32_0, %c0_i32_1 : i32, i32, i32, i32
  }
  func.func @transform_1(%arg0: i32) -> (i32, i32, i32, i32) {
    %c0_i32 = arith.constant 0 : i32
    %c0_i32_0 = arith.constant 0 : i32
    %c0_i32_1 = arith.constant 0 : i32
    %c0_i32_2 = arith.constant 0 : i32
    return %arg0, %c0_i32, %c0_i32_0, %c0_i32_1 : i32, i32, i32, i32
  }
  func.func @transform_2(%arg0: i32) -> (i32, i32, i32, i32) {
    %c0_i32 = arith.constant 0 : i32
    %c0_i32_0 = arith.constant 0 : i32
    %c0_i32_1 = arith.constant 0 : i32
    %c0_i32_2 = arith.constant 0 : i32
    return %arg0, %c0_i32, %c0_i32_0, %c0_i32_1 : i32, i32, i32, i32
  }
}

module attributes {stable_mosaic.version = 14 : i64} {
  func.func @_blend_body(%arg0: i32, %arg1: i32, %arg2: memref<1x64x32x128xf32, #tpu.memory_space<vmem>>, %arg3: memref<1x1x32x128xf32, #tpu.memory_space<vmem>>, %arg4: memref<2048x128xf32, #tpu.memory_space<vmem>>, %arg5: memref<1x64x32x128xf32, #tpu.memory_space<vmem>>) attributes {dimension_semantics = [#tpu.dimension_semantics<parallel>, #tpu.dimension_semantics<parallel>], iteration_bounds = array<i64: 16, 1>, scalar_prefetch = 0 : i64, scratch_operands = 0 : i64, tpu.core_type = #tpu.core_type<tc>, window_params = [{transform_indices = @transform_0, window_bounds = array<i64: 1, 64, 32, 128>}, {transform_indices = @transform_1, window_bounds = array<i64: 1, 1, 32, 128>}, {transform_indices = @transform_2, window_bounds = array<i64: 2048, 128>}, {transform_indices = @transform_3, window_bounds = array<i64: 1, 64, 32, 128>}]} {
    %get3A = arith.constant 0 : index
    %get3A_0 = arith.constant 0 : index
    %get3A_1 = vector.load %arg4[%get3A, %get3A_0] : memref<2048x128xf32, #tpu.memory_space<vmem>>, vector<64x128xf32>
    %transpose3A = tpu.transpose %get3A_1, [1, 0] : vector<64x128xf32> -> vector<128x64xf32>
    %slice3A = vector.extract_strided_slice %transpose3A {offsets = [0, 0], sizes = [64, 64], strides = [1, 1]} : vector<128x64xf32> to vector<64x64xf32>
    %slice3A_2 = vector.extract_strided_slice %transpose3A {offsets = [64, 0], sizes = [64, 64], strides = [1, 1]} : vector<128x64xf32> to vector<64x64xf32>
    %concatenate3A = tpu.concatenate %slice3A, %slice3A_2 in 1 : vector<64x64xf32>, vector<64x64xf32> -> vector<64x128xf32>
    %get3A_3 = arith.constant 0 : index
    %get3A_4 = arith.constant 0 : index
    %get3A_5 = arith.constant 0 : index
    %get3A_6 = arith.constant 0 : index
    %get3A_7 = vector.load %arg3[%get3A_3, %get3A_4, %get3A_5, %get3A_6] : memref<1x1x32x128xf32, #tpu.memory_space<vmem>>, vector<1x1x1x128xf32>
    %get3A_8 = vector.shape_cast %get3A_7 : vector<1x1x1x128xf32> to vector<128xf32>
    %broadcast_in_dim3A = vector.shape_cast %get3A_8 : vector<128xf32> to vector<1x128xf32>
    %get3A_9 = arith.constant 0 : index
    %get3A_10 = arith.constant 0 : index
    %get3A_11 = arith.constant 0 : index
    %get3A_12 = arith.constant 0 : index
    %get3A_13 = vector.load %arg2[%get3A_9, %get3A_10, %get3A_11, %get3A_12] : memref<1x64x32x128xf32, #tpu.memory_space<vmem>>, vector<1x64x1x128xf32>
    %get3A_14 = vector.shape_cast %get3A_13 : vector<1x64x1x128xf32> to vector<64x128xf32>
    %sub3A = arith.subf %concatenate3A, %get3A_14 : vector<64x128xf32>
    %mul3A = vector.broadcast %broadcast_in_dim3A : vector<1x128xf32> to vector<64x128xf32>
    %mul3A_15 = arith.mulf %sub3A, %mul3A : vector<64x128xf32>
    %add3A = arith.addf %get3A_14, %mul3A_15 : vector<64x128xf32>
    %swap3A = arith.constant 0 : index
    %swap3A_16 = arith.constant 0 : index
    %swap3A_17 = arith.constant 0 : index
    %swap3A_18 = arith.constant 0 : index
    %swap3A_19 = vector.load %arg5[%swap3A, %swap3A_16, %swap3A_17, %swap3A_18] : memref<1x64x32x128xf32, #tpu.memory_space<vmem>>, vector<1x64x1x128xf32>
    %swap3A_20 = vector.shape_cast %swap3A_19 : vector<1x64x1x128xf32> to vector<64x128xf32>
    %swap3A_21 = vector.shape_cast %add3A : vector<64x128xf32> to vector<1x64x1x128xf32>
    tpu.vector_store %arg5[%swap3A, %swap3A_16, %swap3A_17, %swap3A_18], %swap3A_21 {strides = array<i32>} : memref<1x64x32x128xf32, #tpu.memory_space<vmem>>, vector<1x64x1x128xf32>,
    %get3A_22 = arith.constant 64 : index
    %get3A_23 = arith.constant 0 : index
    %get3A_24 = vector.load %arg4[%get3A_22, %get3A_23] : memref<2048x128xf32, #tpu.memory_space<vmem>>, vector<64x128xf32>
    %transpose3A_25 = tpu.transpose %get3A_24, [1, 0] : vector<64x128xf32> -> vector<128x64xf32>
    %slice3A_26 = vector.extract_strided_slice %transpose3A_25 {offsets = [0, 0], sizes = [64, 64], strides = [1, 1]} : vector<128x64xf32> to vector<64x64xf32>
    %slice3A_27 = vector.extract_strided_slice %transpose3A_25 {offsets = [64, 0], sizes = [64, 64], strides = [1, 1]} : vector<128x64xf32> to vector<64x64xf32>
    %concatenate3A_28 = tpu.concatenate %slice3A_26, %slice3A_27 in 1 : vector<64x64xf32>, vector<64x64xf32> -> vector<64x128xf32>
    %get3A_29 = arith.constant 0 : index
    %get3A_30 = arith.constant 0 : index
    %get3A_31 = arith.constant 1 : index
    %get3A_32 = arith.constant 0 : index
    %get3A_33 = vector.load %arg3[%get3A_29, %get3A_30, %get3A_31, %get3A_32] : memref<1x1x32x128xf32, #tpu.memory_space<vmem>>, vector<1x1x1x128xf32>
    %get3A_34 = vector.shape_cast %get3A_33 : vector<1x1x1x128xf32> to vector<128xf32>
    %broadcast_in_dim3A_35 = vector.shape_cast %get3A_34 : vector<128xf32> to vector<1x128xf32>
    %get3A_36 = arith.constant 0 : index
    %get3A_37 = arith.constant 0 : index
    %get3A_38 = arith.constant 1 : index
    %get3A_39 = arith.constant 0 : index
    %get3A_40 = vector.load %arg2[%get3A_36, %get3A_37, %get3A_38, %get3A_39] : memref<1x64x32x128xf32, #tpu.memory_space<vmem>>, vector<1x64x1x128xf32>
    %get3A_41 = vector.shape_cast %get3A_40 : vector<1x64x1x128xf32> to vector<64x128xf32>
    %sub3A_42 = arith.subf %concatenate3A_28, %get3A_41 : vector<64x128xf32>
    %mul3A_43 = vector.broadcast %broadcast_in_dim3A_35 : vector<1x128xf32> to vector<64x128xf32>
    %mul3A_44 = arith.mulf %sub3A_42, %mul3A_43 : vector<64x128xf32>
    %add3A_45 = arith.addf %get3A_41, %mul3A_44 : vector<64x128xf32>
    %swap3A_46 = arith.constant 0 : index
    %swap3A_47 = arith.constant 0 : index
    %swap3A_48 = arith.constant 1 : index
    %swap3A_49 = arith.constant 0 : index
    %swap3A_50 = vector.load %arg5[%swap3A_46, %swap3A_47, %swap3A_48, %swap3A_49] : memref<1x64x32x128xf32, #tpu.memory_space<vmem>>, vector<1x64x1x128xf32>
    %swap3A_51 = vector.shape_cast %swap3A_50 : vector<1x64x1x128xf32> to vector<64x128xf32>
    %swap3A_52 = vector.shape_cast %add3A_45 : vector<64x128xf32> to vector<1x64x1x128xf32>
    tpu.vector_store %arg5[%swap3A_46, %swap3A_47, %swap3A_48, %swap3A_49], %swap3A_52 {strides = array<i32>} : memref<1x64x32x128xf32, #tpu.memory_space<vmem>>, vector<1x64x1x128xf32>,
    %get3A_53 = arith.constant 128 : index
    %get3A_54 = arith.constant 0 : index
    %get3A_55 = vector.load %arg4[%get3A_53, %get3A_54] : memref<2048x128xf32, #tpu.memory_space<vmem>>, vector<64x128xf32>
    %transpose3A_56 = tpu.transpose %get3A_55, [1, 0] : vector<64x128xf32> -> vector<128x64xf32>
    %slice3A_57 = vector.extract_strided_slice %transpose3A_56 {offsets = [0, 0], sizes = [64, 64], strides = [1, 1]} : vector<128x64xf32> to vector<64x64xf32>
    %slice3A_58 = vector.extract_strided_slice %transpose3A_56 {offsets = [64, 0], sizes = [64, 64], strides = [1, 1]} : vector<128x64xf32> to vector<64x64xf32>
    %concatenate3A_59 = tpu.concatenate %slice3A_57, %slice3A_58 in 1 : vector<64x64xf32>, vector<64x64xf32> -> vector<64x128xf32>
    %get3A_60 = arith.constant 0 : index
    %get3A_61 = arith.constant 0 : index
    %get3A_62 = arith.constant 2 : index
    %get3A_63 = arith.constant 0 : index
    %get3A_64 = vector.load %arg3[%get3A_60, %get3A_61, %get3A_62, %get3A_63] : memref<1x1x32x128xf32, #tpu.memory_space<vmem>>, vector<1x1x1x128xf32>
    %get3A_65 = vector.shape_cast %get3A_64 : vector<1x1x1x128xf32> to vector<128xf32>
    %broadcast_in_dim3A_66 = vector.shape_cast %get3A_65 : vector<128xf32> to vector<1x128xf32>
    %get3A_67 = arith.constant 0 : index
    %get3A_68 = arith.constant 0 : index
    %get3A_69 = arith.constant 2 : index
    %get3A_70 = arith.constant 0 : index
    %get3A_71 = vector.load %arg2[%get3A_67, %get3A_68, %get3A_69, %get3A_70] : memref<1x64x32x128xf32, #tpu.memory_space<vmem>>, vector<1x64x1x128xf32>
    %get3A_72 = vector.shape_cast %get3A_71 : vector<1x64x1x128xf32> to vector<64x128xf32>
    %sub3A_73 = arith.subf %concatenate3A_59, %get3A_72 : vector<64x128xf32>
    %mul3A_74 = vector.broadcast %broadcast_in_dim3A_66 : vector<1x128xf32> to vector<64x128xf32>
    %mul3A_75 = arith.mulf %sub3A_73, %mul3A_74 : vector<64x128xf32>
    %add3A_76 = arith.addf %get3A_72, %mul3A_75 : vector<64x128xf32>
    %swap3A_77 = arith.constant 0 : index
    %swap3A_78 = arith.constant 0 : index
    %swap3A_79 = arith.constant 2 : index
    %swap3A_80 = arith.constant 0 : index
    %swap3A_81 = vector.load %arg5[%swap3A_77, %swap3A_78, %swap3A_79, %swap3A_80] : memref<1x64x32x128xf32, #tpu.memory_space<vmem>>, vector<1x64x1x128xf32>
    %swap3A_82 = vector.shape_cast %swap3A_81 : vector<1x64x1x128xf32> to vector<64x128xf32>
    %swap3A_83 = vector.shape_cast %add3A_76 : vector<64x128xf32> to vector<1x64x1x128xf32>
    tpu.vector_store %arg5[%swap3A_77, %swap3A_78, %swap3A_79, %swap3A_80], %swap3A_83 {strides = array<i32>} : memref<1x64x32x128xf32, #tpu.memory_space<vmem>>, vector<1x64x1x128xf32>,
    %get3A_84 = arith.constant 192 : index
    %get3A_85 = arith.constant 0 : index
    %get3A_86 = vector.load %arg4[%get3A_84, %get3A_85] : memref<2048x128xf32, #tpu.memory_space<vmem>>, vector<64x128xf32>
    %transpose3A_87 = tpu.transpose %get3A_86, [1, 0] : vector<64x128xf32> -> vector<128x64xf32>
    %slice3A_88 = vector.extract_strided_slice %transpose3A_87 {offsets = [0, 0], sizes = [64, 64], strides = [1, 1]} : vector<128x64xf32> to vector<64x64xf32>
    %slice3A_89 = vector.extract_strided_slice %transpose3A_87 {offsets = [64, 0], sizes = [64, 64], strides = [1, 1]} : vector<128x64xf32> to vector<64x64xf32>
    %concatenate3A_90 = tpu.concatenate %slice3A_88, %slice3A_89 in 1 : vector<64x64xf32>, vector<64x64xf32> -> vector<64x128xf32>
    %get3A_91 = arith.constant 0 : index
    %get3A_92 = arith.constant 0 : index
    %get3A_93 = arith.constant 3 : index
    %get3A_94 = arith.constant 0 : index
    %get3A_95 = vector.load %arg3[%get3A_91, %get3A_92, %get3A_93, %get3A_94] : memref<1x1x32x128xf32, #tpu.memory_space<vmem>>, vector<1x1x1x128xf32>
    %get3A_96 = vector.shape_cast %get3A_95 : vector<1x1x1x128xf32> to vector<128xf32>
    %broadcast_in_dim3A_97 = vector.shape_cast %get3A_96 : vector<128xf32> to vector<1x128xf32>
    %get3A_98 = arith.constant 0 : index
    %get3A_99 = arith.constant 0 : index
    %get3A_100 = arith.constant 3 : index
    %get3A_101 = arith.constant 0 : index
    %get3A_102 = vector.load %arg2[%get3A_98, %get3A_99, %get3A_100, %get3A_101] : memref<1x64x32x128xf32, #tpu.memory_space<vmem>>, vector<1x64x1x128xf32>
    %get3A_103 = vector.shape_cast %get3A_102 : vector<1x64x1x128xf32> to vector<64x128xf32>
    %sub3A_104 = arith.subf %concatenate3A_90, %get3A_103 : vector<64x128xf32>
    %mul3A_105 = vector.broadcast %broadcast_in_dim3A_97 : vector<1x128xf32> to vector<64x128xf32>
    %mul3A_106 = arith.mulf %sub3A_104, %mul3A_105 : vector<64x128xf32>
    %add3A_107 = arith.addf %get3A_103, %mul3A_106 : vector<64x128xf32>
    %swap3A_108 = arith.constant 0 : index
    %swap3A_109 = arith.constant 0 : index
    %swap3A_110 = arith.constant 3 : index
    %swap3A_111 = arith.constant 0 : index
    %swap3A_112 = vector.load %arg5[%swap3A_108, %swap3A_109, %swap3A_110, %swap3A_111] : memref<1x64x32x128xf32, #tpu.memory_space<vmem>>, vector<1x64x1x128xf32>
    %swap3A_113 = vector.shape_cast %swap3A_112 : vector<1x64x1x128xf32> to vector<64x128xf32>
    %swap3A_114 = vector.shape_cast %add3A_107 : vector<64x128xf32> to vector<1x64x1x128xf32>
    tpu.vector_store %arg5[%swap3A_108, %swap3A_109, %swap3A_110, %swap3A_111], %swap3A_114 {strides = array<i32>} : memref<1x64x32x128xf32, #tpu.memory_space<vmem>>, vector<1x64x1x128xf32>,
    %get3A_115 = arith.constant 256 : index
    %get3A_116 = arith.constant 0 : index
    %get3A_117 = vector.load %arg4[%get3A_115, %get3A_116] : memref<2048x128xf32, #tpu.memory_space<vmem>>, vector<64x128xf32>
    %transpose3A_118 = tpu.transpose %get3A_117, [1, 0] : vector<64x128xf32> -> vector<128x64xf32>
    %slice3A_119 = vector.extract_strided_slice %transpose3A_118 {offsets = [0, 0], sizes = [64, 64], strides = [1, 1]} : vector<128x64xf32> to vector<64x64xf32>
    %slice3A_120 = vector.extract_strided_slice %transpose3A_118 {offsets = [64, 0], sizes = [64, 64], strides = [1, 1]} : vector<128x64xf32> to vector<64x64xf32>
    %concatenate3A_121 = tpu.concatenate %slice3A_119, %slice3A_120 in 1 : vector<64x64xf32>, vector<64x64xf32> -> vector<64x128xf32>
    %get3A_122 = arith.constant 0 : index
    %get3A_123 = arith.constant 0 : index
    %get3A_124 = arith.constant 4 : index
    %get3A_125 = arith.constant 0 : index
    %get3A_126 = vector.load %arg3[%get3A_122, %get3A_123, %get3A_124, %get3A_125] : memref<1x1x32x128xf32, #tpu.memory_space<vmem>>, vector<1x1x1x128xf32>
    %get3A_127 = vector.shape_cast %get3A_126 : vector<1x1x1x128xf32> to vector<128xf32>
    %broadcast_in_dim3A_128 = vector.shape_cast %get3A_127 : vector<128xf32> to vector<1x128xf32>
    %get3A_129 = arith.constant 0 : index
    %get3A_130 = arith.constant 0 : index
    %get3A_131 = arith.constant 4 : index
    %get3A_132 = arith.constant 0 : index
    %get3A_133 = vector.load %arg2[%get3A_129, %get3A_130, %get3A_131, %get3A_132] : memref<1x64x32x128xf32, #tpu.memory_space<vmem>>, vector<1x64x1x128xf32>
    %get3A_134 = vector.shape_cast %get3A_133 : vector<1x64x1x128xf32> to vector<64x128xf32>
    %sub3A_135 = arith.subf %concatenate3A_121, %get3A_134 : vector<64x128xf32>
    %mul3A_136 = vector.broadcast %broadcast_in_dim3A_128 : vector<1x128xf32> to vector<64x128xf32>
    %mul3A_137 = arith.mulf %sub3A_135, %mul3A_136 : vector<64x128xf32>
    %add3A_138 = arith.addf %get3A_134, %mul3A_137 : vector<64x128xf32>
    %swap3A_139 = arith.constant 0 : index
    %swap3A_140 = arith.constant 0 : index
    %swap3A_141 = arith.constant 4 : index
    %swap3A_142 = arith.constant 0 : index
    %swap3A_143 = vector.load %arg5[%swap3A_139, %swap3A_140, %swap3A_141, %swap3A_142] : memref<1x64x32x128xf32, #tpu.memory_space<vmem>>, vector<1x64x1x128xf32>
    %swap3A_144 = vector.shape_cast %swap3A_143 : vector<1x64x1x128xf32> to vector<64x128xf32>
    %swap3A_145 = vector.shape_cast %add3A_138 : vector<64x128xf32> to vector<1x64x1x128xf32>
    tpu.vector_store %arg5[%swap3A_139, %swap3A_140, %swap3A_141, %swap3A_142], %swap3A_145 {strides = array<i32>} : memref<1x64x32x128xf32, #tpu.memory_space<vmem>>, vector<1x64x1x128xf32>,
    %get3A_146 = arith.constant 320 : index
    %get3A_147 = arith.constant 0 : index
    %get3A_148 = vector.load %arg4[%get3A_146, %get3A_147] : memref<2048x128xf32, #tpu.memory_space<vmem>>, vector<64x128xf32>
    %transpose3A_149 = tpu.transpose %get3A_148, [1, 0] : vector<64x128xf32> -> vector<128x64xf32>
    %slice3A_150 = vector.extract_strided_slice %transpose3A_149 {offsets = [0, 0], sizes = [64, 64], strides = [1, 1]} : vector<128x64xf32> to vector<64x64xf32>
    %slice3A_151 = vector.extract_strided_slice %transpose3A_149 {offsets = [64, 0], sizes = [64, 64], strides = [1, 1]} : vector<128x64xf32> to vector<64x64xf32>
    %concatenate3A_152 = tpu.concatenate %slice3A_150, %slice3A_151 in 1 : vector<64x64xf32>, vector<64x64xf32> -> vector<64x128xf32>
    %get3A_153 = arith.constant 0 : index
    %get3A_154 = arith.constant 0 : index
    %get3A_155 = arith.constant 5 : index
    %get3A_156 = arith.constant 0 : index
    %get3A_157 = vector.load %arg3[%get3A_153, %get3A_154, %get3A_155, %get3A_156] : memref<1x1x32x128xf32, #tpu.memory_space<vmem>>, vector<1x1x1x128xf32>
    %get3A_158 = vector.shape_cast %get3A_157 : vector<1x1x1x128xf32> to vector<128xf32>
    %broadcast_in_dim3A_159 = vector.shape_cast %get3A_158 : vector<128xf32> to vector<1x128xf32>
    %get3A_160 = arith.constant 0 : index
    %get3A_161 = arith.constant 0 : index
    %get3A_162 = arith.constant 5 : index
    %get3A_163 = arith.constant 0 : index
    %get3A_164 = vector.load %arg2[%get3A_160, %get3A_161, %get3A_162, %get3A_163] : memref<1x64x32x128xf32, #tpu.memory_space<vmem>>, vector<1x64x1x128xf32>
    %get3A_165 = vector.shape_cast %get3A_164 : vector<1x64x1x128xf32> to vector<64x128xf32>
    %sub3A_166 = arith.subf %concatenate3A_152, %get3A_165 : vector<64x128xf32>
    %mul3A_167 = vector.broadcast %broadcast_in_dim3A_159 : vector<1x128xf32> to vector<64x128xf32>
    %mul3A_168 = arith.mulf %sub3A_166, %mul3A_167 : vector<64x128xf32>
    %add3A_169 = arith.addf %get3A_165, %mul3A_168 : vector<64x128xf32>
    %swap3A_170 = arith.constant 0 : index
    %swap3A_171 = arith.constant 0 : index
    %swap3A_172 = arith.constant 5 : index
    %swap3A_173 = arith.constant 0 : index
    %swap3A_174 = vector.load %arg5[%swap3A_170, %swap3A_171, %swap3A_172, %swap3A_173] : memref<1x64x32x128xf32, #tpu.memory_space<vmem>>, vector<1x64x1x128xf32>
    %swap3A_175 = vector.shape_cast %swap3A_174 : vector<1x64x1x128xf32> to vector<64x128xf32>
    %swap3A_176 = vector.shape_cast %add3A_169 : vector<64x128xf32> to vector<1x64x1x128xf32>
    tpu.vector_store %arg5[%swap3A_170, %swap3A_171, %swap3A_172, %swap3A_173], %swap3A_176 {strides = array<i32>} : memref<1x64x32x128xf32, #tpu.memory_space<vmem>>, vector<1x64x1x128xf32>,
    %get3A_177 = arith.constant 384 : index
    %get3A_178 = arith.constant 0 : index
    %get3A_179 = vector.load %arg4[%get3A_177, %get3A_178] : memref<2048x128xf32, #tpu.memory_space<vmem>>, vector<64x128xf32>
    %transpose3A_180 = tpu.transpose %get3A_179, [1, 0] : vector<64x128xf32> -> vector<128x64xf32>
    %slice3A_181 = vector.extract_strided_slice %transpose3A_180 {offsets = [0, 0], sizes = [64, 64], strides = [1, 1]} : vector<128x64xf32> to vector<64x64xf32>
    %slice3A_182 = vector.extract_strided_slice %transpose3A_180 {offsets = [64, 0], sizes = [64, 64], strides = [1, 1]} : vector<128x64xf32> to vector<64x64xf32>
    %concatenate3A_183 = tpu.concatenate %slice3A_181, %slice3A_182 in 1 : vector<64x64xf32>, vector<64x64xf32> -> vector<64x128xf32>
    %get3A_184 = arith.constant 0 : index
    %get3A_185 = arith.constant 0 : index
    %get3A_186 = arith.constant 6 : index
    %get3A_187 = arith.constant 0 : index
    %get3A_188 = vector.load %arg3[%get3A_184, %get3A_185, %get3A_186, %get3A_187] : memref<1x1x32x128xf32, #tpu.memory_space<vmem>>, vector<1x1x1x128xf32>
    %get3A_189 = vector.shape_cast %get3A_188 : vector<1x1x1x128xf32> to vector<128xf32>
    %broadcast_in_dim3A_190 = vector.shape_cast %get3A_189 : vector<128xf32> to vector<1x128xf32>
    %get3A_191 = arith.constant 0 : index
    %get3A_192 = arith.constant 0 : index
    %get3A_193 = arith.constant 6 : index
    %get3A_194 = arith.constant 0 : index
    %get3A_195 = vector.load %arg2[%get3A_191, %get3A_192, %get3A_193, %get3A_194] : memref<1x64x32x128xf32, #tpu.memory_space<vmem>>, vector<1x64x1x128xf32>
    %get3A_196 = vector.shape_cast %get3A_195 : vector<1x64x1x128xf32> to vector<64x128xf32>
    %sub3A_197 = arith.subf %concatenate3A_183, %get3A_196 : vector<64x128xf32>
    %mul3A_198 = vector.broadcast %broadcast_in_dim3A_190 : vector<1x128xf32> to vector<64x128xf32>
    %mul3A_199 = arith.mulf %sub3A_197, %mul3A_198 : vector<64x128xf32>
    %add3A_200 = arith.addf %get3A_196, %mul3A_199 : vector<64x128xf32>
    %swap3A_201 = arith.constant 0 : index
    %swap3A_202 = arith.constant 0 : index
    %swap3A_203 = arith.constant 6 : index
    %swap3A_204 = arith.constant 0 : index
    %swap3A_205 = vector.load %arg5[%swap3A_201, %swap3A_202, %swap3A_203, %swap3A_204] : memref<1x64x32x128xf32, #tpu.memory_space<vmem>>, vector<1x64x1x128xf32>
    %swap3A_206 = vector.shape_cast %swap3A_205 : vector<1x64x1x128xf32> to vector<64x128xf32>
    %swap3A_207 = vector.shape_cast %add3A_200 : vector<64x128xf32> to vector<1x64x1x128xf32>
    tpu.vector_store %arg5[%swap3A_201, %swap3A_202, %swap3A_203, %swap3A_204], %swap3A_207 {strides = array<i32>} : memref<1x64x32x128xf32, #tpu.memory_space<vmem>>, vector<1x64x1x128xf32>,
    %get3A_208 = arith.constant 448 : index
    %get3A_209 = arith.constant 0 : index
    %get3A_210 = vector.load %arg4[%get3A_208, %get3A_209] : memref<2048x128xf32, #tpu.memory_space<vmem>>, vector<64x128xf32>
    %transpose3A_211 = tpu.transpose %get3A_210, [1, 0] : vector<64x128xf32> -> vector<128x64xf32>
    %slice3A_212 = vector.extract_strided_slice %transpose3A_211 {offsets = [0, 0], sizes = [64, 64], strides = [1, 1]} : vector<128x64xf32> to vector<64x64xf32>
    %slice3A_213 = vector.extract_strided_slice %transpose3A_211 {offsets = [64, 0], sizes = [64, 64], strides = [1, 1]} : vector<128x64xf32> to vector<64x64xf32>
    %concatenate3A_214 = tpu.concatenate %slice3A_212, %slice3A_213 in 1 : vector<64x64xf32>, vector<64x64xf32> -> vector<64x128xf32>
    %get3A_215 = arith.constant 0 : index
    %get3A_216 = arith.constant 0 : index
    %get3A_217 = arith.constant 7 : index
    %get3A_218 = arith.constant 0 : index
    %get3A_219 = vector.load %arg3[%get3A_215, %get3A_216, %get3A_217, %get3A_218] : memref<1x1x32x128xf32, #tpu.memory_space<vmem>>, vector<1x1x1x128xf32>
    %get3A_220 = vector.shape_cast %get3A_219 : vector<1x1x1x128xf32> to vector<128xf32>
    %broadcast_in_dim3A_221 = vector.shape_cast %get3A_220 : vector<128xf32> to vector<1x128xf32>
    %get3A_222 = arith.constant 0 : index
    %get3A_223 = arith.constant 0 : index
    %get3A_224 = arith.constant 7 : index
    %get3A_225 = arith.constant 0 : index
    %get3A_226 = vector.load %arg2[%get3A_222, %get3A_223, %get3A_224, %get3A_225] : memref<1x64x32x128xf32, #tpu.memory_space<vmem>>, vector<1x64x1x128xf32>
    %get3A_227 = vector.shape_cast %get3A_226 : vector<1x64x1x128xf32> to vector<64x128xf32>
    %sub3A_228 = arith.subf %concatenate3A_214, %get3A_227 : vector<64x128xf32>
    %mul3A_229 = vector.broadcast %broadcast_in_dim3A_221 : vector<1x128xf32> to vector<64x128xf32>
    %mul3A_230 = arith.mulf %sub3A_228, %mul3A_229 : vector<64x128xf32>
    %add3A_231 = arith.addf %get3A_227, %mul3A_230 : vector<64x128xf32>
    %swap3A_232 = arith.constant 0 : index
    %swap3A_233 = arith.constant 0 : index
    %swap3A_234 = arith.constant 7 : index
    %swap3A_235 = arith.constant 0 : index
    %swap3A_236 = vector.load %arg5[%swap3A_232, %swap3A_233, %swap3A_234, %swap3A_235] : memref<1x64x32x128xf32, #tpu.memory_space<vmem>>, vector<1x64x1x128xf32>
    %swap3A_237 = vector.shape_cast %swap3A_236 : vector<1x64x1x128xf32> to vector<64x128xf32>
    %swap3A_238 = vector.shape_cast %add3A_231 : vector<64x128xf32> to vector<1x64x1x128xf32>
    tpu.vector_store %arg5[%swap3A_232, %swap3A_233, %swap3A_234, %swap3A_235], %swap3A_238 {strides = array<i32>} : memref<1x64x32x128xf32, #tpu.memory_space<vmem>>, vector<1x64x1x128xf32>,
    %get3A_239 = arith.constant 512 : index
    %get3A_240 = arith.constant 0 : index
    %get3A_241 = vector.load %arg4[%get3A_239, %get3A_240] : memref<2048x128xf32, #tpu.memory_space<vmem>>, vector<64x128xf32>
    %transpose3A_242 = tpu.transpose %get3A_241, [1, 0] : vector<64x128xf32> -> vector<128x64xf32>
    %slice3A_243 = vector.extract_strided_slice %transpose3A_242 {offsets = [0, 0], sizes = [64, 64], strides = [1, 1]} : vector<128x64xf32> to vector<64x64xf32>
    %slice3A_244 = vector.extract_strided_slice %transpose3A_242 {offsets = [64, 0], sizes = [64, 64], strides = [1, 1]} : vector<128x64xf32> to vector<64x64xf32>
    %concatenate3A_245 = tpu.concatenate %slice3A_243, %slice3A_244 in 1 : vector<64x64xf32>, vector<64x64xf32> -> vector<64x128xf32>
    %get3A_246 = arith.constant 0 : index
    %get3A_247 = arith.constant 0 : index
    %get3A_248 = arith.constant 8 : index
    %get3A_249 = arith.constant 0 : index
    %get3A_250 = vector.load %arg3[%get3A_246, %get3A_247, %get3A_248, %get3A_249] : memref<1x1x32x128xf32, #tpu.memory_space<vmem>>, vector<1x1x1x128xf32>
    %get3A_251 = vector.shape_cast %get3A_250 : vector<1x1x1x128xf32> to vector<128xf32>
    %broadcast_in_dim3A_252 = vector.shape_cast %get3A_251 : vector<128xf32> to vector<1x128xf32>
    %get3A_253 = arith.constant 0 : index
    %get3A_254 = arith.constant 0 : index
    %get3A_255 = arith.constant 8 : index
    %get3A_256 = arith.constant 0 : index
    %get3A_257 = vector.load %arg2[%get3A_253, %get3A_254, %get3A_255, %get3A_256] : memref<1x64x32x128xf32, #tpu.memory_space<vmem>>, vector<1x64x1x128xf32>
    %get3A_258 = vector.shape_cast %get3A_257 : vector<1x64x1x128xf32> to vector<64x128xf32>
    %sub3A_259 = arith.subf %concatenate3A_245, %get3A_258 : vector<64x128xf32>
    %mul3A_260 = vector.broadcast %broadcast_in_dim3A_252 : vector<1x128xf32> to vector<64x128xf32>
    %mul3A_261 = arith.mulf %sub3A_259, %mul3A_260 : vector<64x128xf32>
    %add3A_262 = arith.addf %get3A_258, %mul3A_261 : vector<64x128xf32>
    %swap3A_263 = arith.constant 0 : index
    %swap3A_264 = arith.constant 0 : index
    %swap3A_265 = arith.constant 8 : index
    %swap3A_266 = arith.constant 0 : index
    %swap3A_267 = vector.load %arg5[%swap3A_263, %swap3A_264, %swap3A_265, %swap3A_266] : memref<1x64x32x128xf32, #tpu.memory_space<vmem>>, vector<1x64x1x128xf32>
    %swap3A_268 = vector.shape_cast %swap3A_267 : vector<1x64x1x128xf32> to vector<64x128xf32>
    %swap3A_269 = vector.shape_cast %add3A_262 : vector<64x128xf32> to vector<1x64x1x128xf32>
    tpu.vector_store %arg5[%swap3A_263, %swap3A_264, %swap3A_265, %swap3A_266], %swap3A_269 {strides = array<i32>} : memref<1x64x32x128xf32, #tpu.memory_space<vmem>>, vector<1x64x1x128xf32>,
    %get3A_270 = arith.constant 576 : index
    %get3A_271 = arith.constant 0 : index
    %get3A_272 = vector.load %arg4[%get3A_270, %get3A_271] : memref<2048x128xf32, #tpu.memory_space<vmem>>, vector<64x128xf32>
    %transpose3A_273 = tpu.transpose %get3A_272, [1, 0] : vector<64x128xf32> -> vector<128x64xf32>
    %slice3A_274 = vector.extract_strided_slice %transpose3A_273 {offsets = [0, 0], sizes = [64, 64], strides = [1, 1]} : vector<128x64xf32> to vector<64x64xf32>
    %slice3A_275 = vector.extract_strided_slice %transpose3A_273 {offsets = [64, 0], sizes = [64, 64], strides = [1, 1]} : vector<128x64xf32> to vector<64x64xf32>
    %concatenate3A_276 = tpu.concatenate %slice3A_274, %slice3A_275 in 1 : vector<64x64xf32>, vector<64x64xf32> -> vector<64x128xf32>
    %get3A_277 = arith.constant 0 : index
    %get3A_278 = arith.constant 0 : index
    %get3A_279 = arith.constant 9 : index
    %get3A_280 = arith.constant 0 : index
    %get3A_281 = vector.load %arg3[%get3A_277, %get3A_278, %get3A_279, %get3A_280] : memref<1x1x32x128xf32, #tpu.memory_space<vmem>>, vector<1x1x1x128xf32>
    %get3A_282 = vector.shape_cast %get3A_281 : vector<1x1x1x128xf32> to vector<128xf32>
    %broadcast_in_dim3A_283 = vector.shape_cast %get3A_282 : vector<128xf32> to vector<1x128xf32>
    %get3A_284 = arith.constant 0 : index
    %get3A_285 = arith.constant 0 : index
    %get3A_286 = arith.constant 9 : index
    %get3A_287 = arith.constant 0 : index
    %get3A_288 = vector.load %arg2[%get3A_284, %get3A_285, %get3A_286, %get3A_287] : memref<1x64x32x128xf32, #tpu.memory_space<vmem>>, vector<1x64x1x128xf32>
    %get3A_289 = vector.shape_cast %get3A_288 : vector<1x64x1x128xf32> to vector<64x128xf32>
    %sub3A_290 = arith.subf %concatenate3A_276, %get3A_289 : vector<64x128xf32>
    %mul3A_291 = vector.broadcast %broadcast_in_dim3A_283 : vector<1x128xf32> to vector<64x128xf32>
    %mul3A_292 = arith.mulf %sub3A_290, %mul3A_291 : vector<64x128xf32>
    %add3A_293 = arith.addf %get3A_289, %mul3A_292 : vector<64x128xf32>
    %swap3A_294 = arith.constant 0 : index
    %swap3A_295 = arith.constant 0 : index
    %swap3A_296 = arith.constant 9 : index
    %swap3A_297 = arith.constant 0 : index
    %swap3A_298 = vector.load %arg5[%swap3A_294, %swap3A_295, %swap3A_296, %swap3A_297] : memref<1x64x32x128xf32, #tpu.memory_space<vmem>>, vector<1x64x1x128xf32>
    %swap3A_299 = vector.shape_cast %swap3A_298 : vector<1x64x1x128xf32> to vector<64x128xf32>
    %swap3A_300 = vector.shape_cast %add3A_293 : vector<64x128xf32> to vector<1x64x1x128xf32>
    tpu.vector_store %arg5[%swap3A_294, %swap3A_295, %swap3A_296, %swap3A_297], %swap3A_300 {strides = array<i32>} : memref<1x64x32x128xf32, #tpu.memory_space<vmem>>, vector<1x64x1x128xf32>,
    %get3A_301 = arith.constant 640 : index
    %get3A_302 = arith.constant 0 : index
    %get3A_303 = vector.load %arg4[%get3A_301, %get3A_302] : memref<2048x128xf32, #tpu.memory_space<vmem>>, vector<64x128xf32>
    %transpose3A_304 = tpu.transpose %get3A_303, [1, 0] : vector<64x128xf32> -> vector<128x64xf32>
    %slice3A_305 = vector.extract_strided_slice %transpose3A_304 {offsets = [0, 0], sizes = [64, 64], strides = [1, 1]} : vector<128x64xf32> to vector<64x64xf32>
    %slice3A_306 = vector.extract_strided_slice %transpose3A_304 {offsets = [64, 0], sizes = [64, 64], strides = [1, 1]} : vector<128x64xf32> to vector<64x64xf32>
    %concatenate3A_307 = tpu.concatenate %slice3A_305, %slice3A_306 in 1 : vector<64x64xf32>, vector<64x64xf32> -> vector<64x128xf32>
    %get3A_308 = arith.constant 0 : index
    %get3A_309 = arith.constant 0 : index
    %get3A_310 = arith.constant 10 : index
    %get3A_311 = arith.constant 0 : index
    %get3A_312 = vector.load %arg3[%get3A_308, %get3A_309, %get3A_310, %get3A_311] : memref<1x1x32x128xf32, #tpu.memory_space<vmem>>, vector<1x1x1x128xf32>
    %get3A_313 = vector.shape_cast %get3A_312 : vector<1x1x1x128xf32> to vector<128xf32>
    %broadcast_in_dim3A_314 = vector.shape_cast %get3A_313 : vector<128xf32> to vector<1x128xf32>
    %get3A_315 = arith.constant 0 : index
    %get3A_316 = arith.constant 0 : index
    %get3A_317 = arith.constant 10 : index
    %get3A_318 = arith.constant 0 : index
    %get3A_319 = vector.load %arg2[%get3A_315, %get3A_316, %get3A_317, %get3A_318] : memref<1x64x32x128xf32, #tpu.memory_space<vmem>>, vector<1x64x1x128xf32>
    %get3A_320 = vector.shape_cast %get3A_319 : vector<1x64x1x128xf32> to vector<64x128xf32>
    %sub3A_321 = arith.subf %concatenate3A_307, %get3A_320 : vector<64x128xf32>
    %mul3A_322 = vector.broadcast %broadcast_in_dim3A_314 : vector<1x128xf32> to vector<64x128xf32>
    %mul3A_323 = arith.mulf %sub3A_321, %mul3A_322 : vector<64x128xf32>
    %add3A_324 = arith.addf %get3A_320, %mul3A_323 : vector<64x128xf32>
    %swap3A_325 = arith.constant 0 : index
    %swap3A_326 = arith.constant 0 : index
    %swap3A_327 = arith.constant 10 : index
    %swap3A_328 = arith.constant 0 : index
    %swap3A_329 = vector.load %arg5[%swap3A_325, %swap3A_326, %swap3A_327, %swap3A_328] : memref<1x64x32x128xf32, #tpu.memory_space<vmem>>, vector<1x64x1x128xf32>
    %swap3A_330 = vector.shape_cast %swap3A_329 : vector<1x64x1x128xf32> to vector<64x128xf32>
    %swap3A_331 = vector.shape_cast %add3A_324 : vector<64x128xf32> to vector<1x64x1x128xf32>
    tpu.vector_store %arg5[%swap3A_325, %swap3A_326, %swap3A_327, %swap3A_328], %swap3A_331 {strides = array<i32>} : memref<1x64x32x128xf32, #tpu.memory_space<vmem>>, vector<1x64x1x128xf32>,
    %get3A_332 = arith.constant 704 : index
    %get3A_333 = arith.constant 0 : index
    %get3A_334 = vector.load %arg4[%get3A_332, %get3A_333] : memref<2048x128xf32, #tpu.memory_space<vmem>>, vector<64x128xf32>
    %transpose3A_335 = tpu.transpose %get3A_334, [1, 0] : vector<64x128xf32> -> vector<128x64xf32>
    %slice3A_336 = vector.extract_strided_slice %transpose3A_335 {offsets = [0, 0], sizes = [64, 64], strides = [1, 1]} : vector<128x64xf32> to vector<64x64xf32>
    %slice3A_337 = vector.extract_strided_slice %transpose3A_335 {offsets = [64, 0], sizes = [64, 64], strides = [1, 1]} : vector<128x64xf32> to vector<64x64xf32>
    %concatenate3A_338 = tpu.concatenate %slice3A_336, %slice3A_337 in 1 : vector<64x64xf32>, vector<64x64xf32> -> vector<64x128xf32>
    %get3A_339 = arith.constant 0 : index
    %get3A_340 = arith.constant 0 : index
    %get3A_341 = arith.constant 11 : index
    %get3A_342 = arith.constant 0 : index
    %get3A_343 = vector.load %arg3[%get3A_339, %get3A_340, %get3A_341, %get3A_342] : memref<1x1x32x128xf32, #tpu.memory_space<vmem>>, vector<1x1x1x128xf32>
    %get3A_344 = vector.shape_cast %get3A_343 : vector<1x1x1x128xf32> to vector<128xf32>
    %broadcast_in_dim3A_345 = vector.shape_cast %get3A_344 : vector<128xf32> to vector<1x128xf32>
    %get3A_346 = arith.constant 0 : index
    %get3A_347 = arith.constant 0 : index
    %get3A_348 = arith.constant 11 : index
    %get3A_349 = arith.constant 0 : index
    %get3A_350 = vector.load %arg2[%get3A_346, %get3A_347, %get3A_348, %get3A_349] : memref<1x64x32x128xf32, #tpu.memory_space<vmem>>, vector<1x64x1x128xf32>
    %get3A_351 = vector.shape_cast %get3A_350 : vector<1x64x1x128xf32> to vector<64x128xf32>
    %sub3A_352 = arith.subf %concatenate3A_338, %get3A_351 : vector<64x128xf32>
    %mul3A_353 = vector.broadcast %broadcast_in_dim3A_345 : vector<1x128xf32> to vector<64x128xf32>
    %mul3A_354 = arith.mulf %sub3A_352, %mul3A_353 : vector<64x128xf32>
    %add3A_355 = arith.addf %get3A_351, %mul3A_354 : vector<64x128xf32>
    %swap3A_356 = arith.constant 0 : index
    %swap3A_357 = arith.constant 0 : index
    %swap3A_358 = arith.constant 11 : index
    %swap3A_359 = arith.constant 0 : index
    %swap3A_360 = vector.load %arg5[%swap3A_356, %swap3A_357, %swap3A_358, %swap3A_359] : memref<1x64x32x128xf32, #tpu.memory_space<vmem>>, vector<1x64x1x128xf32>
    %swap3A_361 = vector.shape_cast %swap3A_360 : vector<1x64x1x128xf32> to vector<64x128xf32>
    %swap3A_362 = vector.shape_cast %add3A_355 : vector<64x128xf32> to vector<1x64x1x128xf32>
    tpu.vector_store %arg5[%swap3A_356, %swap3A_357, %swap3A_358, %swap3A_359], %swap3A_362 {strides = array<i32>} : memref<1x64x32x128xf32, #tpu.memory_space<vmem>>, vector<1x64x1x128xf32>,
    %get3A_363 = arith.constant 768 : index
    %get3A_364 = arith.constant 0 : index
    %get3A_365 = vector.load %arg4[%get3A_363, %get3A_364] : memref<2048x128xf32, #tpu.memory_space<vmem>>, vector<64x128xf32>
    %transpose3A_366 = tpu.transpose %get3A_365, [1, 0] : vector<64x128xf32> -> vector<128x64xf32>
    %slice3A_367 = vector.extract_strided_slice %transpose3A_366 {offsets = [0, 0], sizes = [64, 64], strides = [1, 1]} : vector<128x64xf32> to vector<64x64xf32>
    %slice3A_368 = vector.extract_strided_slice %transpose3A_366 {offsets = [64, 0], sizes = [64, 64], strides = [1, 1]} : vector<128x64xf32> to vector<64x64xf32>
    %concatenate3A_369 = tpu.concatenate %slice3A_367, %slice3A_368 in 1 : vector<64x64xf32>, vector<64x64xf32> -> vector<64x128xf32>
    %get3A_370 = arith.constant 0 : index
    %get3A_371 = arith.constant 0 : index
    %get3A_372 = arith.constant 12 : index
    %get3A_373 = arith.constant 0 : index
    %get3A_374 = vector.load %arg3[%get3A_370, %get3A_371, %get3A_372, %get3A_373] : memref<1x1x32x128xf32, #tpu.memory_space<vmem>>, vector<1x1x1x128xf32>
    %get3A_375 = vector.shape_cast %get3A_374 : vector<1x1x1x128xf32> to vector<128xf32>
    %broadcast_in_dim3A_376 = vector.shape_cast %get3A_375 : vector<128xf32> to vector<1x128xf32>
    %get3A_377 = arith.constant 0 : index
    %get3A_378 = arith.constant 0 : index
    %get3A_379 = arith.constant 12 : index
    %get3A_380 = arith.constant 0 : index
    %get3A_381 = vector.load %arg2[%get3A_377, %get3A_378, %get3A_379, %get3A_380] : memref<1x64x32x128xf32, #tpu.memory_space<vmem>>, vector<1x64x1x128xf32>
    %get3A_382 = vector.shape_cast %get3A_381 : vector<1x64x1x128xf32> to vector<64x128xf32>
    %sub3A_383 = arith.subf %concatenate3A_369, %get3A_382 : vector<64x128xf32>
    %mul3A_384 = vector.broadcast %broadcast_in_dim3A_376 : vector<1x128xf32> to vector<64x128xf32>
    %mul3A_385 = arith.mulf %sub3A_383, %mul3A_384 : vector<64x128xf32>
    %add3A_386 = arith.addf %get3A_382, %mul3A_385 : vector<64x128xf32>
    %swap3A_387 = arith.constant 0 : index
    %swap3A_388 = arith.constant 0 : index
    %swap3A_389 = arith.constant 12 : index
    %swap3A_390 = arith.constant 0 : index
    %swap3A_391 = vector.load %arg5[%swap3A_387, %swap3A_388, %swap3A_389, %swap3A_390] : memref<1x64x32x128xf32, #tpu.memory_space<vmem>>, vector<1x64x1x128xf32>
    %swap3A_392 = vector.shape_cast %swap3A_391 : vector<1x64x1x128xf32> to vector<64x128xf32>
    %swap3A_393 = vector.shape_cast %add3A_386 : vector<64x128xf32> to vector<1x64x1x128xf32>
    tpu.vector_store %arg5[%swap3A_387, %swap3A_388, %swap3A_389, %swap3A_390], %swap3A_393 {strides = array<i32>} : memref<1x64x32x128xf32, #tpu.memory_space<vmem>>, vector<1x64x1x128xf32>,
    %get3A_394 = arith.constant 832 : index
    %get3A_395 = arith.constant 0 : index
    %get3A_396 = vector.load %arg4[%get3A_394, %get3A_395] : memref<2048x128xf32, #tpu.memory_space<vmem>>, vector<64x128xf32>
    %transpose3A_397 = tpu.transpose %get3A_396, [1, 0] : vector<64x128xf32> -> vector<128x64xf32>
    %slice3A_398 = vector.extract_strided_slice %transpose3A_397 {offsets = [0, 0], sizes = [64, 64], strides = [1, 1]} : vector<128x64xf32> to vector<64x64xf32>
    %slice3A_399 = vector.extract_strided_slice %transpose3A_397 {offsets = [64, 0], sizes = [64, 64], strides = [1, 1]} : vector<128x64xf32> to vector<64x64xf32>
    %concatenate3A_400 = tpu.concatenate %slice3A_398, %slice3A_399 in 1 : vector<64x64xf32>, vector<64x64xf32> -> vector<64x128xf32>
    %get3A_401 = arith.constant 0 : index
    %get3A_402 = arith.constant 0 : index
    %get3A_403 = arith.constant 13 : index
    %get3A_404 = arith.constant 0 : index
    %get3A_405 = vector.load %arg3[%get3A_401, %get3A_402, %get3A_403, %get3A_404] : memref<1x1x32x128xf32, #tpu.memory_space<vmem>>, vector<1x1x1x128xf32>
    %get3A_406 = vector.shape_cast %get3A_405 : vector<1x1x1x128xf32> to vector<128xf32>
    %broadcast_in_dim3A_407 = vector.shape_cast %get3A_406 : vector<128xf32> to vector<1x128xf32>
    %get3A_408 = arith.constant 0 : index
    %get3A_409 = arith.constant 0 : index
    %get3A_410 = arith.constant 13 : index
    %get3A_411 = arith.constant 0 : index
    %get3A_412 = vector.load %arg2[%get3A_408, %get3A_409, %get3A_410, %get3A_411] : memref<1x64x32x128xf32, #tpu.memory_space<vmem>>, vector<1x64x1x128xf32>
    %get3A_413 = vector.shape_cast %get3A_412 : vector<1x64x1x128xf32> to vector<64x128xf32>
    %sub3A_414 = arith.subf %concatenate3A_400, %get3A_413 : vector<64x128xf32>
    %mul3A_415 = vector.broadcast %broadcast_in_dim3A_407 : vector<1x128xf32> to vector<64x128xf32>
    %mul3A_416 = arith.mulf %sub3A_414, %mul3A_415 : vector<64x128xf32>
    %add3A_417 = arith.addf %get3A_413, %mul3A_416 : vector<64x128xf32>
    %swap3A_418 = arith.constant 0 : index
    %swap3A_419 = arith.constant 0 : index
    %swap3A_420 = arith.constant 13 : index
    %swap3A_421 = arith.constant 0 : index
    %swap3A_422 = vector.load %arg5[%swap3A_418, %swap3A_419, %swap3A_420, %swap3A_421] : memref<1x64x32x128xf32, #tpu.memory_space<vmem>>, vector<1x64x1x128xf32>
    %swap3A_423 = vector.shape_cast %swap3A_422 : vector<1x64x1x128xf32> to vector<64x128xf32>
    %swap3A_424 = vector.shape_cast %add3A_417 : vector<64x128xf32> to vector<1x64x1x128xf32>
    tpu.vector_store %arg5[%swap3A_418, %swap3A_419, %swap3A_420, %swap3A_421], %swap3A_424 {strides = array<i32>} : memref<1x64x32x128xf32, #tpu.memory_space<vmem>>, vector<1x64x1x128xf32>,
    %get3A_425 = arith.constant 896 : index
    %get3A_426 = arith.constant 0 : index
    %get3A_427 = vector.load %arg4[%get3A_425, %get3A_426] : memref<2048x128xf32, #tpu.memory_space<vmem>>, vector<64x128xf32>
    %transpose3A_428 = tpu.transpose %get3A_427, [1, 0] : vector<64x128xf32> -> vector<128x64xf32>
    %slice3A_429 = vector.extract_strided_slice %transpose3A_428 {offsets = [0, 0], sizes = [64, 64], strides = [1, 1]} : vector<128x64xf32> to vector<64x64xf32>
    %slice3A_430 = vector.extract_strided_slice %transpose3A_428 {offsets = [64, 0], sizes = [64, 64], strides = [1, 1]} : vector<128x64xf32> to vector<64x64xf32>
    %concatenate3A_431 = tpu.concatenate %slice3A_429, %slice3A_430 in 1 : vector<64x64xf32>, vector<64x64xf32> -> vector<64x128xf32>
    %get3A_432 = arith.constant 0 : index
    %get3A_433 = arith.constant 0 : index
    %get3A_434 = arith.constant 14 : index
    %get3A_435 = arith.constant 0 : index
    %get3A_436 = vector.load %arg3[%get3A_432, %get3A_433, %get3A_434, %get3A_435] : memref<1x1x32x128xf32, #tpu.memory_space<vmem>>, vector<1x1x1x128xf32>
    %get3A_437 = vector.shape_cast %get3A_436 : vector<1x1x1x128xf32> to vector<128xf32>
    %broadcast_in_dim3A_438 = vector.shape_cast %get3A_437 : vector<128xf32> to vector<1x128xf32>
    %get3A_439 = arith.constant 0 : index
    %get3A_440 = arith.constant 0 : index
    %get3A_441 = arith.constant 14 : index
    %get3A_442 = arith.constant 0 : index
    %get3A_443 = vector.load %arg2[%get3A_439, %get3A_440, %get3A_441, %get3A_442] : memref<1x64x32x128xf32, #tpu.memory_space<vmem>>, vector<1x64x1x128xf32>
    %get3A_444 = vector.shape_cast %get3A_443 : vector<1x64x1x128xf32> to vector<64x128xf32>
    %sub3A_445 = arith.subf %concatenate3A_431, %get3A_444 : vector<64x128xf32>
    %mul3A_446 = vector.broadcast %broadcast_in_dim3A_438 : vector<1x128xf32> to vector<64x128xf32>
    %mul3A_447 = arith.mulf %sub3A_445, %mul3A_446 : vector<64x128xf32>
    %add3A_448 = arith.addf %get3A_444, %mul3A_447 : vector<64x128xf32>
    %swap3A_449 = arith.constant 0 : index
    %swap3A_450 = arith.constant 0 : index
    %swap3A_451 = arith.constant 14 : index
    %swap3A_452 = arith.constant 0 : index
    %swap3A_453 = vector.load %arg5[%swap3A_449, %swap3A_450, %swap3A_451, %swap3A_452] : memref<1x64x32x128xf32, #tpu.memory_space<vmem>>, vector<1x64x1x128xf32>
    %swap3A_454 = vector.shape_cast %swap3A_453 : vector<1x64x1x128xf32> to vector<64x128xf32>
    %swap3A_455 = vector.shape_cast %add3A_448 : vector<64x128xf32> to vector<1x64x1x128xf32>
    tpu.vector_store %arg5[%swap3A_449, %swap3A_450, %swap3A_451, %swap3A_452], %swap3A_455 {strides = array<i32>} : memref<1x64x32x128xf32, #tpu.memory_space<vmem>>, vector<1x64x1x128xf32>,
    %get3A_456 = arith.constant 960 : index
    %get3A_457 = arith.constant 0 : index
    %get3A_458 = vector.load %arg4[%get3A_456, %get3A_457] : memref<2048x128xf32, #tpu.memory_space<vmem>>, vector<64x128xf32>
    %transpose3A_459 = tpu.transpose %get3A_458, [1, 0] : vector<64x128xf32> -> vector<128x64xf32>
    %slice3A_460 = vector.extract_strided_slice %transpose3A_459 {offsets = [0, 0], sizes = [64, 64], strides = [1, 1]} : vector<128x64xf32> to vector<64x64xf32>
    %slice3A_461 = vector.extract_strided_slice %transpose3A_459 {offsets = [64, 0], sizes = [64, 64], strides = [1, 1]} : vector<128x64xf32> to vector<64x64xf32>
    %concatenate3A_462 = tpu.concatenate %slice3A_460, %slice3A_461 in 1 : vector<64x64xf32>, vector<64x64xf32> -> vector<64x128xf32>
    %get3A_463 = arith.constant 0 : index
    %get3A_464 = arith.constant 0 : index
    %get3A_465 = arith.constant 15 : index
    %get3A_466 = arith.constant 0 : index
    %get3A_467 = vector.load %arg3[%get3A_463, %get3A_464, %get3A_465, %get3A_466] : memref<1x1x32x128xf32, #tpu.memory_space<vmem>>, vector<1x1x1x128xf32>
    %get3A_468 = vector.shape_cast %get3A_467 : vector<1x1x1x128xf32> to vector<128xf32>
    %broadcast_in_dim3A_469 = vector.shape_cast %get3A_468 : vector<128xf32> to vector<1x128xf32>
    %get3A_470 = arith.constant 0 : index
    %get3A_471 = arith.constant 0 : index
    %get3A_472 = arith.constant 15 : index
    %get3A_473 = arith.constant 0 : index
    %get3A_474 = vector.load %arg2[%get3A_470, %get3A_471, %get3A_472, %get3A_473] : memref<1x64x32x128xf32, #tpu.memory_space<vmem>>, vector<1x64x1x128xf32>
    %get3A_475 = vector.shape_cast %get3A_474 : vector<1x64x1x128xf32> to vector<64x128xf32>
    %sub3A_476 = arith.subf %concatenate3A_462, %get3A_475 : vector<64x128xf32>
    %mul3A_477 = vector.broadcast %broadcast_in_dim3A_469 : vector<1x128xf32> to vector<64x128xf32>
    %mul3A_478 = arith.mulf %sub3A_476, %mul3A_477 : vector<64x128xf32>
    %add3A_479 = arith.addf %get3A_475, %mul3A_478 : vector<64x128xf32>
    %swap3A_480 = arith.constant 0 : index
    %swap3A_481 = arith.constant 0 : index
    %swap3A_482 = arith.constant 15 : index
    %swap3A_483 = arith.constant 0 : index
    %swap3A_484 = vector.load %arg5[%swap3A_480, %swap3A_481, %swap3A_482, %swap3A_483] : memref<1x64x32x128xf32, #tpu.memory_space<vmem>>, vector<1x64x1x128xf32>
    %swap3A_485 = vector.shape_cast %swap3A_484 : vector<1x64x1x128xf32> to vector<64x128xf32>
    %swap3A_486 = vector.shape_cast %add3A_479 : vector<64x128xf32> to vector<1x64x1x128xf32>
    tpu.vector_store %arg5[%swap3A_480, %swap3A_481, %swap3A_482, %swap3A_483], %swap3A_486 {strides = array<i32>} : memref<1x64x32x128xf32, #tpu.memory_space<vmem>>, vector<1x64x1x128xf32>,
    %get3A_487 = arith.constant 1024 : index
    %get3A_488 = arith.constant 0 : index
    %get3A_489 = vector.load %arg4[%get3A_487, %get3A_488] : memref<2048x128xf32, #tpu.memory_space<vmem>>, vector<64x128xf32>
    %transpose3A_490 = tpu.transpose %get3A_489, [1, 0] : vector<64x128xf32> -> vector<128x64xf32>
    %slice3A_491 = vector.extract_strided_slice %transpose3A_490 {offsets = [0, 0], sizes = [64, 64], strides = [1, 1]} : vector<128x64xf32> to vector<64x64xf32>
    %slice3A_492 = vector.extract_strided_slice %transpose3A_490 {offsets = [64, 0], sizes = [64, 64], strides = [1, 1]} : vector<128x64xf32> to vector<64x64xf32>
    %concatenate3A_493 = tpu.concatenate %slice3A_491, %slice3A_492 in 1 : vector<64x64xf32>, vector<64x64xf32> -> vector<64x128xf32>
    %get3A_494 = arith.constant 0 : index
    %get3A_495 = arith.constant 0 : index
    %get3A_496 = arith.constant 16 : index
    %get3A_497 = arith.constant 0 : index
    %get3A_498 = vector.load %arg3[%get3A_494, %get3A_495, %get3A_496, %get3A_497] : memref<1x1x32x128xf32, #tpu.memory_space<vmem>>, vector<1x1x1x128xf32>
    %get3A_499 = vector.shape_cast %get3A_498 : vector<1x1x1x128xf32> to vector<128xf32>
    %broadcast_in_dim3A_500 = vector.shape_cast %get3A_499 : vector<128xf32> to vector<1x128xf32>
    %get3A_501 = arith.constant 0 : index
    %get3A_502 = arith.constant 0 : index
    %get3A_503 = arith.constant 16 : index
    %get3A_504 = arith.constant 0 : index
    %get3A_505 = vector.load %arg2[%get3A_501, %get3A_502, %get3A_503, %get3A_504] : memref<1x64x32x128xf32, #tpu.memory_space<vmem>>, vector<1x64x1x128xf32>
    %get3A_506 = vector.shape_cast %get3A_505 : vector<1x64x1x128xf32> to vector<64x128xf32>
    %sub3A_507 = arith.subf %concatenate3A_493, %get3A_506 : vector<64x128xf32>
    %mul3A_508 = vector.broadcast %broadcast_in_dim3A_500 : vector<1x128xf32> to vector<64x128xf32>
    %mul3A_509 = arith.mulf %sub3A_507, %mul3A_508 : vector<64x128xf32>
    %add3A_510 = arith.addf %get3A_506, %mul3A_509 : vector<64x128xf32>
    %swap3A_511 = arith.constant 0 : index
    %swap3A_512 = arith.constant 0 : index
    %swap3A_513 = arith.constant 16 : index
    %swap3A_514 = arith.constant 0 : index
    %swap3A_515 = vector.load %arg5[%swap3A_511, %swap3A_512, %swap3A_513, %swap3A_514] : memref<1x64x32x128xf32, #tpu.memory_space<vmem>>, vector<1x64x1x128xf32>
    %swap3A_516 = vector.shape_cast %swap3A_515 : vector<1x64x1x128xf32> to vector<64x128xf32>
    %swap3A_517 = vector.shape_cast %add3A_510 : vector<64x128xf32> to vector<1x64x1x128xf32>
    tpu.vector_store %arg5[%swap3A_511, %swap3A_512, %swap3A_513, %swap3A_514], %swap3A_517 {strides = array<i32>} : memref<1x64x32x128xf32, #tpu.memory_space<vmem>>, vector<1x64x1x128xf32>,
    %get3A_518 = arith.constant 1088 : index
    %get3A_519 = arith.constant 0 : index
    %get3A_520 = vector.load %arg4[%get3A_518, %get3A_519] : memref<2048x128xf32, #tpu.memory_space<vmem>>, vector<64x128xf32>
    %transpose3A_521 = tpu.transpose %get3A_520, [1, 0] : vector<64x128xf32> -> vector<128x64xf32>
    %slice3A_522 = vector.extract_strided_slice %transpose3A_521 {offsets = [0, 0], sizes = [64, 64], strides = [1, 1]} : vector<128x64xf32> to vector<64x64xf32>
    %slice3A_523 = vector.extract_strided_slice %transpose3A_521 {offsets = [64, 0], sizes = [64, 64], strides = [1, 1]} : vector<128x64xf32> to vector<64x64xf32>
    %concatenate3A_524 = tpu.concatenate %slice3A_522, %slice3A_523 in 1 : vector<64x64xf32>, vector<64x64xf32> -> vector<64x128xf32>
    %get3A_525 = arith.constant 0 : index
    %get3A_526 = arith.constant 0 : index
    %get3A_527 = arith.constant 17 : index
    %get3A_528 = arith.constant 0 : index
    %get3A_529 = vector.load %arg3[%get3A_525, %get3A_526, %get3A_527, %get3A_528] : memref<1x1x32x128xf32, #tpu.memory_space<vmem>>, vector<1x1x1x128xf32>
    %get3A_530 = vector.shape_cast %get3A_529 : vector<1x1x1x128xf32> to vector<128xf32>
    %broadcast_in_dim3A_531 = vector.shape_cast %get3A_530 : vector<128xf32> to vector<1x128xf32>
    %get3A_532 = arith.constant 0 : index
    %get3A_533 = arith.constant 0 : index
    %get3A_534 = arith.constant 17 : index
    %get3A_535 = arith.constant 0 : index
    %get3A_536 = vector.load %arg2[%get3A_532, %get3A_533, %get3A_534, %get3A_535] : memref<1x64x32x128xf32, #tpu.memory_space<vmem>>, vector<1x64x1x128xf32>
    %get3A_537 = vector.shape_cast %get3A_536 : vector<1x64x1x128xf32> to vector<64x128xf32>
    %sub3A_538 = arith.subf %concatenate3A_524, %get3A_537 : vector<64x128xf32>
    %mul3A_539 = vector.broadcast %broadcast_in_dim3A_531 : vector<1x128xf32> to vector<64x128xf32>
    %mul3A_540 = arith.mulf %sub3A_538, %mul3A_539 : vector<64x128xf32>
    %add3A_541 = arith.addf %get3A_537, %mul3A_540 : vector<64x128xf32>
    %swap3A_542 = arith.constant 0 : index
    %swap3A_543 = arith.constant 0 : index
    %swap3A_544 = arith.constant 17 : index
    %swap3A_545 = arith.constant 0 : index
    %swap3A_546 = vector.load %arg5[%swap3A_542, %swap3A_543, %swap3A_544, %swap3A_545] : memref<1x64x32x128xf32, #tpu.memory_space<vmem>>, vector<1x64x1x128xf32>
    %swap3A_547 = vector.shape_cast %swap3A_546 : vector<1x64x1x128xf32> to vector<64x128xf32>
    %swap3A_548 = vector.shape_cast %add3A_541 : vector<64x128xf32> to vector<1x64x1x128xf32>
    tpu.vector_store %arg5[%swap3A_542, %swap3A_543, %swap3A_544, %swap3A_545], %swap3A_548 {strides = array<i32>} : memref<1x64x32x128xf32, #tpu.memory_space<vmem>>, vector<1x64x1x128xf32>,
    %get3A_549 = arith.constant 1152 : index
    %get3A_550 = arith.constant 0 : index
    %get3A_551 = vector.load %arg4[%get3A_549, %get3A_550] : memref<2048x128xf32, #tpu.memory_space<vmem>>, vector<64x128xf32>
    %transpose3A_552 = tpu.transpose %get3A_551, [1, 0] : vector<64x128xf32> -> vector<128x64xf32>
    %slice3A_553 = vector.extract_strided_slice %transpose3A_552 {offsets = [0, 0], sizes = [64, 64], strides = [1, 1]} : vector<128x64xf32> to vector<64x64xf32>
    %slice3A_554 = vector.extract_strided_slice %transpose3A_552 {offsets = [64, 0], sizes = [64, 64], strides = [1, 1]} : vector<128x64xf32> to vector<64x64xf32>
    %concatenate3A_555 = tpu.concatenate %slice3A_553, %slice3A_554 in 1 : vector<64x64xf32>, vector<64x64xf32> -> vector<64x128xf32>
    %get3A_556 = arith.constant 0 : index
    %get3A_557 = arith.constant 0 : index
    %get3A_558 = arith.constant 18 : index
    %get3A_559 = arith.constant 0 : index
    %get3A_560 = vector.load %arg3[%get3A_556, %get3A_557, %get3A_558, %get3A_559] : memref<1x1x32x128xf32, #tpu.memory_space<vmem>>, vector<1x1x1x128xf32>
    %get3A_561 = vector.shape_cast %get3A_560 : vector<1x1x1x128xf32> to vector<128xf32>
    %broadcast_in_dim3A_562 = vector.shape_cast %get3A_561 : vector<128xf32> to vector<1x128xf32>
    %get3A_563 = arith.constant 0 : index
    %get3A_564 = arith.constant 0 : index
    %get3A_565 = arith.constant 18 : index
    %get3A_566 = arith.constant 0 : index
    %get3A_567 = vector.load %arg2[%get3A_563, %get3A_564, %get3A_565, %get3A_566] : memref<1x64x32x128xf32, #tpu.memory_space<vmem>>, vector<1x64x1x128xf32>
    %get3A_568 = vector.shape_cast %get3A_567 : vector<1x64x1x128xf32> to vector<64x128xf32>
    %sub3A_569 = arith.subf %concatenate3A_555, %get3A_568 : vector<64x128xf32>
    %mul3A_570 = vector.broadcast %broadcast_in_dim3A_562 : vector<1x128xf32> to vector<64x128xf32>
    %mul3A_571 = arith.mulf %sub3A_569, %mul3A_570 : vector<64x128xf32>
    %add3A_572 = arith.addf %get3A_568, %mul3A_571 : vector<64x128xf32>
    %swap3A_573 = arith.constant 0 : index
    %swap3A_574 = arith.constant 0 : index
    %swap3A_575 = arith.constant 18 : index
    %swap3A_576 = arith.constant 0 : index
    %swap3A_577 = vector.load %arg5[%swap3A_573, %swap3A_574, %swap3A_575, %swap3A_576] : memref<1x64x32x128xf32, #tpu.memory_space<vmem>>, vector<1x64x1x128xf32>
    %swap3A_578 = vector.shape_cast %swap3A_577 : vector<1x64x1x128xf32> to vector<64x128xf32>
    %swap3A_579 = vector.shape_cast %add3A_572 : vector<64x128xf32> to vector<1x64x1x128xf32>
    tpu.vector_store %arg5[%swap3A_573, %swap3A_574, %swap3A_575, %swap3A_576], %swap3A_579 {strides = array<i32>} : memref<1x64x32x128xf32, #tpu.memory_space<vmem>>, vector<1x64x1x128xf32>,
    %get3A_580 = arith.constant 1216 : index
    %get3A_581 = arith.constant 0 : index
    %get3A_582 = vector.load %arg4[%get3A_580, %get3A_581] : memref<2048x128xf32, #tpu.memory_space<vmem>>, vector<64x128xf32>
    %transpose3A_583 = tpu.transpose %get3A_582, [1, 0] : vector<64x128xf32> -> vector<128x64xf32>
    %slice3A_584 = vector.extract_strided_slice %transpose3A_583 {offsets = [0, 0], sizes = [64, 64], strides = [1, 1]} : vector<128x64xf32> to vector<64x64xf32>
    %slice3A_585 = vector.extract_strided_slice %transpose3A_583 {offsets = [64, 0], sizes = [64, 64], strides = [1, 1]} : vector<128x64xf32> to vector<64x64xf32>
    %concatenate3A_586 = tpu.concatenate %slice3A_584, %slice3A_585 in 1 : vector<64x64xf32>, vector<64x64xf32> -> vector<64x128xf32>
    %get3A_587 = arith.constant 0 : index
    %get3A_588 = arith.constant 0 : index
    %get3A_589 = arith.constant 19 : index
    %get3A_590 = arith.constant 0 : index
    %get3A_591 = vector.load %arg3[%get3A_587, %get3A_588, %get3A_589, %get3A_590] : memref<1x1x32x128xf32, #tpu.memory_space<vmem>>, vector<1x1x1x128xf32>
    %get3A_592 = vector.shape_cast %get3A_591 : vector<1x1x1x128xf32> to vector<128xf32>
    %broadcast_in_dim3A_593 = vector.shape_cast %get3A_592 : vector<128xf32> to vector<1x128xf32>
    %get3A_594 = arith.constant 0 : index
    %get3A_595 = arith.constant 0 : index
    %get3A_596 = arith.constant 19 : index
    %get3A_597 = arith.constant 0 : index
    %get3A_598 = vector.load %arg2[%get3A_594, %get3A_595, %get3A_596, %get3A_597] : memref<1x64x32x128xf32, #tpu.memory_space<vmem>>, vector<1x64x1x128xf32>
    %get3A_599 = vector.shape_cast %get3A_598 : vector<1x64x1x128xf32> to vector<64x128xf32>
    %sub3A_600 = arith.subf %concatenate3A_586, %get3A_599 : vector<64x128xf32>
    %mul3A_601 = vector.broadcast %broadcast_in_dim3A_593 : vector<1x128xf32> to vector<64x128xf32>
    %mul3A_602 = arith.mulf %sub3A_600, %mul3A_601 : vector<64x128xf32>
    %add3A_603 = arith.addf %get3A_599, %mul3A_602 : vector<64x128xf32>
    %swap3A_604 = arith.constant 0 : index
    %swap3A_605 = arith.constant 0 : index
    %swap3A_606 = arith.constant 19 : index
    %swap3A_607 = arith.constant 0 : index
    %swap3A_608 = vector.load %arg5[%swap3A_604, %swap3A_605, %swap3A_606, %swap3A_607] : memref<1x64x32x128xf32, #tpu.memory_space<vmem>>, vector<1x64x1x128xf32>
    %swap3A_609 = vector.shape_cast %swap3A_608 : vector<1x64x1x128xf32> to vector<64x128xf32>
    %swap3A_610 = vector.shape_cast %add3A_603 : vector<64x128xf32> to vector<1x64x1x128xf32>
    tpu.vector_store %arg5[%swap3A_604, %swap3A_605, %swap3A_606, %swap3A_607], %swap3A_610 {strides = array<i32>} : memref<1x64x32x128xf32, #tpu.memory_space<vmem>>, vector<1x64x1x128xf32>,
    %get3A_611 = arith.constant 1280 : index
    %get3A_612 = arith.constant 0 : index
    %get3A_613 = vector.load %arg4[%get3A_611, %get3A_612] : memref<2048x128xf32, #tpu.memory_space<vmem>>, vector<64x128xf32>
    %transpose3A_614 = tpu.transpose %get3A_613, [1, 0] : vector<64x128xf32> -> vector<128x64xf32>
    %slice3A_615 = vector.extract_strided_slice %transpose3A_614 {offsets = [0, 0], sizes = [64, 64], strides = [1, 1]} : vector<128x64xf32> to vector<64x64xf32>
    %slice3A_616 = vector.extract_strided_slice %transpose3A_614 {offsets = [64, 0], sizes = [64, 64], strides = [1, 1]} : vector<128x64xf32> to vector<64x64xf32>
    %concatenate3A_617 = tpu.concatenate %slice3A_615, %slice3A_616 in 1 : vector<64x64xf32>, vector<64x64xf32> -> vector<64x128xf32>
    %get3A_618 = arith.constant 0 : index
    %get3A_619 = arith.constant 0 : index
    %get3A_620 = arith.constant 20 : index
    %get3A_621 = arith.constant 0 : index
    %get3A_622 = vector.load %arg3[%get3A_618, %get3A_619, %get3A_620, %get3A_621] : memref<1x1x32x128xf32, #tpu.memory_space<vmem>>, vector<1x1x1x128xf32>
    %get3A_623 = vector.shape_cast %get3A_622 : vector<1x1x1x128xf32> to vector<128xf32>
    %broadcast_in_dim3A_624 = vector.shape_cast %get3A_623 : vector<128xf32> to vector<1x128xf32>
    %get3A_625 = arith.constant 0 : index
    %get3A_626 = arith.constant 0 : index
    %get3A_627 = arith.constant 20 : index
    %get3A_628 = arith.constant 0 : index
    %get3A_629 = vector.load %arg2[%get3A_625, %get3A_626, %get3A_627, %get3A_628] : memref<1x64x32x128xf32, #tpu.memory_space<vmem>>, vector<1x64x1x128xf32>
    %get3A_630 = vector.shape_cast %get3A_629 : vector<1x64x1x128xf32> to vector<64x128xf32>
    %sub3A_631 = arith.subf %concatenate3A_617, %get3A_630 : vector<64x128xf32>
    %mul3A_632 = vector.broadcast %broadcast_in_dim3A_624 : vector<1x128xf32> to vector<64x128xf32>
    %mul3A_633 = arith.mulf %sub3A_631, %mul3A_632 : vector<64x128xf32>
    %add3A_634 = arith.addf %get3A_630, %mul3A_633 : vector<64x128xf32>
    %swap3A_635 = arith.constant 0 : index
    %swap3A_636 = arith.constant 0 : index
    %swap3A_637 = arith.constant 20 : index
    %swap3A_638 = arith.constant 0 : index
    %swap3A_639 = vector.load %arg5[%swap3A_635, %swap3A_636, %swap3A_637, %swap3A_638] : memref<1x64x32x128xf32, #tpu.memory_space<vmem>>, vector<1x64x1x128xf32>
    %swap3A_640 = vector.shape_cast %swap3A_639 : vector<1x64x1x128xf32> to vector<64x128xf32>
    %swap3A_641 = vector.shape_cast %add3A_634 : vector<64x128xf32> to vector<1x64x1x128xf32>
    tpu.vector_store %arg5[%swap3A_635, %swap3A_636, %swap3A_637, %swap3A_638], %swap3A_641 {strides = array<i32>} : memref<1x64x32x128xf32, #tpu.memory_space<vmem>>, vector<1x64x1x128xf32>,
    %get3A_642 = arith.constant 1344 : index
    %get3A_643 = arith.constant 0 : index
    %get3A_644 = vector.load %arg4[%get3A_642, %get3A_643] : memref<2048x128xf32, #tpu.memory_space<vmem>>, vector<64x128xf32>
    %transpose3A_645 = tpu.transpose %get3A_644, [1, 0] : vector<64x128xf32> -> vector<128x64xf32>
    %slice3A_646 = vector.extract_strided_slice %transpose3A_645 {offsets = [0, 0], sizes = [64, 64], strides = [1, 1]} : vector<128x64xf32> to vector<64x64xf32>
    %slice3A_647 = vector.extract_strided_slice %transpose3A_645 {offsets = [64, 0], sizes = [64, 64], strides = [1, 1]} : vector<128x64xf32> to vector<64x64xf32>
    %concatenate3A_648 = tpu.concatenate %slice3A_646, %slice3A_647 in 1 : vector<64x64xf32>, vector<64x64xf32> -> vector<64x128xf32>
    %get3A_649 = arith.constant 0 : index
    %get3A_650 = arith.constant 0 : index
    %get3A_651 = arith.constant 21 : index
    %get3A_652 = arith.constant 0 : index
    %get3A_653 = vector.load %arg3[%get3A_649, %get3A_650, %get3A_651, %get3A_652] : memref<1x1x32x128xf32, #tpu.memory_space<vmem>>, vector<1x1x1x128xf32>
    %get3A_654 = vector.shape_cast %get3A_653 : vector<1x1x1x128xf32> to vector<128xf32>
    %broadcast_in_dim3A_655 = vector.shape_cast %get3A_654 : vector<128xf32> to vector<1x128xf32>
    %get3A_656 = arith.constant 0 : index
    %get3A_657 = arith.constant 0 : index
    %get3A_658 = arith.constant 21 : index
    %get3A_659 = arith.constant 0 : index
    %get3A_660 = vector.load %arg2[%get3A_656, %get3A_657, %get3A_658, %get3A_659] : memref<1x64x32x128xf32, #tpu.memory_space<vmem>>, vector<1x64x1x128xf32>
    %get3A_661 = vector.shape_cast %get3A_660 : vector<1x64x1x128xf32> to vector<64x128xf32>
    %sub3A_662 = arith.subf %concatenate3A_648, %get3A_661 : vector<64x128xf32>
    %mul3A_663 = vector.broadcast %broadcast_in_dim3A_655 : vector<1x128xf32> to vector<64x128xf32>
    %mul3A_664 = arith.mulf %sub3A_662, %mul3A_663 : vector<64x128xf32>
    %add3A_665 = arith.addf %get3A_661, %mul3A_664 : vector<64x128xf32>
    %swap3A_666 = arith.constant 0 : index
    %swap3A_667 = arith.constant 0 : index
    %swap3A_668 = arith.constant 21 : index
    %swap3A_669 = arith.constant 0 : index
    %swap3A_670 = vector.load %arg5[%swap3A_666, %swap3A_667, %swap3A_668, %swap3A_669] : memref<1x64x32x128xf32, #tpu.memory_space<vmem>>, vector<1x64x1x128xf32>
    %swap3A_671 = vector.shape_cast %swap3A_670 : vector<1x64x1x128xf32> to vector<64x128xf32>
    %swap3A_672 = vector.shape_cast %add3A_665 : vector<64x128xf32> to vector<1x64x1x128xf32>
    tpu.vector_store %arg5[%swap3A_666, %swap3A_667, %swap3A_668, %swap3A_669], %swap3A_672 {strides = array<i32>} : memref<1x64x32x128xf32, #tpu.memory_space<vmem>>, vector<1x64x1x128xf32>,
    %get3A_673 = arith.constant 1408 : index
    %get3A_674 = arith.constant 0 : index
    %get3A_675 = vector.load %arg4[%get3A_673, %get3A_674] : memref<2048x128xf32, #tpu.memory_space<vmem>>, vector<64x128xf32>
    %transpose3A_676 = tpu.transpose %get3A_675, [1, 0] : vector<64x128xf32> -> vector<128x64xf32>
    %slice3A_677 = vector.extract_strided_slice %transpose3A_676 {offsets = [0, 0], sizes = [64, 64], strides = [1, 1]} : vector<128x64xf32> to vector<64x64xf32>
    %slice3A_678 = vector.extract_strided_slice %transpose3A_676 {offsets = [64, 0], sizes = [64, 64], strides = [1, 1]} : vector<128x64xf32> to vector<64x64xf32>
    %concatenate3A_679 = tpu.concatenate %slice3A_677, %slice3A_678 in 1 : vector<64x64xf32>, vector<64x64xf32> -> vector<64x128xf32>
    %get3A_680 = arith.constant 0 : index
    %get3A_681 = arith.constant 0 : index
    %get3A_682 = arith.constant 22 : index
    %get3A_683 = arith.constant 0 : index
    %get3A_684 = vector.load %arg3[%get3A_680, %get3A_681, %get3A_682, %get3A_683] : memref<1x1x32x128xf32, #tpu.memory_space<vmem>>, vector<1x1x1x128xf32>
    %get3A_685 = vector.shape_cast %get3A_684 : vector<1x1x1x128xf32> to vector<128xf32>
    %broadcast_in_dim3A_686 = vector.shape_cast %get3A_685 : vector<128xf32> to vector<1x128xf32>
    %get3A_687 = arith.constant 0 : index
    %get3A_688 = arith.constant 0 : index
    %get3A_689 = arith.constant 22 : index
    %get3A_690 = arith.constant 0 : index
    %get3A_691 = vector.load %arg2[%get3A_687, %get3A_688, %get3A_689, %get3A_690] : memref<1x64x32x128xf32, #tpu.memory_space<vmem>>, vector<1x64x1x128xf32>
    %get3A_692 = vector.shape_cast %get3A_691 : vector<1x64x1x128xf32> to vector<64x128xf32>
    %sub3A_693 = arith.subf %concatenate3A_679, %get3A_692 : vector<64x128xf32>
    %mul3A_694 = vector.broadcast %broadcast_in_dim3A_686 : vector<1x128xf32> to vector<64x128xf32>
    %mul3A_695 = arith.mulf %sub3A_693, %mul3A_694 : vector<64x128xf32>
    %add3A_696 = arith.addf %get3A_692, %mul3A_695 : vector<64x128xf32>
    %swap3A_697 = arith.constant 0 : index
    %swap3A_698 = arith.constant 0 : index
    %swap3A_699 = arith.constant 22 : index
    %swap3A_700 = arith.constant 0 : index
    %swap3A_701 = vector.load %arg5[%swap3A_697, %swap3A_698, %swap3A_699, %swap3A_700] : memref<1x64x32x128xf32, #tpu.memory_space<vmem>>, vector<1x64x1x128xf32>
    %swap3A_702 = vector.shape_cast %swap3A_701 : vector<1x64x1x128xf32> to vector<64x128xf32>
    %swap3A_703 = vector.shape_cast %add3A_696 : vector<64x128xf32> to vector<1x64x1x128xf32>
    tpu.vector_store %arg5[%swap3A_697, %swap3A_698, %swap3A_699, %swap3A_700], %swap3A_703 {strides = array<i32>} : memref<1x64x32x128xf32, #tpu.memory_space<vmem>>, vector<1x64x1x128xf32>,
    %get3A_704 = arith.constant 1472 : index
    %get3A_705 = arith.constant 0 : index
    %get3A_706 = vector.load %arg4[%get3A_704, %get3A_705] : memref<2048x128xf32, #tpu.memory_space<vmem>>, vector<64x128xf32>
    %transpose3A_707 = tpu.transpose %get3A_706, [1, 0] : vector<64x128xf32> -> vector<128x64xf32>
    %slice3A_708 = vector.extract_strided_slice %transpose3A_707 {offsets = [0, 0], sizes = [64, 64], strides = [1, 1]} : vector<128x64xf32> to vector<64x64xf32>
    %slice3A_709 = vector.extract_strided_slice %transpose3A_707 {offsets = [64, 0], sizes = [64, 64], strides = [1, 1]} : vector<128x64xf32> to vector<64x64xf32>
    %concatenate3A_710 = tpu.concatenate %slice3A_708, %slice3A_709 in 1 : vector<64x64xf32>, vector<64x64xf32> -> vector<64x128xf32>
    %get3A_711 = arith.constant 0 : index
    %get3A_712 = arith.constant 0 : index
    %get3A_713 = arith.constant 23 : index
    %get3A_714 = arith.constant 0 : index
    %get3A_715 = vector.load %arg3[%get3A_711, %get3A_712, %get3A_713, %get3A_714] : memref<1x1x32x128xf32, #tpu.memory_space<vmem>>, vector<1x1x1x128xf32>
    %get3A_716 = vector.shape_cast %get3A_715 : vector<1x1x1x128xf32> to vector<128xf32>
    %broadcast_in_dim3A_717 = vector.shape_cast %get3A_716 : vector<128xf32> to vector<1x128xf32>
    %get3A_718 = arith.constant 0 : index
    %get3A_719 = arith.constant 0 : index
    %get3A_720 = arith.constant 23 : index
    %get3A_721 = arith.constant 0 : index
    %get3A_722 = vector.load %arg2[%get3A_718, %get3A_719, %get3A_720, %get3A_721] : memref<1x64x32x128xf32, #tpu.memory_space<vmem>>, vector<1x64x1x128xf32>
    %get3A_723 = vector.shape_cast %get3A_722 : vector<1x64x1x128xf32> to vector<64x128xf32>
    %sub3A_724 = arith.subf %concatenate3A_710, %get3A_723 : vector<64x128xf32>
    %mul3A_725 = vector.broadcast %broadcast_in_dim3A_717 : vector<1x128xf32> to vector<64x128xf32>
    %mul3A_726 = arith.mulf %sub3A_724, %mul3A_725 : vector<64x128xf32>
    %add3A_727 = arith.addf %get3A_723, %mul3A_726 : vector<64x128xf32>
    %swap3A_728 = arith.constant 0 : index
    %swap3A_729 = arith.constant 0 : index
    %swap3A_730 = arith.constant 23 : index
    %swap3A_731 = arith.constant 0 : index
    %swap3A_732 = vector.load %arg5[%swap3A_728, %swap3A_729, %swap3A_730, %swap3A_731] : memref<1x64x32x128xf32, #tpu.memory_space<vmem>>, vector<1x64x1x128xf32>
    %swap3A_733 = vector.shape_cast %swap3A_732 : vector<1x64x1x128xf32> to vector<64x128xf32>
    %swap3A_734 = vector.shape_cast %add3A_727 : vector<64x128xf32> to vector<1x64x1x128xf32>
    tpu.vector_store %arg5[%swap3A_728, %swap3A_729, %swap3A_730, %swap3A_731], %swap3A_734 {strides = array<i32>} : memref<1x64x32x128xf32, #tpu.memory_space<vmem>>, vector<1x64x1x128xf32>,
    %get3A_735 = arith.constant 1536 : index
    %get3A_736 = arith.constant 0 : index
    %get3A_737 = vector.load %arg4[%get3A_735, %get3A_736] : memref<2048x128xf32, #tpu.memory_space<vmem>>, vector<64x128xf32>
    %transpose3A_738 = tpu.transpose %get3A_737, [1, 0] : vector<64x128xf32> -> vector<128x64xf32>
    %slice3A_739 = vector.extract_strided_slice %transpose3A_738 {offsets = [0, 0], sizes = [64, 64], strides = [1, 1]} : vector<128x64xf32> to vector<64x64xf32>
    %slice3A_740 = vector.extract_strided_slice %transpose3A_738 {offsets = [64, 0], sizes = [64, 64], strides = [1, 1]} : vector<128x64xf32> to vector<64x64xf32>
    %concatenate3A_741 = tpu.concatenate %slice3A_739, %slice3A_740 in 1 : vector<64x64xf32>, vector<64x64xf32> -> vector<64x128xf32>
    %get3A_742 = arith.constant 0 : index
    %get3A_743 = arith.constant 0 : index
    %get3A_744 = arith.constant 24 : index
    %get3A_745 = arith.constant 0 : index
    %get3A_746 = vector.load %arg3[%get3A_742, %get3A_743, %get3A_744, %get3A_745] : memref<1x1x32x128xf32, #tpu.memory_space<vmem>>, vector<1x1x1x128xf32>
    %get3A_747 = vector.shape_cast %get3A_746 : vector<1x1x1x128xf32> to vector<128xf32>
    %broadcast_in_dim3A_748 = vector.shape_cast %get3A_747 : vector<128xf32> to vector<1x128xf32>
    %get3A_749 = arith.constant 0 : index
    %get3A_750 = arith.constant 0 : index
    %get3A_751 = arith.constant 24 : index
    %get3A_752 = arith.constant 0 : index
    %get3A_753 = vector.load %arg2[%get3A_749, %get3A_750, %get3A_751, %get3A_752] : memref<1x64x32x128xf32, #tpu.memory_space<vmem>>, vector<1x64x1x128xf32>
    %get3A_754 = vector.shape_cast %get3A_753 : vector<1x64x1x128xf32> to vector<64x128xf32>
    %sub3A_755 = arith.subf %concatenate3A_741, %get3A_754 : vector<64x128xf32>
    %mul3A_756 = vector.broadcast %broadcast_in_dim3A_748 : vector<1x128xf32> to vector<64x128xf32>
    %mul3A_757 = arith.mulf %sub3A_755, %mul3A_756 : vector<64x128xf32>
    %add3A_758 = arith.addf %get3A_754, %mul3A_757 : vector<64x128xf32>
    %swap3A_759 = arith.constant 0 : index
    %swap3A_760 = arith.constant 0 : index
    %swap3A_761 = arith.constant 24 : index
    %swap3A_762 = arith.constant 0 : index
    %swap3A_763 = vector.load %arg5[%swap3A_759, %swap3A_760, %swap3A_761, %swap3A_762] : memref<1x64x32x128xf32, #tpu.memory_space<vmem>>, vector<1x64x1x128xf32>
    %swap3A_764 = vector.shape_cast %swap3A_763 : vector<1x64x1x128xf32> to vector<64x128xf32>
    %swap3A_765 = vector.shape_cast %add3A_758 : vector<64x128xf32> to vector<1x64x1x128xf32>
    tpu.vector_store %arg5[%swap3A_759, %swap3A_760, %swap3A_761, %swap3A_762], %swap3A_765 {strides = array<i32>} : memref<1x64x32x128xf32, #tpu.memory_space<vmem>>, vector<1x64x1x128xf32>,
    %get3A_766 = arith.constant 1600 : index
    %get3A_767 = arith.constant 0 : index
    %get3A_768 = vector.load %arg4[%get3A_766, %get3A_767] : memref<2048x128xf32, #tpu.memory_space<vmem>>, vector<64x128xf32>
    %transpose3A_769 = tpu.transpose %get3A_768, [1, 0] : vector<64x128xf32> -> vector<128x64xf32>
    %slice3A_770 = vector.extract_strided_slice %transpose3A_769 {offsets = [0, 0], sizes = [64, 64], strides = [1, 1]} : vector<128x64xf32> to vector<64x64xf32>
    %slice3A_771 = vector.extract_strided_slice %transpose3A_769 {offsets = [64, 0], sizes = [64, 64], strides = [1, 1]} : vector<128x64xf32> to vector<64x64xf32>
    %concatenate3A_772 = tpu.concatenate %slice3A_770, %slice3A_771 in 1 : vector<64x64xf32>, vector<64x64xf32> -> vector<64x128xf32>
    %get3A_773 = arith.constant 0 : index
    %get3A_774 = arith.constant 0 : index
    %get3A_775 = arith.constant 25 : index
    %get3A_776 = arith.constant 0 : index
    %get3A_777 = vector.load %arg3[%get3A_773, %get3A_774, %get3A_775, %get3A_776] : memref<1x1x32x128xf32, #tpu.memory_space<vmem>>, vector<1x1x1x128xf32>
    %get3A_778 = vector.shape_cast %get3A_777 : vector<1x1x1x128xf32> to vector<128xf32>
    %broadcast_in_dim3A_779 = vector.shape_cast %get3A_778 : vector<128xf32> to vector<1x128xf32>
    %get3A_780 = arith.constant 0 : index
    %get3A_781 = arith.constant 0 : index
    %get3A_782 = arith.constant 25 : index
    %get3A_783 = arith.constant 0 : index
    %get3A_784 = vector.load %arg2[%get3A_780, %get3A_781, %get3A_782, %get3A_783] : memref<1x64x32x128xf32, #tpu.memory_space<vmem>>, vector<1x64x1x128xf32>
    %get3A_785 = vector.shape_cast %get3A_784 : vector<1x64x1x128xf32> to vector<64x128xf32>
    %sub3A_786 = arith.subf %concatenate3A_772, %get3A_785 : vector<64x128xf32>
    %mul3A_787 = vector.broadcast %broadcast_in_dim3A_779 : vector<1x128xf32> to vector<64x128xf32>
    %mul3A_788 = arith.mulf %sub3A_786, %mul3A_787 : vector<64x128xf32>
    %add3A_789 = arith.addf %get3A_785, %mul3A_788 : vector<64x128xf32>
    %swap3A_790 = arith.constant 0 : index
    %swap3A_791 = arith.constant 0 : index
    %swap3A_792 = arith.constant 25 : index
    %swap3A_793 = arith.constant 0 : index
    %swap3A_794 = vector.load %arg5[%swap3A_790, %swap3A_791, %swap3A_792, %swap3A_793] : memref<1x64x32x128xf32, #tpu.memory_space<vmem>>, vector<1x64x1x128xf32>
    %swap3A_795 = vector.shape_cast %swap3A_794 : vector<1x64x1x128xf32> to vector<64x128xf32>
    %swap3A_796 = vector.shape_cast %add3A_789 : vector<64x128xf32> to vector<1x64x1x128xf32>
    tpu.vector_store %arg5[%swap3A_790, %swap3A_791, %swap3A_792, %swap3A_793], %swap3A_796 {strides = array<i32>} : memref<1x64x32x128xf32, #tpu.memory_space<vmem>>, vector<1x64x1x128xf32>,
    %get3A_797 = arith.constant 1664 : index
    %get3A_798 = arith.constant 0 : index
    %get3A_799 = vector.load %arg4[%get3A_797, %get3A_798] : memref<2048x128xf32, #tpu.memory_space<vmem>>, vector<64x128xf32>
    %transpose3A_800 = tpu.transpose %get3A_799, [1, 0] : vector<64x128xf32> -> vector<128x64xf32>
    %slice3A_801 = vector.extract_strided_slice %transpose3A_800 {offsets = [0, 0], sizes = [64, 64], strides = [1, 1]} : vector<128x64xf32> to vector<64x64xf32>
    %slice3A_802 = vector.extract_strided_slice %transpose3A_800 {offsets = [64, 0], sizes = [64, 64], strides = [1, 1]} : vector<128x64xf32> to vector<64x64xf32>
    %concatenate3A_803 = tpu.concatenate %slice3A_801, %slice3A_802 in 1 : vector<64x64xf32>, vector<64x64xf32> -> vector<64x128xf32>
    %get3A_804 = arith.constant 0 : index
    %get3A_805 = arith.constant 0 : index
    %get3A_806 = arith.constant 26 : index
    %get3A_807 = arith.constant 0 : index
    %get3A_808 = vector.load %arg3[%get3A_804, %get3A_805, %get3A_806, %get3A_807] : memref<1x1x32x128xf32, #tpu.memory_space<vmem>>, vector<1x1x1x128xf32>
    %get3A_809 = vector.shape_cast %get3A_808 : vector<1x1x1x128xf32> to vector<128xf32>
    %broadcast_in_dim3A_810 = vector.shape_cast %get3A_809 : vector<128xf32> to vector<1x128xf32>
    %get3A_811 = arith.constant 0 : index
    %get3A_812 = arith.constant 0 : index
    %get3A_813 = arith.constant 26 : index
    %get3A_814 = arith.constant 0 : index
    %get3A_815 = vector.load %arg2[%get3A_811, %get3A_812, %get3A_813, %get3A_814] : memref<1x64x32x128xf32, #tpu.memory_space<vmem>>, vector<1x64x1x128xf32>
    %get3A_816 = vector.shape_cast %get3A_815 : vector<1x64x1x128xf32> to vector<64x128xf32>
    %sub3A_817 = arith.subf %concatenate3A_803, %get3A_816 : vector<64x128xf32>
    %mul3A_818 = vector.broadcast %broadcast_in_dim3A_810 : vector<1x128xf32> to vector<64x128xf32>
    %mul3A_819 = arith.mulf %sub3A_817, %mul3A_818 : vector<64x128xf32>
    %add3A_820 = arith.addf %get3A_816, %mul3A_819 : vector<64x128xf32>
    %swap3A_821 = arith.constant 0 : index
    %swap3A_822 = arith.constant 0 : index
    %swap3A_823 = arith.constant 26 : index
    %swap3A_824 = arith.constant 0 : index
    %swap3A_825 = vector.load %arg5[%swap3A_821, %swap3A_822, %swap3A_823, %swap3A_824] : memref<1x64x32x128xf32, #tpu.memory_space<vmem>>, vector<1x64x1x128xf32>
    %swap3A_826 = vector.shape_cast %swap3A_825 : vector<1x64x1x128xf32> to vector<64x128xf32>
    %swap3A_827 = vector.shape_cast %add3A_820 : vector<64x128xf32> to vector<1x64x1x128xf32>
    tpu.vector_store %arg5[%swap3A_821, %swap3A_822, %swap3A_823, %swap3A_824], %swap3A_827 {strides = array<i32>} : memref<1x64x32x128xf32, #tpu.memory_space<vmem>>, vector<1x64x1x128xf32>,
    %get3A_828 = arith.constant 1728 : index
    %get3A_829 = arith.constant 0 : index
    %get3A_830 = vector.load %arg4[%get3A_828, %get3A_829] : memref<2048x128xf32, #tpu.memory_space<vmem>>, vector<64x128xf32>
    %transpose3A_831 = tpu.transpose %get3A_830, [1, 0] : vector<64x128xf32> -> vector<128x64xf32>
    %slice3A_832 = vector.extract_strided_slice %transpose3A_831 {offsets = [0, 0], sizes = [64, 64], strides = [1, 1]} : vector<128x64xf32> to vector<64x64xf32>
    %slice3A_833 = vector.extract_strided_slice %transpose3A_831 {offsets = [64, 0], sizes = [64, 64], strides = [1, 1]} : vector<128x64xf32> to vector<64x64xf32>
    %concatenate3A_834 = tpu.concatenate %slice3A_832, %slice3A_833 in 1 : vector<64x64xf32>, vector<64x64xf32> -> vector<64x128xf32>
    %get3A_835 = arith.constant 0 : index
    %get3A_836 = arith.constant 0 : index
    %get3A_837 = arith.constant 27 : index
    %get3A_838 = arith.constant 0 : index
    %get3A_839 = vector.load %arg3[%get3A_835, %get3A_836, %get3A_837, %get3A_838] : memref<1x1x32x128xf32, #tpu.memory_space<vmem>>, vector<1x1x1x128xf32>
    %get3A_840 = vector.shape_cast %get3A_839 : vector<1x1x1x128xf32> to vector<128xf32>
    %broadcast_in_dim3A_841 = vector.shape_cast %get3A_840 : vector<128xf32> to vector<1x128xf32>
    %get3A_842 = arith.constant 0 : index
    %get3A_843 = arith.constant 0 : index
    %get3A_844 = arith.constant 27 : index
    %get3A_845 = arith.constant 0 : index
    %get3A_846 = vector.load %arg2[%get3A_842, %get3A_843, %get3A_844, %get3A_845] : memref<1x64x32x128xf32, #tpu.memory_space<vmem>>, vector<1x64x1x128xf32>
    %get3A_847 = vector.shape_cast %get3A_846 : vector<1x64x1x128xf32> to vector<64x128xf32>
    %sub3A_848 = arith.subf %concatenate3A_834, %get3A_847 : vector<64x128xf32>
    %mul3A_849 = vector.broadcast %broadcast_in_dim3A_841 : vector<1x128xf32> to vector<64x128xf32>
    %mul3A_850 = arith.mulf %sub3A_848, %mul3A_849 : vector<64x128xf32>
    %add3A_851 = arith.addf %get3A_847, %mul3A_850 : vector<64x128xf32>
    %swap3A_852 = arith.constant 0 : index
    %swap3A_853 = arith.constant 0 : index
    %swap3A_854 = arith.constant 27 : index
    %swap3A_855 = arith.constant 0 : index
    %swap3A_856 = vector.load %arg5[%swap3A_852, %swap3A_853, %swap3A_854, %swap3A_855] : memref<1x64x32x128xf32, #tpu.memory_space<vmem>>, vector<1x64x1x128xf32>
    %swap3A_857 = vector.shape_cast %swap3A_856 : vector<1x64x1x128xf32> to vector<64x128xf32>
    %swap3A_858 = vector.shape_cast %add3A_851 : vector<64x128xf32> to vector<1x64x1x128xf32>
    tpu.vector_store %arg5[%swap3A_852, %swap3A_853, %swap3A_854, %swap3A_855], %swap3A_858 {strides = array<i32>} : memref<1x64x32x128xf32, #tpu.memory_space<vmem>>, vector<1x64x1x128xf32>,
    %get3A_859 = arith.constant 1792 : index
    %get3A_860 = arith.constant 0 : index
    %get3A_861 = vector.load %arg4[%get3A_859, %get3A_860] : memref<2048x128xf32, #tpu.memory_space<vmem>>, vector<64x128xf32>
    %transpose3A_862 = tpu.transpose %get3A_861, [1, 0] : vector<64x128xf32> -> vector<128x64xf32>
    %slice3A_863 = vector.extract_strided_slice %transpose3A_862 {offsets = [0, 0], sizes = [64, 64], strides = [1, 1]} : vector<128x64xf32> to vector<64x64xf32>
    %slice3A_864 = vector.extract_strided_slice %transpose3A_862 {offsets = [64, 0], sizes = [64, 64], strides = [1, 1]} : vector<128x64xf32> to vector<64x64xf32>
    %concatenate3A_865 = tpu.concatenate %slice3A_863, %slice3A_864 in 1 : vector<64x64xf32>, vector<64x64xf32> -> vector<64x128xf32>
    %get3A_866 = arith.constant 0 : index
    %get3A_867 = arith.constant 0 : index
    %get3A_868 = arith.constant 28 : index
    %get3A_869 = arith.constant 0 : index
    %get3A_870 = vector.load %arg3[%get3A_866, %get3A_867, %get3A_868, %get3A_869] : memref<1x1x32x128xf32, #tpu.memory_space<vmem>>, vector<1x1x1x128xf32>
    %get3A_871 = vector.shape_cast %get3A_870 : vector<1x1x1x128xf32> to vector<128xf32>
    %broadcast_in_dim3A_872 = vector.shape_cast %get3A_871 : vector<128xf32> to vector<1x128xf32>
    %get3A_873 = arith.constant 0 : index
    %get3A_874 = arith.constant 0 : index
    %get3A_875 = arith.constant 28 : index
    %get3A_876 = arith.constant 0 : index
    %get3A_877 = vector.load %arg2[%get3A_873, %get3A_874, %get3A_875, %get3A_876] : memref<1x64x32x128xf32, #tpu.memory_space<vmem>>, vector<1x64x1x128xf32>
    %get3A_878 = vector.shape_cast %get3A_877 : vector<1x64x1x128xf32> to vector<64x128xf32>
    %sub3A_879 = arith.subf %concatenate3A_865, %get3A_878 : vector<64x128xf32>
    %mul3A_880 = vector.broadcast %broadcast_in_dim3A_872 : vector<1x128xf32> to vector<64x128xf32>
    %mul3A_881 = arith.mulf %sub3A_879, %mul3A_880 : vector<64x128xf32>
    %add3A_882 = arith.addf %get3A_878, %mul3A_881 : vector<64x128xf32>
    %swap3A_883 = arith.constant 0 : index
    %swap3A_884 = arith.constant 0 : index
    %swap3A_885 = arith.constant 28 : index
    %swap3A_886 = arith.constant 0 : index
    %swap3A_887 = vector.load %arg5[%swap3A_883, %swap3A_884, %swap3A_885, %swap3A_886] : memref<1x64x32x128xf32, #tpu.memory_space<vmem>>, vector<1x64x1x128xf32>
    %swap3A_888 = vector.shape_cast %swap3A_887 : vector<1x64x1x128xf32> to vector<64x128xf32>
    %swap3A_889 = vector.shape_cast %add3A_882 : vector<64x128xf32> to vector<1x64x1x128xf32>
    tpu.vector_store %arg5[%swap3A_883, %swap3A_884, %swap3A_885, %swap3A_886], %swap3A_889 {strides = array<i32>} : memref<1x64x32x128xf32, #tpu.memory_space<vmem>>, vector<1x64x1x128xf32>,
    %get3A_890 = arith.constant 1856 : index
    %get3A_891 = arith.constant 0 : index
    %get3A_892 = vector.load %arg4[%get3A_890, %get3A_891] : memref<2048x128xf32, #tpu.memory_space<vmem>>, vector<64x128xf32>
    %transpose3A_893 = tpu.transpose %get3A_892, [1, 0] : vector<64x128xf32> -> vector<128x64xf32>
    %slice3A_894 = vector.extract_strided_slice %transpose3A_893 {offsets = [0, 0], sizes = [64, 64], strides = [1, 1]} : vector<128x64xf32> to vector<64x64xf32>
    %slice3A_895 = vector.extract_strided_slice %transpose3A_893 {offsets = [64, 0], sizes = [64, 64], strides = [1, 1]} : vector<128x64xf32> to vector<64x64xf32>
    %concatenate3A_896 = tpu.concatenate %slice3A_894, %slice3A_895 in 1 : vector<64x64xf32>, vector<64x64xf32> -> vector<64x128xf32>
    %get3A_897 = arith.constant 0 : index
    %get3A_898 = arith.constant 0 : index
    %get3A_899 = arith.constant 29 : index
    %get3A_900 = arith.constant 0 : index
    %get3A_901 = vector.load %arg3[%get3A_897, %get3A_898, %get3A_899, %get3A_900] : memref<1x1x32x128xf32, #tpu.memory_space<vmem>>, vector<1x1x1x128xf32>
    %get3A_902 = vector.shape_cast %get3A_901 : vector<1x1x1x128xf32> to vector<128xf32>
    %broadcast_in_dim3A_903 = vector.shape_cast %get3A_902 : vector<128xf32> to vector<1x128xf32>
    %get3A_904 = arith.constant 0 : index
    %get3A_905 = arith.constant 0 : index
    %get3A_906 = arith.constant 29 : index
    %get3A_907 = arith.constant 0 : index
    %get3A_908 = vector.load %arg2[%get3A_904, %get3A_905, %get3A_906, %get3A_907] : memref<1x64x32x128xf32, #tpu.memory_space<vmem>>, vector<1x64x1x128xf32>
    %get3A_909 = vector.shape_cast %get3A_908 : vector<1x64x1x128xf32> to vector<64x128xf32>
    %sub3A_910 = arith.subf %concatenate3A_896, %get3A_909 : vector<64x128xf32>
    %mul3A_911 = vector.broadcast %broadcast_in_dim3A_903 : vector<1x128xf32> to vector<64x128xf32>
    %mul3A_912 = arith.mulf %sub3A_910, %mul3A_911 : vector<64x128xf32>
    %add3A_913 = arith.addf %get3A_909, %mul3A_912 : vector<64x128xf32>
    %swap3A_914 = arith.constant 0 : index
    %swap3A_915 = arith.constant 0 : index
    %swap3A_916 = arith.constant 29 : index
    %swap3A_917 = arith.constant 0 : index
    %swap3A_918 = vector.load %arg5[%swap3A_914, %swap3A_915, %swap3A_916, %swap3A_917] : memref<1x64x32x128xf32, #tpu.memory_space<vmem>>, vector<1x64x1x128xf32>
    %swap3A_919 = vector.shape_cast %swap3A_918 : vector<1x64x1x128xf32> to vector<64x128xf32>
    %swap3A_920 = vector.shape_cast %add3A_913 : vector<64x128xf32> to vector<1x64x1x128xf32>
    tpu.vector_store %arg5[%swap3A_914, %swap3A_915, %swap3A_916, %swap3A_917], %swap3A_920 {strides = array<i32>} : memref<1x64x32x128xf32, #tpu.memory_space<vmem>>, vector<1x64x1x128xf32>,
    %get3A_921 = arith.constant 1920 : index
    %get3A_922 = arith.constant 0 : index
    %get3A_923 = vector.load %arg4[%get3A_921, %get3A_922] : memref<2048x128xf32, #tpu.memory_space<vmem>>, vector<64x128xf32>
    %transpose3A_924 = tpu.transpose %get3A_923, [1, 0] : vector<64x128xf32> -> vector<128x64xf32>
    %slice3A_925 = vector.extract_strided_slice %transpose3A_924 {offsets = [0, 0], sizes = [64, 64], strides = [1, 1]} : vector<128x64xf32> to vector<64x64xf32>
    %slice3A_926 = vector.extract_strided_slice %transpose3A_924 {offsets = [64, 0], sizes = [64, 64], strides = [1, 1]} : vector<128x64xf32> to vector<64x64xf32>
    %concatenate3A_927 = tpu.concatenate %slice3A_925, %slice3A_926 in 1 : vector<64x64xf32>, vector<64x64xf32> -> vector<64x128xf32>
    %get3A_928 = arith.constant 0 : index
    %get3A_929 = arith.constant 0 : index
    %get3A_930 = arith.constant 30 : index
    %get3A_931 = arith.constant 0 : index
    %get3A_932 = vector.load %arg3[%get3A_928, %get3A_929, %get3A_930, %get3A_931] : memref<1x1x32x128xf32, #tpu.memory_space<vmem>>, vector<1x1x1x128xf32>
    %get3A_933 = vector.shape_cast %get3A_932 : vector<1x1x1x128xf32> to vector<128xf32>
    %broadcast_in_dim3A_934 = vector.shape_cast %get3A_933 : vector<128xf32> to vector<1x128xf32>
    %get3A_935 = arith.constant 0 : index
    %get3A_936 = arith.constant 0 : index
    %get3A_937 = arith.constant 30 : index
    %get3A_938 = arith.constant 0 : index
    %get3A_939 = vector.load %arg2[%get3A_935, %get3A_936, %get3A_937, %get3A_938] : memref<1x64x32x128xf32, #tpu.memory_space<vmem>>, vector<1x64x1x128xf32>
    %get3A_940 = vector.shape_cast %get3A_939 : vector<1x64x1x128xf32> to vector<64x128xf32>
    %sub3A_941 = arith.subf %concatenate3A_927, %get3A_940 : vector<64x128xf32>
    %mul3A_942 = vector.broadcast %broadcast_in_dim3A_934 : vector<1x128xf32> to vector<64x128xf32>
    %mul3A_943 = arith.mulf %sub3A_941, %mul3A_942 : vector<64x128xf32>
    %add3A_944 = arith.addf %get3A_940, %mul3A_943 : vector<64x128xf32>
    %swap3A_945 = arith.constant 0 : index
    %swap3A_946 = arith.constant 0 : index
    %swap3A_947 = arith.constant 30 : index
    %swap3A_948 = arith.constant 0 : index
    %swap3A_949 = vector.load %arg5[%swap3A_945, %swap3A_946, %swap3A_947, %swap3A_948] : memref<1x64x32x128xf32, #tpu.memory_space<vmem>>, vector<1x64x1x128xf32>
    %swap3A_950 = vector.shape_cast %swap3A_949 : vector<1x64x1x128xf32> to vector<64x128xf32>
    %swap3A_951 = vector.shape_cast %add3A_944 : vector<64x128xf32> to vector<1x64x1x128xf32>
    tpu.vector_store %arg5[%swap3A_945, %swap3A_946, %swap3A_947, %swap3A_948], %swap3A_951 {strides = array<i32>} : memref<1x64x32x128xf32, #tpu.memory_space<vmem>>, vector<1x64x1x128xf32>,
    %get3A_952 = arith.constant 1984 : index
    %get3A_953 = arith.constant 0 : index
    %get3A_954 = vector.load %arg4[%get3A_952, %get3A_953] : memref<2048x128xf32, #tpu.memory_space<vmem>>, vector<64x128xf32>
    %transpose3A_955 = tpu.transpose %get3A_954, [1, 0] : vector<64x128xf32> -> vector<128x64xf32>
    %slice3A_956 = vector.extract_strided_slice %transpose3A_955 {offsets = [0, 0], sizes = [64, 64], strides = [1, 1]} : vector<128x64xf32> to vector<64x64xf32>
    %slice3A_957 = vector.extract_strided_slice %transpose3A_955 {offsets = [64, 0], sizes = [64, 64], strides = [1, 1]} : vector<128x64xf32> to vector<64x64xf32>
    %concatenate3A_958 = tpu.concatenate %slice3A_956, %slice3A_957 in 1 : vector<64x64xf32>, vector<64x64xf32> -> vector<64x128xf32>
    %get3A_959 = arith.constant 0 : index
    %get3A_960 = arith.constant 0 : index
    %get3A_961 = arith.constant 31 : index
    %get3A_962 = arith.constant 0 : index
    %get3A_963 = vector.load %arg3[%get3A_959, %get3A_960, %get3A_961, %get3A_962] : memref<1x1x32x128xf32, #tpu.memory_space<vmem>>, vector<1x1x1x128xf32>
    %get3A_964 = vector.shape_cast %get3A_963 : vector<1x1x1x128xf32> to vector<128xf32>
    %broadcast_in_dim3A_965 = vector.shape_cast %get3A_964 : vector<128xf32> to vector<1x128xf32>
    %get3A_966 = arith.constant 0 : index
    %get3A_967 = arith.constant 0 : index
    %get3A_968 = arith.constant 31 : index
    %get3A_969 = arith.constant 0 : index
    %get3A_970 = vector.load %arg2[%get3A_966, %get3A_967, %get3A_968, %get3A_969] : memref<1x64x32x128xf32, #tpu.memory_space<vmem>>, vector<1x64x1x128xf32>
    %get3A_971 = vector.shape_cast %get3A_970 : vector<1x64x1x128xf32> to vector<64x128xf32>
    %sub3A_972 = arith.subf %concatenate3A_958, %get3A_971 : vector<64x128xf32>
    %mul3A_973 = vector.broadcast %broadcast_in_dim3A_965 : vector<1x128xf32> to vector<64x128xf32>
    %mul3A_974 = arith.mulf %sub3A_972, %mul3A_973 : vector<64x128xf32>
    %add3A_975 = arith.addf %get3A_971, %mul3A_974 : vector<64x128xf32>
    %swap3A_976 = arith.constant 0 : index
    %swap3A_977 = arith.constant 0 : index
    %swap3A_978 = arith.constant 31 : index
    %swap3A_979 = arith.constant 0 : index
    %swap3A_980 = vector.load %arg5[%swap3A_976, %swap3A_977, %swap3A_978, %swap3A_979] : memref<1x64x32x128xf32, #tpu.memory_space<vmem>>, vector<1x64x1x128xf32>
    %swap3A_981 = vector.shape_cast %swap3A_980 : vector<1x64x1x128xf32> to vector<64x128xf32>
    %swap3A_982 = vector.shape_cast %add3A_975 : vector<64x128xf32> to vector<1x64x1x128xf32>
    tpu.vector_store %arg5[%swap3A_976, %swap3A_977, %swap3A_978, %swap3A_979], %swap3A_982 {strides = array<i32>} : memref<1x64x32x128xf32, #tpu.memory_space<vmem>>, vector<1x64x1x128xf32>,
    return
  }
  func.func @transform_0(%arg0: i32, %arg1: i32) -> (i32, i32, i32, i32) {
    %c0_i32 = arith.constant 0 : i32
    %c0_i32_0 = arith.constant 0 : i32
    %c0_i32_1 = arith.constant 0 : i32
    return %arg0, %c0_i32, %arg1, %c0_i32_0 : i32, i32, i32, i32
  }
  func.func @transform_1(%arg0: i32, %arg1: i32) -> (i32, i32, i32, i32) {
    %c0_i32 = arith.constant 0 : i32
    %c0_i32_0 = arith.constant 0 : i32
    %c0_i32_1 = arith.constant 0 : i32
    return %arg0, %c0_i32, %arg1, %c0_i32_0 : i32, i32, i32, i32
  }
  func.func @transform_2(%arg0: i32, %arg1: i32) -> (i32, i32) {
    %mul3A = arith.constant 1 : i32
    %mul3A_0 = arith.muli %arg0, %mul3A : i32
    %add3A = arith.addi %mul3A_0, %arg1 : i32
    %c0_i32 = arith.constant 0 : i32
    %c0_i32_1 = arith.constant 0 : i32
    return %add3A, %c0_i32 : i32, i32
  }
  func.func @transform_3(%arg0: i32, %arg1: i32) -> (i32, i32, i32, i32) {
    %c0_i32 = arith.constant 0 : i32
    %c0_i32_0 = arith.constant 0 : i32
    %c0_i32_1 = arith.constant 0 : i32
    return %arg0, %c0_i32, %arg1, %c0_i32_0 : i32, i32, i32, i32
  }
}

module attributes {stable_mosaic.version = 14 : i64} {
  func.func @_blend_body(%arg0: i32, %arg1: i32, %arg2: memref<1x64x32x256xf32, #tpu.memory_space<vmem>>, %arg3: memref<1x1x32x256xf32, #tpu.memory_space<vmem>>, %arg4: memref<4096x128xf32, #tpu.memory_space<vmem>>, %arg5: memref<1x64x32x256xf32, #tpu.memory_space<vmem>>) attributes {dimension_semantics = [#tpu.dimension_semantics<parallel>, #tpu.dimension_semantics<parallel>], iteration_bounds = array<i64: 16, 2>, scalar_prefetch = 0 : i64, scratch_operands = 0 : i64, tpu.core_type = #tpu.core_type<tc>, window_params = [{transform_indices = @transform_0, window_bounds = array<i64: 1, 64, 32, 256>}, {transform_indices = @transform_1, window_bounds = array<i64: 1, 1, 32, 256>}, {transform_indices = @transform_2, window_bounds = array<i64: 4096, 128>}, {transform_indices = @transform_3, window_bounds = array<i64: 1, 64, 32, 256>}]} {
    %get3A = arith.constant 0 : index
    %get3A_0 = arith.constant 0 : index
    %get3A_1 = vector.load %arg4[%get3A, %get3A_0] : memref<4096x128xf32, #tpu.memory_space<vmem>>, vector<128x128xf32>
    %transpose3A = tpu.transpose %get3A_1, [1, 0] : vector<128x128xf32> -> vector<128x128xf32>
    %slice3A = vector.extract_strided_slice %transpose3A {offsets = [0, 0], sizes = [64, 128], strides = [1, 1]} : vector<128x128xf32> to vector<64x128xf32>
    %slice3A_2 = vector.extract_strided_slice %transpose3A {offsets = [64, 0], sizes = [64, 128], strides = [1, 1]} : vector<128x128xf32> to vector<64x128xf32>
    %concatenate3A = tpu.concatenate %slice3A, %slice3A_2 in 1 : vector<64x128xf32>, vector<64x128xf32> -> vector<64x256xf32>
    %get3A_3 = arith.constant 0 : index
    %get3A_4 = arith.constant 0 : index
    %get3A_5 = arith.constant 0 : index
    %get3A_6 = arith.constant 0 : index
    %get3A_7 = vector.load %arg3[%get3A_3, %get3A_4, %get3A_5, %get3A_6] : memref<1x1x32x256xf32, #tpu.memory_space<vmem>>, vector<1x1x1x256xf32>
    %get3A_8 = vector.shape_cast %get3A_7 : vector<1x1x1x256xf32> to vector<256xf32>
    %broadcast_in_dim3A = vector.shape_cast %get3A_8 : vector<256xf32> to vector<1x256xf32>
    %get3A_9 = arith.constant 0 : index
    %get3A_10 = arith.constant 0 : index
    %get3A_11 = arith.constant 0 : index
    %get3A_12 = arith.constant 0 : index
    %get3A_13 = vector.load %arg2[%get3A_9, %get3A_10, %get3A_11, %get3A_12] : memref<1x64x32x256xf32, #tpu.memory_space<vmem>>, vector<1x64x1x256xf32>
    %get3A_14 = vector.shape_cast %get3A_13 : vector<1x64x1x256xf32> to vector<64x256xf32>
    %sub3A = arith.subf %concatenate3A, %get3A_14 : vector<64x256xf32>
    %mul3A = vector.broadcast %broadcast_in_dim3A : vector<1x256xf32> to vector<64x256xf32>
    %mul3A_15 = arith.mulf %sub3A, %mul3A : vector<64x256xf32>
    %add3A = arith.addf %get3A_14, %mul3A_15 : vector<64x256xf32>
    %swap3A = arith.constant 0 : index
    %swap3A_16 = arith.constant 0 : index
    %swap3A_17 = arith.constant 0 : index
    %swap3A_18 = arith.constant 0 : index
    %swap3A_19 = vector.load %arg5[%swap3A, %swap3A_16, %swap3A_17, %swap3A_18] : memref<1x64x32x256xf32, #tpu.memory_space<vmem>>, vector<1x64x1x256xf32>
    %swap3A_20 = vector.shape_cast %swap3A_19 : vector<1x64x1x256xf32> to vector<64x256xf32>
    %swap3A_21 = vector.shape_cast %add3A : vector<64x256xf32> to vector<1x64x1x256xf32>
    tpu.vector_store %arg5[%swap3A, %swap3A_16, %swap3A_17, %swap3A_18], %swap3A_21 {strides = array<i32>} : memref<1x64x32x256xf32, #tpu.memory_space<vmem>>, vector<1x64x1x256xf32>,
    %get3A_22 = arith.constant 128 : index
    %get3A_23 = arith.constant 0 : index
    %get3A_24 = vector.load %arg4[%get3A_22, %get3A_23] : memref<4096x128xf32, #tpu.memory_space<vmem>>, vector<128x128xf32>
    %transpose3A_25 = tpu.transpose %get3A_24, [1, 0] : vector<128x128xf32> -> vector<128x128xf32>
    %slice3A_26 = vector.extract_strided_slice %transpose3A_25 {offsets = [0, 0], sizes = [64, 128], strides = [1, 1]} : vector<128x128xf32> to vector<64x128xf32>
    %slice3A_27 = vector.extract_strided_slice %transpose3A_25 {offsets = [64, 0], sizes = [64, 128], strides = [1, 1]} : vector<128x128xf32> to vector<64x128xf32>
    %concatenate3A_28 = tpu.concatenate %slice3A_26, %slice3A_27 in 1 : vector<64x128xf32>, vector<64x128xf32> -> vector<64x256xf32>
    %get3A_29 = arith.constant 0 : index
    %get3A_30 = arith.constant 0 : index
    %get3A_31 = arith.constant 1 : index
    %get3A_32 = arith.constant 0 : index
    %get3A_33 = vector.load %arg3[%get3A_29, %get3A_30, %get3A_31, %get3A_32] : memref<1x1x32x256xf32, #tpu.memory_space<vmem>>, vector<1x1x1x256xf32>
    %get3A_34 = vector.shape_cast %get3A_33 : vector<1x1x1x256xf32> to vector<256xf32>
    %broadcast_in_dim3A_35 = vector.shape_cast %get3A_34 : vector<256xf32> to vector<1x256xf32>
    %get3A_36 = arith.constant 0 : index
    %get3A_37 = arith.constant 0 : index
    %get3A_38 = arith.constant 1 : index
    %get3A_39 = arith.constant 0 : index
    %get3A_40 = vector.load %arg2[%get3A_36, %get3A_37, %get3A_38, %get3A_39] : memref<1x64x32x256xf32, #tpu.memory_space<vmem>>, vector<1x64x1x256xf32>
    %get3A_41 = vector.shape_cast %get3A_40 : vector<1x64x1x256xf32> to vector<64x256xf32>
    %sub3A_42 = arith.subf %concatenate3A_28, %get3A_41 : vector<64x256xf32>
    %mul3A_43 = vector.broadcast %broadcast_in_dim3A_35 : vector<1x256xf32> to vector<64x256xf32>
    %mul3A_44 = arith.mulf %sub3A_42, %mul3A_43 : vector<64x256xf32>
    %add3A_45 = arith.addf %get3A_41, %mul3A_44 : vector<64x256xf32>
    %swap3A_46 = arith.constant 0 : index
    %swap3A_47 = arith.constant 0 : index
    %swap3A_48 = arith.constant 1 : index
    %swap3A_49 = arith.constant 0 : index
    %swap3A_50 = vector.load %arg5[%swap3A_46, %swap3A_47, %swap3A_48, %swap3A_49] : memref<1x64x32x256xf32, #tpu.memory_space<vmem>>, vector<1x64x1x256xf32>
    %swap3A_51 = vector.shape_cast %swap3A_50 : vector<1x64x1x256xf32> to vector<64x256xf32>
    %swap3A_52 = vector.shape_cast %add3A_45 : vector<64x256xf32> to vector<1x64x1x256xf32>
    tpu.vector_store %arg5[%swap3A_46, %swap3A_47, %swap3A_48, %swap3A_49], %swap3A_52 {strides = array<i32>} : memref<1x64x32x256xf32, #tpu.memory_space<vmem>>, vector<1x64x1x256xf32>,
    %get3A_53 = arith.constant 256 : index
    %get3A_54 = arith.constant 0 : index
    %get3A_55 = vector.load %arg4[%get3A_53, %get3A_54] : memref<4096x128xf32, #tpu.memory_space<vmem>>, vector<128x128xf32>
    %transpose3A_56 = tpu.transpose %get3A_55, [1, 0] : vector<128x128xf32> -> vector<128x128xf32>
    %slice3A_57 = vector.extract_strided_slice %transpose3A_56 {offsets = [0, 0], sizes = [64, 128], strides = [1, 1]} : vector<128x128xf32> to vector<64x128xf32>
    %slice3A_58 = vector.extract_strided_slice %transpose3A_56 {offsets = [64, 0], sizes = [64, 128], strides = [1, 1]} : vector<128x128xf32> to vector<64x128xf32>
    %concatenate3A_59 = tpu.concatenate %slice3A_57, %slice3A_58 in 1 : vector<64x128xf32>, vector<64x128xf32> -> vector<64x256xf32>
    %get3A_60 = arith.constant 0 : index
    %get3A_61 = arith.constant 0 : index
    %get3A_62 = arith.constant 2 : index
    %get3A_63 = arith.constant 0 : index
    %get3A_64 = vector.load %arg3[%get3A_60, %get3A_61, %get3A_62, %get3A_63] : memref<1x1x32x256xf32, #tpu.memory_space<vmem>>, vector<1x1x1x256xf32>
    %get3A_65 = vector.shape_cast %get3A_64 : vector<1x1x1x256xf32> to vector<256xf32>
    %broadcast_in_dim3A_66 = vector.shape_cast %get3A_65 : vector<256xf32> to vector<1x256xf32>
    %get3A_67 = arith.constant 0 : index
    %get3A_68 = arith.constant 0 : index
    %get3A_69 = arith.constant 2 : index
    %get3A_70 = arith.constant 0 : index
    %get3A_71 = vector.load %arg2[%get3A_67, %get3A_68, %get3A_69, %get3A_70] : memref<1x64x32x256xf32, #tpu.memory_space<vmem>>, vector<1x64x1x256xf32>
    %get3A_72 = vector.shape_cast %get3A_71 : vector<1x64x1x256xf32> to vector<64x256xf32>
    %sub3A_73 = arith.subf %concatenate3A_59, %get3A_72 : vector<64x256xf32>
    %mul3A_74 = vector.broadcast %broadcast_in_dim3A_66 : vector<1x256xf32> to vector<64x256xf32>
    %mul3A_75 = arith.mulf %sub3A_73, %mul3A_74 : vector<64x256xf32>
    %add3A_76 = arith.addf %get3A_72, %mul3A_75 : vector<64x256xf32>
    %swap3A_77 = arith.constant 0 : index
    %swap3A_78 = arith.constant 0 : index
    %swap3A_79 = arith.constant 2 : index
    %swap3A_80 = arith.constant 0 : index
    %swap3A_81 = vector.load %arg5[%swap3A_77, %swap3A_78, %swap3A_79, %swap3A_80] : memref<1x64x32x256xf32, #tpu.memory_space<vmem>>, vector<1x64x1x256xf32>
    %swap3A_82 = vector.shape_cast %swap3A_81 : vector<1x64x1x256xf32> to vector<64x256xf32>
    %swap3A_83 = vector.shape_cast %add3A_76 : vector<64x256xf32> to vector<1x64x1x256xf32>
    tpu.vector_store %arg5[%swap3A_77, %swap3A_78, %swap3A_79, %swap3A_80], %swap3A_83 {strides = array<i32>} : memref<1x64x32x256xf32, #tpu.memory_space<vmem>>, vector<1x64x1x256xf32>,
    %get3A_84 = arith.constant 384 : index
    %get3A_85 = arith.constant 0 : index
    %get3A_86 = vector.load %arg4[%get3A_84, %get3A_85] : memref<4096x128xf32, #tpu.memory_space<vmem>>, vector<128x128xf32>
    %transpose3A_87 = tpu.transpose %get3A_86, [1, 0] : vector<128x128xf32> -> vector<128x128xf32>
    %slice3A_88 = vector.extract_strided_slice %transpose3A_87 {offsets = [0, 0], sizes = [64, 128], strides = [1, 1]} : vector<128x128xf32> to vector<64x128xf32>
    %slice3A_89 = vector.extract_strided_slice %transpose3A_87 {offsets = [64, 0], sizes = [64, 128], strides = [1, 1]} : vector<128x128xf32> to vector<64x128xf32>
    %concatenate3A_90 = tpu.concatenate %slice3A_88, %slice3A_89 in 1 : vector<64x128xf32>, vector<64x128xf32> -> vector<64x256xf32>
    %get3A_91 = arith.constant 0 : index
    %get3A_92 = arith.constant 0 : index
    %get3A_93 = arith.constant 3 : index
    %get3A_94 = arith.constant 0 : index
    %get3A_95 = vector.load %arg3[%get3A_91, %get3A_92, %get3A_93, %get3A_94] : memref<1x1x32x256xf32, #tpu.memory_space<vmem>>, vector<1x1x1x256xf32>
    %get3A_96 = vector.shape_cast %get3A_95 : vector<1x1x1x256xf32> to vector<256xf32>
    %broadcast_in_dim3A_97 = vector.shape_cast %get3A_96 : vector<256xf32> to vector<1x256xf32>
    %get3A_98 = arith.constant 0 : index
    %get3A_99 = arith.constant 0 : index
    %get3A_100 = arith.constant 3 : index
    %get3A_101 = arith.constant 0 : index
    %get3A_102 = vector.load %arg2[%get3A_98, %get3A_99, %get3A_100, %get3A_101] : memref<1x64x32x256xf32, #tpu.memory_space<vmem>>, vector<1x64x1x256xf32>
    %get3A_103 = vector.shape_cast %get3A_102 : vector<1x64x1x256xf32> to vector<64x256xf32>
    %sub3A_104 = arith.subf %concatenate3A_90, %get3A_103 : vector<64x256xf32>
    %mul3A_105 = vector.broadcast %broadcast_in_dim3A_97 : vector<1x256xf32> to vector<64x256xf32>
    %mul3A_106 = arith.mulf %sub3A_104, %mul3A_105 : vector<64x256xf32>
    %add3A_107 = arith.addf %get3A_103, %mul3A_106 : vector<64x256xf32>
    %swap3A_108 = arith.constant 0 : index
    %swap3A_109 = arith.constant 0 : index
    %swap3A_110 = arith.constant 3 : index
    %swap3A_111 = arith.constant 0 : index
    %swap3A_112 = vector.load %arg5[%swap3A_108, %swap3A_109, %swap3A_110, %swap3A_111] : memref<1x64x32x256xf32, #tpu.memory_space<vmem>>, vector<1x64x1x256xf32>
    %swap3A_113 = vector.shape_cast %swap3A_112 : vector<1x64x1x256xf32> to vector<64x256xf32>
    %swap3A_114 = vector.shape_cast %add3A_107 : vector<64x256xf32> to vector<1x64x1x256xf32>
    tpu.vector_store %arg5[%swap3A_108, %swap3A_109, %swap3A_110, %swap3A_111], %swap3A_114 {strides = array<i32>} : memref<1x64x32x256xf32, #tpu.memory_space<vmem>>, vector<1x64x1x256xf32>,
    %get3A_115 = arith.constant 512 : index
    %get3A_116 = arith.constant 0 : index
    %get3A_117 = vector.load %arg4[%get3A_115, %get3A_116] : memref<4096x128xf32, #tpu.memory_space<vmem>>, vector<128x128xf32>
    %transpose3A_118 = tpu.transpose %get3A_117, [1, 0] : vector<128x128xf32> -> vector<128x128xf32>
    %slice3A_119 = vector.extract_strided_slice %transpose3A_118 {offsets = [0, 0], sizes = [64, 128], strides = [1, 1]} : vector<128x128xf32> to vector<64x128xf32>
    %slice3A_120 = vector.extract_strided_slice %transpose3A_118 {offsets = [64, 0], sizes = [64, 128], strides = [1, 1]} : vector<128x128xf32> to vector<64x128xf32>
    %concatenate3A_121 = tpu.concatenate %slice3A_119, %slice3A_120 in 1 : vector<64x128xf32>, vector<64x128xf32> -> vector<64x256xf32>
    %get3A_122 = arith.constant 0 : index
    %get3A_123 = arith.constant 0 : index
    %get3A_124 = arith.constant 4 : index
    %get3A_125 = arith.constant 0 : index
    %get3A_126 = vector.load %arg3[%get3A_122, %get3A_123, %get3A_124, %get3A_125] : memref<1x1x32x256xf32, #tpu.memory_space<vmem>>, vector<1x1x1x256xf32>
    %get3A_127 = vector.shape_cast %get3A_126 : vector<1x1x1x256xf32> to vector<256xf32>
    %broadcast_in_dim3A_128 = vector.shape_cast %get3A_127 : vector<256xf32> to vector<1x256xf32>
    %get3A_129 = arith.constant 0 : index
    %get3A_130 = arith.constant 0 : index
    %get3A_131 = arith.constant 4 : index
    %get3A_132 = arith.constant 0 : index
    %get3A_133 = vector.load %arg2[%get3A_129, %get3A_130, %get3A_131, %get3A_132] : memref<1x64x32x256xf32, #tpu.memory_space<vmem>>, vector<1x64x1x256xf32>
    %get3A_134 = vector.shape_cast %get3A_133 : vector<1x64x1x256xf32> to vector<64x256xf32>
    %sub3A_135 = arith.subf %concatenate3A_121, %get3A_134 : vector<64x256xf32>
    %mul3A_136 = vector.broadcast %broadcast_in_dim3A_128 : vector<1x256xf32> to vector<64x256xf32>
    %mul3A_137 = arith.mulf %sub3A_135, %mul3A_136 : vector<64x256xf32>
    %add3A_138 = arith.addf %get3A_134, %mul3A_137 : vector<64x256xf32>
    %swap3A_139 = arith.constant 0 : index
    %swap3A_140 = arith.constant 0 : index
    %swap3A_141 = arith.constant 4 : index
    %swap3A_142 = arith.constant 0 : index
    %swap3A_143 = vector.load %arg5[%swap3A_139, %swap3A_140, %swap3A_141, %swap3A_142] : memref<1x64x32x256xf32, #tpu.memory_space<vmem>>, vector<1x64x1x256xf32>
    %swap3A_144 = vector.shape_cast %swap3A_143 : vector<1x64x1x256xf32> to vector<64x256xf32>
    %swap3A_145 = vector.shape_cast %add3A_138 : vector<64x256xf32> to vector<1x64x1x256xf32>
    tpu.vector_store %arg5[%swap3A_139, %swap3A_140, %swap3A_141, %swap3A_142], %swap3A_145 {strides = array<i32>} : memref<1x64x32x256xf32, #tpu.memory_space<vmem>>, vector<1x64x1x256xf32>,
    %get3A_146 = arith.constant 640 : index
    %get3A_147 = arith.constant 0 : index
    %get3A_148 = vector.load %arg4[%get3A_146, %get3A_147] : memref<4096x128xf32, #tpu.memory_space<vmem>>, vector<128x128xf32>
    %transpose3A_149 = tpu.transpose %get3A_148, [1, 0] : vector<128x128xf32> -> vector<128x128xf32>
    %slice3A_150 = vector.extract_strided_slice %transpose3A_149 {offsets = [0, 0], sizes = [64, 128], strides = [1, 1]} : vector<128x128xf32> to vector<64x128xf32>
    %slice3A_151 = vector.extract_strided_slice %transpose3A_149 {offsets = [64, 0], sizes = [64, 128], strides = [1, 1]} : vector<128x128xf32> to vector<64x128xf32>
    %concatenate3A_152 = tpu.concatenate %slice3A_150, %slice3A_151 in 1 : vector<64x128xf32>, vector<64x128xf32> -> vector<64x256xf32>
    %get3A_153 = arith.constant 0 : index
    %get3A_154 = arith.constant 0 : index
    %get3A_155 = arith.constant 5 : index
    %get3A_156 = arith.constant 0 : index
    %get3A_157 = vector.load %arg3[%get3A_153, %get3A_154, %get3A_155, %get3A_156] : memref<1x1x32x256xf32, #tpu.memory_space<vmem>>, vector<1x1x1x256xf32>
    %get3A_158 = vector.shape_cast %get3A_157 : vector<1x1x1x256xf32> to vector<256xf32>
    %broadcast_in_dim3A_159 = vector.shape_cast %get3A_158 : vector<256xf32> to vector<1x256xf32>
    %get3A_160 = arith.constant 0 : index
    %get3A_161 = arith.constant 0 : index
    %get3A_162 = arith.constant 5 : index
    %get3A_163 = arith.constant 0 : index
    %get3A_164 = vector.load %arg2[%get3A_160, %get3A_161, %get3A_162, %get3A_163] : memref<1x64x32x256xf32, #tpu.memory_space<vmem>>, vector<1x64x1x256xf32>
    %get3A_165 = vector.shape_cast %get3A_164 : vector<1x64x1x256xf32> to vector<64x256xf32>
    %sub3A_166 = arith.subf %concatenate3A_152, %get3A_165 : vector<64x256xf32>
    %mul3A_167 = vector.broadcast %broadcast_in_dim3A_159 : vector<1x256xf32> to vector<64x256xf32>
    %mul3A_168 = arith.mulf %sub3A_166, %mul3A_167 : vector<64x256xf32>
    %add3A_169 = arith.addf %get3A_165, %mul3A_168 : vector<64x256xf32>
    %swap3A_170 = arith.constant 0 : index
    %swap3A_171 = arith.constant 0 : index
    %swap3A_172 = arith.constant 5 : index
    %swap3A_173 = arith.constant 0 : index
    %swap3A_174 = vector.load %arg5[%swap3A_170, %swap3A_171, %swap3A_172, %swap3A_173] : memref<1x64x32x256xf32, #tpu.memory_space<vmem>>, vector<1x64x1x256xf32>
    %swap3A_175 = vector.shape_cast %swap3A_174 : vector<1x64x1x256xf32> to vector<64x256xf32>
    %swap3A_176 = vector.shape_cast %add3A_169 : vector<64x256xf32> to vector<1x64x1x256xf32>
    tpu.vector_store %arg5[%swap3A_170, %swap3A_171, %swap3A_172, %swap3A_173], %swap3A_176 {strides = array<i32>} : memref<1x64x32x256xf32, #tpu.memory_space<vmem>>, vector<1x64x1x256xf32>,
    %get3A_177 = arith.constant 768 : index
    %get3A_178 = arith.constant 0 : index
    %get3A_179 = vector.load %arg4[%get3A_177, %get3A_178] : memref<4096x128xf32, #tpu.memory_space<vmem>>, vector<128x128xf32>
    %transpose3A_180 = tpu.transpose %get3A_179, [1, 0] : vector<128x128xf32> -> vector<128x128xf32>
    %slice3A_181 = vector.extract_strided_slice %transpose3A_180 {offsets = [0, 0], sizes = [64, 128], strides = [1, 1]} : vector<128x128xf32> to vector<64x128xf32>
    %slice3A_182 = vector.extract_strided_slice %transpose3A_180 {offsets = [64, 0], sizes = [64, 128], strides = [1, 1]} : vector<128x128xf32> to vector<64x128xf32>
    %concatenate3A_183 = tpu.concatenate %slice3A_181, %slice3A_182 in 1 : vector<64x128xf32>, vector<64x128xf32> -> vector<64x256xf32>
    %get3A_184 = arith.constant 0 : index
    %get3A_185 = arith.constant 0 : index
    %get3A_186 = arith.constant 6 : index
    %get3A_187 = arith.constant 0 : index
    %get3A_188 = vector.load %arg3[%get3A_184, %get3A_185, %get3A_186, %get3A_187] : memref<1x1x32x256xf32, #tpu.memory_space<vmem>>, vector<1x1x1x256xf32>
    %get3A_189 = vector.shape_cast %get3A_188 : vector<1x1x1x256xf32> to vector<256xf32>
    %broadcast_in_dim3A_190 = vector.shape_cast %get3A_189 : vector<256xf32> to vector<1x256xf32>
    %get3A_191 = arith.constant 0 : index
    %get3A_192 = arith.constant 0 : index
    %get3A_193 = arith.constant 6 : index
    %get3A_194 = arith.constant 0 : index
    %get3A_195 = vector.load %arg2[%get3A_191, %get3A_192, %get3A_193, %get3A_194] : memref<1x64x32x256xf32, #tpu.memory_space<vmem>>, vector<1x64x1x256xf32>
    %get3A_196 = vector.shape_cast %get3A_195 : vector<1x64x1x256xf32> to vector<64x256xf32>
    %sub3A_197 = arith.subf %concatenate3A_183, %get3A_196 : vector<64x256xf32>
    %mul3A_198 = vector.broadcast %broadcast_in_dim3A_190 : vector<1x256xf32> to vector<64x256xf32>
    %mul3A_199 = arith.mulf %sub3A_197, %mul3A_198 : vector<64x256xf32>
    %add3A_200 = arith.addf %get3A_196, %mul3A_199 : vector<64x256xf32>
    %swap3A_201 = arith.constant 0 : index
    %swap3A_202 = arith.constant 0 : index
    %swap3A_203 = arith.constant 6 : index
    %swap3A_204 = arith.constant 0 : index
    %swap3A_205 = vector.load %arg5[%swap3A_201, %swap3A_202, %swap3A_203, %swap3A_204] : memref<1x64x32x256xf32, #tpu.memory_space<vmem>>, vector<1x64x1x256xf32>
    %swap3A_206 = vector.shape_cast %swap3A_205 : vector<1x64x1x256xf32> to vector<64x256xf32>
    %swap3A_207 = vector.shape_cast %add3A_200 : vector<64x256xf32> to vector<1x64x1x256xf32>
    tpu.vector_store %arg5[%swap3A_201, %swap3A_202, %swap3A_203, %swap3A_204], %swap3A_207 {strides = array<i32>} : memref<1x64x32x256xf32, #tpu.memory_space<vmem>>, vector<1x64x1x256xf32>,
    %get3A_208 = arith.constant 896 : index
    %get3A_209 = arith.constant 0 : index
    %get3A_210 = vector.load %arg4[%get3A_208, %get3A_209] : memref<4096x128xf32, #tpu.memory_space<vmem>>, vector<128x128xf32>
    %transpose3A_211 = tpu.transpose %get3A_210, [1, 0] : vector<128x128xf32> -> vector<128x128xf32>
    %slice3A_212 = vector.extract_strided_slice %transpose3A_211 {offsets = [0, 0], sizes = [64, 128], strides = [1, 1]} : vector<128x128xf32> to vector<64x128xf32>
    %slice3A_213 = vector.extract_strided_slice %transpose3A_211 {offsets = [64, 0], sizes = [64, 128], strides = [1, 1]} : vector<128x128xf32> to vector<64x128xf32>
    %concatenate3A_214 = tpu.concatenate %slice3A_212, %slice3A_213 in 1 : vector<64x128xf32>, vector<64x128xf32> -> vector<64x256xf32>
    %get3A_215 = arith.constant 0 : index
    %get3A_216 = arith.constant 0 : index
    %get3A_217 = arith.constant 7 : index
    %get3A_218 = arith.constant 0 : index
    %get3A_219 = vector.load %arg3[%get3A_215, %get3A_216, %get3A_217, %get3A_218] : memref<1x1x32x256xf32, #tpu.memory_space<vmem>>, vector<1x1x1x256xf32>
    %get3A_220 = vector.shape_cast %get3A_219 : vector<1x1x1x256xf32> to vector<256xf32>
    %broadcast_in_dim3A_221 = vector.shape_cast %get3A_220 : vector<256xf32> to vector<1x256xf32>
    %get3A_222 = arith.constant 0 : index
    %get3A_223 = arith.constant 0 : index
    %get3A_224 = arith.constant 7 : index
    %get3A_225 = arith.constant 0 : index
    %get3A_226 = vector.load %arg2[%get3A_222, %get3A_223, %get3A_224, %get3A_225] : memref<1x64x32x256xf32, #tpu.memory_space<vmem>>, vector<1x64x1x256xf32>
    %get3A_227 = vector.shape_cast %get3A_226 : vector<1x64x1x256xf32> to vector<64x256xf32>
    %sub3A_228 = arith.subf %concatenate3A_214, %get3A_227 : vector<64x256xf32>
    %mul3A_229 = vector.broadcast %broadcast_in_dim3A_221 : vector<1x256xf32> to vector<64x256xf32>
    %mul3A_230 = arith.mulf %sub3A_228, %mul3A_229 : vector<64x256xf32>
    %add3A_231 = arith.addf %get3A_227, %mul3A_230 : vector<64x256xf32>
    %swap3A_232 = arith.constant 0 : index
    %swap3A_233 = arith.constant 0 : index
    %swap3A_234 = arith.constant 7 : index
    %swap3A_235 = arith.constant 0 : index
    %swap3A_236 = vector.load %arg5[%swap3A_232, %swap3A_233, %swap3A_234, %swap3A_235] : memref<1x64x32x256xf32, #tpu.memory_space<vmem>>, vector<1x64x1x256xf32>
    %swap3A_237 = vector.shape_cast %swap3A_236 : vector<1x64x1x256xf32> to vector<64x256xf32>
    %swap3A_238 = vector.shape_cast %add3A_231 : vector<64x256xf32> to vector<1x64x1x256xf32>
    tpu.vector_store %arg5[%swap3A_232, %swap3A_233, %swap3A_234, %swap3A_235], %swap3A_238 {strides = array<i32>} : memref<1x64x32x256xf32, #tpu.memory_space<vmem>>, vector<1x64x1x256xf32>,
    %get3A_239 = arith.constant 1024 : index
    %get3A_240 = arith.constant 0 : index
    %get3A_241 = vector.load %arg4[%get3A_239, %get3A_240] : memref<4096x128xf32, #tpu.memory_space<vmem>>, vector<128x128xf32>
    %transpose3A_242 = tpu.transpose %get3A_241, [1, 0] : vector<128x128xf32> -> vector<128x128xf32>
    %slice3A_243 = vector.extract_strided_slice %transpose3A_242 {offsets = [0, 0], sizes = [64, 128], strides = [1, 1]} : vector<128x128xf32> to vector<64x128xf32>
    %slice3A_244 = vector.extract_strided_slice %transpose3A_242 {offsets = [64, 0], sizes = [64, 128], strides = [1, 1]} : vector<128x128xf32> to vector<64x128xf32>
    %concatenate3A_245 = tpu.concatenate %slice3A_243, %slice3A_244 in 1 : vector<64x128xf32>, vector<64x128xf32> -> vector<64x256xf32>
    %get3A_246 = arith.constant 0 : index
    %get3A_247 = arith.constant 0 : index
    %get3A_248 = arith.constant 8 : index
    %get3A_249 = arith.constant 0 : index
    %get3A_250 = vector.load %arg3[%get3A_246, %get3A_247, %get3A_248, %get3A_249] : memref<1x1x32x256xf32, #tpu.memory_space<vmem>>, vector<1x1x1x256xf32>
    %get3A_251 = vector.shape_cast %get3A_250 : vector<1x1x1x256xf32> to vector<256xf32>
    %broadcast_in_dim3A_252 = vector.shape_cast %get3A_251 : vector<256xf32> to vector<1x256xf32>
    %get3A_253 = arith.constant 0 : index
    %get3A_254 = arith.constant 0 : index
    %get3A_255 = arith.constant 8 : index
    %get3A_256 = arith.constant 0 : index
    %get3A_257 = vector.load %arg2[%get3A_253, %get3A_254, %get3A_255, %get3A_256] : memref<1x64x32x256xf32, #tpu.memory_space<vmem>>, vector<1x64x1x256xf32>
    %get3A_258 = vector.shape_cast %get3A_257 : vector<1x64x1x256xf32> to vector<64x256xf32>
    %sub3A_259 = arith.subf %concatenate3A_245, %get3A_258 : vector<64x256xf32>
    %mul3A_260 = vector.broadcast %broadcast_in_dim3A_252 : vector<1x256xf32> to vector<64x256xf32>
    %mul3A_261 = arith.mulf %sub3A_259, %mul3A_260 : vector<64x256xf32>
    %add3A_262 = arith.addf %get3A_258, %mul3A_261 : vector<64x256xf32>
    %swap3A_263 = arith.constant 0 : index
    %swap3A_264 = arith.constant 0 : index
    %swap3A_265 = arith.constant 8 : index
    %swap3A_266 = arith.constant 0 : index
    %swap3A_267 = vector.load %arg5[%swap3A_263, %swap3A_264, %swap3A_265, %swap3A_266] : memref<1x64x32x256xf32, #tpu.memory_space<vmem>>, vector<1x64x1x256xf32>
    %swap3A_268 = vector.shape_cast %swap3A_267 : vector<1x64x1x256xf32> to vector<64x256xf32>
    %swap3A_269 = vector.shape_cast %add3A_262 : vector<64x256xf32> to vector<1x64x1x256xf32>
    tpu.vector_store %arg5[%swap3A_263, %swap3A_264, %swap3A_265, %swap3A_266], %swap3A_269 {strides = array<i32>} : memref<1x64x32x256xf32, #tpu.memory_space<vmem>>, vector<1x64x1x256xf32>,
    %get3A_270 = arith.constant 1152 : index
    %get3A_271 = arith.constant 0 : index
    %get3A_272 = vector.load %arg4[%get3A_270, %get3A_271] : memref<4096x128xf32, #tpu.memory_space<vmem>>, vector<128x128xf32>
    %transpose3A_273 = tpu.transpose %get3A_272, [1, 0] : vector<128x128xf32> -> vector<128x128xf32>
    %slice3A_274 = vector.extract_strided_slice %transpose3A_273 {offsets = [0, 0], sizes = [64, 128], strides = [1, 1]} : vector<128x128xf32> to vector<64x128xf32>
    %slice3A_275 = vector.extract_strided_slice %transpose3A_273 {offsets = [64, 0], sizes = [64, 128], strides = [1, 1]} : vector<128x128xf32> to vector<64x128xf32>
    %concatenate3A_276 = tpu.concatenate %slice3A_274, %slice3A_275 in 1 : vector<64x128xf32>, vector<64x128xf32> -> vector<64x256xf32>
    %get3A_277 = arith.constant 0 : index
    %get3A_278 = arith.constant 0 : index
    %get3A_279 = arith.constant 9 : index
    %get3A_280 = arith.constant 0 : index
    %get3A_281 = vector.load %arg3[%get3A_277, %get3A_278, %get3A_279, %get3A_280] : memref<1x1x32x256xf32, #tpu.memory_space<vmem>>, vector<1x1x1x256xf32>
    %get3A_282 = vector.shape_cast %get3A_281 : vector<1x1x1x256xf32> to vector<256xf32>
    %broadcast_in_dim3A_283 = vector.shape_cast %get3A_282 : vector<256xf32> to vector<1x256xf32>
    %get3A_284 = arith.constant 0 : index
    %get3A_285 = arith.constant 0 : index
    %get3A_286 = arith.constant 9 : index
    %get3A_287 = arith.constant 0 : index
    %get3A_288 = vector.load %arg2[%get3A_284, %get3A_285, %get3A_286, %get3A_287] : memref<1x64x32x256xf32, #tpu.memory_space<vmem>>, vector<1x64x1x256xf32>
    %get3A_289 = vector.shape_cast %get3A_288 : vector<1x64x1x256xf32> to vector<64x256xf32>
    %sub3A_290 = arith.subf %concatenate3A_276, %get3A_289 : vector<64x256xf32>
    %mul3A_291 = vector.broadcast %broadcast_in_dim3A_283 : vector<1x256xf32> to vector<64x256xf32>
    %mul3A_292 = arith.mulf %sub3A_290, %mul3A_291 : vector<64x256xf32>
    %add3A_293 = arith.addf %get3A_289, %mul3A_292 : vector<64x256xf32>
    %swap3A_294 = arith.constant 0 : index
    %swap3A_295 = arith.constant 0 : index
    %swap3A_296 = arith.constant 9 : index
    %swap3A_297 = arith.constant 0 : index
    %swap3A_298 = vector.load %arg5[%swap3A_294, %swap3A_295, %swap3A_296, %swap3A_297] : memref<1x64x32x256xf32, #tpu.memory_space<vmem>>, vector<1x64x1x256xf32>
    %swap3A_299 = vector.shape_cast %swap3A_298 : vector<1x64x1x256xf32> to vector<64x256xf32>
    %swap3A_300 = vector.shape_cast %add3A_293 : vector<64x256xf32> to vector<1x64x1x256xf32>
    tpu.vector_store %arg5[%swap3A_294, %swap3A_295, %swap3A_296, %swap3A_297], %swap3A_300 {strides = array<i32>} : memref<1x64x32x256xf32, #tpu.memory_space<vmem>>, vector<1x64x1x256xf32>,
    %get3A_301 = arith.constant 1280 : index
    %get3A_302 = arith.constant 0 : index
    %get3A_303 = vector.load %arg4[%get3A_301, %get3A_302] : memref<4096x128xf32, #tpu.memory_space<vmem>>, vector<128x128xf32>
    %transpose3A_304 = tpu.transpose %get3A_303, [1, 0] : vector<128x128xf32> -> vector<128x128xf32>
    %slice3A_305 = vector.extract_strided_slice %transpose3A_304 {offsets = [0, 0], sizes = [64, 128], strides = [1, 1]} : vector<128x128xf32> to vector<64x128xf32>
    %slice3A_306 = vector.extract_strided_slice %transpose3A_304 {offsets = [64, 0], sizes = [64, 128], strides = [1, 1]} : vector<128x128xf32> to vector<64x128xf32>
    %concatenate3A_307 = tpu.concatenate %slice3A_305, %slice3A_306 in 1 : vector<64x128xf32>, vector<64x128xf32> -> vector<64x256xf32>
    %get3A_308 = arith.constant 0 : index
    %get3A_309 = arith.constant 0 : index
    %get3A_310 = arith.constant 10 : index
    %get3A_311 = arith.constant 0 : index
    %get3A_312 = vector.load %arg3[%get3A_308, %get3A_309, %get3A_310, %get3A_311] : memref<1x1x32x256xf32, #tpu.memory_space<vmem>>, vector<1x1x1x256xf32>
    %get3A_313 = vector.shape_cast %get3A_312 : vector<1x1x1x256xf32> to vector<256xf32>
    %broadcast_in_dim3A_314 = vector.shape_cast %get3A_313 : vector<256xf32> to vector<1x256xf32>
    %get3A_315 = arith.constant 0 : index
    %get3A_316 = arith.constant 0 : index
    %get3A_317 = arith.constant 10 : index
    %get3A_318 = arith.constant 0 : index
    %get3A_319 = vector.load %arg2[%get3A_315, %get3A_316, %get3A_317, %get3A_318] : memref<1x64x32x256xf32, #tpu.memory_space<vmem>>, vector<1x64x1x256xf32>
    %get3A_320 = vector.shape_cast %get3A_319 : vector<1x64x1x256xf32> to vector<64x256xf32>
    %sub3A_321 = arith.subf %concatenate3A_307, %get3A_320 : vector<64x256xf32>
    %mul3A_322 = vector.broadcast %broadcast_in_dim3A_314 : vector<1x256xf32> to vector<64x256xf32>
    %mul3A_323 = arith.mulf %sub3A_321, %mul3A_322 : vector<64x256xf32>
    %add3A_324 = arith.addf %get3A_320, %mul3A_323 : vector<64x256xf32>
    %swap3A_325 = arith.constant 0 : index
    %swap3A_326 = arith.constant 0 : index
    %swap3A_327 = arith.constant 10 : index
    %swap3A_328 = arith.constant 0 : index
    %swap3A_329 = vector.load %arg5[%swap3A_325, %swap3A_326, %swap3A_327, %swap3A_328] : memref<1x64x32x256xf32, #tpu.memory_space<vmem>>, vector<1x64x1x256xf32>
    %swap3A_330 = vector.shape_cast %swap3A_329 : vector<1x64x1x256xf32> to vector<64x256xf32>
    %swap3A_331 = vector.shape_cast %add3A_324 : vector<64x256xf32> to vector<1x64x1x256xf32>
    tpu.vector_store %arg5[%swap3A_325, %swap3A_326, %swap3A_327, %swap3A_328], %swap3A_331 {strides = array<i32>} : memref<1x64x32x256xf32, #tpu.memory_space<vmem>>, vector<1x64x1x256xf32>,
    %get3A_332 = arith.constant 1408 : index
    %get3A_333 = arith.constant 0 : index
    %get3A_334 = vector.load %arg4[%get3A_332, %get3A_333] : memref<4096x128xf32, #tpu.memory_space<vmem>>, vector<128x128xf32>
    %transpose3A_335 = tpu.transpose %get3A_334, [1, 0] : vector<128x128xf32> -> vector<128x128xf32>
    %slice3A_336 = vector.extract_strided_slice %transpose3A_335 {offsets = [0, 0], sizes = [64, 128], strides = [1, 1]} : vector<128x128xf32> to vector<64x128xf32>
    %slice3A_337 = vector.extract_strided_slice %transpose3A_335 {offsets = [64, 0], sizes = [64, 128], strides = [1, 1]} : vector<128x128xf32> to vector<64x128xf32>
    %concatenate3A_338 = tpu.concatenate %slice3A_336, %slice3A_337 in 1 : vector<64x128xf32>, vector<64x128xf32> -> vector<64x256xf32>
    %get3A_339 = arith.constant 0 : index
    %get3A_340 = arith.constant 0 : index
    %get3A_341 = arith.constant 11 : index
    %get3A_342 = arith.constant 0 : index
    %get3A_343 = vector.load %arg3[%get3A_339, %get3A_340, %get3A_341, %get3A_342] : memref<1x1x32x256xf32, #tpu.memory_space<vmem>>, vector<1x1x1x256xf32>
    %get3A_344 = vector.shape_cast %get3A_343 : vector<1x1x1x256xf32> to vector<256xf32>
    %broadcast_in_dim3A_345 = vector.shape_cast %get3A_344 : vector<256xf32> to vector<1x256xf32>
    %get3A_346 = arith.constant 0 : index
    %get3A_347 = arith.constant 0 : index
    %get3A_348 = arith.constant 11 : index
    %get3A_349 = arith.constant 0 : index
    %get3A_350 = vector.load %arg2[%get3A_346, %get3A_347, %get3A_348, %get3A_349] : memref<1x64x32x256xf32, #tpu.memory_space<vmem>>, vector<1x64x1x256xf32>
    %get3A_351 = vector.shape_cast %get3A_350 : vector<1x64x1x256xf32> to vector<64x256xf32>
    %sub3A_352 = arith.subf %concatenate3A_338, %get3A_351 : vector<64x256xf32>
    %mul3A_353 = vector.broadcast %broadcast_in_dim3A_345 : vector<1x256xf32> to vector<64x256xf32>
    %mul3A_354 = arith.mulf %sub3A_352, %mul3A_353 : vector<64x256xf32>
    %add3A_355 = arith.addf %get3A_351, %mul3A_354 : vector<64x256xf32>
    %swap3A_356 = arith.constant 0 : index
    %swap3A_357 = arith.constant 0 : index
    %swap3A_358 = arith.constant 11 : index
    %swap3A_359 = arith.constant 0 : index
    %swap3A_360 = vector.load %arg5[%swap3A_356, %swap3A_357, %swap3A_358, %swap3A_359] : memref<1x64x32x256xf32, #tpu.memory_space<vmem>>, vector<1x64x1x256xf32>
    %swap3A_361 = vector.shape_cast %swap3A_360 : vector<1x64x1x256xf32> to vector<64x256xf32>
    %swap3A_362 = vector.shape_cast %add3A_355 : vector<64x256xf32> to vector<1x64x1x256xf32>
    tpu.vector_store %arg5[%swap3A_356, %swap3A_357, %swap3A_358, %swap3A_359], %swap3A_362 {strides = array<i32>} : memref<1x64x32x256xf32, #tpu.memory_space<vmem>>, vector<1x64x1x256xf32>,
    %get3A_363 = arith.constant 1536 : index
    %get3A_364 = arith.constant 0 : index
    %get3A_365 = vector.load %arg4[%get3A_363, %get3A_364] : memref<4096x128xf32, #tpu.memory_space<vmem>>, vector<128x128xf32>
    %transpose3A_366 = tpu.transpose %get3A_365, [1, 0] : vector<128x128xf32> -> vector<128x128xf32>
    %slice3A_367 = vector.extract_strided_slice %transpose3A_366 {offsets = [0, 0], sizes = [64, 128], strides = [1, 1]} : vector<128x128xf32> to vector<64x128xf32>
    %slice3A_368 = vector.extract_strided_slice %transpose3A_366 {offsets = [64, 0], sizes = [64, 128], strides = [1, 1]} : vector<128x128xf32> to vector<64x128xf32>
    %concatenate3A_369 = tpu.concatenate %slice3A_367, %slice3A_368 in 1 : vector<64x128xf32>, vector<64x128xf32> -> vector<64x256xf32>
    %get3A_370 = arith.constant 0 : index
    %get3A_371 = arith.constant 0 : index
    %get3A_372 = arith.constant 12 : index
    %get3A_373 = arith.constant 0 : index
    %get3A_374 = vector.load %arg3[%get3A_370, %get3A_371, %get3A_372, %get3A_373] : memref<1x1x32x256xf32, #tpu.memory_space<vmem>>, vector<1x1x1x256xf32>
    %get3A_375 = vector.shape_cast %get3A_374 : vector<1x1x1x256xf32> to vector<256xf32>
    %broadcast_in_dim3A_376 = vector.shape_cast %get3A_375 : vector<256xf32> to vector<1x256xf32>
    %get3A_377 = arith.constant 0 : index
    %get3A_378 = arith.constant 0 : index
    %get3A_379 = arith.constant 12 : index
    %get3A_380 = arith.constant 0 : index
    %get3A_381 = vector.load %arg2[%get3A_377, %get3A_378, %get3A_379, %get3A_380] : memref<1x64x32x256xf32, #tpu.memory_space<vmem>>, vector<1x64x1x256xf32>
    %get3A_382 = vector.shape_cast %get3A_381 : vector<1x64x1x256xf32> to vector<64x256xf32>
    %sub3A_383 = arith.subf %concatenate3A_369, %get3A_382 : vector<64x256xf32>
    %mul3A_384 = vector.broadcast %broadcast_in_dim3A_376 : vector<1x256xf32> to vector<64x256xf32>
    %mul3A_385 = arith.mulf %sub3A_383, %mul3A_384 : vector<64x256xf32>
    %add3A_386 = arith.addf %get3A_382, %mul3A_385 : vector<64x256xf32>
    %swap3A_387 = arith.constant 0 : index
    %swap3A_388 = arith.constant 0 : index
    %swap3A_389 = arith.constant 12 : index
    %swap3A_390 = arith.constant 0 : index
    %swap3A_391 = vector.load %arg5[%swap3A_387, %swap3A_388, %swap3A_389, %swap3A_390] : memref<1x64x32x256xf32, #tpu.memory_space<vmem>>, vector<1x64x1x256xf32>
    %swap3A_392 = vector.shape_cast %swap3A_391 : vector<1x64x1x256xf32> to vector<64x256xf32>
    %swap3A_393 = vector.shape_cast %add3A_386 : vector<64x256xf32> to vector<1x64x1x256xf32>
    tpu.vector_store %arg5[%swap3A_387, %swap3A_388, %swap3A_389, %swap3A_390], %swap3A_393 {strides = array<i32>} : memref<1x64x32x256xf32, #tpu.memory_space<vmem>>, vector<1x64x1x256xf32>,
    %get3A_394 = arith.constant 1664 : index
    %get3A_395 = arith.constant 0 : index
    %get3A_396 = vector.load %arg4[%get3A_394, %get3A_395] : memref<4096x128xf32, #tpu.memory_space<vmem>>, vector<128x128xf32>
    %transpose3A_397 = tpu.transpose %get3A_396, [1, 0] : vector<128x128xf32> -> vector<128x128xf32>
    %slice3A_398 = vector.extract_strided_slice %transpose3A_397 {offsets = [0, 0], sizes = [64, 128], strides = [1, 1]} : vector<128x128xf32> to vector<64x128xf32>
    %slice3A_399 = vector.extract_strided_slice %transpose3A_397 {offsets = [64, 0], sizes = [64, 128], strides = [1, 1]} : vector<128x128xf32> to vector<64x128xf32>
    %concatenate3A_400 = tpu.concatenate %slice3A_398, %slice3A_399 in 1 : vector<64x128xf32>, vector<64x128xf32> -> vector<64x256xf32>
    %get3A_401 = arith.constant 0 : index
    %get3A_402 = arith.constant 0 : index
    %get3A_403 = arith.constant 13 : index
    %get3A_404 = arith.constant 0 : index
    %get3A_405 = vector.load %arg3[%get3A_401, %get3A_402, %get3A_403, %get3A_404] : memref<1x1x32x256xf32, #tpu.memory_space<vmem>>, vector<1x1x1x256xf32>
    %get3A_406 = vector.shape_cast %get3A_405 : vector<1x1x1x256xf32> to vector<256xf32>
    %broadcast_in_dim3A_407 = vector.shape_cast %get3A_406 : vector<256xf32> to vector<1x256xf32>
    %get3A_408 = arith.constant 0 : index
    %get3A_409 = arith.constant 0 : index
    %get3A_410 = arith.constant 13 : index
    %get3A_411 = arith.constant 0 : index
    %get3A_412 = vector.load %arg2[%get3A_408, %get3A_409, %get3A_410, %get3A_411] : memref<1x64x32x256xf32, #tpu.memory_space<vmem>>, vector<1x64x1x256xf32>
    %get3A_413 = vector.shape_cast %get3A_412 : vector<1x64x1x256xf32> to vector<64x256xf32>
    %sub3A_414 = arith.subf %concatenate3A_400, %get3A_413 : vector<64x256xf32>
    %mul3A_415 = vector.broadcast %broadcast_in_dim3A_407 : vector<1x256xf32> to vector<64x256xf32>
    %mul3A_416 = arith.mulf %sub3A_414, %mul3A_415 : vector<64x256xf32>
    %add3A_417 = arith.addf %get3A_413, %mul3A_416 : vector<64x256xf32>
    %swap3A_418 = arith.constant 0 : index
    %swap3A_419 = arith.constant 0 : index
    %swap3A_420 = arith.constant 13 : index
    %swap3A_421 = arith.constant 0 : index
    %swap3A_422 = vector.load %arg5[%swap3A_418, %swap3A_419, %swap3A_420, %swap3A_421] : memref<1x64x32x256xf32, #tpu.memory_space<vmem>>, vector<1x64x1x256xf32>
    %swap3A_423 = vector.shape_cast %swap3A_422 : vector<1x64x1x256xf32> to vector<64x256xf32>
    %swap3A_424 = vector.shape_cast %add3A_417 : vector<64x256xf32> to vector<1x64x1x256xf32>
    tpu.vector_store %arg5[%swap3A_418, %swap3A_419, %swap3A_420, %swap3A_421], %swap3A_424 {strides = array<i32>} : memref<1x64x32x256xf32, #tpu.memory_space<vmem>>, vector<1x64x1x256xf32>,
    %get3A_425 = arith.constant 1792 : index
    %get3A_426 = arith.constant 0 : index
    %get3A_427 = vector.load %arg4[%get3A_425, %get3A_426] : memref<4096x128xf32, #tpu.memory_space<vmem>>, vector<128x128xf32>
    %transpose3A_428 = tpu.transpose %get3A_427, [1, 0] : vector<128x128xf32> -> vector<128x128xf32>
    %slice3A_429 = vector.extract_strided_slice %transpose3A_428 {offsets = [0, 0], sizes = [64, 128], strides = [1, 1]} : vector<128x128xf32> to vector<64x128xf32>
    %slice3A_430 = vector.extract_strided_slice %transpose3A_428 {offsets = [64, 0], sizes = [64, 128], strides = [1, 1]} : vector<128x128xf32> to vector<64x128xf32>
    %concatenate3A_431 = tpu.concatenate %slice3A_429, %slice3A_430 in 1 : vector<64x128xf32>, vector<64x128xf32> -> vector<64x256xf32>
    %get3A_432 = arith.constant 0 : index
    %get3A_433 = arith.constant 0 : index
    %get3A_434 = arith.constant 14 : index
    %get3A_435 = arith.constant 0 : index
    %get3A_436 = vector.load %arg3[%get3A_432, %get3A_433, %get3A_434, %get3A_435] : memref<1x1x32x256xf32, #tpu.memory_space<vmem>>, vector<1x1x1x256xf32>
    %get3A_437 = vector.shape_cast %get3A_436 : vector<1x1x1x256xf32> to vector<256xf32>
    %broadcast_in_dim3A_438 = vector.shape_cast %get3A_437 : vector<256xf32> to vector<1x256xf32>
    %get3A_439 = arith.constant 0 : index
    %get3A_440 = arith.constant 0 : index
    %get3A_441 = arith.constant 14 : index
    %get3A_442 = arith.constant 0 : index
    %get3A_443 = vector.load %arg2[%get3A_439, %get3A_440, %get3A_441, %get3A_442] : memref<1x64x32x256xf32, #tpu.memory_space<vmem>>, vector<1x64x1x256xf32>
    %get3A_444 = vector.shape_cast %get3A_443 : vector<1x64x1x256xf32> to vector<64x256xf32>
    %sub3A_445 = arith.subf %concatenate3A_431, %get3A_444 : vector<64x256xf32>
    %mul3A_446 = vector.broadcast %broadcast_in_dim3A_438 : vector<1x256xf32> to vector<64x256xf32>
    %mul3A_447 = arith.mulf %sub3A_445, %mul3A_446 : vector<64x256xf32>
    %add3A_448 = arith.addf %get3A_444, %mul3A_447 : vector<64x256xf32>
    %swap3A_449 = arith.constant 0 : index
    %swap3A_450 = arith.constant 0 : index
    %swap3A_451 = arith.constant 14 : index
    %swap3A_452 = arith.constant 0 : index
    %swap3A_453 = vector.load %arg5[%swap3A_449, %swap3A_450, %swap3A_451, %swap3A_452] : memref<1x64x32x256xf32, #tpu.memory_space<vmem>>, vector<1x64x1x256xf32>
    %swap3A_454 = vector.shape_cast %swap3A_453 : vector<1x64x1x256xf32> to vector<64x256xf32>
    %swap3A_455 = vector.shape_cast %add3A_448 : vector<64x256xf32> to vector<1x64x1x256xf32>
    tpu.vector_store %arg5[%swap3A_449, %swap3A_450, %swap3A_451, %swap3A_452], %swap3A_455 {strides = array<i32>} : memref<1x64x32x256xf32, #tpu.memory_space<vmem>>, vector<1x64x1x256xf32>,
    %get3A_456 = arith.constant 1920 : index
    %get3A_457 = arith.constant 0 : index
    %get3A_458 = vector.load %arg4[%get3A_456, %get3A_457] : memref<4096x128xf32, #tpu.memory_space<vmem>>, vector<128x128xf32>
    %transpose3A_459 = tpu.transpose %get3A_458, [1, 0] : vector<128x128xf32> -> vector<128x128xf32>
    %slice3A_460 = vector.extract_strided_slice %transpose3A_459 {offsets = [0, 0], sizes = [64, 128], strides = [1, 1]} : vector<128x128xf32> to vector<64x128xf32>
    %slice3A_461 = vector.extract_strided_slice %transpose3A_459 {offsets = [64, 0], sizes = [64, 128], strides = [1, 1]} : vector<128x128xf32> to vector<64x128xf32>
    %concatenate3A_462 = tpu.concatenate %slice3A_460, %slice3A_461 in 1 : vector<64x128xf32>, vector<64x128xf32> -> vector<64x256xf32>
    %get3A_463 = arith.constant 0 : index
    %get3A_464 = arith.constant 0 : index
    %get3A_465 = arith.constant 15 : index
    %get3A_466 = arith.constant 0 : index
    %get3A_467 = vector.load %arg3[%get3A_463, %get3A_464, %get3A_465, %get3A_466] : memref<1x1x32x256xf32, #tpu.memory_space<vmem>>, vector<1x1x1x256xf32>
    %get3A_468 = vector.shape_cast %get3A_467 : vector<1x1x1x256xf32> to vector<256xf32>
    %broadcast_in_dim3A_469 = vector.shape_cast %get3A_468 : vector<256xf32> to vector<1x256xf32>
    %get3A_470 = arith.constant 0 : index
    %get3A_471 = arith.constant 0 : index
    %get3A_472 = arith.constant 15 : index
    %get3A_473 = arith.constant 0 : index
    %get3A_474 = vector.load %arg2[%get3A_470, %get3A_471, %get3A_472, %get3A_473] : memref<1x64x32x256xf32, #tpu.memory_space<vmem>>, vector<1x64x1x256xf32>
    %get3A_475 = vector.shape_cast %get3A_474 : vector<1x64x1x256xf32> to vector<64x256xf32>
    %sub3A_476 = arith.subf %concatenate3A_462, %get3A_475 : vector<64x256xf32>
    %mul3A_477 = vector.broadcast %broadcast_in_dim3A_469 : vector<1x256xf32> to vector<64x256xf32>
    %mul3A_478 = arith.mulf %sub3A_476, %mul3A_477 : vector<64x256xf32>
    %add3A_479 = arith.addf %get3A_475, %mul3A_478 : vector<64x256xf32>
    %swap3A_480 = arith.constant 0 : index
    %swap3A_481 = arith.constant 0 : index
    %swap3A_482 = arith.constant 15 : index
    %swap3A_483 = arith.constant 0 : index
    %swap3A_484 = vector.load %arg5[%swap3A_480, %swap3A_481, %swap3A_482, %swap3A_483] : memref<1x64x32x256xf32, #tpu.memory_space<vmem>>, vector<1x64x1x256xf32>
    %swap3A_485 = vector.shape_cast %swap3A_484 : vector<1x64x1x256xf32> to vector<64x256xf32>
    %swap3A_486 = vector.shape_cast %add3A_479 : vector<64x256xf32> to vector<1x64x1x256xf32>
    tpu.vector_store %arg5[%swap3A_480, %swap3A_481, %swap3A_482, %swap3A_483], %swap3A_486 {strides = array<i32>} : memref<1x64x32x256xf32, #tpu.memory_space<vmem>>, vector<1x64x1x256xf32>,
    %get3A_487 = arith.constant 2048 : index
    %get3A_488 = arith.constant 0 : index
    %get3A_489 = vector.load %arg4[%get3A_487, %get3A_488] : memref<4096x128xf32, #tpu.memory_space<vmem>>, vector<128x128xf32>
    %transpose3A_490 = tpu.transpose %get3A_489, [1, 0] : vector<128x128xf32> -> vector<128x128xf32>
    %slice3A_491 = vector.extract_strided_slice %transpose3A_490 {offsets = [0, 0], sizes = [64, 128], strides = [1, 1]} : vector<128x128xf32> to vector<64x128xf32>
    %slice3A_492 = vector.extract_strided_slice %transpose3A_490 {offsets = [64, 0], sizes = [64, 128], strides = [1, 1]} : vector<128x128xf32> to vector<64x128xf32>
    %concatenate3A_493 = tpu.concatenate %slice3A_491, %slice3A_492 in 1 : vector<64x128xf32>, vector<64x128xf32> -> vector<64x256xf32>
    %get3A_494 = arith.constant 0 : index
    %get3A_495 = arith.constant 0 : index
    %get3A_496 = arith.constant 16 : index
    %get3A_497 = arith.constant 0 : index
    %get3A_498 = vector.load %arg3[%get3A_494, %get3A_495, %get3A_496, %get3A_497] : memref<1x1x32x256xf32, #tpu.memory_space<vmem>>, vector<1x1x1x256xf32>
    %get3A_499 = vector.shape_cast %get3A_498 : vector<1x1x1x256xf32> to vector<256xf32>
    %broadcast_in_dim3A_500 = vector.shape_cast %get3A_499 : vector<256xf32> to vector<1x256xf32>
    %get3A_501 = arith.constant 0 : index
    %get3A_502 = arith.constant 0 : index
    %get3A_503 = arith.constant 16 : index
    %get3A_504 = arith.constant 0 : index
    %get3A_505 = vector.load %arg2[%get3A_501, %get3A_502, %get3A_503, %get3A_504] : memref<1x64x32x256xf32, #tpu.memory_space<vmem>>, vector<1x64x1x256xf32>
    %get3A_506 = vector.shape_cast %get3A_505 : vector<1x64x1x256xf32> to vector<64x256xf32>
    %sub3A_507 = arith.subf %concatenate3A_493, %get3A_506 : vector<64x256xf32>
    %mul3A_508 = vector.broadcast %broadcast_in_dim3A_500 : vector<1x256xf32> to vector<64x256xf32>
    %mul3A_509 = arith.mulf %sub3A_507, %mul3A_508 : vector<64x256xf32>
    %add3A_510 = arith.addf %get3A_506, %mul3A_509 : vector<64x256xf32>
    %swap3A_511 = arith.constant 0 : index
    %swap3A_512 = arith.constant 0 : index
    %swap3A_513 = arith.constant 16 : index
    %swap3A_514 = arith.constant 0 : index
    %swap3A_515 = vector.load %arg5[%swap3A_511, %swap3A_512, %swap3A_513, %swap3A_514] : memref<1x64x32x256xf32, #tpu.memory_space<vmem>>, vector<1x64x1x256xf32>
    %swap3A_516 = vector.shape_cast %swap3A_515 : vector<1x64x1x256xf32> to vector<64x256xf32>
    %swap3A_517 = vector.shape_cast %add3A_510 : vector<64x256xf32> to vector<1x64x1x256xf32>
    tpu.vector_store %arg5[%swap3A_511, %swap3A_512, %swap3A_513, %swap3A_514], %swap3A_517 {strides = array<i32>} : memref<1x64x32x256xf32, #tpu.memory_space<vmem>>, vector<1x64x1x256xf32>,
    %get3A_518 = arith.constant 2176 : index
    %get3A_519 = arith.constant 0 : index
    %get3A_520 = vector.load %arg4[%get3A_518, %get3A_519] : memref<4096x128xf32, #tpu.memory_space<vmem>>, vector<128x128xf32>
    %transpose3A_521 = tpu.transpose %get3A_520, [1, 0] : vector<128x128xf32> -> vector<128x128xf32>
    %slice3A_522 = vector.extract_strided_slice %transpose3A_521 {offsets = [0, 0], sizes = [64, 128], strides = [1, 1]} : vector<128x128xf32> to vector<64x128xf32>
    %slice3A_523 = vector.extract_strided_slice %transpose3A_521 {offsets = [64, 0], sizes = [64, 128], strides = [1, 1]} : vector<128x128xf32> to vector<64x128xf32>
    %concatenate3A_524 = tpu.concatenate %slice3A_522, %slice3A_523 in 1 : vector<64x128xf32>, vector<64x128xf32> -> vector<64x256xf32>
    %get3A_525 = arith.constant 0 : index
    %get3A_526 = arith.constant 0 : index
    %get3A_527 = arith.constant 17 : index
    %get3A_528 = arith.constant 0 : index
    %get3A_529 = vector.load %arg3[%get3A_525, %get3A_526, %get3A_527, %get3A_528] : memref<1x1x32x256xf32, #tpu.memory_space<vmem>>, vector<1x1x1x256xf32>
    %get3A_530 = vector.shape_cast %get3A_529 : vector<1x1x1x256xf32> to vector<256xf32>
    %broadcast_in_dim3A_531 = vector.shape_cast %get3A_530 : vector<256xf32> to vector<1x256xf32>
    %get3A_532 = arith.constant 0 : index
    %get3A_533 = arith.constant 0 : index
    %get3A_534 = arith.constant 17 : index
    %get3A_535 = arith.constant 0 : index
    %get3A_536 = vector.load %arg2[%get3A_532, %get3A_533, %get3A_534, %get3A_535] : memref<1x64x32x256xf32, #tpu.memory_space<vmem>>, vector<1x64x1x256xf32>
    %get3A_537 = vector.shape_cast %get3A_536 : vector<1x64x1x256xf32> to vector<64x256xf32>
    %sub3A_538 = arith.subf %concatenate3A_524, %get3A_537 : vector<64x256xf32>
    %mul3A_539 = vector.broadcast %broadcast_in_dim3A_531 : vector<1x256xf32> to vector<64x256xf32>
    %mul3A_540 = arith.mulf %sub3A_538, %mul3A_539 : vector<64x256xf32>
    %add3A_541 = arith.addf %get3A_537, %mul3A_540 : vector<64x256xf32>
    %swap3A_542 = arith.constant 0 : index
    %swap3A_543 = arith.constant 0 : index
    %swap3A_544 = arith.constant 17 : index
    %swap3A_545 = arith.constant 0 : index
    %swap3A_546 = vector.load %arg5[%swap3A_542, %swap3A_543, %swap3A_544, %swap3A_545] : memref<1x64x32x256xf32, #tpu.memory_space<vmem>>, vector<1x64x1x256xf32>
    %swap3A_547 = vector.shape_cast %swap3A_546 : vector<1x64x1x256xf32> to vector<64x256xf32>
    %swap3A_548 = vector.shape_cast %add3A_541 : vector<64x256xf32> to vector<1x64x1x256xf32>
    tpu.vector_store %arg5[%swap3A_542, %swap3A_543, %swap3A_544, %swap3A_545], %swap3A_548 {strides = array<i32>} : memref<1x64x32x256xf32, #tpu.memory_space<vmem>>, vector<1x64x1x256xf32>,
    %get3A_549 = arith.constant 2304 : index
    %get3A_550 = arith.constant 0 : index
    %get3A_551 = vector.load %arg4[%get3A_549, %get3A_550] : memref<4096x128xf32, #tpu.memory_space<vmem>>, vector<128x128xf32>
    %transpose3A_552 = tpu.transpose %get3A_551, [1, 0] : vector<128x128xf32> -> vector<128x128xf32>
    %slice3A_553 = vector.extract_strided_slice %transpose3A_552 {offsets = [0, 0], sizes = [64, 128], strides = [1, 1]} : vector<128x128xf32> to vector<64x128xf32>
    %slice3A_554 = vector.extract_strided_slice %transpose3A_552 {offsets = [64, 0], sizes = [64, 128], strides = [1, 1]} : vector<128x128xf32> to vector<64x128xf32>
    %concatenate3A_555 = tpu.concatenate %slice3A_553, %slice3A_554 in 1 : vector<64x128xf32>, vector<64x128xf32> -> vector<64x256xf32>
    %get3A_556 = arith.constant 0 : index
    %get3A_557 = arith.constant 0 : index
    %get3A_558 = arith.constant 18 : index
    %get3A_559 = arith.constant 0 : index
    %get3A_560 = vector.load %arg3[%get3A_556, %get3A_557, %get3A_558, %get3A_559] : memref<1x1x32x256xf32, #tpu.memory_space<vmem>>, vector<1x1x1x256xf32>
    %get3A_561 = vector.shape_cast %get3A_560 : vector<1x1x1x256xf32> to vector<256xf32>
    %broadcast_in_dim3A_562 = vector.shape_cast %get3A_561 : vector<256xf32> to vector<1x256xf32>
    %get3A_563 = arith.constant 0 : index
    %get3A_564 = arith.constant 0 : index
    %get3A_565 = arith.constant 18 : index
    %get3A_566 = arith.constant 0 : index
    %get3A_567 = vector.load %arg2[%get3A_563, %get3A_564, %get3A_565, %get3A_566] : memref<1x64x32x256xf32, #tpu.memory_space<vmem>>, vector<1x64x1x256xf32>
    %get3A_568 = vector.shape_cast %get3A_567 : vector<1x64x1x256xf32> to vector<64x256xf32>
    %sub3A_569 = arith.subf %concatenate3A_555, %get3A_568 : vector<64x256xf32>
    %mul3A_570 = vector.broadcast %broadcast_in_dim3A_562 : vector<1x256xf32> to vector<64x256xf32>
    %mul3A_571 = arith.mulf %sub3A_569, %mul3A_570 : vector<64x256xf32>
    %add3A_572 = arith.addf %get3A_568, %mul3A_571 : vector<64x256xf32>
    %swap3A_573 = arith.constant 0 : index
    %swap3A_574 = arith.constant 0 : index
    %swap3A_575 = arith.constant 18 : index
    %swap3A_576 = arith.constant 0 : index
    %swap3A_577 = vector.load %arg5[%swap3A_573, %swap3A_574, %swap3A_575, %swap3A_576] : memref<1x64x32x256xf32, #tpu.memory_space<vmem>>, vector<1x64x1x256xf32>
    %swap3A_578 = vector.shape_cast %swap3A_577 : vector<1x64x1x256xf32> to vector<64x256xf32>
    %swap3A_579 = vector.shape_cast %add3A_572 : vector<64x256xf32> to vector<1x64x1x256xf32>
    tpu.vector_store %arg5[%swap3A_573, %swap3A_574, %swap3A_575, %swap3A_576], %swap3A_579 {strides = array<i32>} : memref<1x64x32x256xf32, #tpu.memory_space<vmem>>, vector<1x64x1x256xf32>,
    %get3A_580 = arith.constant 2432 : index
    %get3A_581 = arith.constant 0 : index
    %get3A_582 = vector.load %arg4[%get3A_580, %get3A_581] : memref<4096x128xf32, #tpu.memory_space<vmem>>, vector<128x128xf32>
    %transpose3A_583 = tpu.transpose %get3A_582, [1, 0] : vector<128x128xf32> -> vector<128x128xf32>
    %slice3A_584 = vector.extract_strided_slice %transpose3A_583 {offsets = [0, 0], sizes = [64, 128], strides = [1, 1]} : vector<128x128xf32> to vector<64x128xf32>
    %slice3A_585 = vector.extract_strided_slice %transpose3A_583 {offsets = [64, 0], sizes = [64, 128], strides = [1, 1]} : vector<128x128xf32> to vector<64x128xf32>
    %concatenate3A_586 = tpu.concatenate %slice3A_584, %slice3A_585 in 1 : vector<64x128xf32>, vector<64x128xf32> -> vector<64x256xf32>
    %get3A_587 = arith.constant 0 : index
    %get3A_588 = arith.constant 0 : index
    %get3A_589 = arith.constant 19 : index
    %get3A_590 = arith.constant 0 : index
    %get3A_591 = vector.load %arg3[%get3A_587, %get3A_588, %get3A_589, %get3A_590] : memref<1x1x32x256xf32, #tpu.memory_space<vmem>>, vector<1x1x1x256xf32>
    %get3A_592 = vector.shape_cast %get3A_591 : vector<1x1x1x256xf32> to vector<256xf32>
    %broadcast_in_dim3A_593 = vector.shape_cast %get3A_592 : vector<256xf32> to vector<1x256xf32>
    %get3A_594 = arith.constant 0 : index
    %get3A_595 = arith.constant 0 : index
    %get3A_596 = arith.constant 19 : index
    %get3A_597 = arith.constant 0 : index
    %get3A_598 = vector.load %arg2[%get3A_594, %get3A_595, %get3A_596, %get3A_597] : memref<1x64x32x256xf32, #tpu.memory_space<vmem>>, vector<1x64x1x256xf32>
    %get3A_599 = vector.shape_cast %get3A_598 : vector<1x64x1x256xf32> to vector<64x256xf32>
    %sub3A_600 = arith.subf %concatenate3A_586, %get3A_599 : vector<64x256xf32>
    %mul3A_601 = vector.broadcast %broadcast_in_dim3A_593 : vector<1x256xf32> to vector<64x256xf32>
    %mul3A_602 = arith.mulf %sub3A_600, %mul3A_601 : vector<64x256xf32>
    %add3A_603 = arith.addf %get3A_599, %mul3A_602 : vector<64x256xf32>
    %swap3A_604 = arith.constant 0 : index
    %swap3A_605 = arith.constant 0 : index
    %swap3A_606 = arith.constant 19 : index
    %swap3A_607 = arith.constant 0 : index
    %swap3A_608 = vector.load %arg5[%swap3A_604, %swap3A_605, %swap3A_606, %swap3A_607] : memref<1x64x32x256xf32, #tpu.memory_space<vmem>>, vector<1x64x1x256xf32>
    %swap3A_609 = vector.shape_cast %swap3A_608 : vector<1x64x1x256xf32> to vector<64x256xf32>
    %swap3A_610 = vector.shape_cast %add3A_603 : vector<64x256xf32> to vector<1x64x1x256xf32>
    tpu.vector_store %arg5[%swap3A_604, %swap3A_605, %swap3A_606, %swap3A_607], %swap3A_610 {strides = array<i32>} : memref<1x64x32x256xf32, #tpu.memory_space<vmem>>, vector<1x64x1x256xf32>,
    %get3A_611 = arith.constant 2560 : index
    %get3A_612 = arith.constant 0 : index
    %get3A_613 = vector.load %arg4[%get3A_611, %get3A_612] : memref<4096x128xf32, #tpu.memory_space<vmem>>, vector<128x128xf32>
    %transpose3A_614 = tpu.transpose %get3A_613, [1, 0] : vector<128x128xf32> -> vector<128x128xf32>
    %slice3A_615 = vector.extract_strided_slice %transpose3A_614 {offsets = [0, 0], sizes = [64, 128], strides = [1, 1]} : vector<128x128xf32> to vector<64x128xf32>
    %slice3A_616 = vector.extract_strided_slice %transpose3A_614 {offsets = [64, 0], sizes = [64, 128], strides = [1, 1]} : vector<128x128xf32> to vector<64x128xf32>
    %concatenate3A_617 = tpu.concatenate %slice3A_615, %slice3A_616 in 1 : vector<64x128xf32>, vector<64x128xf32> -> vector<64x256xf32>
    %get3A_618 = arith.constant 0 : index
    %get3A_619 = arith.constant 0 : index
    %get3A_620 = arith.constant 20 : index
    %get3A_621 = arith.constant 0 : index
    %get3A_622 = vector.load %arg3[%get3A_618, %get3A_619, %get3A_620, %get3A_621] : memref<1x1x32x256xf32, #tpu.memory_space<vmem>>, vector<1x1x1x256xf32>
    %get3A_623 = vector.shape_cast %get3A_622 : vector<1x1x1x256xf32> to vector<256xf32>
    %broadcast_in_dim3A_624 = vector.shape_cast %get3A_623 : vector<256xf32> to vector<1x256xf32>
    %get3A_625 = arith.constant 0 : index
    %get3A_626 = arith.constant 0 : index
    %get3A_627 = arith.constant 20 : index
    %get3A_628 = arith.constant 0 : index
    %get3A_629 = vector.load %arg2[%get3A_625, %get3A_626, %get3A_627, %get3A_628] : memref<1x64x32x256xf32, #tpu.memory_space<vmem>>, vector<1x64x1x256xf32>
    %get3A_630 = vector.shape_cast %get3A_629 : vector<1x64x1x256xf32> to vector<64x256xf32>
    %sub3A_631 = arith.subf %concatenate3A_617, %get3A_630 : vector<64x256xf32>
    %mul3A_632 = vector.broadcast %broadcast_in_dim3A_624 : vector<1x256xf32> to vector<64x256xf32>
    %mul3A_633 = arith.mulf %sub3A_631, %mul3A_632 : vector<64x256xf32>
    %add3A_634 = arith.addf %get3A_630, %mul3A_633 : vector<64x256xf32>
    %swap3A_635 = arith.constant 0 : index
    %swap3A_636 = arith.constant 0 : index
    %swap3A_637 = arith.constant 20 : index
    %swap3A_638 = arith.constant 0 : index
    %swap3A_639 = vector.load %arg5[%swap3A_635, %swap3A_636, %swap3A_637, %swap3A_638] : memref<1x64x32x256xf32, #tpu.memory_space<vmem>>, vector<1x64x1x256xf32>
    %swap3A_640 = vector.shape_cast %swap3A_639 : vector<1x64x1x256xf32> to vector<64x256xf32>
    %swap3A_641 = vector.shape_cast %add3A_634 : vector<64x256xf32> to vector<1x64x1x256xf32>
    tpu.vector_store %arg5[%swap3A_635, %swap3A_636, %swap3A_637, %swap3A_638], %swap3A_641 {strides = array<i32>} : memref<1x64x32x256xf32, #tpu.memory_space<vmem>>, vector<1x64x1x256xf32>,
    %get3A_642 = arith.constant 2688 : index
    %get3A_643 = arith.constant 0 : index
    %get3A_644 = vector.load %arg4[%get3A_642, %get3A_643] : memref<4096x128xf32, #tpu.memory_space<vmem>>, vector<128x128xf32>
    %transpose3A_645 = tpu.transpose %get3A_644, [1, 0] : vector<128x128xf32> -> vector<128x128xf32>
    %slice3A_646 = vector.extract_strided_slice %transpose3A_645 {offsets = [0, 0], sizes = [64, 128], strides = [1, 1]} : vector<128x128xf32> to vector<64x128xf32>
    %slice3A_647 = vector.extract_strided_slice %transpose3A_645 {offsets = [64, 0], sizes = [64, 128], strides = [1, 1]} : vector<128x128xf32> to vector<64x128xf32>
    %concatenate3A_648 = tpu.concatenate %slice3A_646, %slice3A_647 in 1 : vector<64x128xf32>, vector<64x128xf32> -> vector<64x256xf32>
    %get3A_649 = arith.constant 0 : index
    %get3A_650 = arith.constant 0 : index
    %get3A_651 = arith.constant 21 : index
    %get3A_652 = arith.constant 0 : index
    %get3A_653 = vector.load %arg3[%get3A_649, %get3A_650, %get3A_651, %get3A_652] : memref<1x1x32x256xf32, #tpu.memory_space<vmem>>, vector<1x1x1x256xf32>
    %get3A_654 = vector.shape_cast %get3A_653 : vector<1x1x1x256xf32> to vector<256xf32>
    %broadcast_in_dim3A_655 = vector.shape_cast %get3A_654 : vector<256xf32> to vector<1x256xf32>
    %get3A_656 = arith.constant 0 : index
    %get3A_657 = arith.constant 0 : index
    %get3A_658 = arith.constant 21 : index
    %get3A_659 = arith.constant 0 : index
    %get3A_660 = vector.load %arg2[%get3A_656, %get3A_657, %get3A_658, %get3A_659] : memref<1x64x32x256xf32, #tpu.memory_space<vmem>>, vector<1x64x1x256xf32>
    %get3A_661 = vector.shape_cast %get3A_660 : vector<1x64x1x256xf32> to vector<64x256xf32>
    %sub3A_662 = arith.subf %concatenate3A_648, %get3A_661 : vector<64x256xf32>
    %mul3A_663 = vector.broadcast %broadcast_in_dim3A_655 : vector<1x256xf32> to vector<64x256xf32>
    %mul3A_664 = arith.mulf %sub3A_662, %mul3A_663 : vector<64x256xf32>
    %add3A_665 = arith.addf %get3A_661, %mul3A_664 : vector<64x256xf32>
    %swap3A_666 = arith.constant 0 : index
    %swap3A_667 = arith.constant 0 : index
    %swap3A_668 = arith.constant 21 : index
    %swap3A_669 = arith.constant 0 : index
    %swap3A_670 = vector.load %arg5[%swap3A_666, %swap3A_667, %swap3A_668, %swap3A_669] : memref<1x64x32x256xf32, #tpu.memory_space<vmem>>, vector<1x64x1x256xf32>
    %swap3A_671 = vector.shape_cast %swap3A_670 : vector<1x64x1x256xf32> to vector<64x256xf32>
    %swap3A_672 = vector.shape_cast %add3A_665 : vector<64x256xf32> to vector<1x64x1x256xf32>
    tpu.vector_store %arg5[%swap3A_666, %swap3A_667, %swap3A_668, %swap3A_669], %swap3A_672 {strides = array<i32>} : memref<1x64x32x256xf32, #tpu.memory_space<vmem>>, vector<1x64x1x256xf32>,
    %get3A_673 = arith.constant 2816 : index
    %get3A_674 = arith.constant 0 : index
    %get3A_675 = vector.load %arg4[%get3A_673, %get3A_674] : memref<4096x128xf32, #tpu.memory_space<vmem>>, vector<128x128xf32>
    %transpose3A_676 = tpu.transpose %get3A_675, [1, 0] : vector<128x128xf32> -> vector<128x128xf32>
    %slice3A_677 = vector.extract_strided_slice %transpose3A_676 {offsets = [0, 0], sizes = [64, 128], strides = [1, 1]} : vector<128x128xf32> to vector<64x128xf32>
    %slice3A_678 = vector.extract_strided_slice %transpose3A_676 {offsets = [64, 0], sizes = [64, 128], strides = [1, 1]} : vector<128x128xf32> to vector<64x128xf32>
    %concatenate3A_679 = tpu.concatenate %slice3A_677, %slice3A_678 in 1 : vector<64x128xf32>, vector<64x128xf32> -> vector<64x256xf32>
    %get3A_680 = arith.constant 0 : index
    %get3A_681 = arith.constant 0 : index
    %get3A_682 = arith.constant 22 : index
    %get3A_683 = arith.constant 0 : index
    %get3A_684 = vector.load %arg3[%get3A_680, %get3A_681, %get3A_682, %get3A_683] : memref<1x1x32x256xf32, #tpu.memory_space<vmem>>, vector<1x1x1x256xf32>
    %get3A_685 = vector.shape_cast %get3A_684 : vector<1x1x1x256xf32> to vector<256xf32>
    %broadcast_in_dim3A_686 = vector.shape_cast %get3A_685 : vector<256xf32> to vector<1x256xf32>
    %get3A_687 = arith.constant 0 : index
    %get3A_688 = arith.constant 0 : index
    %get3A_689 = arith.constant 22 : index
    %get3A_690 = arith.constant 0 : index
    %get3A_691 = vector.load %arg2[%get3A_687, %get3A_688, %get3A_689, %get3A_690] : memref<1x64x32x256xf32, #tpu.memory_space<vmem>>, vector<1x64x1x256xf32>
    %get3A_692 = vector.shape_cast %get3A_691 : vector<1x64x1x256xf32> to vector<64x256xf32>
    %sub3A_693 = arith.subf %concatenate3A_679, %get3A_692 : vector<64x256xf32>
    %mul3A_694 = vector.broadcast %broadcast_in_dim3A_686 : vector<1x256xf32> to vector<64x256xf32>
    %mul3A_695 = arith.mulf %sub3A_693, %mul3A_694 : vector<64x256xf32>
    %add3A_696 = arith.addf %get3A_692, %mul3A_695 : vector<64x256xf32>
    %swap3A_697 = arith.constant 0 : index
    %swap3A_698 = arith.constant 0 : index
    %swap3A_699 = arith.constant 22 : index
    %swap3A_700 = arith.constant 0 : index
    %swap3A_701 = vector.load %arg5[%swap3A_697, %swap3A_698, %swap3A_699, %swap3A_700] : memref<1x64x32x256xf32, #tpu.memory_space<vmem>>, vector<1x64x1x256xf32>
    %swap3A_702 = vector.shape_cast %swap3A_701 : vector<1x64x1x256xf32> to vector<64x256xf32>
    %swap3A_703 = vector.shape_cast %add3A_696 : vector<64x256xf32> to vector<1x64x1x256xf32>
    tpu.vector_store %arg5[%swap3A_697, %swap3A_698, %swap3A_699, %swap3A_700], %swap3A_703 {strides = array<i32>} : memref<1x64x32x256xf32, #tpu.memory_space<vmem>>, vector<1x64x1x256xf32>,
    %get3A_704 = arith.constant 2944 : index
    %get3A_705 = arith.constant 0 : index
    %get3A_706 = vector.load %arg4[%get3A_704, %get3A_705] : memref<4096x128xf32, #tpu.memory_space<vmem>>, vector<128x128xf32>
    %transpose3A_707 = tpu.transpose %get3A_706, [1, 0] : vector<128x128xf32> -> vector<128x128xf32>
    %slice3A_708 = vector.extract_strided_slice %transpose3A_707 {offsets = [0, 0], sizes = [64, 128], strides = [1, 1]} : vector<128x128xf32> to vector<64x128xf32>
    %slice3A_709 = vector.extract_strided_slice %transpose3A_707 {offsets = [64, 0], sizes = [64, 128], strides = [1, 1]} : vector<128x128xf32> to vector<64x128xf32>
    %concatenate3A_710 = tpu.concatenate %slice3A_708, %slice3A_709 in 1 : vector<64x128xf32>, vector<64x128xf32> -> vector<64x256xf32>
    %get3A_711 = arith.constant 0 : index
    %get3A_712 = arith.constant 0 : index
    %get3A_713 = arith.constant 23 : index
    %get3A_714 = arith.constant 0 : index
    %get3A_715 = vector.load %arg3[%get3A_711, %get3A_712, %get3A_713, %get3A_714] : memref<1x1x32x256xf32, #tpu.memory_space<vmem>>, vector<1x1x1x256xf32>
    %get3A_716 = vector.shape_cast %get3A_715 : vector<1x1x1x256xf32> to vector<256xf32>
    %broadcast_in_dim3A_717 = vector.shape_cast %get3A_716 : vector<256xf32> to vector<1x256xf32>
    %get3A_718 = arith.constant 0 : index
    %get3A_719 = arith.constant 0 : index
    %get3A_720 = arith.constant 23 : index
    %get3A_721 = arith.constant 0 : index
    %get3A_722 = vector.load %arg2[%get3A_718, %get3A_719, %get3A_720, %get3A_721] : memref<1x64x32x256xf32, #tpu.memory_space<vmem>>, vector<1x64x1x256xf32>
    %get3A_723 = vector.shape_cast %get3A_722 : vector<1x64x1x256xf32> to vector<64x256xf32>
    %sub3A_724 = arith.subf %concatenate3A_710, %get3A_723 : vector<64x256xf32>
    %mul3A_725 = vector.broadcast %broadcast_in_dim3A_717 : vector<1x256xf32> to vector<64x256xf32>
    %mul3A_726 = arith.mulf %sub3A_724, %mul3A_725 : vector<64x256xf32>
    %add3A_727 = arith.addf %get3A_723, %mul3A_726 : vector<64x256xf32>
    %swap3A_728 = arith.constant 0 : index
    %swap3A_729 = arith.constant 0 : index
    %swap3A_730 = arith.constant 23 : index
    %swap3A_731 = arith.constant 0 : index
    %swap3A_732 = vector.load %arg5[%swap3A_728, %swap3A_729, %swap3A_730, %swap3A_731] : memref<1x64x32x256xf32, #tpu.memory_space<vmem>>, vector<1x64x1x256xf32>
    %swap3A_733 = vector.shape_cast %swap3A_732 : vector<1x64x1x256xf32> to vector<64x256xf32>
    %swap3A_734 = vector.shape_cast %add3A_727 : vector<64x256xf32> to vector<1x64x1x256xf32>
    tpu.vector_store %arg5[%swap3A_728, %swap3A_729, %swap3A_730, %swap3A_731], %swap3A_734 {strides = array<i32>} : memref<1x64x32x256xf32, #tpu.memory_space<vmem>>, vector<1x64x1x256xf32>,
    %get3A_735 = arith.constant 3072 : index
    %get3A_736 = arith.constant 0 : index
    %get3A_737 = vector.load %arg4[%get3A_735, %get3A_736] : memref<4096x128xf32, #tpu.memory_space<vmem>>, vector<128x128xf32>
    %transpose3A_738 = tpu.transpose %get3A_737, [1, 0] : vector<128x128xf32> -> vector<128x128xf32>
    %slice3A_739 = vector.extract_strided_slice %transpose3A_738 {offsets = [0, 0], sizes = [64, 128], strides = [1, 1]} : vector<128x128xf32> to vector<64x128xf32>
    %slice3A_740 = vector.extract_strided_slice %transpose3A_738 {offsets = [64, 0], sizes = [64, 128], strides = [1, 1]} : vector<128x128xf32> to vector<64x128xf32>
    %concatenate3A_741 = tpu.concatenate %slice3A_739, %slice3A_740 in 1 : vector<64x128xf32>, vector<64x128xf32> -> vector<64x256xf32>
    %get3A_742 = arith.constant 0 : index
    %get3A_743 = arith.constant 0 : index
    %get3A_744 = arith.constant 24 : index
    %get3A_745 = arith.constant 0 : index
    %get3A_746 = vector.load %arg3[%get3A_742, %get3A_743, %get3A_744, %get3A_745] : memref<1x1x32x256xf32, #tpu.memory_space<vmem>>, vector<1x1x1x256xf32>
    %get3A_747 = vector.shape_cast %get3A_746 : vector<1x1x1x256xf32> to vector<256xf32>
    %broadcast_in_dim3A_748 = vector.shape_cast %get3A_747 : vector<256xf32> to vector<1x256xf32>
    %get3A_749 = arith.constant 0 : index
    %get3A_750 = arith.constant 0 : index
    %get3A_751 = arith.constant 24 : index
    %get3A_752 = arith.constant 0 : index
    %get3A_753 = vector.load %arg2[%get3A_749, %get3A_750, %get3A_751, %get3A_752] : memref<1x64x32x256xf32, #tpu.memory_space<vmem>>, vector<1x64x1x256xf32>
    %get3A_754 = vector.shape_cast %get3A_753 : vector<1x64x1x256xf32> to vector<64x256xf32>
    %sub3A_755 = arith.subf %concatenate3A_741, %get3A_754 : vector<64x256xf32>
    %mul3A_756 = vector.broadcast %broadcast_in_dim3A_748 : vector<1x256xf32> to vector<64x256xf32>
    %mul3A_757 = arith.mulf %sub3A_755, %mul3A_756 : vector<64x256xf32>
    %add3A_758 = arith.addf %get3A_754, %mul3A_757 : vector<64x256xf32>
    %swap3A_759 = arith.constant 0 : index
    %swap3A_760 = arith.constant 0 : index
    %swap3A_761 = arith.constant 24 : index
    %swap3A_762 = arith.constant 0 : index
    %swap3A_763 = vector.load %arg5[%swap3A_759, %swap3A_760, %swap3A_761, %swap3A_762] : memref<1x64x32x256xf32, #tpu.memory_space<vmem>>, vector<1x64x1x256xf32>
    %swap3A_764 = vector.shape_cast %swap3A_763 : vector<1x64x1x256xf32> to vector<64x256xf32>
    %swap3A_765 = vector.shape_cast %add3A_758 : vector<64x256xf32> to vector<1x64x1x256xf32>
    tpu.vector_store %arg5[%swap3A_759, %swap3A_760, %swap3A_761, %swap3A_762], %swap3A_765 {strides = array<i32>} : memref<1x64x32x256xf32, #tpu.memory_space<vmem>>, vector<1x64x1x256xf32>,
    %get3A_766 = arith.constant 3200 : index
    %get3A_767 = arith.constant 0 : index
    %get3A_768 = vector.load %arg4[%get3A_766, %get3A_767] : memref<4096x128xf32, #tpu.memory_space<vmem>>, vector<128x128xf32>
    %transpose3A_769 = tpu.transpose %get3A_768, [1, 0] : vector<128x128xf32> -> vector<128x128xf32>
    %slice3A_770 = vector.extract_strided_slice %transpose3A_769 {offsets = [0, 0], sizes = [64, 128], strides = [1, 1]} : vector<128x128xf32> to vector<64x128xf32>
    %slice3A_771 = vector.extract_strided_slice %transpose3A_769 {offsets = [64, 0], sizes = [64, 128], strides = [1, 1]} : vector<128x128xf32> to vector<64x128xf32>
    %concatenate3A_772 = tpu.concatenate %slice3A_770, %slice3A_771 in 1 : vector<64x128xf32>, vector<64x128xf32> -> vector<64x256xf32>
    %get3A_773 = arith.constant 0 : index
    %get3A_774 = arith.constant 0 : index
    %get3A_775 = arith.constant 25 : index
    %get3A_776 = arith.constant 0 : index
    %get3A_777 = vector.load %arg3[%get3A_773, %get3A_774, %get3A_775, %get3A_776] : memref<1x1x32x256xf32, #tpu.memory_space<vmem>>, vector<1x1x1x256xf32>
    %get3A_778 = vector.shape_cast %get3A_777 : vector<1x1x1x256xf32> to vector<256xf32>
    %broadcast_in_dim3A_779 = vector.shape_cast %get3A_778 : vector<256xf32> to vector<1x256xf32>
    %get3A_780 = arith.constant 0 : index
    %get3A_781 = arith.constant 0 : index
    %get3A_782 = arith.constant 25 : index
    %get3A_783 = arith.constant 0 : index
    %get3A_784 = vector.load %arg2[%get3A_780, %get3A_781, %get3A_782, %get3A_783] : memref<1x64x32x256xf32, #tpu.memory_space<vmem>>, vector<1x64x1x256xf32>
    %get3A_785 = vector.shape_cast %get3A_784 : vector<1x64x1x256xf32> to vector<64x256xf32>
    %sub3A_786 = arith.subf %concatenate3A_772, %get3A_785 : vector<64x256xf32>
    %mul3A_787 = vector.broadcast %broadcast_in_dim3A_779 : vector<1x256xf32> to vector<64x256xf32>
    %mul3A_788 = arith.mulf %sub3A_786, %mul3A_787 : vector<64x256xf32>
    %add3A_789 = arith.addf %get3A_785, %mul3A_788 : vector<64x256xf32>
    %swap3A_790 = arith.constant 0 : index
    %swap3A_791 = arith.constant 0 : index
    %swap3A_792 = arith.constant 25 : index
    %swap3A_793 = arith.constant 0 : index
    %swap3A_794 = vector.load %arg5[%swap3A_790, %swap3A_791, %swap3A_792, %swap3A_793] : memref<1x64x32x256xf32, #tpu.memory_space<vmem>>, vector<1x64x1x256xf32>
    %swap3A_795 = vector.shape_cast %swap3A_794 : vector<1x64x1x256xf32> to vector<64x256xf32>
    %swap3A_796 = vector.shape_cast %add3A_789 : vector<64x256xf32> to vector<1x64x1x256xf32>
    tpu.vector_store %arg5[%swap3A_790, %swap3A_791, %swap3A_792, %swap3A_793], %swap3A_796 {strides = array<i32>} : memref<1x64x32x256xf32, #tpu.memory_space<vmem>>, vector<1x64x1x256xf32>,
    %get3A_797 = arith.constant 3328 : index
    %get3A_798 = arith.constant 0 : index
    %get3A_799 = vector.load %arg4[%get3A_797, %get3A_798] : memref<4096x128xf32, #tpu.memory_space<vmem>>, vector<128x128xf32>
    %transpose3A_800 = tpu.transpose %get3A_799, [1, 0] : vector<128x128xf32> -> vector<128x128xf32>
    %slice3A_801 = vector.extract_strided_slice %transpose3A_800 {offsets = [0, 0], sizes = [64, 128], strides = [1, 1]} : vector<128x128xf32> to vector<64x128xf32>
    %slice3A_802 = vector.extract_strided_slice %transpose3A_800 {offsets = [64, 0], sizes = [64, 128], strides = [1, 1]} : vector<128x128xf32> to vector<64x128xf32>
    %concatenate3A_803 = tpu.concatenate %slice3A_801, %slice3A_802 in 1 : vector<64x128xf32>, vector<64x128xf32> -> vector<64x256xf32>
    %get3A_804 = arith.constant 0 : index
    %get3A_805 = arith.constant 0 : index
    %get3A_806 = arith.constant 26 : index
    %get3A_807 = arith.constant 0 : index
    %get3A_808 = vector.load %arg3[%get3A_804, %get3A_805, %get3A_806, %get3A_807] : memref<1x1x32x256xf32, #tpu.memory_space<vmem>>, vector<1x1x1x256xf32>
    %get3A_809 = vector.shape_cast %get3A_808 : vector<1x1x1x256xf32> to vector<256xf32>
    %broadcast_in_dim3A_810 = vector.shape_cast %get3A_809 : vector<256xf32> to vector<1x256xf32>
    %get3A_811 = arith.constant 0 : index
    %get3A_812 = arith.constant 0 : index
    %get3A_813 = arith.constant 26 : index
    %get3A_814 = arith.constant 0 : index
    %get3A_815 = vector.load %arg2[%get3A_811, %get3A_812, %get3A_813, %get3A_814] : memref<1x64x32x256xf32, #tpu.memory_space<vmem>>, vector<1x64x1x256xf32>
    %get3A_816 = vector.shape_cast %get3A_815 : vector<1x64x1x256xf32> to vector<64x256xf32>
    %sub3A_817 = arith.subf %concatenate3A_803, %get3A_816 : vector<64x256xf32>
    %mul3A_818 = vector.broadcast %broadcast_in_dim3A_810 : vector<1x256xf32> to vector<64x256xf32>
    %mul3A_819 = arith.mulf %sub3A_817, %mul3A_818 : vector<64x256xf32>
    %add3A_820 = arith.addf %get3A_816, %mul3A_819 : vector<64x256xf32>
    %swap3A_821 = arith.constant 0 : index
    %swap3A_822 = arith.constant 0 : index
    %swap3A_823 = arith.constant 26 : index
    %swap3A_824 = arith.constant 0 : index
    %swap3A_825 = vector.load %arg5[%swap3A_821, %swap3A_822, %swap3A_823, %swap3A_824] : memref<1x64x32x256xf32, #tpu.memory_space<vmem>>, vector<1x64x1x256xf32>
    %swap3A_826 = vector.shape_cast %swap3A_825 : vector<1x64x1x256xf32> to vector<64x256xf32>
    %swap3A_827 = vector.shape_cast %add3A_820 : vector<64x256xf32> to vector<1x64x1x256xf32>
    tpu.vector_store %arg5[%swap3A_821, %swap3A_822, %swap3A_823, %swap3A_824], %swap3A_827 {strides = array<i32>} : memref<1x64x32x256xf32, #tpu.memory_space<vmem>>, vector<1x64x1x256xf32>,
    %get3A_828 = arith.constant 3456 : index
    %get3A_829 = arith.constant 0 : index
    %get3A_830 = vector.load %arg4[%get3A_828, %get3A_829] : memref<4096x128xf32, #tpu.memory_space<vmem>>, vector<128x128xf32>
    %transpose3A_831 = tpu.transpose %get3A_830, [1, 0] : vector<128x128xf32> -> vector<128x128xf32>
    %slice3A_832 = vector.extract_strided_slice %transpose3A_831 {offsets = [0, 0], sizes = [64, 128], strides = [1, 1]} : vector<128x128xf32> to vector<64x128xf32>
    %slice3A_833 = vector.extract_strided_slice %transpose3A_831 {offsets = [64, 0], sizes = [64, 128], strides = [1, 1]} : vector<128x128xf32> to vector<64x128xf32>
    %concatenate3A_834 = tpu.concatenate %slice3A_832, %slice3A_833 in 1 : vector<64x128xf32>, vector<64x128xf32> -> vector<64x256xf32>
    %get3A_835 = arith.constant 0 : index
    %get3A_836 = arith.constant 0 : index
    %get3A_837 = arith.constant 27 : index
    %get3A_838 = arith.constant 0 : index
    %get3A_839 = vector.load %arg3[%get3A_835, %get3A_836, %get3A_837, %get3A_838] : memref<1x1x32x256xf32, #tpu.memory_space<vmem>>, vector<1x1x1x256xf32>
    %get3A_840 = vector.shape_cast %get3A_839 : vector<1x1x1x256xf32> to vector<256xf32>
    %broadcast_in_dim3A_841 = vector.shape_cast %get3A_840 : vector<256xf32> to vector<1x256xf32>
    %get3A_842 = arith.constant 0 : index
    %get3A_843 = arith.constant 0 : index
    %get3A_844 = arith.constant 27 : index
    %get3A_845 = arith.constant 0 : index
    %get3A_846 = vector.load %arg2[%get3A_842, %get3A_843, %get3A_844, %get3A_845] : memref<1x64x32x256xf32, #tpu.memory_space<vmem>>, vector<1x64x1x256xf32>
    %get3A_847 = vector.shape_cast %get3A_846 : vector<1x64x1x256xf32> to vector<64x256xf32>
    %sub3A_848 = arith.subf %concatenate3A_834, %get3A_847 : vector<64x256xf32>
    %mul3A_849 = vector.broadcast %broadcast_in_dim3A_841 : vector<1x256xf32> to vector<64x256xf32>
    %mul3A_850 = arith.mulf %sub3A_848, %mul3A_849 : vector<64x256xf32>
    %add3A_851 = arith.addf %get3A_847, %mul3A_850 : vector<64x256xf32>
    %swap3A_852 = arith.constant 0 : index
    %swap3A_853 = arith.constant 0 : index
    %swap3A_854 = arith.constant 27 : index
    %swap3A_855 = arith.constant 0 : index
    %swap3A_856 = vector.load %arg5[%swap3A_852, %swap3A_853, %swap3A_854, %swap3A_855] : memref<1x64x32x256xf32, #tpu.memory_space<vmem>>, vector<1x64x1x256xf32>
    %swap3A_857 = vector.shape_cast %swap3A_856 : vector<1x64x1x256xf32> to vector<64x256xf32>
    %swap3A_858 = vector.shape_cast %add3A_851 : vector<64x256xf32> to vector<1x64x1x256xf32>
    tpu.vector_store %arg5[%swap3A_852, %swap3A_853, %swap3A_854, %swap3A_855], %swap3A_858 {strides = array<i32>} : memref<1x64x32x256xf32, #tpu.memory_space<vmem>>, vector<1x64x1x256xf32>,
    %get3A_859 = arith.constant 3584 : index
    %get3A_860 = arith.constant 0 : index
    %get3A_861 = vector.load %arg4[%get3A_859, %get3A_860] : memref<4096x128xf32, #tpu.memory_space<vmem>>, vector<128x128xf32>
    %transpose3A_862 = tpu.transpose %get3A_861, [1, 0] : vector<128x128xf32> -> vector<128x128xf32>
    %slice3A_863 = vector.extract_strided_slice %transpose3A_862 {offsets = [0, 0], sizes = [64, 128], strides = [1, 1]} : vector<128x128xf32> to vector<64x128xf32>
    %slice3A_864 = vector.extract_strided_slice %transpose3A_862 {offsets = [64, 0], sizes = [64, 128], strides = [1, 1]} : vector<128x128xf32> to vector<64x128xf32>
    %concatenate3A_865 = tpu.concatenate %slice3A_863, %slice3A_864 in 1 : vector<64x128xf32>, vector<64x128xf32> -> vector<64x256xf32>
    %get3A_866 = arith.constant 0 : index
    %get3A_867 = arith.constant 0 : index
    %get3A_868 = arith.constant 28 : index
    %get3A_869 = arith.constant 0 : index
    %get3A_870 = vector.load %arg3[%get3A_866, %get3A_867, %get3A_868, %get3A_869] : memref<1x1x32x256xf32, #tpu.memory_space<vmem>>, vector<1x1x1x256xf32>
    %get3A_871 = vector.shape_cast %get3A_870 : vector<1x1x1x256xf32> to vector<256xf32>
    %broadcast_in_dim3A_872 = vector.shape_cast %get3A_871 : vector<256xf32> to vector<1x256xf32>
    %get3A_873 = arith.constant 0 : index
    %get3A_874 = arith.constant 0 : index
    %get3A_875 = arith.constant 28 : index
    %get3A_876 = arith.constant 0 : index
    %get3A_877 = vector.load %arg2[%get3A_873, %get3A_874, %get3A_875, %get3A_876] : memref<1x64x32x256xf32, #tpu.memory_space<vmem>>, vector<1x64x1x256xf32>
    %get3A_878 = vector.shape_cast %get3A_877 : vector<1x64x1x256xf32> to vector<64x256xf32>
    %sub3A_879 = arith.subf %concatenate3A_865, %get3A_878 : vector<64x256xf32>
    %mul3A_880 = vector.broadcast %broadcast_in_dim3A_872 : vector<1x256xf32> to vector<64x256xf32>
    %mul3A_881 = arith.mulf %sub3A_879, %mul3A_880 : vector<64x256xf32>
    %add3A_882 = arith.addf %get3A_878, %mul3A_881 : vector<64x256xf32>
    %swap3A_883 = arith.constant 0 : index
    %swap3A_884 = arith.constant 0 : index
    %swap3A_885 = arith.constant 28 : index
    %swap3A_886 = arith.constant 0 : index
    %swap3A_887 = vector.load %arg5[%swap3A_883, %swap3A_884, %swap3A_885, %swap3A_886] : memref<1x64x32x256xf32, #tpu.memory_space<vmem>>, vector<1x64x1x256xf32>
    %swap3A_888 = vector.shape_cast %swap3A_887 : vector<1x64x1x256xf32> to vector<64x256xf32>
    %swap3A_889 = vector.shape_cast %add3A_882 : vector<64x256xf32> to vector<1x64x1x256xf32>
    tpu.vector_store %arg5[%swap3A_883, %swap3A_884, %swap3A_885, %swap3A_886], %swap3A_889 {strides = array<i32>} : memref<1x64x32x256xf32, #tpu.memory_space<vmem>>, vector<1x64x1x256xf32>,
    %get3A_890 = arith.constant 3712 : index
    %get3A_891 = arith.constant 0 : index
    %get3A_892 = vector.load %arg4[%get3A_890, %get3A_891] : memref<4096x128xf32, #tpu.memory_space<vmem>>, vector<128x128xf32>
    %transpose3A_893 = tpu.transpose %get3A_892, [1, 0] : vector<128x128xf32> -> vector<128x128xf32>
    %slice3A_894 = vector.extract_strided_slice %transpose3A_893 {offsets = [0, 0], sizes = [64, 128], strides = [1, 1]} : vector<128x128xf32> to vector<64x128xf32>
    %slice3A_895 = vector.extract_strided_slice %transpose3A_893 {offsets = [64, 0], sizes = [64, 128], strides = [1, 1]} : vector<128x128xf32> to vector<64x128xf32>
    %concatenate3A_896 = tpu.concatenate %slice3A_894, %slice3A_895 in 1 : vector<64x128xf32>, vector<64x128xf32> -> vector<64x256xf32>
    %get3A_897 = arith.constant 0 : index
    %get3A_898 = arith.constant 0 : index
    %get3A_899 = arith.constant 29 : index
    %get3A_900 = arith.constant 0 : index
    %get3A_901 = vector.load %arg3[%get3A_897, %get3A_898, %get3A_899, %get3A_900] : memref<1x1x32x256xf32, #tpu.memory_space<vmem>>, vector<1x1x1x256xf32>
    %get3A_902 = vector.shape_cast %get3A_901 : vector<1x1x1x256xf32> to vector<256xf32>
    %broadcast_in_dim3A_903 = vector.shape_cast %get3A_902 : vector<256xf32> to vector<1x256xf32>
    %get3A_904 = arith.constant 0 : index
    %get3A_905 = arith.constant 0 : index
    %get3A_906 = arith.constant 29 : index
    %get3A_907 = arith.constant 0 : index
    %get3A_908 = vector.load %arg2[%get3A_904, %get3A_905, %get3A_906, %get3A_907] : memref<1x64x32x256xf32, #tpu.memory_space<vmem>>, vector<1x64x1x256xf32>
    %get3A_909 = vector.shape_cast %get3A_908 : vector<1x64x1x256xf32> to vector<64x256xf32>
    %sub3A_910 = arith.subf %concatenate3A_896, %get3A_909 : vector<64x256xf32>
    %mul3A_911 = vector.broadcast %broadcast_in_dim3A_903 : vector<1x256xf32> to vector<64x256xf32>
    %mul3A_912 = arith.mulf %sub3A_910, %mul3A_911 : vector<64x256xf32>
    %add3A_913 = arith.addf %get3A_909, %mul3A_912 : vector<64x256xf32>
    %swap3A_914 = arith.constant 0 : index
    %swap3A_915 = arith.constant 0 : index
    %swap3A_916 = arith.constant 29 : index
    %swap3A_917 = arith.constant 0 : index
    %swap3A_918 = vector.load %arg5[%swap3A_914, %swap3A_915, %swap3A_916, %swap3A_917] : memref<1x64x32x256xf32, #tpu.memory_space<vmem>>, vector<1x64x1x256xf32>
    %swap3A_919 = vector.shape_cast %swap3A_918 : vector<1x64x1x256xf32> to vector<64x256xf32>
    %swap3A_920 = vector.shape_cast %add3A_913 : vector<64x256xf32> to vector<1x64x1x256xf32>
    tpu.vector_store %arg5[%swap3A_914, %swap3A_915, %swap3A_916, %swap3A_917], %swap3A_920 {strides = array<i32>} : memref<1x64x32x256xf32, #tpu.memory_space<vmem>>, vector<1x64x1x256xf32>,
    %get3A_921 = arith.constant 3840 : index
    %get3A_922 = arith.constant 0 : index
    %get3A_923 = vector.load %arg4[%get3A_921, %get3A_922] : memref<4096x128xf32, #tpu.memory_space<vmem>>, vector<128x128xf32>
    %transpose3A_924 = tpu.transpose %get3A_923, [1, 0] : vector<128x128xf32> -> vector<128x128xf32>
    %slice3A_925 = vector.extract_strided_slice %transpose3A_924 {offsets = [0, 0], sizes = [64, 128], strides = [1, 1]} : vector<128x128xf32> to vector<64x128xf32>
    %slice3A_926 = vector.extract_strided_slice %transpose3A_924 {offsets = [64, 0], sizes = [64, 128], strides = [1, 1]} : vector<128x128xf32> to vector<64x128xf32>
    %concatenate3A_927 = tpu.concatenate %slice3A_925, %slice3A_926 in 1 : vector<64x128xf32>, vector<64x128xf32> -> vector<64x256xf32>
    %get3A_928 = arith.constant 0 : index
    %get3A_929 = arith.constant 0 : index
    %get3A_930 = arith.constant 30 : index
    %get3A_931 = arith.constant 0 : index
    %get3A_932 = vector.load %arg3[%get3A_928, %get3A_929, %get3A_930, %get3A_931] : memref<1x1x32x256xf32, #tpu.memory_space<vmem>>, vector<1x1x1x256xf32>
    %get3A_933 = vector.shape_cast %get3A_932 : vector<1x1x1x256xf32> to vector<256xf32>
    %broadcast_in_dim3A_934 = vector.shape_cast %get3A_933 : vector<256xf32> to vector<1x256xf32>
    %get3A_935 = arith.constant 0 : index
    %get3A_936 = arith.constant 0 : index
    %get3A_937 = arith.constant 30 : index
    %get3A_938 = arith.constant 0 : index
    %get3A_939 = vector.load %arg2[%get3A_935, %get3A_936, %get3A_937, %get3A_938] : memref<1x64x32x256xf32, #tpu.memory_space<vmem>>, vector<1x64x1x256xf32>
    %get3A_940 = vector.shape_cast %get3A_939 : vector<1x64x1x256xf32> to vector<64x256xf32>
    %sub3A_941 = arith.subf %concatenate3A_927, %get3A_940 : vector<64x256xf32>
    %mul3A_942 = vector.broadcast %broadcast_in_dim3A_934 : vector<1x256xf32> to vector<64x256xf32>
    %mul3A_943 = arith.mulf %sub3A_941, %mul3A_942 : vector<64x256xf32>
    %add3A_944 = arith.addf %get3A_940, %mul3A_943 : vector<64x256xf32>
    %swap3A_945 = arith.constant 0 : index
    %swap3A_946 = arith.constant 0 : index
    %swap3A_947 = arith.constant 30 : index
    %swap3A_948 = arith.constant 0 : index
    %swap3A_949 = vector.load %arg5[%swap3A_945, %swap3A_946, %swap3A_947, %swap3A_948] : memref<1x64x32x256xf32, #tpu.memory_space<vmem>>, vector<1x64x1x256xf32>
    %swap3A_950 = vector.shape_cast %swap3A_949 : vector<1x64x1x256xf32> to vector<64x256xf32>
    %swap3A_951 = vector.shape_cast %add3A_944 : vector<64x256xf32> to vector<1x64x1x256xf32>
    tpu.vector_store %arg5[%swap3A_945, %swap3A_946, %swap3A_947, %swap3A_948], %swap3A_951 {strides = array<i32>} : memref<1x64x32x256xf32, #tpu.memory_space<vmem>>, vector<1x64x1x256xf32>,
    %get3A_952 = arith.constant 3968 : index
    %get3A_953 = arith.constant 0 : index
    %get3A_954 = vector.load %arg4[%get3A_952, %get3A_953] : memref<4096x128xf32, #tpu.memory_space<vmem>>, vector<128x128xf32>
    %transpose3A_955 = tpu.transpose %get3A_954, [1, 0] : vector<128x128xf32> -> vector<128x128xf32>
    %slice3A_956 = vector.extract_strided_slice %transpose3A_955 {offsets = [0, 0], sizes = [64, 128], strides = [1, 1]} : vector<128x128xf32> to vector<64x128xf32>
    %slice3A_957 = vector.extract_strided_slice %transpose3A_955 {offsets = [64, 0], sizes = [64, 128], strides = [1, 1]} : vector<128x128xf32> to vector<64x128xf32>
    %concatenate3A_958 = tpu.concatenate %slice3A_956, %slice3A_957 in 1 : vector<64x128xf32>, vector<64x128xf32> -> vector<64x256xf32>
    %get3A_959 = arith.constant 0 : index
    %get3A_960 = arith.constant 0 : index
    %get3A_961 = arith.constant 31 : index
    %get3A_962 = arith.constant 0 : index
    %get3A_963 = vector.load %arg3[%get3A_959, %get3A_960, %get3A_961, %get3A_962] : memref<1x1x32x256xf32, #tpu.memory_space<vmem>>, vector<1x1x1x256xf32>
    %get3A_964 = vector.shape_cast %get3A_963 : vector<1x1x1x256xf32> to vector<256xf32>
    %broadcast_in_dim3A_965 = vector.shape_cast %get3A_964 : vector<256xf32> to vector<1x256xf32>
    %get3A_966 = arith.constant 0 : index
    %get3A_967 = arith.constant 0 : index
    %get3A_968 = arith.constant 31 : index
    %get3A_969 = arith.constant 0 : index
    %get3A_970 = vector.load %arg2[%get3A_966, %get3A_967, %get3A_968, %get3A_969] : memref<1x64x32x256xf32, #tpu.memory_space<vmem>>, vector<1x64x1x256xf32>
    %get3A_971 = vector.shape_cast %get3A_970 : vector<1x64x1x256xf32> to vector<64x256xf32>
    %sub3A_972 = arith.subf %concatenate3A_958, %get3A_971 : vector<64x256xf32>
    %mul3A_973 = vector.broadcast %broadcast_in_dim3A_965 : vector<1x256xf32> to vector<64x256xf32>
    %mul3A_974 = arith.mulf %sub3A_972, %mul3A_973 : vector<64x256xf32>
    %add3A_975 = arith.addf %get3A_971, %mul3A_974 : vector<64x256xf32>
    %swap3A_976 = arith.constant 0 : index
    %swap3A_977 = arith.constant 0 : index
    %swap3A_978 = arith.constant 31 : index
    %swap3A_979 = arith.constant 0 : index
    %swap3A_980 = vector.load %arg5[%swap3A_976, %swap3A_977, %swap3A_978, %swap3A_979] : memref<1x64x32x256xf32, #tpu.memory_space<vmem>>, vector<1x64x1x256xf32>
    %swap3A_981 = vector.shape_cast %swap3A_980 : vector<1x64x1x256xf32> to vector<64x256xf32>
    %swap3A_982 = vector.shape_cast %add3A_975 : vector<64x256xf32> to vector<1x64x1x256xf32>
    tpu.vector_store %arg5[%swap3A_976, %swap3A_977, %swap3A_978, %swap3A_979], %swap3A_982 {strides = array<i32>} : memref<1x64x32x256xf32, #tpu.memory_space<vmem>>, vector<1x64x1x256xf32>,
    return
  }
  func.func @transform_0(%arg0: i32, %arg1: i32) -> (i32, i32, i32, i32) {
    %c0_i32 = arith.constant 0 : i32
    %c0_i32_0 = arith.constant 0 : i32
    %c0_i32_1 = arith.constant 0 : i32
    return %arg0, %c0_i32, %arg1, %c0_i32_0 : i32, i32, i32, i32
  }
  func.func @transform_1(%arg0: i32, %arg1: i32) -> (i32, i32, i32, i32) {
    %c0_i32 = arith.constant 0 : i32
    %c0_i32_0 = arith.constant 0 : i32
    %c0_i32_1 = arith.constant 0 : i32
    return %arg0, %c0_i32, %arg1, %c0_i32_0 : i32, i32, i32, i32
  }
  func.func @transform_2(%arg0: i32, %arg1: i32) -> (i32, i32) {
    %mul3A = arith.constant 2 : i32
    %mul3A_0 = arith.muli %arg0, %mul3A : i32
    %add3A = arith.addi %mul3A_0, %arg1 : i32
    %c0_i32 = arith.constant 0 : i32
    %c0_i32_1 = arith.constant 0 : i32
    return %add3A, %c0_i32 : i32, i32
  }
  func.func @transform_3(%arg0: i32, %arg1: i32) -> (i32, i32, i32, i32) {
    %c0_i32 = arith.constant 0 : i32
    %c0_i32_0 = arith.constant 0 : i32
    %c0_i32_1 = arith.constant 0 : i32
    return %arg0, %c0_i32, %arg1, %c0_i32_0 : i32, i32, i32, i32
  }
}

</mosaic_0001>

<sc_bundles>
// kernel: kernel.10.cloned.1.call-start
scs
__scs_entry_jumppad:
0x0: {  	(pc) =	sbr.rel $0x88, $3  }
0x1: {  	(tag) =	ssettag $0x0;
	lr =	simm.s32 $0x1  }
0x2: {  	[smem:$0x3F9C] =	sst lr;
	_ =	strace $0xD0000000  }
0x3: {  	_ = 	snop  }
0x4: {  	_ = 	snop  }
0x5: {  	_ = 	snop  }
0x6: {  	_ = 	snop  }
0x7: {  	_ = 	snop  }
__scs_overlays_trampoline_lowered:
0x8: {  	[smem:$0x3FAB] =	sst s0  }
0x9: {  	[smem:$0x3FAC] =	sst s1  }
0xa: {  	[smem:$0x3FAD] =	sst s2  }
0xb: {  	[smem:$0x3FAE] =	sst s3  }
0xc: {  	[smem:$0x3FAF] =	sst s4  }
0xd: {  	[smem:$0x3FB0] =	sst s5  }
0xe: {  	[smem:$0x3FB1] =	sst s6  }
0xf: {  	[smem:$0x3FB2] =	sst s7  }
0x10: {  	[smem:$0x3FB3] =	sst s8  }
0x11: {  	[smem:$0x3FB4] =	sst s9;
	s0 =	simm.s32 @!p0 $0x0  }
0x12: {  	s1 =	sld [smem:$0x3F9A];
	s0 =	simm.s32 @p0 $0x1  }
0x13: {  	[smem:$0x3FB5] =	sst s0;
	s0 =	simm.s32 @!p1 $0x0  }
0x14: {  	s2 =	sld [smem:$0x3F99];
	s0 =	simm.s32 @p1 $0x1  }
0x15: {  	[smem:$0x3FB6] =	sst s0;
	s0 =	simm.s32 @!p2 $0x0  }
0x16: {  	s3 =	sld [smem:$0x3FDB];
	s0 =	simm.s32 @p2 $0x1  }
0x17: {  	s4 =	simm.s32 $0x1BF5;
	[smem:$0x3FB8] =	sst s0  }
0x18: {  	s0 =	sld [smem:$0x3F9B];
	_ =	swait.ge [sflag:s4], $0x0  }
0x19: {  	s7 =	sld [smem:$0x3F9C]  }
0x1a: {  	s8 =	sadd.s32 $0xFFFFE003, lr  }
0x1b: {  	s9 =	sadd.s32 $0xFFFFFEF7, lr;
	s5 =	simm.s32 $0xFFFFFFFF;
	p2 =	slt.u32 s8, $0xFFFFF086  }
0x1c: {  	p1 =	slt.u32 s9, $0xF7A;
	s5 =	simm.s32 @!p2 $0x0  }
0x1d: {  	s5 =	simm.s32 @p1 $0x1;
	p0 =	seq.s32 s7, s2  }
0x1e: {  	s7 =	smul.u32 @!p0 $0xF7A, s2;
	p2 =	seq.s32 @!p0 s5, $0x0  }
0x1f: {  	s9 =	smul.u32 $0xF7A, s1;
	s8 =	simm.s32 @!p0 $0x1BF5;
	p2 =	por !p2, p0  }
0x20: {  	[sflag:s8] =	ssyncset.s32 @!p0 $0xFFFFF086;
	s6 =	sadd.s32 @!p0 s3, s7;
	s7 =	simm.s32 @!p0 $0x108  }
0x21: {  	s3 =	sadd.s32 s3, s9;
	s6 =	sadd.s32 @!p0 $0x88, s6;
	s7 =	simm.s32 @p2 $0x1082  }
0x22: {  	[simem:s7], [sflag:s8] =	dma.local @!p0 [hbm:s6], $0xF7A  }
0x23: {  	s9 =	sor.u32 $0xD0000000, s2;
	s6 =	simm.s32 $0x108;
	_ =	swait.ge @!p0 [sflag:s8], $0x0  }
0x24: {  	s3 =	sadd.s32 $0x88, s3;
	s6 =	simm.s32 @!p1 $0x1082;
	[sflag:s4] =	ssyncset.s32 $0xFFFFF086  }
0x25: {  	[simem:s6], [sflag:s4] =	dma.local [hbm:s3], $0xF7A  }
0x26: {  	[smem:$0x3F9C] =	sst s1;
	(tag) =	ssettag s2;
	_ =	strace s9  }
0x27: {  	s1 =	sld [smem:$0x3FAC]  }
0x28: {  	s2 =	sld [smem:$0x3FAD]  }
0x29: {  	s4 =	sld [smem:$0x3FAF]  }
0x2a: {  	p0 =	seq.s32 s5, $0x0;
	s5 =	sld [smem:$0x3FB0]  }
0x2b: {  	s6 =	sld [smem:$0x3FB1]  }
0x2c: {  	s7 =	sld [smem:$0x3FB2]  }
0x2d: {  	s3 =	simm.s32 $0x108;
	s8 =	sld [smem:$0x3FB3]  }
0x2e: {  	s3 =	simm.s32 @!p0 $0x1082;
	s9 =	sld [smem:$0x3FB4]  }
0x2f: {  	lr =	sadd.s32 s0, s3;
	s0 =	sld [smem:$0x3FAB]  }
0x30: {  	s3 =	sld [smem:$0x3FAE]  }
0x31: {  	[smem:$0x3FB7] =	sst s10  }
0x32: {  	s10 =	sld [smem:$0x3FB5];
	_ =	sdelay $0x3  }
0x33: {  	p0 =	seq.s32 s10, $0x1;
	s10 =	sld [smem:$0x3FB7];
	_ =	sdelay $0x3  }
0x34: {  	[smem:$0x3FB7] =	sst s10  }
0x35: {  	s10 =	sld [smem:$0x3FB6];
	_ =	sdelay $0x3  }
0x36: {  	p1 =	seq.s32 s10, $0x1;
	s10 =	sld [smem:$0x3FB7];
	_ =	sdelay $0x3  }
0x37: {  	[smem:$0x3FB7] =	sst s10  }
0x38: {  	s10 =	sld [smem:$0x3FB8]  }
0x39: {  	_ = 	snop;
	(pc) =	sbr.ind lr, $3  }
0x3a: {  	_ = 	snop  }
0x3b: {  	_ = 	snop  }
0x3c: {  	p2 =	seq.s32 s10, $0x1;
	s10 =	sld [smem:$0x3FB7]  }
0x3d: {  	_ =	shalt  }
0x3e: {  	_ =	shalt  }
0x3f: {  	_ =	shalt  }
0x40: {  	_ =	shalt  }
0x41: {  	_ =	shalt  }
0x42: {  	_ =	shalt  }
0x43: {  	_ =	shalt  }
0x44: {  	_ =	shalt  }
0x45: {  	_ =	shalt  }
0x46: {  	_ =	shalt  }
0x47: {  	_ =	shalt  }
0x48: {  	_ =	shalt  }
0x49: {  	_ =	shalt  }
0x4a: {  	_ =	shalt  }
0x4b: {  	_ =	shalt  }
0x4c: {  	_ =	shalt  }
0x4d: {  	_ =	shalt  }
0x4e: {  	_ =	shalt  }
0x4f: {  	_ =	shalt  }
0x50: {  	_ =	shalt  }
0x51: {  	_ =	shalt  }
0x52: {  	_ =	shalt  }
0x53: {  	_ =	shalt  }
0x54: {  	_ =	shalt  }
0x55: {  	_ =	shalt  }
0x56: {  	_ =	shalt  }
0x57: {  	_ =	shalt  }
0x58: {  	_ =	shalt  }
0x59: {  	_ =	shalt  }
0x5a: {  	_ =	shalt  }
0x5b: {  	_ =	shalt  }
0x5c: {  	_ =	shalt  }
0x5d: {  	_ =	shalt  }
0x5e: {  	_ =	shalt  }
0x5f: {  	_ =	shalt  }
0x60: {  	_ =	shalt  }
0x61: {  	_ =	shalt  }
0x62: {  	_ =	shalt  }
0x63: {  	_ =	shalt  }
0x64: {  	_ =	shalt  }
0x65: {  	_ =	shalt  }
0x66: {  	_ =	shalt  }
0x67: {  	_ =	shalt  }
0x68: {  	_ =	shalt  }
0x69: {  	_ =	shalt  }
0x6a: {  	_ =	shalt  }
0x6b: {  	_ =	shalt  }
0x6c: {  	_ =	shalt  }
0x6d: {  	_ =	shalt  }
0x6e: {  	_ =	shalt  }
0x6f: {  	_ =	shalt  }
0x70: {  	_ =	shalt  }
0x71: {  	_ =	shalt  }
0x72: {  	_ =	shalt  }
0x73: {  	_ =	shalt  }
0x74: {  	_ =	shalt  }
0x75: {  	_ =	shalt  }
0x76: {  	_ =	shalt  }
0x77: {  	_ =	shalt  }
0x78: {  	_ =	shalt  }
0x79: {  	_ =	shalt  }
0x7a: {  	_ =	shalt  }
0x7b: {  	_ =	shalt  }
0x7c: {  	_ =	shalt  }
0x7d: {  	_ =	shalt  }
0x7e: {  	_ =	shalt  }
0x7f: {  	_ =	shalt  }
0x80: {  	_ =	shalt  }
0x81: {  	_ =	shalt  }
0x82: {  	_ =	shalt  }
0x83: {  	_ =	shalt  }
0x84: {  	_ =	shalt  }
0x85: {  	_ =	shalt  }
0x86: {  	_ =	shalt  }
0x87: {  	_ =	shalt  }
.Lfunc_end0:
.L_simem_size_0:
called_computation.1_lowered:
.L_overlay_start_0:
0x88: {  	s2 =	sld [smem:$0x3FD9]  }
0x89: {  	s3 =	sld [smem:$0x3FFE];
	_ =	sdelay $0x1  }
0x8a: {  	s1 =	srdreg.scid  }
0x8b: {  	s0 =	sand.u32 $0x1, s1  }
0x8c: {  	s14 =	sshll.u32 s0, $0xA;
	s2 =	sadd.s32 s3, s2  }
0x8d: {  	s2 =	sadd.s32 s2, s14  }
0x8e: {  	[smem:$0x3FC3] =	sst s2  }
0x8f: {  	_ = 	snop  }
0x90: {  	s2 =	sld [smem:$0x3FD0];
	_ =	sdelay $0x2  }
0x91: {  	s15 =	simm.s32 $0xB;
	s4 =	simm.s32 $0x10  }
0x92: {  	[smem:s4], [sflag:s15] =	dma.local [hbm:s2], $0x1  }
0x93: {  	_ =	swait.eq [sflag:s15], $0x1  }
0x94: {  	[sflag:s15] =	ssyncset.done $0x0  }
0x95: {  	s16 =	sld [smem:$0x10];
	[sflag:s15] =	ssyncadd.s32 $0xFFFFFFFF  }
0x96: {  	s17 =	sld [smem:$0x11];
	(tm) =	ssettm $0x1  }
0x97: {  	s18 =	sld [smem:$0x3FFB];
	_ =	sdelay $0x3  }
0x98: {  	_ =	strace s18  }
0x99: {  	s4 =	sld [smem:$0x3FFC];
	_ =	sdelay $0x3  }
0x9a: {  	_ =	strace s4  }
0x9b: {  	s4 =	sld [smem:$0x3FFD];
	_ =	sdelay $0x3  }
0x9c: {  	_ =	strace s4  }
0x9d: {  	_ =	strace $0x8FFFFFFF  }
0x9e: {  	s19 =	sld [smem:$0x3FDB];
	_ =	sdelay $0x1  }
0x9f: {  	s5 =	simm.s32 $_scs_section_size  }
0xa0: {  	s6 =	simm.s32 $_size__tile_overlayer_lowered;
	s7 =	simm.s32 $_tile_overlayer_lowered  }
0xa1: {  	s22 =	simm.s32 $0x1BFF;
	s21 =	sshll.u32 s7, $0x1;
	s4 =	sadd.s32 s5, s19  }
0xa2: {  	s8 =	simm.s32 $0x0;
	s20 =	sshll.u32 s6, $0x1;
	s6 =	sadd.s32 s21, s4  }
0xa3: {  	[timem:s8], [sflag:s22] =	dma.local [hbm:s6], s20  }
0xa4: {  	_ =	swait.ge [sflag:s22], s20  }
0xa5: {  	s5 =	ssub.s32 $0x0, s20;
	[sflag:s22] =	ssyncset.done $0x0  }
0xa6: {  	[sflag:s22] =	ssyncadd.s32 s5;
	_ =	sdelay $0x1  }
0xa7: {  	s23 =	simm.s32 $0x1B8B  }
0xa8: {  	_ =	swait.ge [sflag:s23], $0x1  }
0xa9: {  	[sflag:s23] =	ssyncset.done $0x0  }
0xaa: {  	s25 =	simm.s32 $0x1B8E;
	s24 =	sld [smem:$0x3FFE];
	[sflag:s23] =	ssyncadd.s32 $0xFFFFFFFF  }
0xab: {  	s26 =	simm.s32 $execute0_lowered;
	[smem:$0x3FD2] =	sst s25  }
0xac: {  	s6 =	sshll.u32 s26, $0x1;
	_ =	strace $0x80000046;
	[dreg:$0x1] =	wrdreg $0xFFFFFFFF  }
0xad: {  	s28 =	simm.s32 $_size_execute0_lowered;
	s4 =	sadd.s32 s4, s6;
	[dreg:$0x0] =	wrdreg $0x0  }
0xae: {  	s6 =	sshll.u32 s28, $0x1;
	[dreg:$0x2] =	wrdreg s4  }
0xaf: {  	[dreg:$0x3] =	wrdreg s6  }
0xb0: {  	[dreg:$0x4] =	wrdreg $0xC0  }
0xb1: {  	_ =	task [dreg:s8], $0x5FFFF  }
0xb2: {  	[dreg:$0x1] =	wrdreg $0xFFFFFFFF  }
0xb3: {  	[dreg:$0x0] =	wrdreg $0x60  }
0xb4: {  	[dreg:$0x2] =	wrdreg s16  }
0xb5: {  	[dreg:$0x3] =	wrdreg s17  }
0xb6: {  	[dreg:$0x4] =	wrdreg s24  }
0xb7: {  	[dreg:$0x5] =	wrdreg $0xA  }
0xb8: {  	_ =	task.clear_ibuf [dreg:s8], $0x6FFFF;
	_ =	strace $0x90000046  }
0xb9: {  	s29 =	simm.s32 $0xA;
	_ =	strace $0x80000048  }
0xba: {  	_ =	swait.ge [sflag:s29], $0x1  }
0xbb: {  	[sflag:s29] =	ssyncadd.s32 $0xFFFFFFFF  }
0xbc: {  	_ =	strace $0x90000048  }
0xbd: {  	_ =	sfence  }
0xbe: {  	s30 =	sld [smem:$0x0];
	_ =	sdelay $0x2  }
0xbf: {  	s31 =	sshll.u32 s1, $0xD;
	s1 =	sshrl.u32 s1, $0x2  }
0xc0: {  	s3 =	sand.u32 $0x4000, s31;
	s1 =	sadd.s32 s1, s30  }
0xc1: {  	s0 =	sor.u32 s3, s0;
	s1 =	sshll.u32 s1, $0x11  }
0xc2: {  	s0 =	sor.u32 s1, s0  }
0xc3: {  	s0 =	sadd.s32 $0x8F2B, s0  }
0xc4: {  	[sflag:s0] =	ssyncadd.remote.s32 $0x1  }
0xc5: {  	_ =	sfence.sel $0xFFFF  }
0xc6: {  	[dreg:$0x0] =	wrdreg $0xFFFFFFFF;
	(pc) =	sbr.abs _section_cstart, $3  }
0xc7: {  	[dreg:$0x1] =	wrdreg $0xFFFFFFFF  }
0xc8: {  	_ =	task.clear_ibuf [dreg:s8], $0x2FFFF;
	_ =	strace $0x9FFFFFFF  }
0xc9: {  	(tm) =	ssettm $0x7FFFFFFF  }
tec
execute0_lowered:
.L_overlay_start_1:
0x0: {  	(tag) =	ssettag $0x1  }
0x1: {  	s1 =	rddreg [dreg:$0x0]  }
0x2: {  	s4 =	rddreg [dreg:$0x1]  }
0x3: {  	s5 =	rddreg [dreg:$0x2];
	s6 =	srdreg.scid  }
0x4: {  	s3 =	simm.s32 $0x0;
	s2 =	stileid.u32;
	s11 =	simm.s32 $0x2000  }
0x5: {  	s12 =	simm.s32 $0x4000;
	s13 =	simm.s32 $0x100;
	s14 =	simm.s32 $0x6000  }
0x6: {  	s15 =	simm.s32 $0x180;
	s16 =	simm.s32 $0x8000;
	s17 =	simm.s32 $0x1  }
0x7: {  	s18 =	simm.s32 $0x200;
	s19 =	simm.s32 $0xA000;
	s20 =	simm.s32 $0x280  }
0x8: {  	s21 =	simm.s32 $0xC000;
	s22 =	simm.s32 $0x300;
	s23 =	simm.s32 $0xE000  }
0x9: {  	s24 =	simm.s32 $0x380;
	s28 =	simm.s32 $0x0;
	s6 =	sand.u32 $0x1, s6  }
0xa: {  	[smem:$0x7FF] =	sst s3;
	s7 =	sshll.u32 s2, $0xE;
	s25 =	sadd.s32 $0x2E00, s5  }
0xb: {  	s29 =	sshll.u32 s2, $0x11;
	s8 =	sshll.u32 s6, $0xD;
	s9 =	ssub.s32 $0x2, s6  }
0xc: {  	_ =	strace $0x80000047;
	s7 =	sor.u32 s8, s7;
	s26 =	sshrl.u32 s9, $0x1  }
0xd: {  	s30 =	sshll.u32 s6, $0x10;
	s10 =	sshrl.u32 s7, $0x3;
	s5 =	ssub.s32 s9, s26  }
0xe: {  	s7 =	sshll.u32 s7, $0x3;
	s9 =	sadd.s32 s29, s25;
	s26 =	simm.s32 $0x2  }
0xf: {  	s4 =	sadd.s32 s4, s10;
	s5 =	smax.u32 s5, $0x1;
	s6 =	sadd.s32 s25, s7  }
0x10: {  	s31 =	sadd.s32 s30, s9;
	s9 =	simm.s32 $0x3;
	s10 =	simm.s32 $0x80  }
0x11: {  	s25 =	simm.s32 $0x10000;
	s7 =	sadd.s32 $0x1000, s6;
	s8 =	sadd.s32 $0x2000, s31  }
.LBB2_1:
0x12: {  	[tilespmem:s3], [sflag:$0x3] =	stream.linear.gather [hbm4b:s4+s3], $0x2000, $0x38;
	[tilespmem:$0x12000] =	vst v63  }
0x13: {  	_ =	swait.ge [sflag:s9], $0x2000  }
0x14: {  	[sflag:s9] =	ssyncset.done $0x0  }
0x15: {  	[sflag:s9] =	ssyncadd.s32 $0xFFFFE000  }
0x16: {  	[tilespmem:s11], [sflag:$0x1] =	stream.indirect.gather [hbm4b:s1+s10], $0x40, s3, s10, $0xb8;
	[tilespmem:$0x12000] =	vst v63  }
0x17: {  	_ = 	snop  }
0x18: {  	[tilespmem:s12], [sflag:$0x1] =	stream.indirect.gather [hbm4b:s1+s10], $0x40, s10, s10, $0xb8;
	[tilespmem:$0x12000] =	vst v63  }
0x19: {  	_ = 	snop  }
0x1a: {  	[tilespmem:s14], [sflag:$0x1] =	stream.indirect.gather [hbm4b:s1+s10], $0x40, s13, s10, $0xb8;
	[tilespmem:$0x12000] =	vst v63  }
0x1b: {  	_ = 	snop  }
0x1c: {  	[tilespmem:s16], [sflag:$0x1] =	stream.indirect.gather [hbm4b:s1+s10], $0x40, s15, s10, $0xb8;
	[tilespmem:$0x12000] =	vst v63  }
0x1d: {  	_ =	swait.ge [sflag:s17], $0x2000  }
0x1e: {  	[sflag:s17] =	ssyncset.done $0x0  }
0x1f: {  	[sflag:s17] =	ssyncadd.s32 $0xFFFFE000  }
0x20: {  	_ =	swait.ge [sflag:s17], $0x2000  }
0x21: {  	[sflag:s17] =	ssyncset.done $0x0  }
0x22: {  	[sflag:s17] =	ssyncadd.s32 $0xFFFFE000  }
0x23: {  	_ =	swait.ge [sflag:s17], $0x2000  }
0x24: {  	[sflag:s17] =	ssyncset.done $0x0  }
0x25: {  	[sflag:s17] =	ssyncadd.s32 $0xFFFFE000  }
0x26: {  	_ =	swait.ge [sflag:s17], $0x2000  }
0x27: {  	[sflag:s17] =	ssyncset.done $0x0  }
0x28: {  	[sflag:s17] =	ssyncadd.s32 $0xFFFFE000  }
0x29: {  	[hbm4b:s6+s3] =	stream.linear.scatter [tilespmem:s11], [sflag:$0x2], $0x8000, $0x38;
	[tilespmem:$0x12000] =	vst v63  }
0x2a: {  	_ = 	snop  }
0x2b: {  	[tilespmem:s19], [sflag:$0x1] =	stream.indirect.gather [hbm4b:s1+s10], $0x40, s18, s10, $0xb8;
	[tilespmem:$0x12000] =	vst v63  }
0x2c: {  	_ = 	snop  }
0x2d: {  	[tilespmem:s21], [sflag:$0x1] =	stream.indirect.gather [hbm4b:s1+s10], $0x40, s20, s10, $0xb8;
	[tilespmem:$0x12000] =	vst v63  }
0x2e: {  	_ = 	snop  }
0x2f: {  	[tilespmem:s23], [sflag:$0x1] =	stream.indirect.gather [hbm4b:s1+s10], $0x40, s22, s10, $0xb8;
	[tilespmem:$0x12000] =	vst v63  }
0x30: {  	_ = 	snop  }
0x31: {  	[tilespmem:s25], [sflag:$0x1] =	stream.indirect.gather [hbm4b:s1+s10], $0x40, s24, s10, $0xb8;
	[tilespmem:$0x12000] =	vst v63  }
0x32: {  	_ =	swait.ge [sflag:s17], $0x2000  }
0x33: {  	[sflag:s17] =	ssyncset.done $0x0  }
0x34: {  	[sflag:s17] =	ssyncadd.s32 $0xFFFFE000  }
0x35: {  	_ =	swait.ge [sflag:s17], $0x2000  }
0x36: {  	[sflag:s17] =	ssyncset.done $0x0  }
0x37: {  	[sflag:s17] =	ssyncadd.s32 $0xFFFFE000  }
0x38: {  	_ =	swait.ge [sflag:s17], $0x2000  }
0x39: {  	[sflag:s17] =	ssyncset.done $0x0  }
0x3a: {  	[sflag:s17] =	ssyncadd.s32 $0xFFFFE000  }
0x3b: {  	_ =	swait.ge [sflag:s17], $0x2000  }
0x3c: {  	[sflag:s17] =	ssyncset.done $0x0  }
0x3d: {  	[sflag:s17] =	ssyncadd.s32 $0xFFFFE000  }
0x3e: {  	[hbm4b:s7+s3] =	stream.linear.scatter [tilespmem:s19], [sflag:$0x2], $0x8000, $0x38;
	[tilespmem:$0x12000] =	vst v63  }
0x3f: {  	_ =	swait.ge [sflag:s26], $0x8000  }
0x40: {  	[sflag:s26] =	ssyncset.done $0x0  }
0x41: {  	s29 =	simm.s32 $0x400;
	[sflag:s26] =	ssyncadd.s32 $0xFFFF8000  }
0x42: {  	[tilespmem:s11], [sflag:$0x1] =	stream.indirect.gather [hbm4b:s1+s10], $0x40, s29, s10, $0xb8;
	[tilespmem:$0x12000] =	vst v63  }
0x43: {  	s29 =	simm.s32 $0x480  }
0x44: {  	[tilespmem:s12], [sflag:$0x1] =	stream.indirect.gather [hbm4b:s1+s10], $0x40, s29, s10, $0xb8;
	[tilespmem:$0x12000] =	vst v63  }
0x45: {  	s29 =	simm.s32 $0x500  }
0x46: {  	[tilespmem:s14], [sflag:$0x1] =	stream.indirect.gather [hbm4b:s1+s10], $0x40, s29, s10, $0xb8;
	[tilespmem:$0x12000] =	vst v63  }
0x47: {  	s29 =	simm.s32 $0x580  }
0x48: {  	[tilespmem:s16], [sflag:$0x1] =	stream.indirect.gather [hbm4b:s1+s10], $0x40, s29, s10, $0xb8;
	[tilespmem:$0x12000] =	vst v63  }
0x49: {  	_ =	swait.ge [sflag:s17], $0x2000  }
0x4a: {  	[sflag:s17] =	ssyncset.done $0x0  }
0x4b: {  	[sflag:s17] =	ssyncadd.s32 $0xFFFFE000  }
0x4c: {  	_ =	swait.ge [sflag:s17], $0x2000  }
0x4d: {  	[sflag:s17] =	ssyncset.done $0x0  }
0x4e: {  	[sflag:s17] =	ssyncadd.s32 $0xFFFFE000  }
0x4f: {  	_ =	swait.ge [sflag:s17], $0x2000  }
0x50: {  	[sflag:s17] =	ssyncset.done $0x0  }
0x51: {  	[sflag:s17] =	ssyncadd.s32 $0xFFFFE000  }
0x52: {  	_ =	swait.ge [sflag:s17], $0x2000  }
0x53: {  	[sflag:s17] =	ssyncset.done $0x0  }
0x54: {  	[sflag:s17] =	ssyncadd.s32 $0xFFFFE000  }
0x55: {  	[hbm4b:s8+s3] =	stream.linear.scatter [tilespmem:s11], [sflag:$0x2], $0x8000, $0x38;
	[tilespmem:$0x12000] =	vst v63  }
0x56: {  	_ =	swait.ge [sflag:s26], $0x8000  }
0x57: {  	[sflag:s26] =	ssyncset.done $0x0  }
0x58: {  	s29 =	simm.s32 $0x600;
	[sflag:s26] =	ssyncadd.s32 $0xFFFF8000  }
0x59: {  	[tilespmem:s19], [sflag:$0x1] =	stream.indirect.gather [hbm4b:s1+s10], $0x40, s29, s10, $0xb8;
	[tilespmem:$0x12000] =	vst v63  }
0x5a: {  	s29 =	simm.s32 $0x680  }
0x5b: {  	[tilespmem:s21], [sflag:$0x1] =	stream.indirect.gather [hbm4b:s1+s10], $0x40, s29, s10, $0xb8;
	[tilespmem:$0x12000] =	vst v63  }
0x5c: {  	s29 =	simm.s32 $0x700  }
0x5d: {  	[tilespmem:s23], [sflag:$0x1] =	stream.indirect.gather [hbm4b:s1+s10], $0x40, s29, s10, $0xb8;
	[tilespmem:$0x12000] =	vst v63  }
0x5e: {  	s29 =	simm.s32 $0x780  }
0x5f: {  	[tilespmem:s25], [sflag:$0x1] =	stream.indirect.gather [hbm4b:s1+s10], $0x40, s29, s10, $0xb8;
	[tilespmem:$0x12000] =	vst v63  }
0x60: {  	_ =	swait.ge [sflag:s17], $0x2000  }
0x61: {  	[sflag:s17] =	ssyncset.done $0x0  }
0x62: {  	[sflag:s17] =	ssyncadd.s32 $0xFFFFE000  }
0x63: {  	_ =	swait.ge [sflag:s17], $0x2000  }
0x64: {  	[sflag:s17] =	ssyncset.done $0x0  }
0x65: {  	[sflag:s17] =	ssyncadd.s32 $0xFFFFE000  }
0x66: {  	_ =	swait.ge [sflag:s17], $0x2000  }
0x67: {  	[sflag:s17] =	ssyncset.done $0x0  }
0x68: {  	[sflag:s17] =	ssyncadd.s32 $0xFFFFE000  }
0x69: {  	_ =	swait.ge [sflag:s17], $0x2000  }
0x6a: {  	s31 =	sadd.s32 $0x1000, s8;
	[sflag:s17] =	ssyncset.done $0x0  }
0x6b: {  	s30 =	sadd.s32 $0x2000, s8;
	s29 =	simm.s32 $0x1000;
	[sflag:s17] =	ssyncadd.s32 $0xFFFFE000  }
.LBB2_2:
0x6c: {  	[hbm4b:s31+s3] =	stream.linear.scatter [tilespmem:s19], [sflag:$0x2], $0x8000, $0x38;
	[tilespmem:$0x12000] =	vst v63  }
0x6d: {  	s31 =	smov.u32 s29  }
0x6e: {  	p0 =	sne.s32 s29, $0x6000;
	s29 =	sadd.s32 $0x1000, s29;
	_ =	swait.ge [sflag:s26], $0x8000  }
0x6f: {  	s31 =	sshra.s32 s31, $0x2;
	[sflag:s26] =	ssyncset.done $0x0  }
0x70: {  	s0 =	sadd.s32 $0x400, s31;
	[sflag:s26] =	ssyncadd.s32 $0xFFFF8000  }
0x71: {  	[tilespmem:s11], [sflag:$0x1] =	stream.indirect.gather [hbm4b:s1+s10], $0x40, s0, s10, $0xb8;
	[tilespmem:$0x12000] =	vst v63  }
0x72: {  	s0 =	sadd.s32 $0x480, s31  }
0x73: {  	[tilespmem:s12], [sflag:$0x1] =	stream.indirect.gather [hbm4b:s1+s10], $0x40, s0, s10, $0xb8;
	[tilespmem:$0x12000] =	vst v63  }
0x74: {  	s0 =	sadd.s32 $0x500, s31  }
0x75: {  	[tilespmem:s14], [sflag:$0x1] =	stream.indirect.gather [hbm4b:s1+s10], $0x40, s0, s10, $0xb8;
	[tilespmem:$0x12000] =	vst v63  }
0x76: {  	s0 =	sadd.s32 $0x580, s31  }
0x77: {  	[tilespmem:s16], [sflag:$0x1] =	stream.indirect.gather [hbm4b:s1+s10], $0x40, s0, s10, $0xb8;
	[tilespmem:$0x12000] =	vst v63  }
0x78: {  	_ =	swait.ge [sflag:s17], $0x2000  }
0x79: {  	[sflag:s17] =	ssyncset.done $0x0  }
0x7a: {  	[sflag:s17] =	ssyncadd.s32 $0xFFFFE000  }
0x7b: {  	_ =	swait.ge [sflag:s17], $0x2000  }
0x7c: {  	[sflag:s17] =	ssyncset.done $0x0  }
0x7d: {  	[sflag:s17] =	ssyncadd.s32 $0xFFFFE000  }
0x7e: {  	_ =	swait.ge [sflag:s17], $0x2000  }
0x7f: {  	[sflag:s17] =	ssyncset.done $0x0  }
0x80: {  	[sflag:s17] =	ssyncadd.s32 $0xFFFFE000  }
0x81: {  	_ =	swait.ge [sflag:s17], $0x2000  }
0x82: {  	[sflag:s17] =	ssyncset.done $0x0  }
0x83: {  	[sflag:s17] =	ssyncadd.s32 $0xFFFFE000  }
0x84: {  	[hbm4b:s30+s3] =	stream.linear.scatter [tilespmem:s11], [sflag:$0x2], $0x8000, $0x38;
	[tilespmem:$0x12000] =	vst v63  }
0x85: {  	_ =	swait.ge [sflag:s26], $0x8000  }
0x86: {  	[sflag:s26] =	ssyncset.done $0x0  }
0x87: {  	s0 =	sadd.s32 $0x600, s31;
	[sflag:s26] =	ssyncadd.s32 $0xFFFF8000  }
0x88: {  	[tilespmem:s19], [sflag:$0x1] =	stream.indirect.gather [hbm4b:s1+s10], $0x40, s0, s10, $0xb8;
	[tilespmem:$0x12000] =	vst v63  }
0x89: {  	s0 =	sadd.s32 $0x680, s31  }
0x8a: {  	[tilespmem:s21], [sflag:$0x1] =	stream.indirect.gather [hbm4b:s1+s10], $0x40, s0, s10, $0xb8;
	[tilespmem:$0x12000] =	vst v63  }
0x8b: {  	s0 =	sadd.s32 $0x700, s31  }
0x8c: {  	[tilespmem:s23], [sflag:$0x1] =	stream.indirect.gather [hbm4b:s1+s10], $0x40, s0, s10, $0xb8;
	[tilespmem:$0x12000] =	vst v63  }
0x8d: {  	s0 =	sadd.s32 $0x780, s31  }
0x8e: {  	[tilespmem:s25], [sflag:$0x1] =	stream.indirect.gather [hbm4b:s1+s10], $0x40, s0, s10, $0xb8;
	[tilespmem:$0x12000] =	vst v63  }
0x8f: {  	_ =	swait.ge [sflag:s17], $0x2000  }
0x90: {  	[sflag:s17] =	ssyncset.done $0x0  }
0x91: {  	[sflag:s17] =	ssyncadd.s32 $0xFFFFE000  }
0x92: {  	_ =	swait.ge [sflag:s17], $0x2000  }
0x93: {  	[sflag:s17] =	ssyncset.done $0x0  }
0x94: {  	[sflag:s17] =	ssyncadd.s32 $0xFFFFE000  }
0x95: {  	_ =	swait.ge [sflag:s17], $0x2000  }
.Ltmp0:
0x96: {  	[sflag:s17] =	ssyncset.done $0x0;
	(pc) =	sbr.rel @p0 .LBB2_2-.Ltmp0, $4  }
0x97: {  	[sflag:s17] =	ssyncadd.s32 $0xFFFFE000  }
0x98: {  	_ =	swait.ge [sflag:s17], $0x2000  }
0x99: {  	[sflag:s17] =	ssyncset.done $0x0  }
0x9a: {  	s31 =	sadd.s32 $0x1000, s30;
	s30 =	sadd.s32 $0x2000, s30;
	[sflag:s17] =	ssyncadd.s32 $0xFFFFE000  }
0x9b: {  	[hbm4b:s31+s3] =	stream.linear.scatter [tilespmem:s19], [sflag:$0x2], $0x8000, $0x38;
	[tilespmem:$0x12000] =	vst v63  }
0x9c: {  	s28 =	sadd.s32 $0x1, s28  }
0x9d: {  	_ =	swait.ge [sflag:s26], $0x8000;
	p0 =	sne.s32 s28, s5  }
.Ltmp1:
0x9e: {  	[sflag:s26] =	ssyncset.done $0x0;
	(pc) =	sbr.rel @p0 .LBB2_1-.Ltmp1, $4  }
0x9f: {  	[sflag:s26] =	ssyncadd.s32 $0xFFFF8000  }
0xa0: {  	_ =	swait.ge [sflag:s26], $0x8000  }
0xa1: {  	[sflag:s26] =	ssyncset.done $0x0  }
0xa2: {  	[sflag:s26] =	ssyncadd.s32 $0xFFFF8000  }
0xa3: {  	_ =	sfence.sel $0x180000  }
0xa4: {  	[bflag:$0x0] =	sbarrier.arrive $0xFFFF  }
0xa5: {  	_ =	strace $0x90000047  }
0xa6: {  	[bflag:$0x2] =	sbarrier.arrive $0xFFFF  }
0xa7: {  	p0 =	sne.s32 s2, $0x0;
	s0 =	rddreg [dreg:$0x3]  }
0xa8: {  	s0 =	sadd.s32 @!p0 $0x100000, s0  }
0xa9: {  	[sflag:s0] =	ssyncadd.tile.s32 @!p0 $0x1;
	_ =	shalt  }
.Lfunc_end2:
_tile_overlayer_lowered:
.L_overlay_start_2:
0xaa: {  	(tag) =	ssettag $0x2  }
0xab: {  	s0 =	rddreg [dreg:$0x0];
	s2 =	stileid.u32  }
0xac: {  	s1 =	rddreg [dreg:$0x1];
	p0 =	sne.s32 s2, $0x0  }
0xad: {  	s3 =	rddreg [dreg:$0x2];
	[bflag:$0x3] =	sbarrier.arrive $0xFFFF;
	s2 =	simm.s32 @!p0 $0x1C03  }
0xae: {  	[timem:s3], [sflag:s2] =	dma.local @!p0 [hbm:s0], s1  }
0xaf: {  	s0 =	simm.s32 @!p0 $0x3  }
0xb0: {  	_ =	swait.ge @!p0 [sflag:s0], s1  }
0xb1: {  	s1 =	ssub.s32 @!p0 $0x0, s1;
	[sflag:s0] =	ssyncset.done @!p0 $0x0  }
0xb2: {  	[sflag:s0] =	ssyncadd.s32 @!p0 s1  }
0xb3: {  	[bflag:$0x3] =	sbarrier.arrive $0xFFFF  }
0xb4: {  	_ =	shalt  }

// kernel: kernel.7.cloned.1.call-start
scs
__scs_entry_jumppad:
0x0: {  	(pc) =	sbr.rel $0x88, $3  }
0x1: {  	(tag) =	ssettag $0x0;
	lr =	simm.s32 $0x1  }
0x2: {  	[smem:$0x3F9C] =	sst lr;
	_ =	strace $0xD0000000  }
0x3: {  	_ = 	snop  }
0x4: {  	_ = 	snop  }
0x5: {  	_ = 	snop  }
0x6: {  	_ = 	snop  }
0x7: {  	_ = 	snop  }
__scs_overlays_trampoline_lowered:
0x8: {  	[smem:$0x3FAB] =	sst s0  }
0x9: {  	[smem:$0x3FAC] =	sst s1  }
0xa: {  	[smem:$0x3FAD] =	sst s2  }
0xb: {  	[smem:$0x3FAE] =	sst s3  }
0xc: {  	[smem:$0x3FAF] =	sst s4  }
0xd: {  	[smem:$0x3FB0] =	sst s5  }
0xe: {  	[smem:$0x3FB1] =	sst s6  }
0xf: {  	[smem:$0x3FB2] =	sst s7  }
0x10: {  	[smem:$0x3FB3] =	sst s8  }
0x11: {  	[smem:$0x3FB4] =	sst s9;
	s0 =	simm.s32 @!p0 $0x0  }
0x12: {  	s1 =	sld [smem:$0x3F9A];
	s0 =	simm.s32 @p0 $0x1  }
0x13: {  	[smem:$0x3FB5] =	sst s0;
	s0 =	simm.s32 @!p1 $0x0  }
0x14: {  	s2 =	sld [smem:$0x3F99];
	s0 =	simm.s32 @p1 $0x1  }
0x15: {  	[smem:$0x3FB6] =	sst s0;
	s0 =	simm.s32 @!p2 $0x0  }
0x16: {  	s3 =	sld [smem:$0x3FDB];
	s0 =	simm.s32 @p2 $0x1  }
0x17: {  	s4 =	simm.s32 $0x1BF5;
	[smem:$0x3FB8] =	sst s0  }
0x18: {  	s0 =	sld [smem:$0x3F9B];
	_ =	swait.ge [sflag:s4], $0x0  }
0x19: {  	s7 =	sld [smem:$0x3F9C]  }
0x1a: {  	s8 =	sadd.s32 $0xFFFFE003, lr  }
0x1b: {  	s9 =	sadd.s32 $0xFFFFFEF7, lr;
	s5 =	simm.s32 $0xFFFFFFFF;
	p2 =	slt.u32 s8, $0xFFFFF086  }
0x1c: {  	p1 =	slt.u32 s9, $0xF7A;
	s5 =	simm.s32 @!p2 $0x0  }
0x1d: {  	s5 =	simm.s32 @p1 $0x1;
	p0 =	seq.s32 s7, s2  }
0x1e: {  	s7 =	smul.u32 @!p0 $0xF7A, s2;
	p2 =	seq.s32 @!p0 s5, $0x0  }
0x1f: {  	s9 =	smul.u32 $0xF7A, s1;
	s8 =	simm.s32 @!p0 $0x1BF5;
	p2 =	por !p2, p0  }
0x20: {  	[sflag:s8] =	ssyncset.s32 @!p0 $0xFFFFF086;
	s6 =	sadd.s32 @!p0 s3, s7;
	s7 =	simm.s32 @!p0 $0x108  }
0x21: {  	s3 =	sadd.s32 s3, s9;
	s6 =	sadd.s32 @!p0 $0x88, s6;
	s7 =	simm.s32 @p2 $0x1082  }
0x22: {  	[simem:s7], [sflag:s8] =	dma.local @!p0 [hbm:s6], $0xF7A  }
0x23: {  	s9 =	sor.u32 $0xD0000000, s2;
	s6 =	simm.s32 $0x108;
	_ =	swait.ge @!p0 [sflag:s8], $0x0  }
0x24: {  	s3 =	sadd.s32 $0x88, s3;
	s6 =	simm.s32 @!p1 $0x1082;
	[sflag:s4] =	ssyncset.s32 $0xFFFFF086  }
0x25: {  	[simem:s6], [sflag:s4] =	dma.local [hbm:s3], $0xF7A  }
0x26: {  	[smem:$0x3F9C] =	sst s1;
	(tag) =	ssettag s2;
	_ =	strace s9  }
0x27: {  	s1 =	sld [smem:$0x3FAC]  }
0x28: {  	s2 =	sld [smem:$0x3FAD]  }
0x29: {  	s4 =	sld [smem:$0x3FAF]  }
0x2a: {  	p0 =	seq.s32 s5, $0x0;
	s5 =	sld [smem:$0x3FB0]  }
0x2b: {  	s6 =	sld [smem:$0x3FB1]  }
0x2c: {  	s7 =	sld [smem:$0x3FB2]  }
0x2d: {  	s3 =	simm.s32 $0x108;
	s8 =	sld [smem:$0x3FB3]  }
0x2e: {  	s3 =	simm.s32 @!p0 $0x1082;
	s9 =	sld [smem:$0x3FB4]  }
0x2f: {  	lr =	sadd.s32 s0, s3;
	s0 =	sld [smem:$0x3FAB]  }
0x30: {  	s3 =	sld [smem:$0x3FAE]  }
0x31: {  	[smem:$0x3FB7] =	sst s10  }
0x32: {  	s10 =	sld [smem:$0x3FB5];
	_ =	sdelay $0x3  }
0x33: {  	p0 =	seq.s32 s10, $0x1;
	s10 =	sld [smem:$0x3FB7];
	_ =	sdelay $0x3  }
0x34: {  	[smem:$0x3FB7] =	sst s10  }
0x35: {  	s10 =	sld [smem:$0x3FB6];
	_ =	sdelay $0x3  }
0x36: {  	p1 =	seq.s32 s10, $0x1;
	s10 =	sld [smem:$0x3FB7];
	_ =	sdelay $0x3  }
0x37: {  	[smem:$0x3FB7] =	sst s10  }
0x38: {  	s10 =	sld [smem:$0x3FB8]  }
0x39: {  	_ = 	snop;
	(pc) =	sbr.ind lr, $3  }
0x3a: {  	_ = 	snop  }
0x3b: {  	_ = 	snop  }
0x3c: {  	p2 =	seq.s32 s10, $0x1;
	s10 =	sld [smem:$0x3FB7]  }
0x3d: {  	_ =	shalt  }
0x3e: {  	_ =	shalt  }
0x3f: {  	_ =	shalt  }
0x40: {  	_ =	shalt  }
0x41: {  	_ =	shalt  }
0x42: {  	_ =	shalt  }
0x43: {  	_ =	shalt  }
0x44: {  	_ =	shalt  }
0x45: {  	_ =	shalt  }
0x46: {  	_ =	shalt  }
0x47: {  	_ =	shalt  }
0x48: {  	_ =	shalt  }
0x49: {  	_ =	shalt  }
0x4a: {  	_ =	shalt  }
0x4b: {  	_ =	shalt  }
0x4c: {  	_ =	shalt  }
0x4d: {  	_ =	shalt  }
0x4e: {  	_ =	shalt  }
0x4f: {  	_ =	shalt  }
0x50: {  	_ =	shalt  }
0x51: {  	_ =	shalt  }
0x52: {  	_ =	shalt  }
0x53: {  	_ =	shalt  }
0x54: {  	_ =	shalt  }
0x55: {  	_ =	shalt  }
0x56: {  	_ =	shalt  }
0x57: {  	_ =	shalt  }
0x58: {  	_ =	shalt  }
0x59: {  	_ =	shalt  }
0x5a: {  	_ =	shalt  }
0x5b: {  	_ =	shalt  }
0x5c: {  	_ =	shalt  }
0x5d: {  	_ =	shalt  }
0x5e: {  	_ =	shalt  }
0x5f: {  	_ =	shalt  }
0x60: {  	_ =	shalt  }
0x61: {  	_ =	shalt  }
0x62: {  	_ =	shalt  }
0x63: {  	_ =	shalt  }
0x64: {  	_ =	shalt  }
0x65: {  	_ =	shalt  }
0x66: {  	_ =	shalt  }
0x67: {  	_ =	shalt  }
0x68: {  	_ =	shalt  }
0x69: {  	_ =	shalt  }
0x6a: {  	_ =	shalt  }
0x6b: {  	_ =	shalt  }
0x6c: {  	_ =	shalt  }
0x6d: {  	_ =	shalt  }
0x6e: {  	_ =	shalt  }
0x6f: {  	_ =	shalt  }
0x70: {  	_ =	shalt  }
0x71: {  	_ =	shalt  }
0x72: {  	_ =	shalt  }
0x73: {  	_ =	shalt  }
0x74: {  	_ =	shalt  }
0x75: {  	_ =	shalt  }
0x76: {  	_ =	shalt  }
0x77: {  	_ =	shalt  }
0x78: {  	_ =	shalt  }
0x79: {  	_ =	shalt  }
0x7a: {  	_ =	shalt  }
0x7b: {  	_ =	shalt  }
0x7c: {  	_ =	shalt  }
0x7d: {  	_ =	shalt  }
0x7e: {  	_ =	shalt  }
0x7f: {  	_ =	shalt  }
0x80: {  	_ =	shalt  }
0x81: {  	_ =	shalt  }
0x82: {  	_ =	shalt  }
0x83: {  	_ =	shalt  }
0x84: {  	_ =	shalt  }
0x85: {  	_ =	shalt  }
0x86: {  	_ =	shalt  }
0x87: {  	_ =	shalt  }
.Lfunc_end0:
.L_simem_size_0:
called_computation_lowered:
.L_overlay_start_0:
0x88: {  	s2 =	sld [smem:$0x3FD9]  }
0x89: {  	s3 =	sld [smem:$0x3FFE];
	_ =	sdelay $0x1  }
0x8a: {  	s1 =	srdreg.scid  }
0x8b: {  	s0 =	sand.u32 $0x1, s1  }
0x8c: {  	s17 =	sshll.u32 s0, $0xA;
	s2 =	sadd.s32 s3, s2  }
0x8d: {  	s2 =	sadd.s32 s2, s17  }
0x8e: {  	[smem:$0x3FC3] =	sst s2  }
0x8f: {  	_ = 	snop  }
0x90: {  	(tm) =	ssettm $0x1  }
0x91: {  	s18 =	sld [smem:$0x3FFB];
	_ =	sdelay $0x3  }
0x92: {  	_ =	strace s18  }
0x93: {  	s2 =	sld [smem:$0x3FFC];
	_ =	sdelay $0x3  }
0x94: {  	_ =	strace s2  }
0x95: {  	s2 =	sld [smem:$0x3FFD];
	_ =	sdelay $0x3  }
0x96: {  	_ =	strace s2  }
0x97: {  	_ =	strace $0x8FFFFFFF  }
0x98: {  	s19 =	sld [smem:$0x3FDB];
	_ =	sdelay $0x1  }
0x99: {  	s20 =	simm.s32 $_scs_section_size  }
0x9a: {  	s4 =	simm.s32 $_size__tile_overlayer_lowered;
	s5 =	simm.s32 $_tile_overlayer_lowered  }
0x9b: {  	s6 =	simm.s32 $0x1BFF;
	s21 =	sshll.u32 s5, $0x1;
	s3 =	sadd.s32 s20, s19  }
0x9c: {  	s22 =	simm.s32 $0x0;
	s4 =	sshll.u32 s4, $0x1;
	s5 =	sadd.s32 s21, s3  }
0x9d: {  	[timem:s22], [sflag:s6] =	dma.local [hbm:s5], s4  }
0x9e: {  	_ =	swait.ge [sflag:s6], s4  }
0x9f: {  	s4 =	ssub.s32 $0x0, s4;
	[sflag:s6] =	ssyncset.done $0x0  }
0xa0: {  	[sflag:s6] =	ssyncadd.s32 s4;
	_ =	sdelay $0x1  }
0xa1: {  	s23 =	simm.s32 $0x1B8B  }
0xa2: {  	_ =	swait.ge [sflag:s23], $0x1  }
0xa3: {  	[sflag:s23] =	ssyncset.done $0x0  }
0xa4: {  	[sflag:s23] =	ssyncadd.s32 $0xFFFFFFFF  }
0xa5: {  	s4 =	sld [smem:$0x0]  }
0xa6: {  	s5 =	sand.u32 $0xFFFFFFFE, s1  }
0xa7: {  	p0 =	sne.s32 s1, s5  }
0xa8: {  	s5 =	sshll.u32 @p0 s5, $0xE  }
0xa9: {  	s5 =	sadd.s32 @p0 $0x11B8D, s5;
	s6 =	sshll.u32 @p0 s4, $0x11  }
0xaa: {  	s5 =	sor.u32 @p0 s6, s5  }
0xab: {  	[sflag:s5] =	ssyncadd.remote.s32 @p0 $0x1;
	_ =	sdelay $0x1  }
0xac: {  	s5 =	simm.s32 @p0 $0x1B8D  }
0xad: {  	_ =	swait.eq @p0 [sflag:s5], $0x1  }
0xae: {  	[sflag:s5] =	ssyncadd.s32 @p0 $0xFFFFFFFF  }
0xaf: {  	s6 =	sshll.u32 @!p0 s1, $0xE  }
0xb0: {  	s6 =	sor.u32 @!p0 $0x4000, s6;
	s5 =	simm.s32 @!p0 $0x1B8D  }
0xb1: {  	s4 =	sshll.u32 @!p0 s4, $0x11;
	s6 =	sadd.s32 @!p0 $0x11B8D, s6;
	_ =	swait.eq @!p0 [sflag:s5], $0x1  }
0xb2: {  	s4 =	sor.u32 @!p0 s4, s6;
	[sflag:s5] =	ssyncadd.s32 @!p0 $0xFFFFFFFF  }
0xb3: {  	s25 =	simm.s32 $0x1B8E;
	s24 =	sld [smem:$0x3FFE];
	[sflag:s4] =	ssyncadd.remote.s32 @!p0 $0x1  }
0xb4: {  	s26 =	simm.s32 $execute0_lowered;
	[smem:$0x3FD2] =	sst s25  }
0xb5: {  	s5 =	sshll.u32 s26, $0x1;
	_ =	strace $0x80000049;
	[dreg:$0x1] =	wrdreg $0xFFFFFFFF  }
0xb6: {  	s28 =	simm.s32 $_size_execute0_lowered;
	s3 =	sadd.s32 s3, s5;
	[dreg:$0x0] =	wrdreg $0x0  }
0xb7: {  	s5 =	sshll.u32 s28, $0x1;
	[dreg:$0x2] =	wrdreg s3  }
0xb8: {  	[dreg:$0x3] =	wrdreg s5  }
0xb9: {  	[dreg:$0x4] =	wrdreg $0xC0  }
0xba: {  	_ =	task [dreg:s22], $0x5FFFF  }
0xbb: {  	[dreg:$0x1] =	wrdreg $0xFFFFFFFF  }
0xbc: {  	[dreg:$0x0] =	wrdreg $0x60  }
0xbd: {  	[dreg:$0x2] =	wrdreg s24  }
0xbe: {  	[dreg:$0x3] =	wrdreg $0x9  }
0xbf: {  	_ =	task.clear_ibuf [dreg:s22], $0x4FFFF;
	_ =	strace $0x90000049  }
0xc0: {  	s29 =	simm.s32 $0x9;
	_ =	strace $0x8000004B  }
0xc1: {  	_ =	swait.ge [sflag:s29], $0x1  }
0xc2: {  	[sflag:s29] =	ssyncadd.s32 $0xFFFFFFFF  }
0xc3: {  	_ =	strace $0x9000004B  }
0xc4: {  	_ =	sfence  }
0xc5: {  	s30 =	sld [smem:$0x0];
	_ =	sdelay $0x2  }
0xc6: {  	s31 =	sshll.u32 s1, $0xD;
	s1 =	sshrl.u32 s1, $0x2  }
0xc7: {  	s4 =	sand.u32 $0x4000, s31;
	s1 =	sadd.s32 s1, s30  }
0xc8: {  	s0 =	sor.u32 s4, s0;
	s1 =	sshll.u32 s1, $0x11  }
0xc9: {  	s0 =	sor.u32 s1, s0  }
0xca: {  	s0 =	sadd.s32 $0x8F2B, s0  }
0xcb: {  	[sflag:s0] =	ssyncadd.remote.s32 $0x1  }
0xcc: {  	_ =	sfence.sel $0xFFFF  }
0xcd: {  	[dreg:$0x0] =	wrdreg $0xFFFFFFFF;
	(pc) =	sbr.abs _section_cstart, $3  }
0xce: {  	[dreg:$0x1] =	wrdreg $0xFFFFFFFF  }
0xcf: {  	_ =	task.clear_ibuf [dreg:s22], $0x2FFFF;
	_ =	strace $0x9FFFFFFF  }
0xd0: {  	(tm) =	ssettm $0x7FFFFFFF  }
0xd1: {  	_ =	shalt  }
tec
execute0_lowered:
.L_overlay_start_1:
0x0: {  	(tag) =	ssettag $0x1  }
0x1: {  	s0 =	srdreg.scid;
	s2 =	stileid.u32  }
0x2: {  	s1 =	rddreg [dreg:$0x0];
	s29 =	simm.s32 $0x3;
	s8 =	simm.s32 $0x80  }
0x3: {  	s9 =	simm.s32 $0x800;
	s13 =	simm.s32 $0x2800;
	s30 =	simm.s32 $0x100  }
0x4: {  	s14 =	simm.s32 $0x4800;
	s31 =	simm.s32 $0x180;
	s15 =	simm.s32 $0x6800  }
0x5: {  	s6 =	simm.s32 $0x8800;
	s10 =	simm.s32 $0xA800;
	s11 =	simm.s32 $0xC800  }
0x6: {  	s28 =	simm.s32 $0x380;
	s12 =	simm.s32 $0xE800;
	s7 =	simm.s32 $0x2  }
0x7: {  	s20 =	simm.s32 $0x400;
	s21 =	simm.s32 $0x480;
	p0 =	por $0x0, $0x0  }
0x8: {  	s22 =	simm.s32 $0x500;
	s16 =	simm.s32 $0x600;
	s17 =	simm.s32 $0x680  }
0x9: {  	s0 =	sand.u32 $0x1, s0;
	s3 =	sshll.u32 s2, $0xC;
	s2 =	simm.s32 $0x0  }
0xa: {  	s18 =	simm.s32 $0x700;
	s4 =	sshll.u32 s0, $0xB;
	[smem:$0x7FF] =	sst s2  }
0xb: {  	s0 =	ssub.s32 $0x2, s0;
	s3 =	sor.u32 s4, s3;
	_ =	strace $0x8000004A  }
0xc: {  	s24 =	sshrl.u32 s0, $0x1;
	s4 =	sshrl.u32 s3, $0x3;
	s5 =	sshll.u32 s3, $0x3  }
0xd: {  	s3 =	sadd.s32 $0x202E00, s1;
	s0 =	ssub.s32 s0, s24;
	s4 =	sadd.s32 s4, s1  }
0xe: {  	s1 =	sadd.s32 s5, s1;
	s0 =	smax.u32 s0, $0x1;
	s4 =	sadd.s32 $0x204E00, s4  }
0xf: {  	s23 =	sadd.s32 $0x206E00, s1;
	p1 =	sne.s32 s0, $0x1;
	[dreg:$0x2] =	wrdreg s4  }
.Ltmp0:
0x10: {  	s25 =	sadd.s32 $0x207E00, s1;
	[dreg:$0x3] =	wrdreg s23;
	(pc) =	sbr.rel @!p1 .LBB2_3-.Ltmp0, $4  }
0x11: {  	s19 =	simm.s32 $0x780;
	s26 =	sadd.s32 $0x208E00, s1;
	[dreg:$0x4] =	wrdreg s25  }
0x12: {  	s24 =	simm.s32 $0x200;
	s5 =	simm.s32 $0x1;
	[dreg:$0x5] =	wrdreg s26  }
0x13: {  	s4 =	sadd.s32 $0x209E00, s1;
	s25 =	simm.s32 $0x280;
	s26 =	simm.s32 $0x300  }
0x14: {  	s1 =	sadd.s32 $0xFFFFFFFF, s0;
	s23 =	simm.s32 $0x580;
	s0 =	rddreg [dreg:$0x2]  }
0x15: {  	[tilespmem:s2], [sflag:$0x3] =	stream.linear.gather [hbm4b:s0+s2], $0x800, $0x38;
	[tilespmem:$0x10800] =	vst v63  }
0x16: {  	_ =	swait.ge [sflag:s29], $0x800  }
0x17: {  	[sflag:s29] =	ssyncset.done $0x0  }
0x18: {  	[sflag:s29] =	ssyncadd.s32 $0xFFFFF800  }
0x19: {  	[tilespmem:s9], [sflag:$0x1] =	stream.indirect.gather [hbm4b:s3+s8], $0x40, s2, s8, $0xb8;
	[tilespmem:$0x10800] =	vst v63  }
0x1a: {  	_ = 	snop  }
0x1b: {  	[tilespmem:s13], [sflag:$0x1] =	stream.indirect.gather [hbm4b:s3+s8], $0x40, s8, s8, $0xb8;
	[tilespmem:$0x10800] =	vst v63  }
0x1c: {  	_ = 	snop  }
0x1d: {  	[tilespmem:s14], [sflag:$0x1] =	stream.indirect.gather [hbm4b:s3+s8], $0x40, s30, s8, $0xb8;
	[tilespmem:$0x10800] =	vst v63  }
0x1e: {  	_ = 	snop  }
0x1f: {  	[tilespmem:s15], [sflag:$0x1] =	stream.indirect.gather [hbm4b:s3+s8], $0x40, s31, s8, $0xb8;
	[tilespmem:$0x10800] =	vst v63  }
0x20: {  	_ =	swait.ge [sflag:s5], $0x2000  }
0x21: {  	[sflag:s5] =	ssyncset.done $0x0  }
0x22: {  	[sflag:s5] =	ssyncadd.s32 $0xFFFFE000  }
0x23: {  	_ =	swait.ge [sflag:s5], $0x2000  }
0x24: {  	[sflag:s5] =	ssyncset.done $0x0  }
0x25: {  	[sflag:s5] =	ssyncadd.s32 $0xFFFFE000  }
0x26: {  	_ =	swait.ge [sflag:s5], $0x2000  }
0x27: {  	[sflag:s5] =	ssyncset.done $0x0  }
0x28: {  	[sflag:s5] =	ssyncadd.s32 $0xFFFFE000  }
0x29: {  	_ =	swait.ge [sflag:s5], $0x2000  }
0x2a: {  	[sflag:s5] =	ssyncset.done $0x0  }
0x2b: {  	s0 =	rddreg [dreg:$0x3];
	[sflag:s5] =	ssyncadd.s32 $0xFFFFE000  }
0x2c: {  	[hbm4b:s0+s2] =	stream.linear.scatter [tilespmem:s9], [sflag:$0x2], $0x8000, $0x38;
	[tilespmem:$0x10800] =	vst v63  }
0x2d: {  	_ = 	snop  }
0x2e: {  	[tilespmem:s6], [sflag:$0x1] =	stream.indirect.gather [hbm4b:s3+s8], $0x40, s24, s8, $0xb8;
	[tilespmem:$0x10800] =	vst v63  }
0x2f: {  	_ = 	snop  }
0x30: {  	[tilespmem:s10], [sflag:$0x1] =	stream.indirect.gather [hbm4b:s3+s8], $0x40, s25, s8, $0xb8;
	[tilespmem:$0x10800] =	vst v63  }
0x31: {  	_ = 	snop  }
0x32: {  	[tilespmem:s11], [sflag:$0x1] =	stream.indirect.gather [hbm4b:s3+s8], $0x40, s26, s8, $0xb8;
	[tilespmem:$0x10800] =	vst v63  }
0x33: {  	_ = 	snop  }
0x34: {  	[tilespmem:s12], [sflag:$0x1] =	stream.indirect.gather [hbm4b:s3+s8], $0x40, s28, s8, $0xb8;
	[tilespmem:$0x10800] =	vst v63  }
0x35: {  	_ =	swait.ge [sflag:s5], $0x2000  }
0x36: {  	[sflag:s5] =	ssyncset.done $0x0  }
0x37: {  	[sflag:s5] =	ssyncadd.s32 $0xFFFFE000  }
0x38: {  	_ =	swait.ge [sflag:s5], $0x2000  }
0x39: {  	[sflag:s5] =	ssyncset.done $0x0  }
0x3a: {  	[sflag:s5] =	ssyncadd.s32 $0xFFFFE000  }
0x3b: {  	_ =	swait.ge [sflag:s5], $0x2000  }
0x3c: {  	[sflag:s5] =	ssyncset.done $0x0  }
0x3d: {  	[sflag:s5] =	ssyncadd.s32 $0xFFFFE000  }
0x3e: {  	_ =	swait.ge [sflag:s5], $0x2000  }
0x3f: {  	[sflag:s5] =	ssyncset.done $0x0  }
0x40: {  	s0 =	rddreg [dreg:$0x4];
	[sflag:s5] =	ssyncadd.s32 $0xFFFFE000  }
0x41: {  	[hbm4b:s0+s2] =	stream.linear.scatter [tilespmem:s6], [sflag:$0x2], $0x8000, $0x38;
	[tilespmem:$0x10800] =	vst v63  }
0x42: {  	_ =	swait.ge [sflag:s7], $0x8000  }
0x43: {  	[sflag:s7] =	ssyncset.done $0x0  }
0x44: {  	[sflag:s7] =	ssyncadd.s32 $0xFFFF8000  }
0x45: {  	[tilespmem:s9], [sflag:$0x1] =	stream.indirect.gather [hbm4b:s3+s8], $0x40, s20, s8, $0xb8;
	[tilespmem:$0x10800] =	vst v63  }
0x46: {  	_ = 	snop  }
0x47: {  	[tilespmem:s13], [sflag:$0x1] =	stream.indirect.gather [hbm4b:s3+s8], $0x40, s21, s8, $0xb8;
	[tilespmem:$0x10800] =	vst v63  }
0x48: {  	_ = 	snop  }
0x49: {  	[tilespmem:s14], [sflag:$0x1] =	stream.indirect.gather [hbm4b:s3+s8], $0x40, s22, s8, $0xb8;
	[tilespmem:$0x10800] =	vst v63  }
0x4a: {  	_ = 	snop  }
0x4b: {  	[tilespmem:s15], [sflag:$0x1] =	stream.indirect.gather [hbm4b:s3+s8], $0x40, s23, s8, $0xb8;
	[tilespmem:$0x10800] =	vst v63  }
0x4c: {  	_ =	swait.ge [sflag:s5], $0x2000  }
0x4d: {  	[sflag:s5] =	ssyncset.done $0x0  }
0x4e: {  	[sflag:s5] =	ssyncadd.s32 $0xFFFFE000  }
0x4f: {  	_ =	swait.ge [sflag:s5], $0x2000  }
0x50: {  	[sflag:s5] =	ssyncset.done $0x0  }
0x51: {  	[sflag:s5] =	ssyncadd.s32 $0xFFFFE000  }
0x52: {  	_ =	swait.ge [sflag:s5], $0x2000  }
0x53: {  	[sflag:s5] =	ssyncset.done $0x0  }
0x54: {  	[sflag:s5] =	ssyncadd.s32 $0xFFFFE000  }
0x55: {  	_ =	swait.ge [sflag:s5], $0x2000  }
0x56: {  	[sflag:s5] =	ssyncset.done $0x0  }
0x57: {  	s0 =	rddreg [dreg:$0x5];
	[sflag:s5] =	ssyncadd.s32 $0xFFFFE000  }
0x58: {  	[hbm4b:s0+s2] =	stream.linear.scatter [tilespmem:s9], [sflag:$0x2], $0x8000, $0x38;
	[tilespmem:$0x10800] =	vst v63  }
0x59: {  	_ =	swait.ge [sflag:s7], $0x8000  }
0x5a: {  	[sflag:s7] =	ssyncset.done $0x0  }
0x5b: {  	[sflag:s7] =	ssyncadd.s32 $0xFFFF8000  }
0x5c: {  	[tilespmem:s6], [sflag:$0x1] =	stream.indirect.gather [hbm4b:s3+s8], $0x40, s16, s8, $0xb8;
	[tilespmem:$0x10800] =	vst v63  }
0x5d: {  	_ = 	snop  }
0x5e: {  	[tilespmem:s10], [sflag:$0x1] =	stream.indirect.gather [hbm4b:s3+s8], $0x40, s17, s8, $0xb8;
	[tilespmem:$0x10800] =	vst v63  }
0x5f: {  	_ = 	snop  }
0x60: {  	[tilespmem:s11], [sflag:$0x1] =	stream.indirect.gather [hbm4b:s3+s8], $0x40, s18, s8, $0xb8;
	[tilespmem:$0x10800] =	vst v63  }
0x61: {  	_ = 	snop  }
0x62: {  	[tilespmem:s12], [sflag:$0x1] =	stream.indirect.gather [hbm4b:s3+s8], $0x40, s19, s8, $0xb8;
	[tilespmem:$0x10800] =	vst v63  }
0x63: {  	_ =	swait.ge [sflag:s5], $0x2000  }
0x64: {  	[sflag:s5] =	ssyncset.done $0x0  }
0x65: {  	[sflag:s5] =	ssyncadd.s32 $0xFFFFE000  }
0x66: {  	_ =	swait.ge [sflag:s5], $0x2000  }
0x67: {  	[sflag:s5] =	ssyncset.done $0x0  }
0x68: {  	[sflag:s5] =	ssyncadd.s32 $0xFFFFE000  }
0x69: {  	_ =	swait.ge [sflag:s5], $0x2000  }
0x6a: {  	[sflag:s5] =	ssyncset.done $0x0  }
0x6b: {  	[sflag:s5] =	ssyncadd.s32 $0xFFFFE000  }
0x6c: {  	_ =	swait.ge [sflag:s5], $0x2000  }
0x6d: {  	[sflag:s5] =	ssyncset.done $0x0  }
0x6e: {  	p1 =	sne.s32 s1, $0x1;
	[sflag:s5] =	ssyncadd.s32 $0xFFFFE000  }
0x6f: {  	[hbm4b:s4+s2] =	stream.linear.scatter [tilespmem:s6], [sflag:$0x2], $0x8000, $0x38;
	[tilespmem:$0x10800] =	vst v63  }
.Ltmp1:
0x70: {  	_ =	swait.ge [sflag:s7], $0x8000;
	(pc) =	sbr.rel @!p1 .LBB2_3-.Ltmp1, $4  }
0x71: {  	[sflag:s7] =	ssyncset.done $0x0  }
0x72: {  	[sflag:s7] =	ssyncadd.s32 $0xFFFF8000  }
0x73: {  	s1 =	sadd.s32 $0xFFFFFFFF, s1;
	_ =	swait.ge [sflag:s7], $0x8000  }
0x74: {  	p0 =	por $0x1, $0x1;
	s0 =	rddreg [dreg:$0x2];
	[sflag:s7] =	ssyncset.done $0x0  }
.LBB2_2:
0x75: {  	[sflag:s7] =	ssyncadd.s32 $0xFFFF8000  }
0x76: {  	[tilespmem:s2], [sflag:$0x3] =	stream.linear.gather [hbm4b:s0+s2], $0x800, $0x38;
	[tilespmem:$0x10800] =	vst v63  }
0x77: {  	_ =	swait.ge [sflag:s29], $0x800  }
0x78: {  	[sflag:s29] =	ssyncset.done $0x0  }
0x79: {  	[sflag:s29] =	ssyncadd.s32 $0xFFFFF800  }
0x7a: {  	[tilespmem:s9], [sflag:$0x1] =	stream.indirect.gather [hbm4b:s3+s8], $0x40, s2, s8, $0xb8;
	[tilespmem:$0x10800] =	vst v63  }
0x7b: {  	_ = 	snop  }
0x7c: {  	[tilespmem:s13], [sflag:$0x1] =	stream.indirect.gather [hbm4b:s3+s8], $0x40, s8, s8, $0xb8;
	[tilespmem:$0x10800] =	vst v63  }
0x7d: {  	_ = 	snop  }
0x7e: {  	[tilespmem:s14], [sflag:$0x1] =	stream.indirect.gather [hbm4b:s3+s8], $0x40, s30, s8, $0xb8;
	[tilespmem:$0x10800] =	vst v63  }
0x7f: {  	_ = 	snop  }
0x80: {  	[tilespmem:s15], [sflag:$0x1] =	stream.indirect.gather [hbm4b:s3+s8], $0x40, s31, s8, $0xb8;
	[tilespmem:$0x10800] =	vst v63  }
0x81: {  	_ =	swait.ge [sflag:s5], $0x2000  }
0x82: {  	[sflag:s5] =	ssyncset.done $0x0  }
0x83: {  	[sflag:s5] =	ssyncadd.s32 $0xFFFFE000  }
0x84: {  	_ =	swait.ge [sflag:s5], $0x2000  }
0x85: {  	[sflag:s5] =	ssyncset.done $0x0  }
0x86: {  	[sflag:s5] =	ssyncadd.s32 $0xFFFFE000  }
0x87: {  	_ =	swait.ge [sflag:s5], $0x2000  }
0x88: {  	[sflag:s5] =	ssyncset.done $0x0  }
0x89: {  	[sflag:s5] =	ssyncadd.s32 $0xFFFFE000  }
0x8a: {  	_ =	swait.ge [sflag:s5], $0x2000  }
0x8b: {  	[sflag:s5] =	ssyncset.done $0x0  }
0x8c: {  	s0 =	rddreg [dreg:$0x3];
	[sflag:s5] =	ssyncadd.s32 $0xFFFFE000  }
0x8d: {  	[hbm4b:s0+s2] =	stream.linear.scatter [tilespmem:s9], [sflag:$0x2], $0x8000, $0x38;
	[tilespmem:$0x10800] =	vst v63  }
0x8e: {  	_ = 	snop  }
0x8f: {  	[tilespmem:s6], [sflag:$0x1] =	stream.indirect.gather [hbm4b:s3+s8], $0x40, s24, s8, $0xb8;
	[tilespmem:$0x10800] =	vst v63  }
0x90: {  	_ = 	snop  }
0x91: {  	[tilespmem:s10], [sflag:$0x1] =	stream.indirect.gather [hbm4b:s3+s8], $0x40, s25, s8, $0xb8;
	[tilespmem:$0x10800] =	vst v63  }
0x92: {  	_ = 	snop  }
0x93: {  	[tilespmem:s11], [sflag:$0x1] =	stream.indirect.gather [hbm4b:s3+s8], $0x40, s26, s8, $0xb8;
	[tilespmem:$0x10800] =	vst v63  }
0x94: {  	_ = 	snop  }
0x95: {  	[tilespmem:s12], [sflag:$0x1] =	stream.indirect.gather [hbm4b:s3+s8], $0x40, s28, s8, $0xb8;
	[tilespmem:$0x10800] =	vst v63  }
0x96: {  	_ =	swait.ge [sflag:s5], $0x2000  }
0x97: {  	[sflag:s5] =	ssyncset.done $0x0  }
0x98: {  	[sflag:s5] =	ssyncadd.s32 $0xFFFFE000  }
0x99: {  	_ =	swait.ge [sflag:s5], $0x2000  }
0x9a: {  	[sflag:s5] =	ssyncset.done $0x0  }
0x9b: {  	[sflag:s5] =	ssyncadd.s32 $0xFFFFE000  }
0x9c: {  	_ =	swait.ge [sflag:s5], $0x2000  }
0x9d: {  	[sflag:s5] =	ssyncset.done $0x0  }
0x9e: {  	[sflag:s5] =	ssyncadd.s32 $0xFFFFE000  }
0x9f: {  	_ =	swait.ge [sflag:s5], $0x2000  }
0xa0: {  	[sflag:s5] =	ssyncset.done $0x0  }
0xa1: {  	s0 =	rddreg [dreg:$0x4];
	[sflag:s5] =	ssyncadd.s32 $0xFFFFE000  }
0xa2: {  	[hbm4b:s0+s2] =	stream.linear.scatter [tilespmem:s6], [sflag:$0x2], $0x8000, $0x38;
	[tilespmem:$0x10800] =	vst v63  }
0xa3: {  	_ =	swait.ge [sflag:s7], $0x8000  }
0xa4: {  	[sflag:s7] =	ssyncset.done $0x0  }
0xa5: {  	[sflag:s7] =	ssyncadd.s32 $0xFFFF8000  }
0xa6: {  	[tilespmem:s9], [sflag:$0x1] =	stream.indirect.gather [hbm4b:s3+s8], $0x40, s20, s8, $0xb8;
	[tilespmem:$0x10800] =	vst v63  }
0xa7: {  	_ = 	snop  }
0xa8: {  	[tilespmem:s13], [sflag:$0x1] =	stream.indirect.gather [hbm4b:s3+s8], $0x40, s21, s8, $0xb8;
	[tilespmem:$0x10800] =	vst v63  }
0xa9: {  	_ = 	snop  }
0xaa: {  	[tilespmem:s14], [sflag:$0x1] =	stream.indirect.gather [hbm4b:s3+s8], $0x40, s22, s8, $0xb8;
	[tilespmem:$0x10800] =	vst v63  }
0xab: {  	_ = 	snop  }
0xac: {  	[tilespmem:s15], [sflag:$0x1] =	stream.indirect.gather [hbm4b:s3+s8], $0x40, s23, s8, $0xb8;
	[tilespmem:$0x10800] =	vst v63  }
0xad: {  	_ =	swait.ge [sflag:s5], $0x2000  }
0xae: {  	[sflag:s5] =	ssyncset.done $0x0  }
0xaf: {  	[sflag:s5] =	ssyncadd.s32 $0xFFFFE000  }
0xb0: {  	_ =	swait.ge [sflag:s5], $0x2000  }
0xb1: {  	[sflag:s5] =	ssyncset.done $0x0  }
0xb2: {  	[sflag:s5] =	ssyncadd.s32 $0xFFFFE000  }
0xb3: {  	_ =	swait.ge [sflag:s5], $0x2000  }
0xb4: {  	[sflag:s5] =	ssyncset.done $0x0  }
0xb5: {  	[sflag:s5] =	ssyncadd.s32 $0xFFFFE000  }
0xb6: {  	_ =	swait.ge [sflag:s5], $0x2000  }
0xb7: {  	[sflag:s5] =	ssyncset.done $0x0  }
0xb8: {  	s0 =	rddreg [dreg:$0x5];
	[sflag:s5] =	ssyncadd.s32 $0xFFFFE000  }
0xb9: {  	[hbm4b:s0+s2] =	stream.linear.scatter [tilespmem:s9], [sflag:$0x2], $0x8000, $0x38;
	[tilespmem:$0x10800] =	vst v63  }
0xba: {  	_ =	swait.ge [sflag:s7], $0x8000  }
0xbb: {  	[sflag:s7] =	ssyncset.done $0x0  }
0xbc: {  	[sflag:s7] =	ssyncadd.s32 $0xFFFF8000  }
0xbd: {  	[tilespmem:s6], [sflag:$0x1] =	stream.indirect.gather [hbm4b:s3+s8], $0x40, s16, s8, $0xb8;
	[tilespmem:$0x10800] =	vst v63  }
0xbe: {  	_ = 	snop  }
0xbf: {  	[tilespmem:s10], [sflag:$0x1] =	stream.indirect.gather [hbm4b:s3+s8], $0x40, s17, s8, $0xb8;
	[tilespmem:$0x10800] =	vst v63  }
0xc0: {  	_ = 	snop  }
0xc1: {  	[tilespmem:s11], [sflag:$0x1] =	stream.indirect.gather [hbm4b:s3+s8], $0x40, s18, s8, $0xb8;
	[tilespmem:$0x10800] =	vst v63  }
0xc2: {  	_ = 	snop  }
0xc3: {  	[tilespmem:s12], [sflag:$0x1] =	stream.indirect.gather [hbm4b:s3+s8], $0x40, s19, s8, $0xb8;
	[tilespmem:$0x10800] =	vst v63  }
0xc4: {  	_ =	swait.ge [sflag:s5], $0x2000  }
0xc5: {  	[sflag:s5] =	ssyncset.done $0x0  }
0xc6: {  	[sflag:s5] =	ssyncadd.s32 $0xFFFFE000  }
0xc7: {  	_ =	swait.ge [sflag:s5], $0x2000  }
0xc8: {  	[sflag:s5] =	ssyncset.done $0x0  }
0xc9: {  	[sflag:s5] =	ssyncadd.s32 $0xFFFFE000  }
0xca: {  	_ =	swait.ge [sflag:s5], $0x2000  }
0xcb: {  	[sflag:s5] =	ssyncset.done $0x0  }
0xcc: {  	[sflag:s5] =	ssyncadd.s32 $0xFFFFE000  }
0xcd: {  	_ =	swait.ge [sflag:s5], $0x2000  }
0xce: {  	[sflag:s5] =	ssyncset.done $0x0  }
0xcf: {  	p1 =	sne.s32 s1, $0x1;
	[sflag:s5] =	ssyncadd.s32 $0xFFFFE000  }
0xd0: {  	[hbm4b:s4+s2] =	stream.linear.scatter [tilespmem:s6], [sflag:$0x2], $0x8000, $0x38;
	[tilespmem:$0x10800] =	vst v63  }
.Ltmp2:
0xd1: {  	_ =	swait.ge [sflag:s7], $0x8000;
	(pc) =	sbr.rel @p1 .LBB2_2-.Ltmp2, $4  }
0xd2: {  	[sflag:s7] =	ssyncset.done $0x0  }
0xd3: {  	[sflag:s7] =	ssyncadd.s32 $0xFFFF8000  }
0xd4: {  	_ =	swait.ge [sflag:s7], $0x8000  }
0xd5: {  	s1 =	sadd.s32 $0xFFFFFFFF, s1;
	s0 =	rddreg [dreg:$0x2];
	[sflag:s7] =	ssyncset.done $0x0  }
.LBB2_3:
0xd6: {  	[sflag:s7] =	ssyncadd.s32 @p0 $0xFFFF8000  }
0xd7: {  	[tilespmem:s2], [sflag:$0x3] =	stream.linear.gather [hbm4b:s0+s2], $0x800, $0x38;
	[tilespmem:$0x10800] =	vst v63  }
0xd8: {  	_ =	swait.ge [sflag:s29], $0x800  }
0xd9: {  	[sflag:s29] =	ssyncset.done $0x0  }
0xda: {  	[sflag:s29] =	ssyncadd.s32 $0xFFFFF800  }
0xdb: {  	[tilespmem:s9], [sflag:$0x1] =	stream.indirect.gather [hbm4b:s3+s8], $0x40, s2, s8, $0xb8;
	[tilespmem:$0x10800] =	vst v63  }
0xdc: {  	_ = 	snop  }
0xdd: {  	[tilespmem:s13], [sflag:$0x1] =	stream.indirect.gather [hbm4b:s3+s8], $0x40, s8, s8, $0xb8;
	[tilespmem:$0x10800] =	vst v63  }
0xde: {  	_ = 	snop  }
0xdf: {  	[tilespmem:s14], [sflag:$0x1] =	stream.indirect.gather [hbm4b:s3+s8], $0x40, s30, s8, $0xb8;
	[tilespmem:$0x10800] =	vst v63  }
0xe0: {  	_ = 	snop  }
0xe1: {  	[tilespmem:s15], [sflag:$0x1] =	stream.indirect.gather [hbm4b:s3+s8], $0x40, s31, s8, $0xb8;
	[tilespmem:$0x10800] =	vst v63  }
0xe2: {  	_ =	swait.ge [sflag:s5], $0x2000  }
0xe3: {  	[sflag:s5] =	ssyncset.done $0x0  }
0xe4: {  	[sflag:s5] =	ssyncadd.s32 $0xFFFFE000  }
0xe5: {  	_ =	swait.ge [sflag:s5], $0x2000  }
0xe6: {  	[sflag:s5] =	ssyncset.done $0x0  }
0xe7: {  	[sflag:s5] =	ssyncadd.s32 $0xFFFFE000  }
0xe8: {  	_ =	swait.ge [sflag:s5], $0x2000  }
0xe9: {  	[sflag:s5] =	ssyncset.done $0x0  }
0xea: {  	[sflag:s5] =	ssyncadd.s32 $0xFFFFE000  }
0xeb: {  	_ =	swait.ge [sflag:s5], $0x2000  }
0xec: {  	[sflag:s5] =	ssyncset.done $0x0  }
0xed: {  	s1 =	rddreg [dreg:$0x3];
	[sflag:s5] =	ssyncadd.s32 $0xFFFFE000  }
0xee: {  	[hbm4b:s1+s2] =	stream.linear.scatter [tilespmem:s9], [sflag:$0x2], $0x8000, $0x38;
	[tilespmem:$0x10800] =	vst v63  }
0xef: {  	_ = 	snop  }
0xf0: {  	[tilespmem:s6], [sflag:$0x1] =	stream.indirect.gather [hbm4b:s3+s8], $0x40, s24, s8, $0xb8;
	[tilespmem:$0x10800] =	vst v63  }
0xf1: {  	_ = 	snop  }
0xf2: {  	[tilespmem:s10], [sflag:$0x1] =	stream.indirect.gather [hbm4b:s3+s8], $0x40, s25, s8, $0xb8;
	[tilespmem:$0x10800] =	vst v63  }
0xf3: {  	_ = 	snop  }
0xf4: {  	[tilespmem:s11], [sflag:$0x1] =	stream.indirect.gather [hbm4b:s3+s8], $0x40, s26, s8, $0xb8;
	[tilespmem:$0x10800] =	vst v63  }
0xf5: {  	_ = 	snop  }
0xf6: {  	[tilespmem:s12], [sflag:$0x1] =	stream.indirect.gather [hbm4b:s3+s8], $0x40, s28, s8, $0xb8;
	[tilespmem:$0x10800] =	vst v63  }
0xf7: {  	_ =	swait.ge [sflag:s5], $0x2000  }
0xf8: {  	[sflag:s5] =	ssyncset.done $0x0  }
0xf9: {  	[sflag:s5] =	ssyncadd.s32 $0xFFFFE000  }
0xfa: {  	_ =	swait.ge [sflag:s5], $0x2000  }
0xfb: {  	[sflag:s5] =	ssyncset.done $0x0  }
0xfc: {  	[sflag:s5] =	ssyncadd.s32 $0xFFFFE000  }
0xfd: {  	_ =	swait.ge [sflag:s5], $0x2000  }
0xfe: {  	[sflag:s5] =	ssyncset.done $0x0  }
0xff: {  	[sflag:s5] =	ssyncadd.s32 $0xFFFFE000  }
0x100: {  	_ =	swait.ge [sflag:s5], $0x2000  }
0x101: {  	[sflag:s5] =	ssyncset.done $0x0  }
0x102: {  	s29 =	rddreg [dreg:$0x4];
	[sflag:s5] =	ssyncadd.s32 $0xFFFFE000  }
0x103: {  	[hbm4b:s29+s2] =	stream.linear.scatter [tilespmem:s6], [sflag:$0x2], $0x8000, $0x38;
	[tilespmem:$0x10800] =	vst v63  }
0x104: {  	_ =	swait.ge [sflag:s7], $0x8000  }
0x105: {  	[sflag:s7] =	ssyncset.done $0x0  }
0x106: {  	[sflag:s7] =	ssyncadd.s32 $0xFFFF8000  }
0x107: {  	[tilespmem:s9], [sflag:$0x1] =	stream.indirect.gather [hbm4b:s3+s8], $0x40, s20, s8, $0xb8;
	[tilespmem:$0x10800] =	vst v63  }
0x108: {  	_ = 	snop  }
0x109: {  	[tilespmem:s13], [sflag:$0x1] =	stream.indirect.gather [hbm4b:s3+s8], $0x40, s21, s8, $0xb8;
	[tilespmem:$0x10800] =	vst v63  }
0x10a: {  	_ = 	snop  }
0x10b: {  	[tilespmem:s14], [sflag:$0x1] =	stream.indirect.gather [hbm4b:s3+s8], $0x40, s22, s8, $0xb8;
	[tilespmem:$0x10800] =	vst v63  }
0x10c: {  	_ = 	snop  }
0x10d: {  	[tilespmem:s15], [sflag:$0x1] =	stream.indirect.gather [hbm4b:s3+s8], $0x40, s23, s8, $0xb8;
	[tilespmem:$0x10800] =	vst v63  }
0x10e: {  	_ =	swait.ge [sflag:s5], $0x2000  }
0x10f: {  	[sflag:s5] =	ssyncset.done $0x0  }
0x110: {  	[sflag:s5] =	ssyncadd.s32 $0xFFFFE000  }
0x111: {  	_ =	swait.ge [sflag:s5], $0x2000  }
0x112: {  	[sflag:s5] =	ssyncset.done $0x0  }
0x113: {  	[sflag:s5] =	ssyncadd.s32 $0xFFFFE000  }
0x114: {  	_ =	swait.ge [sflag:s5], $0x2000  }
0x115: {  	[sflag:s5] =	ssyncset.done $0x0  }
0x116: {  	[sflag:s5] =	ssyncadd.s32 $0xFFFFE000  }
0x117: {  	_ =	swait.ge [sflag:s5], $0x2000  }
0x118: {  	[sflag:s5] =	ssyncset.done $0x0  }
0x119: {  	s30 =	rddreg [dreg:$0x5];
	[sflag:s5] =	ssyncadd.s32 $0xFFFFE000  }
0x11a: {  	[hbm4b:s30+s2] =	stream.linear.scatter [tilespmem:s9], [sflag:$0x2], $0x8000, $0x38;
	[tilespmem:$0x10800] =	vst v63  }
0x11b: {  	_ =	swait.ge [sflag:s7], $0x8000  }
0x11c: {  	[sflag:s7] =	ssyncset.done $0x0  }
0x11d: {  	[sflag:s7] =	ssyncadd.s32 $0xFFFF8000  }
0x11e: {  	[tilespmem:s6], [sflag:$0x1] =	stream.indirect.gather [hbm4b:s3+s8], $0x40, s16, s8, $0xb8;
	[tilespmem:$0x10800] =	vst v63  }
0x11f: {  	_ = 	snop  }
0x120: {  	[tilespmem:s10], [sflag:$0x1] =	stream.indirect.gather [hbm4b:s3+s8], $0x40, s17, s8, $0xb8;
	[tilespmem:$0x10800] =	vst v63  }
0x121: {  	_ = 	snop  }
0x122: {  	[tilespmem:s11], [sflag:$0x1] =	stream.indirect.gather [hbm4b:s3+s8], $0x40, s18, s8, $0xb8;
	[tilespmem:$0x10800] =	vst v63  }
0x123: {  	_ = 	snop  }
0x124: {  	[tilespmem:s12], [sflag:$0x1] =	stream.indirect.gather [hbm4b:s3+s8], $0x40, s19, s8, $0xb8;
	[tilespmem:$0x10800] =	vst v63  }
0x125: {  	_ =	swait.ge [sflag:s5], $0x2000  }
0x126: {  	[sflag:s5] =	ssyncset.done $0x0  }
0x127: {  	[sflag:s5] =	ssyncadd.s32 $0xFFFFE000  }
0x128: {  	_ =	swait.ge [sflag:s5], $0x2000  }
0x129: {  	[sflag:s5] =	ssyncset.done $0x0  }
0x12a: {  	[sflag:s5] =	ssyncadd.s32 $0xFFFFE000  }
0x12b: {  	_ =	swait.ge [sflag:s5], $0x2000  }
0x12c: {  	[sflag:s5] =	ssyncset.done $0x0  }
0x12d: {  	[sflag:s5] =	ssyncadd.s32 $0xFFFFE000  }
0x12e: {  	_ =	swait.ge [sflag:s5], $0x2000  }
0x12f: {  	[sflag:s5] =	ssyncset.done $0x0  }
0x130: {  	[sflag:s5] =	ssyncadd.s32 $0xFFFFE000  }
0x131: {  	[hbm4b:s4+s2] =	stream.linear.scatter [tilespmem:s6], [sflag:$0x2], $0x8000, $0x38;
	[tilespmem:$0x10800] =	vst v63  }
0x132: {  	_ =	swait.ge [sflag:s7], $0x8000  }
0x133: {  	[sflag:s7] =	ssyncset.done $0x0  }
0x134: {  	[sflag:s7] =	ssyncadd.s32 $0xFFFF8000  }
0x135: {  	_ =	swait.ge [sflag:s7], $0x8000  }
0x136: {  	[sflag:s7] =	ssyncset.done $0x0  }
0x137: {  	[sflag:s7] =	ssyncadd.s32 $0xFFFF8000  }
0x138: {  	_ =	sfence.sel $0x180000  }
0x139: {  	[bflag:$0x0] =	sbarrier.arrive $0xFFFF  }
0x13a: {  	_ =	strace $0x9000004A  }
0x13b: {  	s31 =	stileid.u32;
	[bflag:$0x2] =	sbarrier.arrive $0xFFFF  }
0x13c: {  	p0 =	sne.s32 s31, $0x0;
	s0 =	rddreg [dreg:$0x1]  }
0x13d: {  	s0 =	sadd.s32 @!p0 $0x100000, s0  }
0x13e: {  	[sflag:s0] =	ssyncadd.tile.s32 @!p0 $0x1;
	_ =	shalt  }
.Lfunc_end2:
_tile_overlayer_lowered:
.L_overlay_start_2:
0x13f: {  	(tag) =	ssettag $0x2  }
0x140: {  	s0 =	rddreg [dreg:$0x0];
	s2 =	stileid.u32  }
0x141: {  	s1 =	rddreg [dreg:$0x1];
	p0 =	sne.s32 s2, $0x0  }
0x142: {  	s3 =	rddreg [dreg:$0x2];
	[bflag:$0x3] =	sbarrier.arrive $0xFFFF;
	s2 =	simm.s32 @!p0 $0x1C03  }
0x143: {  	[timem:s3], [sflag:s2] =	dma.local @!p0 [hbm:s0], s1  }
0x144: {  	s0 =	simm.s32 @!p0 $0x3  }
0x145: {  	_ =	swait.ge @!p0 [sflag:s0], s1  }
0x146: {  	s1 =	ssub.s32 @!p0 $0x0, s1;
	[sflag:s0] =	ssyncset.done @!p0 $0x0  }
0x147: {  	[sflag:s0] =	ssyncadd.s32 @!p0 s1  }
0x148: {  	[bflag:$0x3] =	sbarrier.arrive $0xFFFF  }
0x149: {  	_ =	shalt  }

</sc_bundles>
